<compile_context>
chip_gen: v7x
topology: tpu7x:2x2x1
jax: 0.10.2.dev20260603
libtpu: 0.0.44.dev20260713+nightly
codegen_flags: <defaults>
</compile_context>

<pallas_src>
import functools

import jax
import jax.numpy as jnp
from jax import lax
from jax.experimental import pallas as pl
from jax.experimental.pallas import tpu as pltpu
from jax.experimental.pallas import tpu_sc as plsc

_N = 10000
_E = 320000
_DIN = 128
_H = 16
_COUT = 64
_NLAYERS = 4

_NC = 2
_NS = 16
_NW = _NC * _NS
_SCHUNK = 1280
_NSCH = 8
_NBUF = 4
_EPW = _SCHUNK * _NSCH
_EPAD = _EPW * _NW
_ACC_N = 10112
_RPT = _ACC_N // _NS

@functools.cache
def _build_seg_sum_sc():
    mesh = plsc.VectorSubcoreMesh(core_axis_name="c", subcore_axis_name="s")

    @functools.partial(
        pl.kernel,
        out_type=jax.ShapeDtypeStruct((_NC, _ACC_N, _H), jnp.float32),
        mesh=mesh,
        scratch_types=[
            pltpu.VMEM((_NSCH, _SCHUNK), jnp.int32),
            pltpu.VMEM((_NSCH, _SCHUNK), jnp.int32),
            pltpu.VMEM((_NBUF, _SCHUNK, _H), jnp.float32),
            pltpu.VMEM_SHARED((_ACC_N, _H), jnp.float32),
            pltpu.SemaphoreType.DMA,
            pltpu.SemaphoreType.DMA,
        ],
        compiler_params=pltpu.CompilerParams(use_tc_tiling_on_sc=False),
    )
    def _seg_sum_sc(y_hbm, src_hbm, dst_hbm, zero_hbm, out_hbm,
                    src_v, dst_v, rows_v, acc, gsem, ssem):
        c = lax.axis_index("c")
        s = lax.axis_index("s")
        wid = c * _NS + s
        pltpu.sync_copy(zero_hbm.at[pl.ds(s * _RPT, _RPT)],
                        acc.at[pl.ds(s * _RPT, _RPT)])
        pltpu.sync_copy(src_hbm.at[wid], src_v)
        pltpu.sync_copy(dst_hbm.at[wid], dst_v)
        plsc.subcore_barrier()

        def start_gather(j):
            return pltpu.async_copy(y_hbm.at[src_v.at[j]],
                                    rows_v.at[j % _NBUF], gsem)

        def start_scatter(j):
            return pltpu.async_copy(rows_v.at[j % _NBUF],
                                    acc.at[dst_v.at[j]], ssem, add=True)

        gathers = [None] * _NSCH
        scatters = [None] * _NSCH
        for j in range(_NBUF - 1):
            gathers[j] = start_gather(j)
        for j in range(_NSCH):
            gathers[j].wait()
            scatters[j] = start_scatter(j)
            nxt = j + _NBUF - 1
            if nxt < _NSCH:
                if j - 1 >= 0:
                    scatters[j - 1].wait()
                gathers[nxt] = start_gather(nxt)
        for j in range(_NSCH):
            if scatters[j] is not None and j >= _NSCH - _NBUF:
                scatters[j].wait()
        plsc.subcore_barrier()
        pltpu.sync_copy(acc.at[pl.ds(s * _RPT, _RPT)],
                        out_hbm.at[c, pl.ds(s * _RPT, _RPT)])

    return _seg_sum_sc


def _mm0_body(x_ref, w_ref, y_ref):
    y_ref[...] = jnp.dot(x_ref[...], w_ref[...],
                         preferred_element_type=jnp.float32)


def _bn_relu(t, g, b):
    m = jnp.mean(t, axis=0, keepdims=True)
    v = jnp.mean((t - m) ** 2, axis=0, keepdims=True)
    return jnp.maximum((t - m) * lax.rsqrt(v + 1e-5) * g + b, 0.0)


def _layer_h(y_ref, seg_ref, w2_ref, g1_ref, b1_ref, g2_ref, b2_ref):
    t = y_ref[...] + seg_ref[0, :_N, :] + seg_ref[1, :_N, :]
    t = _bn_relu(t, g1_ref[...], b1_ref[...])
    t = jnp.dot(t, w2_ref[...], preferred_element_type=jnp.float32)
    return _bn_relu(t, g2_ref[...], b2_ref[...])


def _dense_body(y_ref, seg_ref, w2_ref, g1_ref, b1_ref, g2_ref, b2_ref,
                w1n_ref, yn_ref, cs_ref):
    h = _layer_h(y_ref, seg_ref, w2_ref, g1_ref, b1_ref, g2_ref, b2_ref)
    yn_ref[...] = jnp.dot(h, w1n_ref[...], preferred_element_type=jnp.float32)
    cs_ref[...] = jnp.sum(h, axis=0, keepdims=True)


def _final_body(y_ref, seg_ref, w2_ref, g1_ref, b1_ref, g2_ref, b2_ref,
                cs1_ref, cs2_ref, cs3_ref, pw_ref, pb_ref, score_ref):
    h = _layer_h(y_ref, seg_ref, w2_ref, g1_ref, b1_ref, g2_ref, b2_ref)
    cs4 = jnp.sum(h, axis=0, keepdims=True)
    score = pb_ref[...]
    for i, cs in enumerate((cs1_ref[...], cs2_ref[...], cs3_ref[...], cs4)):
        score = score + jnp.dot(cs, pw_ref[i * _H:(i + 1) * _H, :],
                                preferred_element_type=jnp.float32)
    score_ref[...] = score


def kernel(x, edge_index, params):
    f32 = jnp.float32
    src = edge_index[0]
    dst = edge_index[1]
    pad = _EPAD - _E
    src3 = jnp.concatenate(
        [src, jnp.zeros((pad,), jnp.int32)]).reshape(_NW, _NSCH, _SCHUNK)
    dst3 = jnp.concatenate(
        [dst, jnp.full((pad,), _N, jnp.int32)]).reshape(_NW, _NSCH, _SCHUNK)
    zeros = jnp.zeros((_ACC_N, _H), f32)

    y = pl.pallas_call(
        _mm0_body,
        out_shape=jax.ShapeDtypeStruct((_N, _H), f32),
    )(x, params['W1_0'])

    seg_sum_sc = _build_seg_sum_sc()
    cs = []
    for l in range(_NLAYERS):
        seg = seg_sum_sc(y, src3, dst3, zeros)
        g1 = params['bn1_g_%d' % l].reshape(1, _H)
        b1 = params['bn1_b_%d' % l].reshape(1, _H)
        g2 = params['bn2_g_%d' % l].reshape(1, _H)
        b2 = params['bn2_b_%d' % l].reshape(1, _H)
        w2 = params['W2_%d' % l]
        if l < _NLAYERS - 1:
            y, c = pl.pallas_call(
                _dense_body,
                out_shape=(jax.ShapeDtypeStruct((_N, _H), f32),
                           jax.ShapeDtypeStruct((1, _H), f32)),
            )(y, seg, w2, g1, b1, g2, b2, params['W1_%d' % (l + 1)])
            cs.append(c)
        else:
            pw_all = jnp.concatenate(
                [params['PW_%d' % i] for i in range(1, _NLAYERS + 1)], axis=0)
            pb_sum = (params['Pb_1'] + params['Pb_2'] + params['Pb_3']
                      + params['Pb_4']).reshape(1, _COUT)
            score = pl.pallas_call(
                _final_body,
                out_shape=jax.ShapeDtypeStruct((1, _COUT), f32),
            )(y, seg, w2, g1, b1, g2, b2, cs[0], cs[1], cs[2], pw_all, pb_sum)
    return score

# --- scband reference (transcript-rebuilt; emitter-appended) ---
"""Pipeline reference for scband-gin-40321152975044 (READ-ONLY COPY).

The authoritative reference and input builder live on the scoring server;
editing this copy changes nothing except your own understanding.
"""

import jax, jax.numpy as jnp
import numpy as np

N = 10000
E = 320000
D_IN = 128
H = 16
C_OUT = 64
N_GIN = 4


def setup_inputs(seed: int = 0) -> dict:
    key = jax.random.key(seed)
    kx, ke, kp = jax.random.split(key, 3)
    x = jax.random.normal(kx, (N, D_IN), dtype=jnp.float32)
    edge_index = jax.random.randint(ke, (2, E), 0, N, dtype=jnp.int32)
    params = {}
    pk = kp
    for l in range(N_GIN):
        in_dim = D_IN if l == 0 else H
        pk, k1, k2 = jax.random.split(pk, 3)
        params['W1_%d' % l] = jax.random.normal(k1, (in_dim, H), dtype=jnp.float32) / np.sqrt(in_dim).astype(np.float32)
        params['W2_%d' % l] = jax.random.normal(k2, (H, H), dtype=jnp.float32) / np.sqrt(H).astype(np.float32)
        params['bn1_g_%d' % l] = jnp.ones((H,), jnp.float32)
        params['bn1_b_%d' % l] = jnp.zeros((H,), jnp.float32)
        params['bn2_g_%d' % l] = jnp.ones((H,), jnp.float32)
        params['bn2_b_%d' % l] = jnp.zeros((H,), jnp.float32)
    for i in range(1, N_GIN + 1):
        pk, k1 = jax.random.split(pk, 2)
        params['PW_%d' % i] = jax.random.normal(k1, (H, C_OUT), dtype=jnp.float32) / np.sqrt(H).astype(np.float32)
        params['Pb_%d' % i] = jnp.zeros((C_OUT,), jnp.float32)
    return {'x': x, 'edge_index': edge_index, 'params': params}


def _bn(x, g, b):
    m = jnp.mean(x, axis=0, keepdims=True)
    v = jnp.var(x, axis=0, keepdims=True)
    return (x - m) * jax.lax.rsqrt(v + 1e-5) * g + b


def _forward(x, params, src, dst):
    h = x
    hidden = [h]
    for l in range(N_GIN):
        # GINConv (learn_eps=False, eps=0): (1+eps)*h + sum_{j in N(i)} h_j, then MLP
        agg = jax.ops.segment_sum(h[src], dst, num_segments=N)
        r = h + agg
        t = r @ params['W1_%d' % l]
        t = jax.nn.relu(_bn(t, params['bn1_g_%d' % l], params['bn1_b_%d' % l]))
        t = t @ params['W2_%d' % l]
        h = jax.nn.relu(_bn(t, params['bn2_g_%d' % l], params['bn2_b_%d' % l]))
        hidden.append(h)
    score = jnp.zeros((1, C_OUT), jnp.float32)
    for i in range(1, N_GIN + 1):
        pooled = jnp.sum(hidden[i], axis=0, keepdims=True)  # SumPooling, single graph
        score = score + pooled @ params['PW_%d' % i] + params['Pb_%d' % i]
    return score


def reference(x, edge_index, params):
    src = edge_index[0]
    dst = edge_index[1]
    return _forward(x, params, src, dst)

if __name__ == "__main__":
    import jax
    _d = setup_inputs()
    print(jax.jit(kernel)(*tuple(_d.values())))

</pallas_src>

<mosaic_0001>
#map = affine_map<(d0, d1) -> (0, 0)>
#map1 = affine_map<(d0, d1) -> (0, 0, 0)>
module attributes {stable_mosaic.version = 14 : i64} {
  func.func @_seg_sum_sc(%arg0: i32, %arg1: i32, %arg2: memref<10000x16xf32, #tpu.memory_space<hbm>>, %arg3: memref<32x8x1280xi32, #tpu.memory_space<hbm>>, %arg4: memref<32x8x1280xi32, #tpu.memory_space<hbm>>, %arg5: memref<10112x16xf32, #tpu.memory_space<hbm>>, %arg6: memref<2x10112x16xf32, #tpu.memory_space<hbm>>, %arg7: memref<8x1280xi32, #tpu.memory_space<vmem>>, %arg8: memref<8x1280xi32, #tpu.memory_space<vmem>>, %arg9: memref<4x1280x16xf32, #tpu.memory_space<vmem>>, %arg10: memref<10112x16xf32, #tpu.memory_space<vmem_shared>>, %arg11: memref<!tpu.dma_semaphore, #tpu.memory_space<semaphore_mem>>, %arg12: memref<!tpu.dma_semaphore, #tpu.memory_space<semaphore_mem>>) attributes {dimension_semantics = [#tpu.dimension_semantics<core_parallel>, #tpu.dimension_semantics<subcore_parallel>], iteration_bounds = array<i64: 2, 16>, scalar_prefetch = 0 : i64, scratch_operands = 6 : i64, tpu.core_type = #tpu.core_type<sc_vector_subcore>, window_params = [{transform_indices = #map}, {transform_indices = #map1}, {transform_indices = #map1}, {transform_indices = #map}, {transform_indices = #map1}]} {
    %mul3A = arith.constant 16 : i32
    %mul3A_0 = arith.muli %arg0, %mul3A : i32
    %add3A = arith.addi %mul3A_0, %arg1 : i32
    %mul3A_1 = arith.constant 632 : i32
    %mul3A_2 = arith.muli %arg1, %mul3A_1 : i32
    %mul3A_3 = arith.constant 632 : i32
    %mul3A_4 = arith.muli %arg1, %mul3A_3 : i32
    "tpu.region"() ({
      %run_scoped3A = tpu.sem_alloc : memref<!tpu.dma_semaphore, #tpu.memory_space<semaphore_mem>>
      %dma_start3A_392 = arith.constant 0 : i32
      %dma_start3A_393 = tpu.memref_slice %arg10[%mul3A_4, %dma_start3A_392] : memref<10112x16xf32, #tpu.memory_space<vmem_shared>> -> memref<632x16xf32, #tpu.memory_space<vmem_shared>>
      %dma_start3A_394 = arith.constant 0 : i32
      %dma_start3A_395 = tpu.memref_slice %arg5[%mul3A_2, %dma_start3A_394] : memref<10112x16xf32, #tpu.memory_space<hbm>> -> memref<632x16xf32, #tpu.memory_space<hbm>>
      tpu.enqueue_dma source(%dma_start3A_395 : memref<632x16xf32, #tpu.memory_space<hbm>>) target(%dma_start3A_393 : memref<632x16xf32, #tpu.memory_space<vmem_shared>>) target_semaphore(%run_scoped3A : memref<!tpu.dma_semaphore, #tpu.memory_space<semaphore_mem>>)
      %dma_wait3A_396 = arith.constant 0 : i32
      %dma_wait3A_397 = tpu.memref_slice %arg10[%mul3A_4, %dma_wait3A_396] : memref<10112x16xf32, #tpu.memory_space<vmem_shared>> -> memref<632x16xf32, #tpu.memory_space<vmem_shared>>
      %dma_wait3A_398 = arith.constant 0 : i32
      %dma_wait3A_399 = tpu.memref_slice %arg5[%mul3A_2, %dma_wait3A_398] : memref<10112x16xf32, #tpu.memory_space<hbm>> -> memref<632x16xf32, #tpu.memory_space<hbm>>
      tpu.wait_dma2 semaphore(%run_scoped3A : memref<!tpu.dma_semaphore, #tpu.memory_space<semaphore_mem>>) src(%dma_wait3A_399 : memref<632x16xf32, #tpu.memory_space<hbm>>) dst(%dma_wait3A_397 : memref<632x16xf32, #tpu.memory_space<vmem_shared>>)
      tpu.yield
    }) : () -> ()
    "tpu.region"() ({
      %run_scoped3A = tpu.sem_alloc : memref<!tpu.dma_semaphore, #tpu.memory_space<semaphore_mem>>
      %dma_start3A_392 = arith.constant 0 : i32
      %dma_start3A_393 = arith.constant 0 : i32
      %dma_start3A_394 = tpu.memref_slice %arg3[%add3A, %dma_start3A_392, %dma_start3A_393] : memref<32x8x1280xi32, #tpu.memory_space<hbm>> -> memref<1x8x1280xi32, #tpu.memory_space<hbm>>
      %dma_start3A_395 = tpu.memref_squeeze %dma_start3A_394 : memref<1x8x1280xi32, #tpu.memory_space<hbm>> -> memref<8x1280xi32, #tpu.memory_space<hbm>>
      %dma_start3A_396 = arith.constant 0 : i32
      %dma_start3A_397 = arith.constant 0 : i32
      %dma_start3A_398 = tpu.memref_slice %arg3[%add3A, %dma_start3A_396, %dma_start3A_397] : memref<32x8x1280xi32, #tpu.memory_space<hbm>> -> memref<1x8x1280xi32, #tpu.memory_space<hbm>>
      %dma_start3A_399 = tpu.memref_squeeze %dma_start3A_398 : memref<1x8x1280xi32, #tpu.memory_space<hbm>> -> memref<8x1280xi32, #tpu.memory_space<hbm>>
      tpu.enqueue_dma source(%dma_start3A_399 : memref<8x1280xi32, #tpu.memory_space<hbm>>) target(%arg7 : memref<8x1280xi32, #tpu.memory_space<vmem>>) target_semaphore(%run_scoped3A : memref<!tpu.dma_semaphore, #tpu.memory_space<semaphore_mem>>)
      %dma_wait3A_400 = arith.constant 0 : i32
      %dma_wait3A_401 = arith.constant 0 : i32
      %dma_wait3A_402 = tpu.memref_slice %arg3[%add3A, %dma_wait3A_400, %dma_wait3A_401] : memref<32x8x1280xi32, #tpu.memory_space<hbm>> -> memref<1x8x1280xi32, #tpu.memory_space<hbm>>
      %dma_wait3A_403 = tpu.memref_squeeze %dma_wait3A_402 : memref<1x8x1280xi32, #tpu.memory_space<hbm>> -> memref<8x1280xi32, #tpu.memory_space<hbm>>
      %dma_wait3A_404 = arith.constant 0 : i32
      %dma_wait3A_405 = arith.constant 0 : i32
      %dma_wait3A_406 = tpu.memref_slice %arg3[%add3A, %dma_wait3A_404, %dma_wait3A_405] : memref<32x8x1280xi32, #tpu.memory_space<hbm>> -> memref<1x8x1280xi32, #tpu.memory_space<hbm>>
      %dma_wait3A_407 = tpu.memref_squeeze %dma_wait3A_406 : memref<1x8x1280xi32, #tpu.memory_space<hbm>> -> memref<8x1280xi32, #tpu.memory_space<hbm>>
      tpu.wait_dma2 semaphore(%run_scoped3A : memref<!tpu.dma_semaphore, #tpu.memory_space<semaphore_mem>>) src(%dma_wait3A_407 : memref<8x1280xi32, #tpu.memory_space<hbm>>) dst(%arg7 : memref<8x1280xi32, #tpu.memory_space<vmem>>)
      tpu.yield
    }) : () -> ()
    "tpu.region"() ({
      %run_scoped3A = tpu.sem_alloc : memref<!tpu.dma_semaphore, #tpu.memory_space<semaphore_mem>>
      %dma_start3A_392 = arith.constant 0 : i32
      %dma_start3A_393 = arith.constant 0 : i32
      %dma_start3A_394 = tpu.memref_slice %arg4[%add3A, %dma_start3A_392, %dma_start3A_393] : memref<32x8x1280xi32, #tpu.memory_space<hbm>> -> memref<1x8x1280xi32, #tpu.memory_space<hbm>>
      %dma_start3A_395 = tpu.memref_squeeze %dma_start3A_394 : memref<1x8x1280xi32, #tpu.memory_space<hbm>> -> memref<8x1280xi32, #tpu.memory_space<hbm>>
      %dma_start3A_396 = arith.constant 0 : i32
      %dma_start3A_397 = arith.constant 0 : i32
      %dma_start3A_398 = tpu.memref_slice %arg4[%add3A, %dma_start3A_396, %dma_start3A_397] : memref<32x8x1280xi32, #tpu.memory_space<hbm>> -> memref<1x8x1280xi32, #tpu.memory_space<hbm>>
      %dma_start3A_399 = tpu.memref_squeeze %dma_start3A_398 : memref<1x8x1280xi32, #tpu.memory_space<hbm>> -> memref<8x1280xi32, #tpu.memory_space<hbm>>
      tpu.enqueue_dma source(%dma_start3A_399 : memref<8x1280xi32, #tpu.memory_space<hbm>>) target(%arg8 : memref<8x1280xi32, #tpu.memory_space<vmem>>) target_semaphore(%run_scoped3A : memref<!tpu.dma_semaphore, #tpu.memory_space<semaphore_mem>>)
      %dma_wait3A_400 = arith.constant 0 : i32
      %dma_wait3A_401 = arith.constant 0 : i32
      %dma_wait3A_402 = tpu.memref_slice %arg4[%add3A, %dma_wait3A_400, %dma_wait3A_401] : memref<32x8x1280xi32, #tpu.memory_space<hbm>> -> memref<1x8x1280xi32, #tpu.memory_space<hbm>>
      %dma_wait3A_403 = tpu.memref_squeeze %dma_wait3A_402 : memref<1x8x1280xi32, #tpu.memory_space<hbm>> -> memref<8x1280xi32, #tpu.memory_space<hbm>>
      %dma_wait3A_404 = arith.constant 0 : i32
      %dma_wait3A_405 = arith.constant 0 : i32
      %dma_wait3A_406 = tpu.memref_slice %arg4[%add3A, %dma_wait3A_404, %dma_wait3A_405] : memref<32x8x1280xi32, #tpu.memory_space<hbm>> -> memref<1x8x1280xi32, #tpu.memory_space<hbm>>
      %dma_wait3A_407 = tpu.memref_squeeze %dma_wait3A_406 : memref<1x8x1280xi32, #tpu.memory_space<hbm>> -> memref<8x1280xi32, #tpu.memory_space<hbm>>
      tpu.wait_dma2 semaphore(%run_scoped3A : memref<!tpu.dma_semaphore, #tpu.memory_space<semaphore_mem>>) src(%dma_wait3A_407 : memref<8x1280xi32, #tpu.memory_space<hbm>>) dst(%arg8 : memref<8x1280xi32, #tpu.memory_space<vmem>>)
      tpu.yield
    }) : () -> ()
    %barrier3A = arith.constant 0 : index
    tpu.barrier barrier_id(%barrier3A)
    %dma_start3A = arith.constant 0 : i32
    %dma_start3A_5 = arith.constant 0 : i32
    %dma_start3A_6 = arith.constant 0 : i32
    %dma_start3A_7 = arith.constant 0 : i32
    %dma_start3A_8 = tpu.memref_slice %arg9[%dma_start3A_5, %dma_start3A_6, %dma_start3A_7] : memref<4x1280x16xf32, #tpu.memory_space<vmem>> -> memref<1x1280x16xf32, #tpu.memory_space<vmem>>
    %dma_start3A_9 = tpu.memref_squeeze %dma_start3A_8 : memref<1x1280x16xf32, #tpu.memory_space<vmem>> -> memref<1280x16xf32, #tpu.memory_space<vmem>>
    %dma_start3A_10 = arith.constant 0 : i32
    %dma_start3A_11 = tpu.memref_slice %arg7[%dma_start3A, %dma_start3A_10] : memref<8x1280xi32, #tpu.memory_space<vmem>> -> memref<1x1280xi32, #tpu.memory_space<vmem>>
    %dma_start3A_12 = tpu.memref_squeeze %dma_start3A_11 : memref<1x1280xi32, #tpu.memory_space<vmem>> -> memref<1280xi32, #tpu.memory_space<vmem>>
    %dma_start3A_13 = arith.constant 0 : i32
    %dma_start3A_14 = arith.constant 0 : i32
    %dma_start3A_15 = tpu.memref_slice %arg2[%dma_start3A_13, %dma_start3A_14] : memref<10000x16xf32, #tpu.memory_space<hbm>> -> memref<10000x16xf32, #tpu.memory_space<hbm>>
    tpu.enqueue_indirect_dma source(%dma_start3A_15 : memref<10000x16xf32, #tpu.memory_space<hbm>>) target(%dma_start3A_9 : memref<1280x16xf32, #tpu.memory_space<vmem>>) offsets(%dma_start3A_12 : memref<1280xi32, #tpu.memory_space<vmem>>) semaphore(%arg11 : memref<!tpu.dma_semaphore, #tpu.memory_space<semaphore_mem>>)
    %dma_start3A_16 = arith.constant 1 : i32
    %dma_start3A_17 = arith.constant 1 : i32
    %dma_start3A_18 = arith.constant 0 : i32
    %dma_start3A_19 = arith.constant 0 : i32
    %dma_start3A_20 = tpu.memref_slice %arg9[%dma_start3A_17, %dma_start3A_18, %dma_start3A_19] : memref<4x1280x16xf32, #tpu.memory_space<vmem>> -> memref<1x1280x16xf32, #tpu.memory_space<vmem>>
    %dma_start3A_21 = tpu.memref_squeeze %dma_start3A_20 : memref<1x1280x16xf32, #tpu.memory_space<vmem>> -> memref<1280x16xf32, #tpu.memory_space<vmem>>
    %dma_start3A_22 = arith.constant 0 : i32
    %dma_start3A_23 = tpu.memref_slice %arg7[%dma_start3A_16, %dma_start3A_22] : memref<8x1280xi32, #tpu.memory_space<vmem>> -> memref<1x1280xi32, #tpu.memory_space<vmem>>
    %dma_start3A_24 = tpu.memref_squeeze %dma_start3A_23 : memref<1x1280xi32, #tpu.memory_space<vmem>> -> memref<1280xi32, #tpu.memory_space<vmem>>
    %dma_start3A_25 = arith.constant 0 : i32
    %dma_start3A_26 = arith.constant 0 : i32
    %dma_start3A_27 = tpu.memref_slice %arg2[%dma_start3A_25, %dma_start3A_26] : memref<10000x16xf32, #tpu.memory_space<hbm>> -> memref<10000x16xf32, #tpu.memory_space<hbm>>
    tpu.enqueue_indirect_dma source(%dma_start3A_27 : memref<10000x16xf32, #tpu.memory_space<hbm>>) target(%dma_start3A_21 : memref<1280x16xf32, #tpu.memory_space<vmem>>) offsets(%dma_start3A_24 : memref<1280xi32, #tpu.memory_space<vmem>>) semaphore(%arg11 : memref<!tpu.dma_semaphore, #tpu.memory_space<semaphore_mem>>)
    %dma_start3A_28 = arith.constant 2 : i32
    %dma_start3A_29 = arith.constant 2 : i32
    %dma_start3A_30 = arith.constant 0 : i32
    %dma_start3A_31 = arith.constant 0 : i32
    %dma_start3A_32 = tpu.memref_slice %arg9[%dma_start3A_29, %dma_start3A_30, %dma_start3A_31] : memref<4x1280x16xf32, #tpu.memory_space<vmem>> -> memref<1x1280x16xf32, #tpu.memory_space<vmem>>
    %dma_start3A_33 = tpu.memref_squeeze %dma_start3A_32 : memref<1x1280x16xf32, #tpu.memory_space<vmem>> -> memref<1280x16xf32, #tpu.memory_space<vmem>>
    %dma_start3A_34 = arith.constant 0 : i32
    %dma_start3A_35 = tpu.memref_slice %arg7[%dma_start3A_28, %dma_start3A_34] : memref<8x1280xi32, #tpu.memory_space<vmem>> -> memref<1x1280xi32, #tpu.memory_space<vmem>>
    %dma_start3A_36 = tpu.memref_squeeze %dma_start3A_35 : memref<1x1280xi32, #tpu.memory_space<vmem>> -> memref<1280xi32, #tpu.memory_space<vmem>>
    %dma_start3A_37 = arith.constant 0 : i32
    %dma_start3A_38 = arith.constant 0 : i32
    %dma_start3A_39 = tpu.memref_slice %arg2[%dma_start3A_37, %dma_start3A_38] : memref<10000x16xf32, #tpu.memory_space<hbm>> -> memref<10000x16xf32, #tpu.memory_space<hbm>>
    tpu.enqueue_indirect_dma source(%dma_start3A_39 : memref<10000x16xf32, #tpu.memory_space<hbm>>) target(%dma_start3A_33 : memref<1280x16xf32, #tpu.memory_space<vmem>>) offsets(%dma_start3A_36 : memref<1280xi32, #tpu.memory_space<vmem>>) semaphore(%arg11 : memref<!tpu.dma_semaphore, #tpu.memory_space<semaphore_mem>>)
    %dma_wait3A = arith.constant 0 : i32
    %dma_wait3A_40 = arith.constant 0 : i32
    %dma_wait3A_41 = arith.constant 0 : i32
    %dma_wait3A_42 = arith.constant 0 : i32
    %dma_wait3A_43 = tpu.memref_slice %arg9[%dma_wait3A_40, %dma_wait3A_41, %dma_wait3A_42] : memref<4x1280x16xf32, #tpu.memory_space<vmem>> -> memref<1x1280x16xf32, #tpu.memory_space<vmem>>
    %dma_wait3A_44 = tpu.memref_squeeze %dma_wait3A_43 : memref<1x1280x16xf32, #tpu.memory_space<vmem>> -> memref<1280x16xf32, #tpu.memory_space<vmem>>
    %dma_wait3A_45 = arith.constant 0 : i32
    %dma_wait3A_46 = tpu.memref_slice %arg7[%dma_wait3A, %dma_wait3A_45] : memref<8x1280xi32, #tpu.memory_space<vmem>> -> memref<1x1280xi32, #tpu.memory_space<vmem>>
    %dma_wait3A_47 = tpu.memref_squeeze %dma_wait3A_46 : memref<1x1280xi32, #tpu.memory_space<vmem>> -> memref<1280xi32, #tpu.memory_space<vmem>>
    %dma_wait3A_48 = arith.constant 0 : i32
    %dma_wait3A_49 = arith.constant 0 : i32
    %dma_wait3A_50 = tpu.memref_slice %arg2[%dma_wait3A_48, %dma_wait3A_49] : memref<10000x16xf32, #tpu.memory_space<hbm>> -> memref<10000x16xf32, #tpu.memory_space<hbm>>
    tpu.wait_indirect_dma semaphore(%arg11 : memref<!tpu.dma_semaphore, #tpu.memory_space<semaphore_mem>>) src(%dma_wait3A_50 : memref<10000x16xf32, #tpu.memory_space<hbm>>) dst(%dma_wait3A_44 : memref<1280x16xf32, #tpu.memory_space<vmem>>)
    %dma_start3A_51 = arith.constant 0 : i32
    %dma_start3A_52 = arith.constant 0 : i32
    %dma_start3A_53 = arith.constant 0 : i32
    %dma_start3A_54 = arith.constant 0 : i32
    %dma_start3A_55 = tpu.memref_slice %arg9[%dma_start3A_51, %dma_start3A_53, %dma_start3A_54] : memref<4x1280x16xf32, #tpu.memory_space<vmem>> -> memref<1x1280x16xf32, #tpu.memory_space<vmem>>
    %dma_start3A_56 = tpu.memref_squeeze %dma_start3A_55 : memref<1x1280x16xf32, #tpu.memory_space<vmem>> -> memref<1280x16xf32, #tpu.memory_space<vmem>>
    %dma_start3A_57 = arith.constant 0 : i32
    %dma_start3A_58 = tpu.memref_slice %arg8[%dma_start3A_52, %dma_start3A_57] : memref<8x1280xi32, #tpu.memory_space<vmem>> -> memref<1x1280xi32, #tpu.memory_space<vmem>>
    %dma_start3A_59 = tpu.memref_squeeze %dma_start3A_58 : memref<1x1280xi32, #tpu.memory_space<vmem>> -> memref<1280xi32, #tpu.memory_space<vmem>>
    %dma_start3A_60 = arith.constant 0 : i32
    %dma_start3A_61 = arith.constant 0 : i32
    %dma_start3A_62 = tpu.memref_slice %arg10[%dma_start3A_60, %dma_start3A_61] : memref<10112x16xf32, #tpu.memory_space<vmem_shared>> -> memref<10112x16xf32, #tpu.memory_space<vmem_shared>>
    tpu.enqueue_indirect_dma source(%dma_start3A_56 : memref<1280x16xf32, #tpu.memory_space<vmem>>) target(%dma_start3A_62 : memref<10112x16xf32, #tpu.memory_space<vmem_shared>>) offsets(%dma_start3A_59 : memref<1280xi32, #tpu.memory_space<vmem>>) semaphore(%arg12 : memref<!tpu.dma_semaphore, #tpu.memory_space<semaphore_mem>>) {add = true}
    %dma_start3A_63 = arith.constant 3 : i32
    %dma_start3A_64 = arith.constant 3 : i32
    %dma_start3A_65 = arith.constant 0 : i32
    %dma_start3A_66 = arith.constant 0 : i32
    %dma_start3A_67 = tpu.memref_slice %arg9[%dma_start3A_64, %dma_start3A_65, %dma_start3A_66] : memref<4x1280x16xf32, #tpu.memory_space<vmem>> -> memref<1x1280x16xf32, #tpu.memory_space<vmem>>
    %dma_start3A_68 = tpu.memref_squeeze %dma_start3A_67 : memref<1x1280x16xf32, #tpu.memory_space<vmem>> -> memref<1280x16xf32, #tpu.memory_space<vmem>>
    %dma_start3A_69 = arith.constant 0 : i32
    %dma_start3A_70 = tpu.memref_slice %arg7[%dma_start3A_63, %dma_start3A_69] : memref<8x1280xi32, #tpu.memory_space<vmem>> -> memref<1x1280xi32, #tpu.memory_space<vmem>>
    %dma_start3A_71 = tpu.memref_squeeze %dma_start3A_70 : memref<1x1280xi32, #tpu.memory_space<vmem>> -> memref<1280xi32, #tpu.memory_space<vmem>>
    %dma_start3A_72 = arith.constant 0 : i32
    %dma_start3A_73 = arith.constant 0 : i32
    %dma_start3A_74 = tpu.memref_slice %arg2[%dma_start3A_72, %dma_start3A_73] : memref<10000x16xf32, #tpu.memory_space<hbm>> -> memref<10000x16xf32, #tpu.memory_space<hbm>>
    tpu.enqueue_indirect_dma source(%dma_start3A_74 : memref<10000x16xf32, #tpu.memory_space<hbm>>) target(%dma_start3A_68 : memref<1280x16xf32, #tpu.memory_space<vmem>>) offsets(%dma_start3A_71 : memref<1280xi32, #tpu.memory_space<vmem>>) semaphore(%arg11 : memref<!tpu.dma_semaphore, #tpu.memory_space<semaphore_mem>>)
    %dma_wait3A_75 = arith.constant 1 : i32
    %dma_wait3A_76 = arith.constant 1 : i32
    %dma_wait3A_77 = arith.constant 0 : i32
    %dma_wait3A_78 = arith.constant 0 : i32
    %dma_wait3A_79 = tpu.memref_slice %arg9[%dma_wait3A_76, %dma_wait3A_77, %dma_wait3A_78] : memref<4x1280x16xf32, #tpu.memory_space<vmem>> -> memref<1x1280x16xf32, #tpu.memory_space<vmem>>
    %dma_wait3A_80 = tpu.memref_squeeze %dma_wait3A_79 : memref<1x1280x16xf32, #tpu.memory_space<vmem>> -> memref<1280x16xf32, #tpu.memory_space<vmem>>
    %dma_wait3A_81 = arith.constant 0 : i32
    %dma_wait3A_82 = tpu.memref_slice %arg7[%dma_wait3A_75, %dma_wait3A_81] : memref<8x1280xi32, #tpu.memory_space<vmem>> -> memref<1x1280xi32, #tpu.memory_space<vmem>>
    %dma_wait3A_83 = tpu.memref_squeeze %dma_wait3A_82 : memref<1x1280xi32, #tpu.memory_space<vmem>> -> memref<1280xi32, #tpu.memory_space<vmem>>
    %dma_wait3A_84 = arith.constant 0 : i32
    %dma_wait3A_85 = arith.constant 0 : i32
    %dma_wait3A_86 = tpu.memref_slice %arg2[%dma_wait3A_84, %dma_wait3A_85] : memref<10000x16xf32, #tpu.memory_space<hbm>> -> memref<10000x16xf32, #tpu.memory_space<hbm>>
    tpu.wait_indirect_dma semaphore(%arg11 : memref<!tpu.dma_semaphore, #tpu.memory_space<semaphore_mem>>) src(%dma_wait3A_86 : memref<10000x16xf32, #tpu.memory_space<hbm>>) dst(%dma_wait3A_80 : memref<1280x16xf32, #tpu.memory_space<vmem>>)
    %dma_start3A_87 = arith.constant 1 : i32
    %dma_start3A_88 = arith.constant 1 : i32
    %dma_start3A_89 = arith.constant 0 : i32
    %dma_start3A_90 = arith.constant 0 : i32
    %dma_start3A_91 = tpu.memref_slice %arg9[%dma_start3A_87, %dma_start3A_89, %dma_start3A_90] : memref<4x1280x16xf32, #tpu.memory_space<vmem>> -> memref<1x1280x16xf32, #tpu.memory_space<vmem>>
    %dma_start3A_92 = tpu.memref_squeeze %dma_start3A_91 : memref<1x1280x16xf32, #tpu.memory_space<vmem>> -> memref<1280x16xf32, #tpu.memory_space<vmem>>
    %dma_start3A_93 = arith.constant 0 : i32
    %dma_start3A_94 = tpu.memref_slice %arg8[%dma_start3A_88, %dma_start3A_93] : memref<8x1280xi32, #tpu.memory_space<vmem>> -> memref<1x1280xi32, #tpu.memory_space<vmem>>
    %dma_start3A_95 = tpu.memref_squeeze %dma_start3A_94 : memref<1x1280xi32, #tpu.memory_space<vmem>> -> memref<1280xi32, #tpu.memory_space<vmem>>
    %dma_start3A_96 = arith.constant 0 : i32
    %dma_start3A_97 = arith.constant 0 : i32
    %dma_start3A_98 = tpu.memref_slice %arg10[%dma_start3A_96, %dma_start3A_97] : memref<10112x16xf32, #tpu.memory_space<vmem_shared>> -> memref<10112x16xf32, #tpu.memory_space<vmem_shared>>
    tpu.enqueue_indirect_dma source(%dma_start3A_92 : memref<1280x16xf32, #tpu.memory_space<vmem>>) target(%dma_start3A_98 : memref<10112x16xf32, #tpu.memory_space<vmem_shared>>) offsets(%dma_start3A_95 : memref<1280xi32, #tpu.memory_space<vmem>>) semaphore(%arg12 : memref<!tpu.dma_semaphore, #tpu.memory_space<semaphore_mem>>) {add = true}
    %dma_wait3A_99 = arith.constant 0 : i32
    %dma_wait3A_100 = arith.constant 0 : i32
    %dma_wait3A_101 = arith.constant 0 : i32
    %dma_wait3A_102 = arith.constant 0 : i32
    %dma_wait3A_103 = tpu.memref_slice %arg9[%dma_wait3A_99, %dma_wait3A_101, %dma_wait3A_102] : memref<4x1280x16xf32, #tpu.memory_space<vmem>> -> memref<1x1280x16xf32, #tpu.memory_space<vmem>>
    %dma_wait3A_104 = tpu.memref_squeeze %dma_wait3A_103 : memref<1x1280x16xf32, #tpu.memory_space<vmem>> -> memref<1280x16xf32, #tpu.memory_space<vmem>>
    %dma_wait3A_105 = arith.constant 0 : i32
    %dma_wait3A_106 = tpu.memref_slice %arg8[%dma_wait3A_100, %dma_wait3A_105] : memref<8x1280xi32, #tpu.memory_space<vmem>> -> memref<1x1280xi32, #tpu.memory_space<vmem>>
    %dma_wait3A_107 = tpu.memref_squeeze %dma_wait3A_106 : memref<1x1280xi32, #tpu.memory_space<vmem>> -> memref<1280xi32, #tpu.memory_space<vmem>>
    %dma_wait3A_108 = arith.constant 0 : i32
    %dma_wait3A_109 = arith.constant 0 : i32
    %dma_wait3A_110 = tpu.memref_slice %arg10[%dma_wait3A_108, %dma_wait3A_109] : memref<10112x16xf32, #tpu.memory_space<vmem_shared>> -> memref<10112x16xf32, #tpu.memory_space<vmem_shared>>
    tpu.wait_indirect_dma semaphore(%arg12 : memref<!tpu.dma_semaphore, #tpu.memory_space<semaphore_mem>>) src(%dma_wait3A_104 : memref<1280x16xf32, #tpu.memory_space<vmem>>) dst(%dma_wait3A_110 : memref<10112x16xf32, #tpu.memory_space<vmem_shared>>)
    %dma_start3A_111 = arith.constant 4 : i32
    %dma_start3A_112 = arith.constant 0 : i32
    %dma_start3A_113 = arith.constant 0 : i32
    %dma_start3A_114 = arith.constant 0 : i32
    %dma_start3A_115 = tpu.memref_slice %arg9[%dma_start3A_112, %dma_start3A_113, %dma_start3A_114] : memref<4x1280x16xf32, #tpu.memory_space<vmem>> -> memref<1x1280x16xf32, #tpu.memory_space<vmem>>
    %dma_start3A_116 = tpu.memref_squeeze %dma_start3A_115 : memref<1x1280x16xf32, #tpu.memory_space<vmem>> -> memref<1280x16xf32, #tpu.memory_space<vmem>>
    %dma_start3A_117 = arith.constant 0 : i32
    %dma_start3A_118 = tpu.memref_slice %arg7[%dma_start3A_111, %dma_start3A_117] : memref<8x1280xi32, #tpu.memory_space<vmem>> -> memref<1x1280xi32, #tpu.memory_space<vmem>>
    %dma_start3A_119 = tpu.memref_squeeze %dma_start3A_118 : memref<1x1280xi32, #tpu.memory_space<vmem>> -> memref<1280xi32, #tpu.memory_space<vmem>>
    %dma_start3A_120 = arith.constant 0 : i32
    %dma_start3A_121 = arith.constant 0 : i32
    %dma_start3A_122 = tpu.memref_slice %arg2[%dma_start3A_120, %dma_start3A_121] : memref<10000x16xf32, #tpu.memory_space<hbm>> -> memref<10000x16xf32, #tpu.memory_space<hbm>>
    tpu.enqueue_indirect_dma source(%dma_start3A_122 : memref<10000x16xf32, #tpu.memory_space<hbm>>) target(%dma_start3A_116 : memref<1280x16xf32, #tpu.memory_space<vmem>>) offsets(%dma_start3A_119 : memref<1280xi32, #tpu.memory_space<vmem>>) semaphore(%arg11 : memref<!tpu.dma_semaphore, #tpu.memory_space<semaphore_mem>>)
    %dma_wait3A_123 = arith.constant 2 : i32
    %dma_wait3A_124 = arith.constant 2 : i32
    %dma_wait3A_125 = arith.constant 0 : i32
    %dma_wait3A_126 = arith.constant 0 : i32
    %dma_wait3A_127 = tpu.memref_slice %arg9[%dma_wait3A_124, %dma_wait3A_125, %dma_wait3A_126] : memref<4x1280x16xf32, #tpu.memory_space<vmem>> -> memref<1x1280x16xf32, #tpu.memory_space<vmem>>
    %dma_wait3A_128 = tpu.memref_squeeze %dma_wait3A_127 : memref<1x1280x16xf32, #tpu.memory_space<vmem>> -> memref<1280x16xf32, #tpu.memory_space<vmem>>
    %dma_wait3A_129 = arith.constant 0 : i32
    %dma_wait3A_130 = tpu.memref_slice %arg7[%dma_wait3A_123, %dma_wait3A_129] : memref<8x1280xi32, #tpu.memory_space<vmem>> -> memref<1x1280xi32, #tpu.memory_space<vmem>>
    %dma_wait3A_131 = tpu.memref_squeeze %dma_wait3A_130 : memref<1x1280xi32, #tpu.memory_space<vmem>> -> memref<1280xi32, #tpu.memory_space<vmem>>
    %dma_wait3A_132 = arith.constant 0 : i32
    %dma_wait3A_133 = arith.constant 0 : i32
    %dma_wait3A_134 = tpu.memref_slice %arg2[%dma_wait3A_132, %dma_wait3A_133] : memref<10000x16xf32, #tpu.memory_space<hbm>> -> memref<10000x16xf32, #tpu.memory_space<hbm>>
    tpu.wait_indirect_dma semaphore(%arg11 : memref<!tpu.dma_semaphore, #tpu.memory_space<semaphore_mem>>) src(%dma_wait3A_134 : memref<10000x16xf32, #tpu.memory_space<hbm>>) dst(%dma_wait3A_128 : memref<1280x16xf32, #tpu.memory_space<vmem>>)
    %dma_start3A_135 = arith.constant 2 : i32
    %dma_start3A_136 = arith.constant 2 : i32
    %dma_start3A_137 = arith.constant 0 : i32
    %dma_start3A_138 = arith.constant 0 : i32
    %dma_start3A_139 = tpu.memref_slice %arg9[%dma_start3A_135, %dma_start3A_137, %dma_start3A_138] : memref<4x1280x16xf32, #tpu.memory_space<vmem>> -> memref<1x1280x16xf32, #tpu.memory_space<vmem>>
    %dma_start3A_140 = tpu.memref_squeeze %dma_start3A_139 : memref<1x1280x16xf32, #tpu.memory_space<vmem>> -> memref<1280x16xf32, #tpu.memory_space<vmem>>
    %dma_start3A_141 = arith.constant 0 : i32
    %dma_start3A_142 = tpu.memref_slice %arg8[%dma_start3A_136, %dma_start3A_141] : memref<8x1280xi32, #tpu.memory_space<vmem>> -> memref<1x1280xi32, #tpu.memory_space<vmem>>
    %dma_start3A_143 = tpu.memref_squeeze %dma_start3A_142 : memref<1x1280xi32, #tpu.memory_space<vmem>> -> memref<1280xi32, #tpu.memory_space<vmem>>
    %dma_start3A_144 = arith.constant 0 : i32
    %dma_start3A_145 = arith.constant 0 : i32
    %dma_start3A_146 = tpu.memref_slice %arg10[%dma_start3A_144, %dma_start3A_145] : memref<10112x16xf32, #tpu.memory_space<vmem_shared>> -> memref<10112x16xf32, #tpu.memory_space<vmem_shared>>
    tpu.enqueue_indirect_dma source(%dma_start3A_140 : memref<1280x16xf32, #tpu.memory_space<vmem>>) target(%dma_start3A_146 : memref<10112x16xf32, #tpu.memory_space<vmem_shared>>) offsets(%dma_start3A_143 : memref<1280xi32, #tpu.memory_space<vmem>>) semaphore(%arg12 : memref<!tpu.dma_semaphore, #tpu.memory_space<semaphore_mem>>) {add = true}
    %dma_wait3A_147 = arith.constant 1 : i32
    %dma_wait3A_148 = arith.constant 1 : i32
    %dma_wait3A_149 = arith.constant 0 : i32
    %dma_wait3A_150 = arith.constant 0 : i32
    %dma_wait3A_151 = tpu.memref_slice %arg9[%dma_wait3A_147, %dma_wait3A_149, %dma_wait3A_150] : memref<4x1280x16xf32, #tpu.memory_space<vmem>> -> memref<1x1280x16xf32, #tpu.memory_space<vmem>>
    %dma_wait3A_152 = tpu.memref_squeeze %dma_wait3A_151 : memref<1x1280x16xf32, #tpu.memory_space<vmem>> -> memref<1280x16xf32, #tpu.memory_space<vmem>>
    %dma_wait3A_153 = arith.constant 0 : i32
    %dma_wait3A_154 = tpu.memref_slice %arg8[%dma_wait3A_148, %dma_wait3A_153] : memref<8x1280xi32, #tpu.memory_space<vmem>> -> memref<1x1280xi32, #tpu.memory_space<vmem>>
    %dma_wait3A_155 = tpu.memref_squeeze %dma_wait3A_154 : memref<1x1280xi32, #tpu.memory_space<vmem>> -> memref<1280xi32, #tpu.memory_space<vmem>>
    %dma_wait3A_156 = arith.constant 0 : i32
    %dma_wait3A_157 = arith.constant 0 : i32
    %dma_wait3A_158 = tpu.memref_slice %arg10[%dma_wait3A_156, %dma_wait3A_157] : memref<10112x16xf32, #tpu.memory_space<vmem_shared>> -> memref<10112x16xf32, #tpu.memory_space<vmem_shared>>
    tpu.wait_indirect_dma semaphore(%arg12 : memref<!tpu.dma_semaphore, #tpu.memory_space<semaphore_mem>>) src(%dma_wait3A_152 : memref<1280x16xf32, #tpu.memory_space<vmem>>) dst(%dma_wait3A_158 : memref<10112x16xf32, #tpu.memory_space<vmem_shared>>)
    %dma_start3A_159 = arith.constant 5 : i32
    %dma_start3A_160 = arith.constant 1 : i32
    %dma_start3A_161 = arith.constant 0 : i32
    %dma_start3A_162 = arith.constant 0 : i32
    %dma_start3A_163 = tpu.memref_slice %arg9[%dma_start3A_160, %dma_start3A_161, %dma_start3A_162] : memref<4x1280x16xf32, #tpu.memory_space<vmem>> -> memref<1x1280x16xf32, #tpu.memory_space<vmem>>
    %dma_start3A_164 = tpu.memref_squeeze %dma_start3A_163 : memref<1x1280x16xf32, #tpu.memory_space<vmem>> -> memref<1280x16xf32, #tpu.memory_space<vmem>>
    %dma_start3A_165 = arith.constant 0 : i32
    %dma_start3A_166 = tpu.memref_slice %arg7[%dma_start3A_159, %dma_start3A_165] : memref<8x1280xi32, #tpu.memory_space<vmem>> -> memref<1x1280xi32, #tpu.memory_space<vmem>>
    %dma_start3A_167 = tpu.memref_squeeze %dma_start3A_166 : memref<1x1280xi32, #tpu.memory_space<vmem>> -> memref<1280xi32, #tpu.memory_space<vmem>>
    %dma_start3A_168 = arith.constant 0 : i32
    %dma_start3A_169 = arith.constant 0 : i32
    %dma_start3A_170 = tpu.memref_slice %arg2[%dma_start3A_168, %dma_start3A_169] : memref<10000x16xf32, #tpu.memory_space<hbm>> -> memref<10000x16xf32, #tpu.memory_space<hbm>>
    tpu.enqueue_indirect_dma source(%dma_start3A_170 : memref<10000x16xf32, #tpu.memory_space<hbm>>) target(%dma_start3A_164 : memref<1280x16xf32, #tpu.memory_space<vmem>>) offsets(%dma_start3A_167 : memref<1280xi32, #tpu.memory_space<vmem>>) semaphore(%arg11 : memref<!tpu.dma_semaphore, #tpu.memory_space<semaphore_mem>>)
    %dma_wait3A_171 = arith.constant 3 : i32
    %dma_wait3A_172 = arith.constant 3 : i32
    %dma_wait3A_173 = arith.constant 0 : i32
    %dma_wait3A_174 = arith.constant 0 : i32
    %dma_wait3A_175 = tpu.memref_slice %arg9[%dma_wait3A_172, %dma_wait3A_173, %dma_wait3A_174] : memref<4x1280x16xf32, #tpu.memory_space<vmem>> -> memref<1x1280x16xf32, #tpu.memory_space<vmem>>
    %dma_wait3A_176 = tpu.memref_squeeze %dma_wait3A_175 : memref<1x1280x16xf32, #tpu.memory_space<vmem>> -> memref<1280x16xf32, #tpu.memory_space<vmem>>
    %dma_wait3A_177 = arith.constant 0 : i32
    %dma_wait3A_178 = tpu.memref_slice %arg7[%dma_wait3A_171, %dma_wait3A_177] : memref<8x1280xi32, #tpu.memory_space<vmem>> -> memref<1x1280xi32, #tpu.memory_space<vmem>>
    %dma_wait3A_179 = tpu.memref_squeeze %dma_wait3A_178 : memref<1x1280xi32, #tpu.memory_space<vmem>> -> memref<1280xi32, #tpu.memory_space<vmem>>
    %dma_wait3A_180 = arith.constant 0 : i32
    %dma_wait3A_181 = arith.constant 0 : i32
    %dma_wait3A_182 = tpu.memref_slice %arg2[%dma_wait3A_180, %dma_wait3A_181] : memref<10000x16xf32, #tpu.memory_space<hbm>> -> memref<10000x16xf32, #tpu.memory_space<hbm>>
    tpu.wait_indirect_dma semaphore(%arg11 : memref<!tpu.dma_semaphore, #tpu.memory_space<semaphore_mem>>) src(%dma_wait3A_182 : memref<10000x16xf32, #tpu.memory_space<hbm>>) dst(%dma_wait3A_176 : memref<1280x16xf32, #tpu.memory_space<vmem>>)
    %dma_start3A_183 = arith.constant 3 : i32
    %dma_start3A_184 = arith.constant 3 : i32
    %dma_start3A_185 = arith.constant 0 : i32
    %dma_start3A_186 = arith.constant 0 : i32
    %dma_start3A_187 = tpu.memref_slice %arg9[%dma_start3A_183, %dma_start3A_185, %dma_start3A_186] : memref<4x1280x16xf32, #tpu.memory_space<vmem>> -> memref<1x1280x16xf32, #tpu.memory_space<vmem>>
    %dma_start3A_188 = tpu.memref_squeeze %dma_start3A_187 : memref<1x1280x16xf32, #tpu.memory_space<vmem>> -> memref<1280x16xf32, #tpu.memory_space<vmem>>
    %dma_start3A_189 = arith.constant 0 : i32
    %dma_start3A_190 = tpu.memref_slice %arg8[%dma_start3A_184, %dma_start3A_189] : memref<8x1280xi32, #tpu.memory_space<vmem>> -> memref<1x1280xi32, #tpu.memory_space<vmem>>
    %dma_start3A_191 = tpu.memref_squeeze %dma_start3A_190 : memref<1x1280xi32, #tpu.memory_space<vmem>> -> memref<1280xi32, #tpu.memory_space<vmem>>
    %dma_start3A_192 = arith.constant 0 : i32
    %dma_start3A_193 = arith.constant 0 : i32
    %dma_start3A_194 = tpu.memref_slice %arg10[%dma_start3A_192, %dma_start3A_193] : memref<10112x16xf32, #tpu.memory_space<vmem_shared>> -> memref<10112x16xf32, #tpu.memory_space<vmem_shared>>
    tpu.enqueue_indirect_dma source(%dma_start3A_188 : memref<1280x16xf32, #tpu.memory_space<vmem>>) target(%dma_start3A_194 : memref<10112x16xf32, #tpu.memory_space<vmem_shared>>) offsets(%dma_start3A_191 : memref<1280xi32, #tpu.memory_space<vmem>>) semaphore(%arg12 : memref<!tpu.dma_semaphore, #tpu.memory_space<semaphore_mem>>) {add = true}
    %dma_wait3A_195 = arith.constant 2 : i32
    %dma_wait3A_196 = arith.constant 2 : i32
    %dma_wait3A_197 = arith.constant 0 : i32
    %dma_wait3A_198 = arith.constant 0 : i32
    %dma_wait3A_199 = tpu.memref_slice %arg9[%dma_wait3A_195, %dma_wait3A_197, %dma_wait3A_198] : memref<4x1280x16xf32, #tpu.memory_space<vmem>> -> memref<1x1280x16xf32, #tpu.memory_space<vmem>>
    %dma_wait3A_200 = tpu.memref_squeeze %dma_wait3A_199 : memref<1x1280x16xf32, #tpu.memory_space<vmem>> -> memref<1280x16xf32, #tpu.memory_space<vmem>>
    %dma_wait3A_201 = arith.constant 0 : i32
    %dma_wait3A_202 = tpu.memref_slice %arg8[%dma_wait3A_196, %dma_wait3A_201] : memref<8x1280xi32, #tpu.memory_space<vmem>> -> memref<1x1280xi32, #tpu.memory_space<vmem>>
    %dma_wait3A_203 = tpu.memref_squeeze %dma_wait3A_202 : memref<1x1280xi32, #tpu.memory_space<vmem>> -> memref<1280xi32, #tpu.memory_space<vmem>>
    %dma_wait3A_204 = arith.constant 0 : i32
    %dma_wait3A_205 = arith.constant 0 : i32
    %dma_wait3A_206 = tpu.memref_slice %arg10[%dma_wait3A_204, %dma_wait3A_205] : memref<10112x16xf32, #tpu.memory_space<vmem_shared>> -> memref<10112x16xf32, #tpu.memory_space<vmem_shared>>
    tpu.wait_indirect_dma semaphore(%arg12 : memref<!tpu.dma_semaphore, #tpu.memory_space<semaphore_mem>>) src(%dma_wait3A_200 : memref<1280x16xf32, #tpu.memory_space<vmem>>) dst(%dma_wait3A_206 : memref<10112x16xf32, #tpu.memory_space<vmem_shared>>)
    %dma_start3A_207 = arith.constant 6 : i32
    %dma_start3A_208 = arith.constant 2 : i32
    %dma_start3A_209 = arith.constant 0 : i32
    %dma_start3A_210 = arith.constant 0 : i32
    %dma_start3A_211 = tpu.memref_slice %arg9[%dma_start3A_208, %dma_start3A_209, %dma_start3A_210] : memref<4x1280x16xf32, #tpu.memory_space<vmem>> -> memref<1x1280x16xf32, #tpu.memory_space<vmem>>
    %dma_start3A_212 = tpu.memref_squeeze %dma_start3A_211 : memref<1x1280x16xf32, #tpu.memory_space<vmem>> -> memref<1280x16xf32, #tpu.memory_space<vmem>>
    %dma_start3A_213 = arith.constant 0 : i32
    %dma_start3A_214 = tpu.memref_slice %arg7[%dma_start3A_207, %dma_start3A_213] : memref<8x1280xi32, #tpu.memory_space<vmem>> -> memref<1x1280xi32, #tpu.memory_space<vmem>>
    %dma_start3A_215 = tpu.memref_squeeze %dma_start3A_214 : memref<1x1280xi32, #tpu.memory_space<vmem>> -> memref<1280xi32, #tpu.memory_space<vmem>>
    %dma_start3A_216 = arith.constant 0 : i32
    %dma_start3A_217 = arith.constant 0 : i32
    %dma_start3A_218 = tpu.memref_slice %arg2[%dma_start3A_216, %dma_start3A_217] : memref<10000x16xf32, #tpu.memory_space<hbm>> -> memref<10000x16xf32, #tpu.memory_space<hbm>>
    tpu.enqueue_indirect_dma source(%dma_start3A_218 : memref<10000x16xf32, #tpu.memory_space<hbm>>) target(%dma_start3A_212 : memref<1280x16xf32, #tpu.memory_space<vmem>>) offsets(%dma_start3A_215 : memref<1280xi32, #tpu.memory_space<vmem>>) semaphore(%arg11 : memref<!tpu.dma_semaphore, #tpu.memory_space<semaphore_mem>>)
    %dma_wait3A_219 = arith.constant 4 : i32
    %dma_wait3A_220 = arith.constant 0 : i32
    %dma_wait3A_221 = arith.constant 0 : i32
    %dma_wait3A_222 = arith.constant 0 : i32
    %dma_wait3A_223 = tpu.memref_slice %arg9[%dma_wait3A_220, %dma_wait3A_221, %dma_wait3A_222] : memref<4x1280x16xf32, #tpu.memory_space<vmem>> -> memref<1x1280x16xf32, #tpu.memory_space<vmem>>
    %dma_wait3A_224 = tpu.memref_squeeze %dma_wait3A_223 : memref<1x1280x16xf32, #tpu.memory_space<vmem>> -> memref<1280x16xf32, #tpu.memory_space<vmem>>
    %dma_wait3A_225 = arith.constant 0 : i32
    %dma_wait3A_226 = tpu.memref_slice %arg7[%dma_wait3A_219, %dma_wait3A_225] : memref<8x1280xi32, #tpu.memory_space<vmem>> -> memref<1x1280xi32, #tpu.memory_space<vmem>>
    %dma_wait3A_227 = tpu.memref_squeeze %dma_wait3A_226 : memref<1x1280xi32, #tpu.memory_space<vmem>> -> memref<1280xi32, #tpu.memory_space<vmem>>
    %dma_wait3A_228 = arith.constant 0 : i32
    %dma_wait3A_229 = arith.constant 0 : i32
    %dma_wait3A_230 = tpu.memref_slice %arg2[%dma_wait3A_228, %dma_wait3A_229] : memref<10000x16xf32, #tpu.memory_space<hbm>> -> memref<10000x16xf32, #tpu.memory_space<hbm>>
    tpu.wait_indirect_dma semaphore(%arg11 : memref<!tpu.dma_semaphore, #tpu.memory_space<semaphore_mem>>) src(%dma_wait3A_230 : memref<10000x16xf32, #tpu.memory_space<hbm>>) dst(%dma_wait3A_224 : memref<1280x16xf32, #tpu.memory_space<vmem>>)
    %dma_start3A_231 = arith.constant 0 : i32
    %dma_start3A_232 = arith.constant 4 : i32
    %dma_start3A_233 = arith.constant 0 : i32
    %dma_start3A_234 = arith.constant 0 : i32
    %dma_start3A_235 = tpu.memref_slice %arg9[%dma_start3A_231, %dma_start3A_233, %dma_start3A_234] : memref<4x1280x16xf32, #tpu.memory_space<vmem>> -> memref<1x1280x16xf32, #tpu.memory_space<vmem>>
    %dma_start3A_236 = tpu.memref_squeeze %dma_start3A_235 : memref<1x1280x16xf32, #tpu.memory_space<vmem>> -> memref<1280x16xf32, #tpu.memory_space<vmem>>
    %dma_start3A_237 = arith.constant 0 : i32
    %dma_start3A_238 = tpu.memref_slice %arg8[%dma_start3A_232, %dma_start3A_237] : memref<8x1280xi32, #tpu.memory_space<vmem>> -> memref<1x1280xi32, #tpu.memory_space<vmem>>
    %dma_start3A_239 = tpu.memref_squeeze %dma_start3A_238 : memref<1x1280xi32, #tpu.memory_space<vmem>> -> memref<1280xi32, #tpu.memory_space<vmem>>
    %dma_start3A_240 = arith.constant 0 : i32
    %dma_start3A_241 = arith.constant 0 : i32
    %dma_start3A_242 = tpu.memref_slice %arg10[%dma_start3A_240, %dma_start3A_241] : memref<10112x16xf32, #tpu.memory_space<vmem_shared>> -> memref<10112x16xf32, #tpu.memory_space<vmem_shared>>
    tpu.enqueue_indirect_dma source(%dma_start3A_236 : memref<1280x16xf32, #tpu.memory_space<vmem>>) target(%dma_start3A_242 : memref<10112x16xf32, #tpu.memory_space<vmem_shared>>) offsets(%dma_start3A_239 : memref<1280xi32, #tpu.memory_space<vmem>>) semaphore(%arg12 : memref<!tpu.dma_semaphore, #tpu.memory_space<semaphore_mem>>) {add = true}
    %dma_wait3A_243 = arith.constant 3 : i32
    %dma_wait3A_244 = arith.constant 3 : i32
    %dma_wait3A_245 = arith.constant 0 : i32
    %dma_wait3A_246 = arith.constant 0 : i32
    %dma_wait3A_247 = tpu.memref_slice %arg9[%dma_wait3A_243, %dma_wait3A_245, %dma_wait3A_246] : memref<4x1280x16xf32, #tpu.memory_space<vmem>> -> memref<1x1280x16xf32, #tpu.memory_space<vmem>>
    %dma_wait3A_248 = tpu.memref_squeeze %dma_wait3A_247 : memref<1x1280x16xf32, #tpu.memory_space<vmem>> -> memref<1280x16xf32, #tpu.memory_space<vmem>>
    %dma_wait3A_249 = arith.constant 0 : i32
    %dma_wait3A_250 = tpu.memref_slice %arg8[%dma_wait3A_244, %dma_wait3A_249] : memref<8x1280xi32, #tpu.memory_space<vmem>> -> memref<1x1280xi32, #tpu.memory_space<vmem>>
    %dma_wait3A_251 = tpu.memref_squeeze %dma_wait3A_250 : memref<1x1280xi32, #tpu.memory_space<vmem>> -> memref<1280xi32, #tpu.memory_space<vmem>>
    %dma_wait3A_252 = arith.constant 0 : i32
    %dma_wait3A_253 = arith.constant 0 : i32
    %dma_wait3A_254 = tpu.memref_slice %arg10[%dma_wait3A_252, %dma_wait3A_253] : memref<10112x16xf32, #tpu.memory_space<vmem_shared>> -> memref<10112x16xf32, #tpu.memory_space<vmem_shared>>
    tpu.wait_indirect_dma semaphore(%arg12 : memref<!tpu.dma_semaphore, #tpu.memory_space<semaphore_mem>>) src(%dma_wait3A_248 : memref<1280x16xf32, #tpu.memory_space<vmem>>) dst(%dma_wait3A_254 : memref<10112x16xf32, #tpu.memory_space<vmem_shared>>)
    %dma_start3A_255 = arith.constant 7 : i32
    %dma_start3A_256 = arith.constant 3 : i32
    %dma_start3A_257 = arith.constant 0 : i32
    %dma_start3A_258 = arith.constant 0 : i32
    %dma_start3A_259 = tpu.memref_slice %arg9[%dma_start3A_256, %dma_start3A_257, %dma_start3A_258] : memref<4x1280x16xf32, #tpu.memory_space<vmem>> -> memref<1x1280x16xf32, #tpu.memory_space<vmem>>
    %dma_start3A_260 = tpu.memref_squeeze %dma_start3A_259 : memref<1x1280x16xf32, #tpu.memory_space<vmem>> -> memref<1280x16xf32, #tpu.memory_space<vmem>>
    %dma_start3A_261 = arith.constant 0 : i32
    %dma_start3A_262 = tpu.memref_slice %arg7[%dma_start3A_255, %dma_start3A_261] : memref<8x1280xi32, #tpu.memory_space<vmem>> -> memref<1x1280xi32, #tpu.memory_space<vmem>>
    %dma_start3A_263 = tpu.memref_squeeze %dma_start3A_262 : memref<1x1280xi32, #tpu.memory_space<vmem>> -> memref<1280xi32, #tpu.memory_space<vmem>>
    %dma_start3A_264 = arith.constant 0 : i32
    %dma_start3A_265 = arith.constant 0 : i32
    %dma_start3A_266 = tpu.memref_slice %arg2[%dma_start3A_264, %dma_start3A_265] : memref<10000x16xf32, #tpu.memory_space<hbm>> -> memref<10000x16xf32, #tpu.memory_space<hbm>>
    tpu.enqueue_indirect_dma source(%dma_start3A_266 : memref<10000x16xf32, #tpu.memory_space<hbm>>) target(%dma_start3A_260 : memref<1280x16xf32, #tpu.memory_space<vmem>>) offsets(%dma_start3A_263 : memref<1280xi32, #tpu.memory_space<vmem>>) semaphore(%arg11 : memref<!tpu.dma_semaphore, #tpu.memory_space<semaphore_mem>>)
    %dma_wait3A_267 = arith.constant 5 : i32
    %dma_wait3A_268 = arith.constant 1 : i32
    %dma_wait3A_269 = arith.constant 0 : i32
    %dma_wait3A_270 = arith.constant 0 : i32
    %dma_wait3A_271 = tpu.memref_slice %arg9[%dma_wait3A_268, %dma_wait3A_269, %dma_wait3A_270] : memref<4x1280x16xf32, #tpu.memory_space<vmem>> -> memref<1x1280x16xf32, #tpu.memory_space<vmem>>
    %dma_wait3A_272 = tpu.memref_squeeze %dma_wait3A_271 : memref<1x1280x16xf32, #tpu.memory_space<vmem>> -> memref<1280x16xf32, #tpu.memory_space<vmem>>
    %dma_wait3A_273 = arith.constant 0 : i32
    %dma_wait3A_274 = tpu.memref_slice %arg7[%dma_wait3A_267, %dma_wait3A_273] : memref<8x1280xi32, #tpu.memory_space<vmem>> -> memref<1x1280xi32, #tpu.memory_space<vmem>>
    %dma_wait3A_275 = tpu.memref_squeeze %dma_wait3A_274 : memref<1x1280xi32, #tpu.memory_space<vmem>> -> memref<1280xi32, #tpu.memory_space<vmem>>
    %dma_wait3A_276 = arith.constant 0 : i32
    %dma_wait3A_277 = arith.constant 0 : i32
    %dma_wait3A_278 = tpu.memref_slice %arg2[%dma_wait3A_276, %dma_wait3A_277] : memref<10000x16xf32, #tpu.memory_space<hbm>> -> memref<10000x16xf32, #tpu.memory_space<hbm>>
    tpu.wait_indirect_dma semaphore(%arg11 : memref<!tpu.dma_semaphore, #tpu.memory_space<semaphore_mem>>) src(%dma_wait3A_278 : memref<10000x16xf32, #tpu.memory_space<hbm>>) dst(%dma_wait3A_272 : memref<1280x16xf32, #tpu.memory_space<vmem>>)
    %dma_start3A_279 = arith.constant 1 : i32
    %dma_start3A_280 = arith.constant 5 : i32
    %dma_start3A_281 = arith.constant 0 : i32
    %dma_start3A_282 = arith.constant 0 : i32
    %dma_start3A_283 = tpu.memref_slice %arg9[%dma_start3A_279, %dma_start3A_281, %dma_start3A_282] : memref<4x1280x16xf32, #tpu.memory_space<vmem>> -> memref<1x1280x16xf32, #tpu.memory_space<vmem>>
    %dma_start3A_284 = tpu.memref_squeeze %dma_start3A_283 : memref<1x1280x16xf32, #tpu.memory_space<vmem>> -> memref<1280x16xf32, #tpu.memory_space<vmem>>
    %dma_start3A_285 = arith.constant 0 : i32
    %dma_start3A_286 = tpu.memref_slice %arg8[%dma_start3A_280, %dma_start3A_285] : memref<8x1280xi32, #tpu.memory_space<vmem>> -> memref<1x1280xi32, #tpu.memory_space<vmem>>
    %dma_start3A_287 = tpu.memref_squeeze %dma_start3A_286 : memref<1x1280xi32, #tpu.memory_space<vmem>> -> memref<1280xi32, #tpu.memory_space<vmem>>
    %dma_start3A_288 = arith.constant 0 : i32
    %dma_start3A_289 = arith.constant 0 : i32
    %dma_start3A_290 = tpu.memref_slice %arg10[%dma_start3A_288, %dma_start3A_289] : memref<10112x16xf32, #tpu.memory_space<vmem_shared>> -> memref<10112x16xf32, #tpu.memory_space<vmem_shared>>
    tpu.enqueue_indirect_dma source(%dma_start3A_284 : memref<1280x16xf32, #tpu.memory_space<vmem>>) target(%dma_start3A_290 : memref<10112x16xf32, #tpu.memory_space<vmem_shared>>) offsets(%dma_start3A_287 : memref<1280xi32, #tpu.memory_space<vmem>>) semaphore(%arg12 : memref<!tpu.dma_semaphore, #tpu.memory_space<semaphore_mem>>) {add = true}
    %dma_wait3A_291 = arith.constant 6 : i32
    %dma_wait3A_292 = arith.constant 2 : i32
    %dma_wait3A_293 = arith.constant 0 : i32
    %dma_wait3A_294 = arith.constant 0 : i32
    %dma_wait3A_295 = tpu.memref_slice %arg9[%dma_wait3A_292, %dma_wait3A_293, %dma_wait3A_294] : memref<4x1280x16xf32, #tpu.memory_space<vmem>> -> memref<1x1280x16xf32, #tpu.memory_space<vmem>>
    %dma_wait3A_296 = tpu.memref_squeeze %dma_wait3A_295 : memref<1x1280x16xf32, #tpu.memory_space<vmem>> -> memref<1280x16xf32, #tpu.memory_space<vmem>>
    %dma_wait3A_297 = arith.constant 0 : i32
    %dma_wait3A_298 = tpu.memref_slice %arg7[%dma_wait3A_291, %dma_wait3A_297] : memref<8x1280xi32, #tpu.memory_space<vmem>> -> memref<1x1280xi32, #tpu.memory_space<vmem>>
    %dma_wait3A_299 = tpu.memref_squeeze %dma_wait3A_298 : memref<1x1280xi32, #tpu.memory_space<vmem>> -> memref<1280xi32, #tpu.memory_space<vmem>>
    %dma_wait3A_300 = arith.constant 0 : i32
    %dma_wait3A_301 = arith.constant 0 : i32
    %dma_wait3A_302 = tpu.memref_slice %arg2[%dma_wait3A_300, %dma_wait3A_301] : memref<10000x16xf32, #tpu.memory_space<hbm>> -> memref<10000x16xf32, #tpu.memory_space<hbm>>
    tpu.wait_indirect_dma semaphore(%arg11 : memref<!tpu.dma_semaphore, #tpu.memory_space<semaphore_mem>>) src(%dma_wait3A_302 : memref<10000x16xf32, #tpu.memory_space<hbm>>) dst(%dma_wait3A_296 : memref<1280x16xf32, #tpu.memory_space<vmem>>)
    %dma_start3A_303 = arith.constant 2 : i32
    %dma_start3A_304 = arith.constant 6 : i32
    %dma_start3A_305 = arith.constant 0 : i32
    %dma_start3A_306 = arith.constant 0 : i32
    %dma_start3A_307 = tpu.memref_slice %arg9[%dma_start3A_303, %dma_start3A_305, %dma_start3A_306] : memref<4x1280x16xf32, #tpu.memory_space<vmem>> -> memref<1x1280x16xf32, #tpu.memory_space<vmem>>
    %dma_start3A_308 = tpu.memref_squeeze %dma_start3A_307 : memref<1x1280x16xf32, #tpu.memory_space<vmem>> -> memref<1280x16xf32, #tpu.memory_space<vmem>>
    %dma_start3A_309 = arith.constant 0 : i32
    %dma_start3A_310 = tpu.memref_slice %arg8[%dma_start3A_304, %dma_start3A_309] : memref<8x1280xi32, #tpu.memory_space<vmem>> -> memref<1x1280xi32, #tpu.memory_space<vmem>>
    %dma_start3A_311 = tpu.memref_squeeze %dma_start3A_310 : memref<1x1280xi32, #tpu.memory_space<vmem>> -> memref<1280xi32, #tpu.memory_space<vmem>>
    %dma_start3A_312 = arith.constant 0 : i32
    %dma_start3A_313 = arith.constant 0 : i32
    %dma_start3A_314 = tpu.memref_slice %arg10[%dma_start3A_312, %dma_start3A_313] : memref<10112x16xf32, #tpu.memory_space<vmem_shared>> -> memref<10112x16xf32, #tpu.memory_space<vmem_shared>>
    tpu.enqueue_indirect_dma source(%dma_start3A_308 : memref<1280x16xf32, #tpu.memory_space<vmem>>) target(%dma_start3A_314 : memref<10112x16xf32, #tpu.memory_space<vmem_shared>>) offsets(%dma_start3A_311 : memref<1280xi32, #tpu.memory_space<vmem>>) semaphore(%arg12 : memref<!tpu.dma_semaphore, #tpu.memory_space<semaphore_mem>>) {add = true}
    %dma_wait3A_315 = arith.constant 7 : i32
    %dma_wait3A_316 = arith.constant 3 : i32
    %dma_wait3A_317 = arith.constant 0 : i32
    %dma_wait3A_318 = arith.constant 0 : i32
    %dma_wait3A_319 = tpu.memref_slice %arg9[%dma_wait3A_316, %dma_wait3A_317, %dma_wait3A_318] : memref<4x1280x16xf32, #tpu.memory_space<vmem>> -> memref<1x1280x16xf32, #tpu.memory_space<vmem>>
    %dma_wait3A_320 = tpu.memref_squeeze %dma_wait3A_319 : memref<1x1280x16xf32, #tpu.memory_space<vmem>> -> memref<1280x16xf32, #tpu.memory_space<vmem>>
    %dma_wait3A_321 = arith.constant 0 : i32
    %dma_wait3A_322 = tpu.memref_slice %arg7[%dma_wait3A_315, %dma_wait3A_321] : memref<8x1280xi32, #tpu.memory_space<vmem>> -> memref<1x1280xi32, #tpu.memory_space<vmem>>
    %dma_wait3A_323 = tpu.memref_squeeze %dma_wait3A_322 : memref<1x1280xi32, #tpu.memory_space<vmem>> -> memref<1280xi32, #tpu.memory_space<vmem>>
    %dma_wait3A_324 = arith.constant 0 : i32
    %dma_wait3A_325 = arith.constant 0 : i32
    %dma_wait3A_326 = tpu.memref_slice %arg2[%dma_wait3A_324, %dma_wait3A_325] : memref<10000x16xf32, #tpu.memory_space<hbm>> -> memref<10000x16xf32, #tpu.memory_space<hbm>>
    tpu.wait_indirect_dma semaphore(%arg11 : memref<!tpu.dma_semaphore, #tpu.memory_space<semaphore_mem>>) src(%dma_wait3A_326 : memref<10000x16xf32, #tpu.memory_space<hbm>>) dst(%dma_wait3A_320 : memref<1280x16xf32, #tpu.memory_space<vmem>>)
    %dma_start3A_327 = arith.constant 3 : i32
    %dma_start3A_328 = arith.constant 7 : i32
    %dma_start3A_329 = arith.constant 0 : i32
    %dma_start3A_330 = arith.constant 0 : i32
    %dma_start3A_331 = tpu.memref_slice %arg9[%dma_start3A_327, %dma_start3A_329, %dma_start3A_330] : memref<4x1280x16xf32, #tpu.memory_space<vmem>> -> memref<1x1280x16xf32, #tpu.memory_space<vmem>>
    %dma_start3A_332 = tpu.memref_squeeze %dma_start3A_331 : memref<1x1280x16xf32, #tpu.memory_space<vmem>> -> memref<1280x16xf32, #tpu.memory_space<vmem>>
    %dma_start3A_333 = arith.constant 0 : i32
    %dma_start3A_334 = tpu.memref_slice %arg8[%dma_start3A_328, %dma_start3A_333] : memref<8x1280xi32, #tpu.memory_space<vmem>> -> memref<1x1280xi32, #tpu.memory_space<vmem>>
    %dma_start3A_335 = tpu.memref_squeeze %dma_start3A_334 : memref<1x1280xi32, #tpu.memory_space<vmem>> -> memref<1280xi32, #tpu.memory_space<vmem>>
    %dma_start3A_336 = arith.constant 0 : i32
    %dma_start3A_337 = arith.constant 0 : i32
    %dma_start3A_338 = tpu.memref_slice %arg10[%dma_start3A_336, %dma_start3A_337] : memref<10112x16xf32, #tpu.memory_space<vmem_shared>> -> memref<10112x16xf32, #tpu.memory_space<vmem_shared>>
    tpu.enqueue_indirect_dma source(%dma_start3A_332 : memref<1280x16xf32, #tpu.memory_space<vmem>>) target(%dma_start3A_338 : memref<10112x16xf32, #tpu.memory_space<vmem_shared>>) offsets(%dma_start3A_335 : memref<1280xi32, #tpu.memory_space<vmem>>) semaphore(%arg12 : memref<!tpu.dma_semaphore, #tpu.memory_space<semaphore_mem>>) {add = true}
    %dma_wait3A_339 = arith.constant 0 : i32
    %dma_wait3A_340 = arith.constant 4 : i32
    %dma_wait3A_341 = arith.constant 0 : i32
    %dma_wait3A_342 = arith.constant 0 : i32
    %dma_wait3A_343 = tpu.memref_slice %arg9[%dma_wait3A_339, %dma_wait3A_341, %dma_wait3A_342] : memref<4x1280x16xf32, #tpu.memory_space<vmem>> -> memref<1x1280x16xf32, #tpu.memory_space<vmem>>
    %dma_wait3A_344 = tpu.memref_squeeze %dma_wait3A_343 : memref<1x1280x16xf32, #tpu.memory_space<vmem>> -> memref<1280x16xf32, #tpu.memory_space<vmem>>
    %dma_wait3A_345 = arith.constant 0 : i32
    %dma_wait3A_346 = tpu.memref_slice %arg8[%dma_wait3A_340, %dma_wait3A_345] : memref<8x1280xi32, #tpu.memory_space<vmem>> -> memref<1x1280xi32, #tpu.memory_space<vmem>>
    %dma_wait3A_347 = tpu.memref_squeeze %dma_wait3A_346 : memref<1x1280xi32, #tpu.memory_space<vmem>> -> memref<1280xi32, #tpu.memory_space<vmem>>
    %dma_wait3A_348 = arith.constant 0 : i32
    %dma_wait3A_349 = arith.constant 0 : i32
    %dma_wait3A_350 = tpu.memref_slice %arg10[%dma_wait3A_348, %dma_wait3A_349] : memref<10112x16xf32, #tpu.memory_space<vmem_shared>> -> memref<10112x16xf32, #tpu.memory_space<vmem_shared>>
    tpu.wait_indirect_dma semaphore(%arg12 : memref<!tpu.dma_semaphore, #tpu.memory_space<semaphore_mem>>) src(%dma_wait3A_344 : memref<1280x16xf32, #tpu.memory_space<vmem>>) dst(%dma_wait3A_350 : memref<10112x16xf32, #tpu.memory_space<vmem_shared>>)
    %dma_wait3A_351 = arith.constant 1 : i32
    %dma_wait3A_352 = arith.constant 5 : i32
    %dma_wait3A_353 = arith.constant 0 : i32
    %dma_wait3A_354 = arith.constant 0 : i32
    %dma_wait3A_355 = tpu.memref_slice %arg9[%dma_wait3A_351, %dma_wait3A_353, %dma_wait3A_354] : memref<4x1280x16xf32, #tpu.memory_space<vmem>> -> memref<1x1280x16xf32, #tpu.memory_space<vmem>>
    %dma_wait3A_356 = tpu.memref_squeeze %dma_wait3A_355 : memref<1x1280x16xf32, #tpu.memory_space<vmem>> -> memref<1280x16xf32, #tpu.memory_space<vmem>>
    %dma_wait3A_357 = arith.constant 0 : i32
    %dma_wait3A_358 = tpu.memref_slice %arg8[%dma_wait3A_352, %dma_wait3A_357] : memref<8x1280xi32, #tpu.memory_space<vmem>> -> memref<1x1280xi32, #tpu.memory_space<vmem>>
    %dma_wait3A_359 = tpu.memref_squeeze %dma_wait3A_358 : memref<1x1280xi32, #tpu.memory_space<vmem>> -> memref<1280xi32, #tpu.memory_space<vmem>>
    %dma_wait3A_360 = arith.constant 0 : i32
    %dma_wait3A_361 = arith.constant 0 : i32
    %dma_wait3A_362 = tpu.memref_slice %arg10[%dma_wait3A_360, %dma_wait3A_361] : memref<10112x16xf32, #tpu.memory_space<vmem_shared>> -> memref<10112x16xf32, #tpu.memory_space<vmem_shared>>
    tpu.wait_indirect_dma semaphore(%arg12 : memref<!tpu.dma_semaphore, #tpu.memory_space<semaphore_mem>>) src(%dma_wait3A_356 : memref<1280x16xf32, #tpu.memory_space<vmem>>) dst(%dma_wait3A_362 : memref<10112x16xf32, #tpu.memory_space<vmem_shared>>)
    %dma_wait3A_363 = arith.constant 2 : i32
    %dma_wait3A_364 = arith.constant 6 : i32
    %dma_wait3A_365 = arith.constant 0 : i32
    %dma_wait3A_366 = arith.constant 0 : i32
    %dma_wait3A_367 = tpu.memref_slice %arg9[%dma_wait3A_363, %dma_wait3A_365, %dma_wait3A_366] : memref<4x1280x16xf32, #tpu.memory_space<vmem>> -> memref<1x1280x16xf32, #tpu.memory_space<vmem>>
    %dma_wait3A_368 = tpu.memref_squeeze %dma_wait3A_367 : memref<1x1280x16xf32, #tpu.memory_space<vmem>> -> memref<1280x16xf32, #tpu.memory_space<vmem>>
    %dma_wait3A_369 = arith.constant 0 : i32
    %dma_wait3A_370 = tpu.memref_slice %arg8[%dma_wait3A_364, %dma_wait3A_369] : memref<8x1280xi32, #tpu.memory_space<vmem>> -> memref<1x1280xi32, #tpu.memory_space<vmem>>
    %dma_wait3A_371 = tpu.memref_squeeze %dma_wait3A_370 : memref<1x1280xi32, #tpu.memory_space<vmem>> -> memref<1280xi32, #tpu.memory_space<vmem>>
    %dma_wait3A_372 = arith.constant 0 : i32
    %dma_wait3A_373 = arith.constant 0 : i32
    %dma_wait3A_374 = tpu.memref_slice %arg10[%dma_wait3A_372, %dma_wait3A_373] : memref<10112x16xf32, #tpu.memory_space<vmem_shared>> -> memref<10112x16xf32, #tpu.memory_space<vmem_shared>>
    tpu.wait_indirect_dma semaphore(%arg12 : memref<!tpu.dma_semaphore, #tpu.memory_space<semaphore_mem>>) src(%dma_wait3A_368 : memref<1280x16xf32, #tpu.memory_space<vmem>>) dst(%dma_wait3A_374 : memref<10112x16xf32, #tpu.memory_space<vmem_shared>>)
    %dma_wait3A_375 = arith.constant 3 : i32
    %dma_wait3A_376 = arith.constant 7 : i32
    %dma_wait3A_377 = arith.constant 0 : i32
    %dma_wait3A_378 = arith.constant 0 : i32
    %dma_wait3A_379 = tpu.memref_slice %arg9[%dma_wait3A_375, %dma_wait3A_377, %dma_wait3A_378] : memref<4x1280x16xf32, #tpu.memory_space<vmem>> -> memref<1x1280x16xf32, #tpu.memory_space<vmem>>
    %dma_wait3A_380 = tpu.memref_squeeze %dma_wait3A_379 : memref<1x1280x16xf32, #tpu.memory_space<vmem>> -> memref<1280x16xf32, #tpu.memory_space<vmem>>
    %dma_wait3A_381 = arith.constant 0 : i32
    %dma_wait3A_382 = tpu.memref_slice %arg8[%dma_wait3A_376, %dma_wait3A_381] : memref<8x1280xi32, #tpu.memory_space<vmem>> -> memref<1x1280xi32, #tpu.memory_space<vmem>>
    %dma_wait3A_383 = tpu.memref_squeeze %dma_wait3A_382 : memref<1x1280xi32, #tpu.memory_space<vmem>> -> memref<1280xi32, #tpu.memory_space<vmem>>
    %dma_wait3A_384 = arith.constant 0 : i32
    %dma_wait3A_385 = arith.constant 0 : i32
    %dma_wait3A_386 = tpu.memref_slice %arg10[%dma_wait3A_384, %dma_wait3A_385] : memref<10112x16xf32, #tpu.memory_space<vmem_shared>> -> memref<10112x16xf32, #tpu.memory_space<vmem_shared>>
    tpu.wait_indirect_dma semaphore(%arg12 : memref<!tpu.dma_semaphore, #tpu.memory_space<semaphore_mem>>) src(%dma_wait3A_380 : memref<1280x16xf32, #tpu.memory_space<vmem>>) dst(%dma_wait3A_386 : memref<10112x16xf32, #tpu.memory_space<vmem_shared>>)
    %barrier3A_387 = arith.constant 0 : index
    tpu.barrier barrier_id(%barrier3A_387)
    %mul3A_388 = arith.constant 632 : i32
    %mul3A_389 = arith.muli %arg1, %mul3A_388 : i32
    %mul3A_390 = arith.constant 632 : i32
    %mul3A_391 = arith.muli %arg1, %mul3A_390 : i32
    "tpu.region"() ({
      %run_scoped3A = tpu.sem_alloc : memref<!tpu.dma_semaphore, #tpu.memory_space<semaphore_mem>>
      %dma_start3A_392 = arith.constant 0 : i32
      %dma_start3A_393 = tpu.memref_slice %arg6[%arg0, %mul3A_391, %dma_start3A_392] : memref<2x10112x16xf32, #tpu.memory_space<hbm>> -> memref<1x632x16xf32, #tpu.memory_space<hbm>>
      %dma_start3A_394 = tpu.memref_squeeze %dma_start3A_393 : memref<1x632x16xf32, #tpu.memory_space<hbm>> -> memref<632x16xf32, #tpu.memory_space<hbm>>
      %dma_start3A_395 = arith.constant 0 : i32
      %dma_start3A_396 = tpu.memref_slice %arg10[%mul3A_389, %dma_start3A_395] : memref<10112x16xf32, #tpu.memory_space<vmem_shared>> -> memref<632x16xf32, #tpu.memory_space<vmem_shared>>
      tpu.enqueue_dma source(%dma_start3A_396 : memref<632x16xf32, #tpu.memory_space<vmem_shared>>) target(%dma_start3A_394 : memref<632x16xf32, #tpu.memory_space<hbm>>) target_semaphore(%run_scoped3A : memref<!tpu.dma_semaphore, #tpu.memory_space<semaphore_mem>>)
      %dma_wait3A_397 = arith.constant 0 : i32
      %dma_wait3A_398 = tpu.memref_slice %arg6[%arg0, %mul3A_391, %dma_wait3A_397] : memref<2x10112x16xf32, #tpu.memory_space<hbm>> -> memref<1x632x16xf32, #tpu.memory_space<hbm>>
      %dma_wait3A_399 = tpu.memref_squeeze %dma_wait3A_398 : memref<1x632x16xf32, #tpu.memory_space<hbm>> -> memref<632x16xf32, #tpu.memory_space<hbm>>
      %dma_wait3A_400 = arith.constant 0 : i32
      %dma_wait3A_401 = tpu.memref_slice %arg10[%mul3A_389, %dma_wait3A_400] : memref<10112x16xf32, #tpu.memory_space<vmem_shared>> -> memref<632x16xf32, #tpu.memory_space<vmem_shared>>
      tpu.wait_dma2 semaphore(%run_scoped3A : memref<!tpu.dma_semaphore, #tpu.memory_space<semaphore_mem>>) src(%dma_wait3A_401 : memref<632x16xf32, #tpu.memory_space<vmem_shared>>) dst(%dma_wait3A_399 : memref<632x16xf32, #tpu.memory_space<hbm>>)
      tpu.yield
    }) : () -> ()
    return
  }
}

#map = affine_map<(d0, d1) -> (0, 0)>
#map1 = affine_map<(d0, d1) -> (0, 0, 0)>
module attributes {stable_mosaic.version = 14 : i64} {
  func.func @_seg_sum_sc(%arg0: i32, %arg1: i32, %arg2: memref<10000x16xf32, #tpu.memory_space<hbm>>, %arg3: memref<32x8x1280xi32, #tpu.memory_space<hbm>>, %arg4: memref<32x8x1280xi32, #tpu.memory_space<hbm>>, %arg5: memref<10112x16xf32, #tpu.memory_space<hbm>>, %arg6: memref<2x10112x16xf32, #tpu.memory_space<hbm>>, %arg7: memref<8x1280xi32, #tpu.memory_space<vmem>>, %arg8: memref<8x1280xi32, #tpu.memory_space<vmem>>, %arg9: memref<4x1280x16xf32, #tpu.memory_space<vmem>>, %arg10: memref<10112x16xf32, #tpu.memory_space<vmem_shared>>, %arg11: memref<!tpu.dma_semaphore, #tpu.memory_space<semaphore_mem>>, %arg12: memref<!tpu.dma_semaphore, #tpu.memory_space<semaphore_mem>>) attributes {dimension_semantics = [#tpu.dimension_semantics<core_parallel>, #tpu.dimension_semantics<subcore_parallel>], iteration_bounds = array<i64: 2, 16>, scalar_prefetch = 0 : i64, scratch_operands = 6 : i64, tpu.core_type = #tpu.core_type<sc_vector_subcore>, window_params = [{transform_indices = #map}, {transform_indices = #map1}, {transform_indices = #map1}, {transform_indices = #map}, {transform_indices = #map1}]} {
    %mul3A = arith.constant 16 : i32
    %mul3A_0 = arith.muli %arg0, %mul3A : i32
    %add3A = arith.addi %mul3A_0, %arg1 : i32
    %mul3A_1 = arith.constant 632 : i32
    %mul3A_2 = arith.muli %arg1, %mul3A_1 : i32
    %mul3A_3 = arith.constant 632 : i32
    %mul3A_4 = arith.muli %arg1, %mul3A_3 : i32
    "tpu.region"() ({
      %run_scoped3A = tpu.sem_alloc : memref<!tpu.dma_semaphore, #tpu.memory_space<semaphore_mem>>
      %dma_start3A_392 = arith.constant 0 : i32
      %dma_start3A_393 = tpu.memref_slice %arg10[%mul3A_4, %dma_start3A_392] : memref<10112x16xf32, #tpu.memory_space<vmem_shared>> -> memref<632x16xf32, #tpu.memory_space<vmem_shared>>
      %dma_start3A_394 = arith.constant 0 : i32
      %dma_start3A_395 = tpu.memref_slice %arg5[%mul3A_2, %dma_start3A_394] : memref<10112x16xf32, #tpu.memory_space<hbm>> -> memref<632x16xf32, #tpu.memory_space<hbm>>
      tpu.enqueue_dma source(%dma_start3A_395 : memref<632x16xf32, #tpu.memory_space<hbm>>) target(%dma_start3A_393 : memref<632x16xf32, #tpu.memory_space<vmem_shared>>) target_semaphore(%run_scoped3A : memref<!tpu.dma_semaphore, #tpu.memory_space<semaphore_mem>>)
      %dma_wait3A_396 = arith.constant 0 : i32
      %dma_wait3A_397 = tpu.memref_slice %arg10[%mul3A_4, %dma_wait3A_396] : memref<10112x16xf32, #tpu.memory_space<vmem_shared>> -> memref<632x16xf32, #tpu.memory_space<vmem_shared>>
      %dma_wait3A_398 = arith.constant 0 : i32
      %dma_wait3A_399 = tpu.memref_slice %arg5[%mul3A_2, %dma_wait3A_398] : memref<10112x16xf32, #tpu.memory_space<hbm>> -> memref<632x16xf32, #tpu.memory_space<hbm>>
      tpu.wait_dma2 semaphore(%run_scoped3A : memref<!tpu.dma_semaphore, #tpu.memory_space<semaphore_mem>>) src(%dma_wait3A_399 : memref<632x16xf32, #tpu.memory_space<hbm>>) dst(%dma_wait3A_397 : memref<632x16xf32, #tpu.memory_space<vmem_shared>>)
      tpu.yield
    }) : () -> ()
    "tpu.region"() ({
      %run_scoped3A = tpu.sem_alloc : memref<!tpu.dma_semaphore, #tpu.memory_space<semaphore_mem>>
      %dma_start3A_392 = arith.constant 0 : i32
      %dma_start3A_393 = arith.constant 0 : i32
      %dma_start3A_394 = tpu.memref_slice %arg3[%add3A, %dma_start3A_392, %dma_start3A_393] : memref<32x8x1280xi32, #tpu.memory_space<hbm>> -> memref<1x8x1280xi32, #tpu.memory_space<hbm>>
      %dma_start3A_395 = tpu.memref_squeeze %dma_start3A_394 : memref<1x8x1280xi32, #tpu.memory_space<hbm>> -> memref<8x1280xi32, #tpu.memory_space<hbm>>
      %dma_start3A_396 = arith.constant 0 : i32
      %dma_start3A_397 = arith.constant 0 : i32
      %dma_start3A_398 = tpu.memref_slice %arg3[%add3A, %dma_start3A_396, %dma_start3A_397] : memref<32x8x1280xi32, #tpu.memory_space<hbm>> -> memref<1x8x1280xi32, #tpu.memory_space<hbm>>
      %dma_start3A_399 = tpu.memref_squeeze %dma_start3A_398 : memref<1x8x1280xi32, #tpu.memory_space<hbm>> -> memref<8x1280xi32, #tpu.memory_space<hbm>>
      tpu.enqueue_dma source(%dma_start3A_399 : memref<8x1280xi32, #tpu.memory_space<hbm>>) target(%arg7 : memref<8x1280xi32, #tpu.memory_space<vmem>>) target_semaphore(%run_scoped3A : memref<!tpu.dma_semaphore, #tpu.memory_space<semaphore_mem>>)
      %dma_wait3A_400 = arith.constant 0 : i32
      %dma_wait3A_401 = arith.constant 0 : i32
      %dma_wait3A_402 = tpu.memref_slice %arg3[%add3A, %dma_wait3A_400, %dma_wait3A_401] : memref<32x8x1280xi32, #tpu.memory_space<hbm>> -> memref<1x8x1280xi32, #tpu.memory_space<hbm>>
      %dma_wait3A_403 = tpu.memref_squeeze %dma_wait3A_402 : memref<1x8x1280xi32, #tpu.memory_space<hbm>> -> memref<8x1280xi32, #tpu.memory_space<hbm>>
      %dma_wait3A_404 = arith.constant 0 : i32
      %dma_wait3A_405 = arith.constant 0 : i32
      %dma_wait3A_406 = tpu.memref_slice %arg3[%add3A, %dma_wait3A_404, %dma_wait3A_405] : memref<32x8x1280xi32, #tpu.memory_space<hbm>> -> memref<1x8x1280xi32, #tpu.memory_space<hbm>>
      %dma_wait3A_407 = tpu.memref_squeeze %dma_wait3A_406 : memref<1x8x1280xi32, #tpu.memory_space<hbm>> -> memref<8x1280xi32, #tpu.memory_space<hbm>>
      tpu.wait_dma2 semaphore(%run_scoped3A : memref<!tpu.dma_semaphore, #tpu.memory_space<semaphore_mem>>) src(%dma_wait3A_407 : memref<8x1280xi32, #tpu.memory_space<hbm>>) dst(%arg7 : memref<8x1280xi32, #tpu.memory_space<vmem>>)
      tpu.yield
    }) : () -> ()
    "tpu.region"() ({
      %run_scoped3A = tpu.sem_alloc : memref<!tpu.dma_semaphore, #tpu.memory_space<semaphore_mem>>
      %dma_start3A_392 = arith.constant 0 : i32
      %dma_start3A_393 = arith.constant 0 : i32
      %dma_start3A_394 = tpu.memref_slice %arg4[%add3A, %dma_start3A_392, %dma_start3A_393] : memref<32x8x1280xi32, #tpu.memory_space<hbm>> -> memref<1x8x1280xi32, #tpu.memory_space<hbm>>
      %dma_start3A_395 = tpu.memref_squeeze %dma_start3A_394 : memref<1x8x1280xi32, #tpu.memory_space<hbm>> -> memref<8x1280xi32, #tpu.memory_space<hbm>>
      %dma_start3A_396 = arith.constant 0 : i32
      %dma_start3A_397 = arith.constant 0 : i32
      %dma_start3A_398 = tpu.memref_slice %arg4[%add3A, %dma_start3A_396, %dma_start3A_397] : memref<32x8x1280xi32, #tpu.memory_space<hbm>> -> memref<1x8x1280xi32, #tpu.memory_space<hbm>>
      %dma_start3A_399 = tpu.memref_squeeze %dma_start3A_398 : memref<1x8x1280xi32, #tpu.memory_space<hbm>> -> memref<8x1280xi32, #tpu.memory_space<hbm>>
      tpu.enqueue_dma source(%dma_start3A_399 : memref<8x1280xi32, #tpu.memory_space<hbm>>) target(%arg8 : memref<8x1280xi32, #tpu.memory_space<vmem>>) target_semaphore(%run_scoped3A : memref<!tpu.dma_semaphore, #tpu.memory_space<semaphore_mem>>)
      %dma_wait3A_400 = arith.constant 0 : i32
      %dma_wait3A_401 = arith.constant 0 : i32
      %dma_wait3A_402 = tpu.memref_slice %arg4[%add3A, %dma_wait3A_400, %dma_wait3A_401] : memref<32x8x1280xi32, #tpu.memory_space<hbm>> -> memref<1x8x1280xi32, #tpu.memory_space<hbm>>
      %dma_wait3A_403 = tpu.memref_squeeze %dma_wait3A_402 : memref<1x8x1280xi32, #tpu.memory_space<hbm>> -> memref<8x1280xi32, #tpu.memory_space<hbm>>
      %dma_wait3A_404 = arith.constant 0 : i32
      %dma_wait3A_405 = arith.constant 0 : i32
      %dma_wait3A_406 = tpu.memref_slice %arg4[%add3A, %dma_wait3A_404, %dma_wait3A_405] : memref<32x8x1280xi32, #tpu.memory_space<hbm>> -> memref<1x8x1280xi32, #tpu.memory_space<hbm>>
      %dma_wait3A_407 = tpu.memref_squeeze %dma_wait3A_406 : memref<1x8x1280xi32, #tpu.memory_space<hbm>> -> memref<8x1280xi32, #tpu.memory_space<hbm>>
      tpu.wait_dma2 semaphore(%run_scoped3A : memref<!tpu.dma_semaphore, #tpu.memory_space<semaphore_mem>>) src(%dma_wait3A_407 : memref<8x1280xi32, #tpu.memory_space<hbm>>) dst(%arg8 : memref<8x1280xi32, #tpu.memory_space<vmem>>)
      tpu.yield
    }) : () -> ()
    %barrier3A = arith.constant 0 : index
    tpu.barrier barrier_id(%barrier3A)
    %dma_start3A = arith.constant 0 : i32
    %dma_start3A_5 = arith.constant 0 : i32
    %dma_start3A_6 = arith.constant 0 : i32
    %dma_start3A_7 = arith.constant 0 : i32
    %dma_start3A_8 = tpu.memref_slice %arg9[%dma_start3A_5, %dma_start3A_6, %dma_start3A_7] : memref<4x1280x16xf32, #tpu.memory_space<vmem>> -> memref<1x1280x16xf32, #tpu.memory_space<vmem>>
    %dma_start3A_9 = tpu.memref_squeeze %dma_start3A_8 : memref<1x1280x16xf32, #tpu.memory_space<vmem>> -> memref<1280x16xf32, #tpu.memory_space<vmem>>
    %dma_start3A_10 = arith.constant 0 : i32
    %dma_start3A_11 = tpu.memref_slice %arg7[%dma_start3A, %dma_start3A_10] : memref<8x1280xi32, #tpu.memory_space<vmem>> -> memref<1x1280xi32, #tpu.memory_space<vmem>>
    %dma_start3A_12 = tpu.memref_squeeze %dma_start3A_11 : memref<1x1280xi32, #tpu.memory_space<vmem>> -> memref<1280xi32, #tpu.memory_space<vmem>>
    %dma_start3A_13 = arith.constant 0 : i32
    %dma_start3A_14 = arith.constant 0 : i32
    %dma_start3A_15 = tpu.memref_slice %arg2[%dma_start3A_13, %dma_start3A_14] : memref<10000x16xf32, #tpu.memory_space<hbm>> -> memref<10000x16xf32, #tpu.memory_space<hbm>>
    tpu.enqueue_indirect_dma source(%dma_start3A_15 : memref<10000x16xf32, #tpu.memory_space<hbm>>) target(%dma_start3A_9 : memref<1280x16xf32, #tpu.memory_space<vmem>>) offsets(%dma_start3A_12 : memref<1280xi32, #tpu.memory_space<vmem>>) semaphore(%arg11 : memref<!tpu.dma_semaphore, #tpu.memory_space<semaphore_mem>>)
    %dma_start3A_16 = arith.constant 1 : i32
    %dma_start3A_17 = arith.constant 1 : i32
    %dma_start3A_18 = arith.constant 0 : i32
    %dma_start3A_19 = arith.constant 0 : i32
    %dma_start3A_20 = tpu.memref_slice %arg9[%dma_start3A_17, %dma_start3A_18, %dma_start3A_19] : memref<4x1280x16xf32, #tpu.memory_space<vmem>> -> memref<1x1280x16xf32, #tpu.memory_space<vmem>>
    %dma_start3A_21 = tpu.memref_squeeze %dma_start3A_20 : memref<1x1280x16xf32, #tpu.memory_space<vmem>> -> memref<1280x16xf32, #tpu.memory_space<vmem>>
    %dma_start3A_22 = arith.constant 0 : i32
    %dma_start3A_23 = tpu.memref_slice %arg7[%dma_start3A_16, %dma_start3A_22] : memref<8x1280xi32, #tpu.memory_space<vmem>> -> memref<1x1280xi32, #tpu.memory_space<vmem>>
    %dma_start3A_24 = tpu.memref_squeeze %dma_start3A_23 : memref<1x1280xi32, #tpu.memory_space<vmem>> -> memref<1280xi32, #tpu.memory_space<vmem>>
    %dma_start3A_25 = arith.constant 0 : i32
    %dma_start3A_26 = arith.constant 0 : i32
    %dma_start3A_27 = tpu.memref_slice %arg2[%dma_start3A_25, %dma_start3A_26] : memref<10000x16xf32, #tpu.memory_space<hbm>> -> memref<10000x16xf32, #tpu.memory_space<hbm>>
    tpu.enqueue_indirect_dma source(%dma_start3A_27 : memref<10000x16xf32, #tpu.memory_space<hbm>>) target(%dma_start3A_21 : memref<1280x16xf32, #tpu.memory_space<vmem>>) offsets(%dma_start3A_24 : memref<1280xi32, #tpu.memory_space<vmem>>) semaphore(%arg11 : memref<!tpu.dma_semaphore, #tpu.memory_space<semaphore_mem>>)
    %dma_start3A_28 = arith.constant 2 : i32
    %dma_start3A_29 = arith.constant 2 : i32
    %dma_start3A_30 = arith.constant 0 : i32
    %dma_start3A_31 = arith.constant 0 : i32
    %dma_start3A_32 = tpu.memref_slice %arg9[%dma_start3A_29, %dma_start3A_30, %dma_start3A_31] : memref<4x1280x16xf32, #tpu.memory_space<vmem>> -> memref<1x1280x16xf32, #tpu.memory_space<vmem>>
    %dma_start3A_33 = tpu.memref_squeeze %dma_start3A_32 : memref<1x1280x16xf32, #tpu.memory_space<vmem>> -> memref<1280x16xf32, #tpu.memory_space<vmem>>
    %dma_start3A_34 = arith.constant 0 : i32
    %dma_start3A_35 = tpu.memref_slice %arg7[%dma_start3A_28, %dma_start3A_34] : memref<8x1280xi32, #tpu.memory_space<vmem>> -> memref<1x1280xi32, #tpu.memory_space<vmem>>
    %dma_start3A_36 = tpu.memref_squeeze %dma_start3A_35 : memref<1x1280xi32, #tpu.memory_space<vmem>> -> memref<1280xi32, #tpu.memory_space<vmem>>
    %dma_start3A_37 = arith.constant 0 : i32
    %dma_start3A_38 = arith.constant 0 : i32
    %dma_start3A_39 = tpu.memref_slice %arg2[%dma_start3A_37, %dma_start3A_38] : memref<10000x16xf32, #tpu.memory_space<hbm>> -> memref<10000x16xf32, #tpu.memory_space<hbm>>
    tpu.enqueue_indirect_dma source(%dma_start3A_39 : memref<10000x16xf32, #tpu.memory_space<hbm>>) target(%dma_start3A_33 : memref<1280x16xf32, #tpu.memory_space<vmem>>) offsets(%dma_start3A_36 : memref<1280xi32, #tpu.memory_space<vmem>>) semaphore(%arg11 : memref<!tpu.dma_semaphore, #tpu.memory_space<semaphore_mem>>)
    %dma_wait3A = arith.constant 0 : i32
    %dma_wait3A_40 = arith.constant 0 : i32
    %dma_wait3A_41 = arith.constant 0 : i32
    %dma_wait3A_42 = arith.constant 0 : i32
    %dma_wait3A_43 = tpu.memref_slice %arg9[%dma_wait3A_40, %dma_wait3A_41, %dma_wait3A_42] : memref<4x1280x16xf32, #tpu.memory_space<vmem>> -> memref<1x1280x16xf32, #tpu.memory_space<vmem>>
    %dma_wait3A_44 = tpu.memref_squeeze %dma_wait3A_43 : memref<1x1280x16xf32, #tpu.memory_space<vmem>> -> memref<1280x16xf32, #tpu.memory_space<vmem>>
    %dma_wait3A_45 = arith.constant 0 : i32
    %dma_wait3A_46 = tpu.memref_slice %arg7[%dma_wait3A, %dma_wait3A_45] : memref<8x1280xi32, #tpu.memory_space<vmem>> -> memref<1x1280xi32, #tpu.memory_space<vmem>>
    %dma_wait3A_47 = tpu.memref_squeeze %dma_wait3A_46 : memref<1x1280xi32, #tpu.memory_space<vmem>> -> memref<1280xi32, #tpu.memory_space<vmem>>
    %dma_wait3A_48 = arith.constant 0 : i32
    %dma_wait3A_49 = arith.constant 0 : i32
    %dma_wait3A_50 = tpu.memref_slice %arg2[%dma_wait3A_48, %dma_wait3A_49] : memref<10000x16xf32, #tpu.memory_space<hbm>> -> memref<10000x16xf32, #tpu.memory_space<hbm>>
    tpu.wait_indirect_dma semaphore(%arg11 : memref<!tpu.dma_semaphore, #tpu.memory_space<semaphore_mem>>) src(%dma_wait3A_50 : memref<10000x16xf32, #tpu.memory_space<hbm>>) dst(%dma_wait3A_44 : memref<1280x16xf32, #tpu.memory_space<vmem>>)
    %dma_start3A_51 = arith.constant 0 : i32
    %dma_start3A_52 = arith.constant 0 : i32
    %dma_start3A_53 = arith.constant 0 : i32
    %dma_start3A_54 = arith.constant 0 : i32
    %dma_start3A_55 = tpu.memref_slice %arg9[%dma_start3A_51, %dma_start3A_53, %dma_start3A_54] : memref<4x1280x16xf32, #tpu.memory_space<vmem>> -> memref<1x1280x16xf32, #tpu.memory_space<vmem>>
    %dma_start3A_56 = tpu.memref_squeeze %dma_start3A_55 : memref<1x1280x16xf32, #tpu.memory_space<vmem>> -> memref<1280x16xf32, #tpu.memory_space<vmem>>
    %dma_start3A_57 = arith.constant 0 : i32
    %dma_start3A_58 = tpu.memref_slice %arg8[%dma_start3A_52, %dma_start3A_57] : memref<8x1280xi32, #tpu.memory_space<vmem>> -> memref<1x1280xi32, #tpu.memory_space<vmem>>
    %dma_start3A_59 = tpu.memref_squeeze %dma_start3A_58 : memref<1x1280xi32, #tpu.memory_space<vmem>> -> memref<1280xi32, #tpu.memory_space<vmem>>
    %dma_start3A_60 = arith.constant 0 : i32
    %dma_start3A_61 = arith.constant 0 : i32
    %dma_start3A_62 = tpu.memref_slice %arg10[%dma_start3A_60, %dma_start3A_61] : memref<10112x16xf32, #tpu.memory_space<vmem_shared>> -> memref<10112x16xf32, #tpu.memory_space<vmem_shared>>
    tpu.enqueue_indirect_dma source(%dma_start3A_56 : memref<1280x16xf32, #tpu.memory_space<vmem>>) target(%dma_start3A_62 : memref<10112x16xf32, #tpu.memory_space<vmem_shared>>) offsets(%dma_start3A_59 : memref<1280xi32, #tpu.memory_space<vmem>>) semaphore(%arg12 : memref<!tpu.dma_semaphore, #tpu.memory_space<semaphore_mem>>) {add = true}
    %dma_start3A_63 = arith.constant 3 : i32
    %dma_start3A_64 = arith.constant 3 : i32
    %dma_start3A_65 = arith.constant 0 : i32
    %dma_start3A_66 = arith.constant 0 : i32
    %dma_start3A_67 = tpu.memref_slice %arg9[%dma_start3A_64, %dma_start3A_65, %dma_start3A_66] : memref<4x1280x16xf32, #tpu.memory_space<vmem>> -> memref<1x1280x16xf32, #tpu.memory_space<vmem>>
    %dma_start3A_68 = tpu.memref_squeeze %dma_start3A_67 : memref<1x1280x16xf32, #tpu.memory_space<vmem>> -> memref<1280x16xf32, #tpu.memory_space<vmem>>
    %dma_start3A_69 = arith.constant 0 : i32
    %dma_start3A_70 = tpu.memref_slice %arg7[%dma_start3A_63, %dma_start3A_69] : memref<8x1280xi32, #tpu.memory_space<vmem>> -> memref<1x1280xi32, #tpu.memory_space<vmem>>
    %dma_start3A_71 = tpu.memref_squeeze %dma_start3A_70 : memref<1x1280xi32, #tpu.memory_space<vmem>> -> memref<1280xi32, #tpu.memory_space<vmem>>
    %dma_start3A_72 = arith.constant 0 : i32
    %dma_start3A_73 = arith.constant 0 : i32
    %dma_start3A_74 = tpu.memref_slice %arg2[%dma_start3A_72, %dma_start3A_73] : memref<10000x16xf32, #tpu.memory_space<hbm>> -> memref<10000x16xf32, #tpu.memory_space<hbm>>
    tpu.enqueue_indirect_dma source(%dma_start3A_74 : memref<10000x16xf32, #tpu.memory_space<hbm>>) target(%dma_start3A_68 : memref<1280x16xf32, #tpu.memory_space<vmem>>) offsets(%dma_start3A_71 : memref<1280xi32, #tpu.memory_space<vmem>>) semaphore(%arg11 : memref<!tpu.dma_semaphore, #tpu.memory_space<semaphore_mem>>)
    %dma_wait3A_75 = arith.constant 1 : i32
    %dma_wait3A_76 = arith.constant 1 : i32
    %dma_wait3A_77 = arith.constant 0 : i32
    %dma_wait3A_78 = arith.constant 0 : i32
    %dma_wait3A_79 = tpu.memref_slice %arg9[%dma_wait3A_76, %dma_wait3A_77, %dma_wait3A_78] : memref<4x1280x16xf32, #tpu.memory_space<vmem>> -> memref<1x1280x16xf32, #tpu.memory_space<vmem>>
    %dma_wait3A_80 = tpu.memref_squeeze %dma_wait3A_79 : memref<1x1280x16xf32, #tpu.memory_space<vmem>> -> memref<1280x16xf32, #tpu.memory_space<vmem>>
    %dma_wait3A_81 = arith.constant 0 : i32
    %dma_wait3A_82 = tpu.memref_slice %arg7[%dma_wait3A_75, %dma_wait3A_81] : memref<8x1280xi32, #tpu.memory_space<vmem>> -> memref<1x1280xi32, #tpu.memory_space<vmem>>
    %dma_wait3A_83 = tpu.memref_squeeze %dma_wait3A_82 : memref<1x1280xi32, #tpu.memory_space<vmem>> -> memref<1280xi32, #tpu.memory_space<vmem>>
    %dma_wait3A_84 = arith.constant 0 : i32
    %dma_wait3A_85 = arith.constant 0 : i32
    %dma_wait3A_86 = tpu.memref_slice %arg2[%dma_wait3A_84, %dma_wait3A_85] : memref<10000x16xf32, #tpu.memory_space<hbm>> -> memref<10000x16xf32, #tpu.memory_space<hbm>>
    tpu.wait_indirect_dma semaphore(%arg11 : memref<!tpu.dma_semaphore, #tpu.memory_space<semaphore_mem>>) src(%dma_wait3A_86 : memref<10000x16xf32, #tpu.memory_space<hbm>>) dst(%dma_wait3A_80 : memref<1280x16xf32, #tpu.memory_space<vmem>>)
    %dma_start3A_87 = arith.constant 1 : i32
    %dma_start3A_88 = arith.constant 1 : i32
    %dma_start3A_89 = arith.constant 0 : i32
    %dma_start3A_90 = arith.constant 0 : i32
    %dma_start3A_91 = tpu.memref_slice %arg9[%dma_start3A_87, %dma_start3A_89, %dma_start3A_90] : memref<4x1280x16xf32, #tpu.memory_space<vmem>> -> memref<1x1280x16xf32, #tpu.memory_space<vmem>>
    %dma_start3A_92 = tpu.memref_squeeze %dma_start3A_91 : memref<1x1280x16xf32, #tpu.memory_space<vmem>> -> memref<1280x16xf32, #tpu.memory_space<vmem>>
    %dma_start3A_93 = arith.constant 0 : i32
    %dma_start3A_94 = tpu.memref_slice %arg8[%dma_start3A_88, %dma_start3A_93] : memref<8x1280xi32, #tpu.memory_space<vmem>> -> memref<1x1280xi32, #tpu.memory_space<vmem>>
    %dma_start3A_95 = tpu.memref_squeeze %dma_start3A_94 : memref<1x1280xi32, #tpu.memory_space<vmem>> -> memref<1280xi32, #tpu.memory_space<vmem>>
    %dma_start3A_96 = arith.constant 0 : i32
    %dma_start3A_97 = arith.constant 0 : i32
    %dma_start3A_98 = tpu.memref_slice %arg10[%dma_start3A_96, %dma_start3A_97] : memref<10112x16xf32, #tpu.memory_space<vmem_shared>> -> memref<10112x16xf32, #tpu.memory_space<vmem_shared>>
    tpu.enqueue_indirect_dma source(%dma_start3A_92 : memref<1280x16xf32, #tpu.memory_space<vmem>>) target(%dma_start3A_98 : memref<10112x16xf32, #tpu.memory_space<vmem_shared>>) offsets(%dma_start3A_95 : memref<1280xi32, #tpu.memory_space<vmem>>) semaphore(%arg12 : memref<!tpu.dma_semaphore, #tpu.memory_space<semaphore_mem>>) {add = true}
    %dma_wait3A_99 = arith.constant 0 : i32
    %dma_wait3A_100 = arith.constant 0 : i32
    %dma_wait3A_101 = arith.constant 0 : i32
    %dma_wait3A_102 = arith.constant 0 : i32
    %dma_wait3A_103 = tpu.memref_slice %arg9[%dma_wait3A_99, %dma_wait3A_101, %dma_wait3A_102] : memref<4x1280x16xf32, #tpu.memory_space<vmem>> -> memref<1x1280x16xf32, #tpu.memory_space<vmem>>
    %dma_wait3A_104 = tpu.memref_squeeze %dma_wait3A_103 : memref<1x1280x16xf32, #tpu.memory_space<vmem>> -> memref<1280x16xf32, #tpu.memory_space<vmem>>
    %dma_wait3A_105 = arith.constant 0 : i32
    %dma_wait3A_106 = tpu.memref_slice %arg8[%dma_wait3A_100, %dma_wait3A_105] : memref<8x1280xi32, #tpu.memory_space<vmem>> -> memref<1x1280xi32, #tpu.memory_space<vmem>>
    %dma_wait3A_107 = tpu.memref_squeeze %dma_wait3A_106 : memref<1x1280xi32, #tpu.memory_space<vmem>> -> memref<1280xi32, #tpu.memory_space<vmem>>
    %dma_wait3A_108 = arith.constant 0 : i32
    %dma_wait3A_109 = arith.constant 0 : i32
    %dma_wait3A_110 = tpu.memref_slice %arg10[%dma_wait3A_108, %dma_wait3A_109] : memref<10112x16xf32, #tpu.memory_space<vmem_shared>> -> memref<10112x16xf32, #tpu.memory_space<vmem_shared>>
    tpu.wait_indirect_dma semaphore(%arg12 : memref<!tpu.dma_semaphore, #tpu.memory_space<semaphore_mem>>) src(%dma_wait3A_104 : memref<1280x16xf32, #tpu.memory_space<vmem>>) dst(%dma_wait3A_110 : memref<10112x16xf32, #tpu.memory_space<vmem_shared>>)
    %dma_start3A_111 = arith.constant 4 : i32
    %dma_start3A_112 = arith.constant 0 : i32
    %dma_start3A_113 = arith.constant 0 : i32
    %dma_start3A_114 = arith.constant 0 : i32
    %dma_start3A_115 = tpu.memref_slice %arg9[%dma_start3A_112, %dma_start3A_113, %dma_start3A_114] : memref<4x1280x16xf32, #tpu.memory_space<vmem>> -> memref<1x1280x16xf32, #tpu.memory_space<vmem>>
    %dma_start3A_116 = tpu.memref_squeeze %dma_start3A_115 : memref<1x1280x16xf32, #tpu.memory_space<vmem>> -> memref<1280x16xf32, #tpu.memory_space<vmem>>
    %dma_start3A_117 = arith.constant 0 : i32
    %dma_start3A_118 = tpu.memref_slice %arg7[%dma_start3A_111, %dma_start3A_117] : memref<8x1280xi32, #tpu.memory_space<vmem>> -> memref<1x1280xi32, #tpu.memory_space<vmem>>
    %dma_start3A_119 = tpu.memref_squeeze %dma_start3A_118 : memref<1x1280xi32, #tpu.memory_space<vmem>> -> memref<1280xi32, #tpu.memory_space<vmem>>
    %dma_start3A_120 = arith.constant 0 : i32
    %dma_start3A_121 = arith.constant 0 : i32
    %dma_start3A_122 = tpu.memref_slice %arg2[%dma_start3A_120, %dma_start3A_121] : memref<10000x16xf32, #tpu.memory_space<hbm>> -> memref<10000x16xf32, #tpu.memory_space<hbm>>
    tpu.enqueue_indirect_dma source(%dma_start3A_122 : memref<10000x16xf32, #tpu.memory_space<hbm>>) target(%dma_start3A_116 : memref<1280x16xf32, #tpu.memory_space<vmem>>) offsets(%dma_start3A_119 : memref<1280xi32, #tpu.memory_space<vmem>>) semaphore(%arg11 : memref<!tpu.dma_semaphore, #tpu.memory_space<semaphore_mem>>)
    %dma_wait3A_123 = arith.constant 2 : i32
    %dma_wait3A_124 = arith.constant 2 : i32
    %dma_wait3A_125 = arith.constant 0 : i32
    %dma_wait3A_126 = arith.constant 0 : i32
    %dma_wait3A_127 = tpu.memref_slice %arg9[%dma_wait3A_124, %dma_wait3A_125, %dma_wait3A_126] : memref<4x1280x16xf32, #tpu.memory_space<vmem>> -> memref<1x1280x16xf32, #tpu.memory_space<vmem>>
    %dma_wait3A_128 = tpu.memref_squeeze %dma_wait3A_127 : memref<1x1280x16xf32, #tpu.memory_space<vmem>> -> memref<1280x16xf32, #tpu.memory_space<vmem>>
    %dma_wait3A_129 = arith.constant 0 : i32
    %dma_wait3A_130 = tpu.memref_slice %arg7[%dma_wait3A_123, %dma_wait3A_129] : memref<8x1280xi32, #tpu.memory_space<vmem>> -> memref<1x1280xi32, #tpu.memory_space<vmem>>
    %dma_wait3A_131 = tpu.memref_squeeze %dma_wait3A_130 : memref<1x1280xi32, #tpu.memory_space<vmem>> -> memref<1280xi32, #tpu.memory_space<vmem>>
    %dma_wait3A_132 = arith.constant 0 : i32
    %dma_wait3A_133 = arith.constant 0 : i32
    %dma_wait3A_134 = tpu.memref_slice %arg2[%dma_wait3A_132, %dma_wait3A_133] : memref<10000x16xf32, #tpu.memory_space<hbm>> -> memref<10000x16xf32, #tpu.memory_space<hbm>>
    tpu.wait_indirect_dma semaphore(%arg11 : memref<!tpu.dma_semaphore, #tpu.memory_space<semaphore_mem>>) src(%dma_wait3A_134 : memref<10000x16xf32, #tpu.memory_space<hbm>>) dst(%dma_wait3A_128 : memref<1280x16xf32, #tpu.memory_space<vmem>>)
    %dma_start3A_135 = arith.constant 2 : i32
    %dma_start3A_136 = arith.constant 2 : i32
    %dma_start3A_137 = arith.constant 0 : i32
    %dma_start3A_138 = arith.constant 0 : i32
    %dma_start3A_139 = tpu.memref_slice %arg9[%dma_start3A_135, %dma_start3A_137, %dma_start3A_138] : memref<4x1280x16xf32, #tpu.memory_space<vmem>> -> memref<1x1280x16xf32, #tpu.memory_space<vmem>>
    %dma_start3A_140 = tpu.memref_squeeze %dma_start3A_139 : memref<1x1280x16xf32, #tpu.memory_space<vmem>> -> memref<1280x16xf32, #tpu.memory_space<vmem>>
    %dma_start3A_141 = arith.constant 0 : i32
    %dma_start3A_142 = tpu.memref_slice %arg8[%dma_start3A_136, %dma_start3A_141] : memref<8x1280xi32, #tpu.memory_space<vmem>> -> memref<1x1280xi32, #tpu.memory_space<vmem>>
    %dma_start3A_143 = tpu.memref_squeeze %dma_start3A_142 : memref<1x1280xi32, #tpu.memory_space<vmem>> -> memref<1280xi32, #tpu.memory_space<vmem>>
    %dma_start3A_144 = arith.constant 0 : i32
    %dma_start3A_145 = arith.constant 0 : i32
    %dma_start3A_146 = tpu.memref_slice %arg10[%dma_start3A_144, %dma_start3A_145] : memref<10112x16xf32, #tpu.memory_space<vmem_shared>> -> memref<10112x16xf32, #tpu.memory_space<vmem_shared>>
    tpu.enqueue_indirect_dma source(%dma_start3A_140 : memref<1280x16xf32, #tpu.memory_space<vmem>>) target(%dma_start3A_146 : memref<10112x16xf32, #tpu.memory_space<vmem_shared>>) offsets(%dma_start3A_143 : memref<1280xi32, #tpu.memory_space<vmem>>) semaphore(%arg12 : memref<!tpu.dma_semaphore, #tpu.memory_space<semaphore_mem>>) {add = true}
    %dma_wait3A_147 = arith.constant 1 : i32
    %dma_wait3A_148 = arith.constant 1 : i32
    %dma_wait3A_149 = arith.constant 0 : i32
    %dma_wait3A_150 = arith.constant 0 : i32
    %dma_wait3A_151 = tpu.memref_slice %arg9[%dma_wait3A_147, %dma_wait3A_149, %dma_wait3A_150] : memref<4x1280x16xf32, #tpu.memory_space<vmem>> -> memref<1x1280x16xf32, #tpu.memory_space<vmem>>
    %dma_wait3A_152 = tpu.memref_squeeze %dma_wait3A_151 : memref<1x1280x16xf32, #tpu.memory_space<vmem>> -> memref<1280x16xf32, #tpu.memory_space<vmem>>
    %dma_wait3A_153 = arith.constant 0 : i32
    %dma_wait3A_154 = tpu.memref_slice %arg8[%dma_wait3A_148, %dma_wait3A_153] : memref<8x1280xi32, #tpu.memory_space<vmem>> -> memref<1x1280xi32, #tpu.memory_space<vmem>>
    %dma_wait3A_155 = tpu.memref_squeeze %dma_wait3A_154 : memref<1x1280xi32, #tpu.memory_space<vmem>> -> memref<1280xi32, #tpu.memory_space<vmem>>
    %dma_wait3A_156 = arith.constant 0 : i32
    %dma_wait3A_157 = arith.constant 0 : i32
    %dma_wait3A_158 = tpu.memref_slice %arg10[%dma_wait3A_156, %dma_wait3A_157] : memref<10112x16xf32, #tpu.memory_space<vmem_shared>> -> memref<10112x16xf32, #tpu.memory_space<vmem_shared>>
    tpu.wait_indirect_dma semaphore(%arg12 : memref<!tpu.dma_semaphore, #tpu.memory_space<semaphore_mem>>) src(%dma_wait3A_152 : memref<1280x16xf32, #tpu.memory_space<vmem>>) dst(%dma_wait3A_158 : memref<10112x16xf32, #tpu.memory_space<vmem_shared>>)
    %dma_start3A_159 = arith.constant 5 : i32
    %dma_start3A_160 = arith.constant 1 : i32
    %dma_start3A_161 = arith.constant 0 : i32
    %dma_start3A_162 = arith.constant 0 : i32
    %dma_start3A_163 = tpu.memref_slice %arg9[%dma_start3A_160, %dma_start3A_161, %dma_start3A_162] : memref<4x1280x16xf32, #tpu.memory_space<vmem>> -> memref<1x1280x16xf32, #tpu.memory_space<vmem>>
    %dma_start3A_164 = tpu.memref_squeeze %dma_start3A_163 : memref<1x1280x16xf32, #tpu.memory_space<vmem>> -> memref<1280x16xf32, #tpu.memory_space<vmem>>
    %dma_start3A_165 = arith.constant 0 : i32
    %dma_start3A_166 = tpu.memref_slice %arg7[%dma_start3A_159, %dma_start3A_165] : memref<8x1280xi32, #tpu.memory_space<vmem>> -> memref<1x1280xi32, #tpu.memory_space<vmem>>
    %dma_start3A_167 = tpu.memref_squeeze %dma_start3A_166 : memref<1x1280xi32, #tpu.memory_space<vmem>> -> memref<1280xi32, #tpu.memory_space<vmem>>
    %dma_start3A_168 = arith.constant 0 : i32
    %dma_start3A_169 = arith.constant 0 : i32
    %dma_start3A_170 = tpu.memref_slice %arg2[%dma_start3A_168, %dma_start3A_169] : memref<10000x16xf32, #tpu.memory_space<hbm>> -> memref<10000x16xf32, #tpu.memory_space<hbm>>
    tpu.enqueue_indirect_dma source(%dma_start3A_170 : memref<10000x16xf32, #tpu.memory_space<hbm>>) target(%dma_start3A_164 : memref<1280x16xf32, #tpu.memory_space<vmem>>) offsets(%dma_start3A_167 : memref<1280xi32, #tpu.memory_space<vmem>>) semaphore(%arg11 : memref<!tpu.dma_semaphore, #tpu.memory_space<semaphore_mem>>)
    %dma_wait3A_171 = arith.constant 3 : i32
    %dma_wait3A_172 = arith.constant 3 : i32
    %dma_wait3A_173 = arith.constant 0 : i32
    %dma_wait3A_174 = arith.constant 0 : i32
    %dma_wait3A_175 = tpu.memref_slice %arg9[%dma_wait3A_172, %dma_wait3A_173, %dma_wait3A_174] : memref<4x1280x16xf32, #tpu.memory_space<vmem>> -> memref<1x1280x16xf32, #tpu.memory_space<vmem>>
    %dma_wait3A_176 = tpu.memref_squeeze %dma_wait3A_175 : memref<1x1280x16xf32, #tpu.memory_space<vmem>> -> memref<1280x16xf32, #tpu.memory_space<vmem>>
    %dma_wait3A_177 = arith.constant 0 : i32
    %dma_wait3A_178 = tpu.memref_slice %arg7[%dma_wait3A_171, %dma_wait3A_177] : memref<8x1280xi32, #tpu.memory_space<vmem>> -> memref<1x1280xi32, #tpu.memory_space<vmem>>
    %dma_wait3A_179 = tpu.memref_squeeze %dma_wait3A_178 : memref<1x1280xi32, #tpu.memory_space<vmem>> -> memref<1280xi32, #tpu.memory_space<vmem>>
    %dma_wait3A_180 = arith.constant 0 : i32
    %dma_wait3A_181 = arith.constant 0 : i32
    %dma_wait3A_182 = tpu.memref_slice %arg2[%dma_wait3A_180, %dma_wait3A_181] : memref<10000x16xf32, #tpu.memory_space<hbm>> -> memref<10000x16xf32, #tpu.memory_space<hbm>>
    tpu.wait_indirect_dma semaphore(%arg11 : memref<!tpu.dma_semaphore, #tpu.memory_space<semaphore_mem>>) src(%dma_wait3A_182 : memref<10000x16xf32, #tpu.memory_space<hbm>>) dst(%dma_wait3A_176 : memref<1280x16xf32, #tpu.memory_space<vmem>>)
    %dma_start3A_183 = arith.constant 3 : i32
    %dma_start3A_184 = arith.constant 3 : i32
    %dma_start3A_185 = arith.constant 0 : i32
    %dma_start3A_186 = arith.constant 0 : i32
    %dma_start3A_187 = tpu.memref_slice %arg9[%dma_start3A_183, %dma_start3A_185, %dma_start3A_186] : memref<4x1280x16xf32, #tpu.memory_space<vmem>> -> memref<1x1280x16xf32, #tpu.memory_space<vmem>>
    %dma_start3A_188 = tpu.memref_squeeze %dma_start3A_187 : memref<1x1280x16xf32, #tpu.memory_space<vmem>> -> memref<1280x16xf32, #tpu.memory_space<vmem>>
    %dma_start3A_189 = arith.constant 0 : i32
    %dma_start3A_190 = tpu.memref_slice %arg8[%dma_start3A_184, %dma_start3A_189] : memref<8x1280xi32, #tpu.memory_space<vmem>> -> memref<1x1280xi32, #tpu.memory_space<vmem>>
    %dma_start3A_191 = tpu.memref_squeeze %dma_start3A_190 : memref<1x1280xi32, #tpu.memory_space<vmem>> -> memref<1280xi32, #tpu.memory_space<vmem>>
    %dma_start3A_192 = arith.constant 0 : i32
    %dma_start3A_193 = arith.constant 0 : i32
    %dma_start3A_194 = tpu.memref_slice %arg10[%dma_start3A_192, %dma_start3A_193] : memref<10112x16xf32, #tpu.memory_space<vmem_shared>> -> memref<10112x16xf32, #tpu.memory_space<vmem_shared>>
    tpu.enqueue_indirect_dma source(%dma_start3A_188 : memref<1280x16xf32, #tpu.memory_space<vmem>>) target(%dma_start3A_194 : memref<10112x16xf32, #tpu.memory_space<vmem_shared>>) offsets(%dma_start3A_191 : memref<1280xi32, #tpu.memory_space<vmem>>) semaphore(%arg12 : memref<!tpu.dma_semaphore, #tpu.memory_space<semaphore_mem>>) {add = true}
    %dma_wait3A_195 = arith.constant 2 : i32
    %dma_wait3A_196 = arith.constant 2 : i32
    %dma_wait3A_197 = arith.constant 0 : i32
    %dma_wait3A_198 = arith.constant 0 : i32
    %dma_wait3A_199 = tpu.memref_slice %arg9[%dma_wait3A_195, %dma_wait3A_197, %dma_wait3A_198] : memref<4x1280x16xf32, #tpu.memory_space<vmem>> -> memref<1x1280x16xf32, #tpu.memory_space<vmem>>
    %dma_wait3A_200 = tpu.memref_squeeze %dma_wait3A_199 : memref<1x1280x16xf32, #tpu.memory_space<vmem>> -> memref<1280x16xf32, #tpu.memory_space<vmem>>
    %dma_wait3A_201 = arith.constant 0 : i32
    %dma_wait3A_202 = tpu.memref_slice %arg8[%dma_wait3A_196, %dma_wait3A_201] : memref<8x1280xi32, #tpu.memory_space<vmem>> -> memref<1x1280xi32, #tpu.memory_space<vmem>>
    %dma_wait3A_203 = tpu.memref_squeeze %dma_wait3A_202 : memref<1x1280xi32, #tpu.memory_space<vmem>> -> memref<1280xi32, #tpu.memory_space<vmem>>
    %dma_wait3A_204 = arith.constant 0 : i32
    %dma_wait3A_205 = arith.constant 0 : i32
    %dma_wait3A_206 = tpu.memref_slice %arg10[%dma_wait3A_204, %dma_wait3A_205] : memref<10112x16xf32, #tpu.memory_space<vmem_shared>> -> memref<10112x16xf32, #tpu.memory_space<vmem_shared>>
    tpu.wait_indirect_dma semaphore(%arg12 : memref<!tpu.dma_semaphore, #tpu.memory_space<semaphore_mem>>) src(%dma_wait3A_200 : memref<1280x16xf32, #tpu.memory_space<vmem>>) dst(%dma_wait3A_206 : memref<10112x16xf32, #tpu.memory_space<vmem_shared>>)
    %dma_start3A_207 = arith.constant 6 : i32
    %dma_start3A_208 = arith.constant 2 : i32
    %dma_start3A_209 = arith.constant 0 : i32
    %dma_start3A_210 = arith.constant 0 : i32
    %dma_start3A_211 = tpu.memref_slice %arg9[%dma_start3A_208, %dma_start3A_209, %dma_start3A_210] : memref<4x1280x16xf32, #tpu.memory_space<vmem>> -> memref<1x1280x16xf32, #tpu.memory_space<vmem>>
    %dma_start3A_212 = tpu.memref_squeeze %dma_start3A_211 : memref<1x1280x16xf32, #tpu.memory_space<vmem>> -> memref<1280x16xf32, #tpu.memory_space<vmem>>
    %dma_start3A_213 = arith.constant 0 : i32
    %dma_start3A_214 = tpu.memref_slice %arg7[%dma_start3A_207, %dma_start3A_213] : memref<8x1280xi32, #tpu.memory_space<vmem>> -> memref<1x1280xi32, #tpu.memory_space<vmem>>
    %dma_start3A_215 = tpu.memref_squeeze %dma_start3A_214 : memref<1x1280xi32, #tpu.memory_space<vmem>> -> memref<1280xi32, #tpu.memory_space<vmem>>
    %dma_start3A_216 = arith.constant 0 : i32
    %dma_start3A_217 = arith.constant 0 : i32
    %dma_start3A_218 = tpu.memref_slice %arg2[%dma_start3A_216, %dma_start3A_217] : memref<10000x16xf32, #tpu.memory_space<hbm>> -> memref<10000x16xf32, #tpu.memory_space<hbm>>
    tpu.enqueue_indirect_dma source(%dma_start3A_218 : memref<10000x16xf32, #tpu.memory_space<hbm>>) target(%dma_start3A_212 : memref<1280x16xf32, #tpu.memory_space<vmem>>) offsets(%dma_start3A_215 : memref<1280xi32, #tpu.memory_space<vmem>>) semaphore(%arg11 : memref<!tpu.dma_semaphore, #tpu.memory_space<semaphore_mem>>)
    %dma_wait3A_219 = arith.constant 4 : i32
    %dma_wait3A_220 = arith.constant 0 : i32
    %dma_wait3A_221 = arith.constant 0 : i32
    %dma_wait3A_222 = arith.constant 0 : i32
    %dma_wait3A_223 = tpu.memref_slice %arg9[%dma_wait3A_220, %dma_wait3A_221, %dma_wait3A_222] : memref<4x1280x16xf32, #tpu.memory_space<vmem>> -> memref<1x1280x16xf32, #tpu.memory_space<vmem>>
    %dma_wait3A_224 = tpu.memref_squeeze %dma_wait3A_223 : memref<1x1280x16xf32, #tpu.memory_space<vmem>> -> memref<1280x16xf32, #tpu.memory_space<vmem>>
    %dma_wait3A_225 = arith.constant 0 : i32
    %dma_wait3A_226 = tpu.memref_slice %arg7[%dma_wait3A_219, %dma_wait3A_225] : memref<8x1280xi32, #tpu.memory_space<vmem>> -> memref<1x1280xi32, #tpu.memory_space<vmem>>
    %dma_wait3A_227 = tpu.memref_squeeze %dma_wait3A_226 : memref<1x1280xi32, #tpu.memory_space<vmem>> -> memref<1280xi32, #tpu.memory_space<vmem>>
    %dma_wait3A_228 = arith.constant 0 : i32
    %dma_wait3A_229 = arith.constant 0 : i32
    %dma_wait3A_230 = tpu.memref_slice %arg2[%dma_wait3A_228, %dma_wait3A_229] : memref<10000x16xf32, #tpu.memory_space<hbm>> -> memref<10000x16xf32, #tpu.memory_space<hbm>>
    tpu.wait_indirect_dma semaphore(%arg11 : memref<!tpu.dma_semaphore, #tpu.memory_space<semaphore_mem>>) src(%dma_wait3A_230 : memref<10000x16xf32, #tpu.memory_space<hbm>>) dst(%dma_wait3A_224 : memref<1280x16xf32, #tpu.memory_space<vmem>>)
    %dma_start3A_231 = arith.constant 0 : i32
    %dma_start3A_232 = arith.constant 4 : i32
    %dma_start3A_233 = arith.constant 0 : i32
    %dma_start3A_234 = arith.constant 0 : i32
    %dma_start3A_235 = tpu.memref_slice %arg9[%dma_start3A_231, %dma_start3A_233, %dma_start3A_234] : memref<4x1280x16xf32, #tpu.memory_space<vmem>> -> memref<1x1280x16xf32, #tpu.memory_space<vmem>>
    %dma_start3A_236 = tpu.memref_squeeze %dma_start3A_235 : memref<1x1280x16xf32, #tpu.memory_space<vmem>> -> memref<1280x16xf32, #tpu.memory_space<vmem>>
    %dma_start3A_237 = arith.constant 0 : i32
    %dma_start3A_238 = tpu.memref_slice %arg8[%dma_start3A_232, %dma_start3A_237] : memref<8x1280xi32, #tpu.memory_space<vmem>> -> memref<1x1280xi32, #tpu.memory_space<vmem>>
    %dma_start3A_239 = tpu.memref_squeeze %dma_start3A_238 : memref<1x1280xi32, #tpu.memory_space<vmem>> -> memref<1280xi32, #tpu.memory_space<vmem>>
    %dma_start3A_240 = arith.constant 0 : i32
    %dma_start3A_241 = arith.constant 0 : i32
    %dma_start3A_242 = tpu.memref_slice %arg10[%dma_start3A_240, %dma_start3A_241] : memref<10112x16xf32, #tpu.memory_space<vmem_shared>> -> memref<10112x16xf32, #tpu.memory_space<vmem_shared>>
    tpu.enqueue_indirect_dma source(%dma_start3A_236 : memref<1280x16xf32, #tpu.memory_space<vmem>>) target(%dma_start3A_242 : memref<10112x16xf32, #tpu.memory_space<vmem_shared>>) offsets(%dma_start3A_239 : memref<1280xi32, #tpu.memory_space<vmem>>) semaphore(%arg12 : memref<!tpu.dma_semaphore, #tpu.memory_space<semaphore_mem>>) {add = true}
    %dma_wait3A_243 = arith.constant 3 : i32
    %dma_wait3A_244 = arith.constant 3 : i32
    %dma_wait3A_245 = arith.constant 0 : i32
    %dma_wait3A_246 = arith.constant 0 : i32
    %dma_wait3A_247 = tpu.memref_slice %arg9[%dma_wait3A_243, %dma_wait3A_245, %dma_wait3A_246] : memref<4x1280x16xf32, #tpu.memory_space<vmem>> -> memref<1x1280x16xf32, #tpu.memory_space<vmem>>
    %dma_wait3A_248 = tpu.memref_squeeze %dma_wait3A_247 : memref<1x1280x16xf32, #tpu.memory_space<vmem>> -> memref<1280x16xf32, #tpu.memory_space<vmem>>
    %dma_wait3A_249 = arith.constant 0 : i32
    %dma_wait3A_250 = tpu.memref_slice %arg8[%dma_wait3A_244, %dma_wait3A_249] : memref<8x1280xi32, #tpu.memory_space<vmem>> -> memref<1x1280xi32, #tpu.memory_space<vmem>>
    %dma_wait3A_251 = tpu.memref_squeeze %dma_wait3A_250 : memref<1x1280xi32, #tpu.memory_space<vmem>> -> memref<1280xi32, #tpu.memory_space<vmem>>
    %dma_wait3A_252 = arith.constant 0 : i32
    %dma_wait3A_253 = arith.constant 0 : i32
    %dma_wait3A_254 = tpu.memref_slice %arg10[%dma_wait3A_252, %dma_wait3A_253] : memref<10112x16xf32, #tpu.memory_space<vmem_shared>> -> memref<10112x16xf32, #tpu.memory_space<vmem_shared>>
    tpu.wait_indirect_dma semaphore(%arg12 : memref<!tpu.dma_semaphore, #tpu.memory_space<semaphore_mem>>) src(%dma_wait3A_248 : memref<1280x16xf32, #tpu.memory_space<vmem>>) dst(%dma_wait3A_254 : memref<10112x16xf32, #tpu.memory_space<vmem_shared>>)
    %dma_start3A_255 = arith.constant 7 : i32
    %dma_start3A_256 = arith.constant 3 : i32
    %dma_start3A_257 = arith.constant 0 : i32
    %dma_start3A_258 = arith.constant 0 : i32
    %dma_start3A_259 = tpu.memref_slice %arg9[%dma_start3A_256, %dma_start3A_257, %dma_start3A_258] : memref<4x1280x16xf32, #tpu.memory_space<vmem>> -> memref<1x1280x16xf32, #tpu.memory_space<vmem>>
    %dma_start3A_260 = tpu.memref_squeeze %dma_start3A_259 : memref<1x1280x16xf32, #tpu.memory_space<vmem>> -> memref<1280x16xf32, #tpu.memory_space<vmem>>
    %dma_start3A_261 = arith.constant 0 : i32
    %dma_start3A_262 = tpu.memref_slice %arg7[%dma_start3A_255, %dma_start3A_261] : memref<8x1280xi32, #tpu.memory_space<vmem>> -> memref<1x1280xi32, #tpu.memory_space<vmem>>
    %dma_start3A_263 = tpu.memref_squeeze %dma_start3A_262 : memref<1x1280xi32, #tpu.memory_space<vmem>> -> memref<1280xi32, #tpu.memory_space<vmem>>
    %dma_start3A_264 = arith.constant 0 : i32
    %dma_start3A_265 = arith.constant 0 : i32
    %dma_start3A_266 = tpu.memref_slice %arg2[%dma_start3A_264, %dma_start3A_265] : memref<10000x16xf32, #tpu.memory_space<hbm>> -> memref<10000x16xf32, #tpu.memory_space<hbm>>
    tpu.enqueue_indirect_dma source(%dma_start3A_266 : memref<10000x16xf32, #tpu.memory_space<hbm>>) target(%dma_start3A_260 : memref<1280x16xf32, #tpu.memory_space<vmem>>) offsets(%dma_start3A_263 : memref<1280xi32, #tpu.memory_space<vmem>>) semaphore(%arg11 : memref<!tpu.dma_semaphore, #tpu.memory_space<semaphore_mem>>)
    %dma_wait3A_267 = arith.constant 5 : i32
    %dma_wait3A_268 = arith.constant 1 : i32
    %dma_wait3A_269 = arith.constant 0 : i32
    %dma_wait3A_270 = arith.constant 0 : i32
    %dma_wait3A_271 = tpu.memref_slice %arg9[%dma_wait3A_268, %dma_wait3A_269, %dma_wait3A_270] : memref<4x1280x16xf32, #tpu.memory_space<vmem>> -> memref<1x1280x16xf32, #tpu.memory_space<vmem>>
    %dma_wait3A_272 = tpu.memref_squeeze %dma_wait3A_271 : memref<1x1280x16xf32, #tpu.memory_space<vmem>> -> memref<1280x16xf32, #tpu.memory_space<vmem>>
    %dma_wait3A_273 = arith.constant 0 : i32
    %dma_wait3A_274 = tpu.memref_slice %arg7[%dma_wait3A_267, %dma_wait3A_273] : memref<8x1280xi32, #tpu.memory_space<vmem>> -> memref<1x1280xi32, #tpu.memory_space<vmem>>
    %dma_wait3A_275 = tpu.memref_squeeze %dma_wait3A_274 : memref<1x1280xi32, #tpu.memory_space<vmem>> -> memref<1280xi32, #tpu.memory_space<vmem>>
    %dma_wait3A_276 = arith.constant 0 : i32
    %dma_wait3A_277 = arith.constant 0 : i32
    %dma_wait3A_278 = tpu.memref_slice %arg2[%dma_wait3A_276, %dma_wait3A_277] : memref<10000x16xf32, #tpu.memory_space<hbm>> -> memref<10000x16xf32, #tpu.memory_space<hbm>>
    tpu.wait_indirect_dma semaphore(%arg11 : memref<!tpu.dma_semaphore, #tpu.memory_space<semaphore_mem>>) src(%dma_wait3A_278 : memref<10000x16xf32, #tpu.memory_space<hbm>>) dst(%dma_wait3A_272 : memref<1280x16xf32, #tpu.memory_space<vmem>>)
    %dma_start3A_279 = arith.constant 1 : i32
    %dma_start3A_280 = arith.constant 5 : i32
    %dma_start3A_281 = arith.constant 0 : i32
    %dma_start3A_282 = arith.constant 0 : i32
    %dma_start3A_283 = tpu.memref_slice %arg9[%dma_start3A_279, %dma_start3A_281, %dma_start3A_282] : memref<4x1280x16xf32, #tpu.memory_space<vmem>> -> memref<1x1280x16xf32, #tpu.memory_space<vmem>>
    %dma_start3A_284 = tpu.memref_squeeze %dma_start3A_283 : memref<1x1280x16xf32, #tpu.memory_space<vmem>> -> memref<1280x16xf32, #tpu.memory_space<vmem>>
    %dma_start3A_285 = arith.constant 0 : i32
    %dma_start3A_286 = tpu.memref_slice %arg8[%dma_start3A_280, %dma_start3A_285] : memref<8x1280xi32, #tpu.memory_space<vmem>> -> memref<1x1280xi32, #tpu.memory_space<vmem>>
    %dma_start3A_287 = tpu.memref_squeeze %dma_start3A_286 : memref<1x1280xi32, #tpu.memory_space<vmem>> -> memref<1280xi32, #tpu.memory_space<vmem>>
    %dma_start3A_288 = arith.constant 0 : i32
    %dma_start3A_289 = arith.constant 0 : i32
    %dma_start3A_290 = tpu.memref_slice %arg10[%dma_start3A_288, %dma_start3A_289] : memref<10112x16xf32, #tpu.memory_space<vmem_shared>> -> memref<10112x16xf32, #tpu.memory_space<vmem_shared>>
    tpu.enqueue_indirect_dma source(%dma_start3A_284 : memref<1280x16xf32, #tpu.memory_space<vmem>>) target(%dma_start3A_290 : memref<10112x16xf32, #tpu.memory_space<vmem_shared>>) offsets(%dma_start3A_287 : memref<1280xi32, #tpu.memory_space<vmem>>) semaphore(%arg12 : memref<!tpu.dma_semaphore, #tpu.memory_space<semaphore_mem>>) {add = true}
    %dma_wait3A_291 = arith.constant 6 : i32
    %dma_wait3A_292 = arith.constant 2 : i32
    %dma_wait3A_293 = arith.constant 0 : i32
    %dma_wait3A_294 = arith.constant 0 : i32
    %dma_wait3A_295 = tpu.memref_slice %arg9[%dma_wait3A_292, %dma_wait3A_293, %dma_wait3A_294] : memref<4x1280x16xf32, #tpu.memory_space<vmem>> -> memref<1x1280x16xf32, #tpu.memory_space<vmem>>
    %dma_wait3A_296 = tpu.memref_squeeze %dma_wait3A_295 : memref<1x1280x16xf32, #tpu.memory_space<vmem>> -> memref<1280x16xf32, #tpu.memory_space<vmem>>
    %dma_wait3A_297 = arith.constant 0 : i32
    %dma_wait3A_298 = tpu.memref_slice %arg7[%dma_wait3A_291, %dma_wait3A_297] : memref<8x1280xi32, #tpu.memory_space<vmem>> -> memref<1x1280xi32, #tpu.memory_space<vmem>>
    %dma_wait3A_299 = tpu.memref_squeeze %dma_wait3A_298 : memref<1x1280xi32, #tpu.memory_space<vmem>> -> memref<1280xi32, #tpu.memory_space<vmem>>
    %dma_wait3A_300 = arith.constant 0 : i32
    %dma_wait3A_301 = arith.constant 0 : i32
    %dma_wait3A_302 = tpu.memref_slice %arg2[%dma_wait3A_300, %dma_wait3A_301] : memref<10000x16xf32, #tpu.memory_space<hbm>> -> memref<10000x16xf32, #tpu.memory_space<hbm>>
    tpu.wait_indirect_dma semaphore(%arg11 : memref<!tpu.dma_semaphore, #tpu.memory_space<semaphore_mem>>) src(%dma_wait3A_302 : memref<10000x16xf32, #tpu.memory_space<hbm>>) dst(%dma_wait3A_296 : memref<1280x16xf32, #tpu.memory_space<vmem>>)
    %dma_start3A_303 = arith.constant 2 : i32
    %dma_start3A_304 = arith.constant 6 : i32
    %dma_start3A_305 = arith.constant 0 : i32
    %dma_start3A_306 = arith.constant 0 : i32
    %dma_start3A_307 = tpu.memref_slice %arg9[%dma_start3A_303, %dma_start3A_305, %dma_start3A_306] : memref<4x1280x16xf32, #tpu.memory_space<vmem>> -> memref<1x1280x16xf32, #tpu.memory_space<vmem>>
    %dma_start3A_308 = tpu.memref_squeeze %dma_start3A_307 : memref<1x1280x16xf32, #tpu.memory_space<vmem>> -> memref<1280x16xf32, #tpu.memory_space<vmem>>
    %dma_start3A_309 = arith.constant 0 : i32
    %dma_start3A_310 = tpu.memref_slice %arg8[%dma_start3A_304, %dma_start3A_309] : memref<8x1280xi32, #tpu.memory_space<vmem>> -> memref<1x1280xi32, #tpu.memory_space<vmem>>
    %dma_start3A_311 = tpu.memref_squeeze %dma_start3A_310 : memref<1x1280xi32, #tpu.memory_space<vmem>> -> memref<1280xi32, #tpu.memory_space<vmem>>
    %dma_start3A_312 = arith.constant 0 : i32
    %dma_start3A_313 = arith.constant 0 : i32
    %dma_start3A_314 = tpu.memref_slice %arg10[%dma_start3A_312, %dma_start3A_313] : memref<10112x16xf32, #tpu.memory_space<vmem_shared>> -> memref<10112x16xf32, #tpu.memory_space<vmem_shared>>
    tpu.enqueue_indirect_dma source(%dma_start3A_308 : memref<1280x16xf32, #tpu.memory_space<vmem>>) target(%dma_start3A_314 : memref<10112x16xf32, #tpu.memory_space<vmem_shared>>) offsets(%dma_start3A_311 : memref<1280xi32, #tpu.memory_space<vmem>>) semaphore(%arg12 : memref<!tpu.dma_semaphore, #tpu.memory_space<semaphore_mem>>) {add = true}
    %dma_wait3A_315 = arith.constant 7 : i32
    %dma_wait3A_316 = arith.constant 3 : i32
    %dma_wait3A_317 = arith.constant 0 : i32
    %dma_wait3A_318 = arith.constant 0 : i32
    %dma_wait3A_319 = tpu.memref_slice %arg9[%dma_wait3A_316, %dma_wait3A_317, %dma_wait3A_318] : memref<4x1280x16xf32, #tpu.memory_space<vmem>> -> memref<1x1280x16xf32, #tpu.memory_space<vmem>>
    %dma_wait3A_320 = tpu.memref_squeeze %dma_wait3A_319 : memref<1x1280x16xf32, #tpu.memory_space<vmem>> -> memref<1280x16xf32, #tpu.memory_space<vmem>>
    %dma_wait3A_321 = arith.constant 0 : i32
    %dma_wait3A_322 = tpu.memref_slice %arg7[%dma_wait3A_315, %dma_wait3A_321] : memref<8x1280xi32, #tpu.memory_space<vmem>> -> memref<1x1280xi32, #tpu.memory_space<vmem>>
    %dma_wait3A_323 = tpu.memref_squeeze %dma_wait3A_322 : memref<1x1280xi32, #tpu.memory_space<vmem>> -> memref<1280xi32, #tpu.memory_space<vmem>>
    %dma_wait3A_324 = arith.constant 0 : i32
    %dma_wait3A_325 = arith.constant 0 : i32
    %dma_wait3A_326 = tpu.memref_slice %arg2[%dma_wait3A_324, %dma_wait3A_325] : memref<10000x16xf32, #tpu.memory_space<hbm>> -> memref<10000x16xf32, #tpu.memory_space<hbm>>
    tpu.wait_indirect_dma semaphore(%arg11 : memref<!tpu.dma_semaphore, #tpu.memory_space<semaphore_mem>>) src(%dma_wait3A_326 : memref<10000x16xf32, #tpu.memory_space<hbm>>) dst(%dma_wait3A_320 : memref<1280x16xf32, #tpu.memory_space<vmem>>)
    %dma_start3A_327 = arith.constant 3 : i32
    %dma_start3A_328 = arith.constant 7 : i32
    %dma_start3A_329 = arith.constant 0 : i32
    %dma_start3A_330 = arith.constant 0 : i32
    %dma_start3A_331 = tpu.memref_slice %arg9[%dma_start3A_327, %dma_start3A_329, %dma_start3A_330] : memref<4x1280x16xf32, #tpu.memory_space<vmem>> -> memref<1x1280x16xf32, #tpu.memory_space<vmem>>
    %dma_start3A_332 = tpu.memref_squeeze %dma_start3A_331 : memref<1x1280x16xf32, #tpu.memory_space<vmem>> -> memref<1280x16xf32, #tpu.memory_space<vmem>>
    %dma_start3A_333 = arith.constant 0 : i32
    %dma_start3A_334 = tpu.memref_slice %arg8[%dma_start3A_328, %dma_start3A_333] : memref<8x1280xi32, #tpu.memory_space<vmem>> -> memref<1x1280xi32, #tpu.memory_space<vmem>>
    %dma_start3A_335 = tpu.memref_squeeze %dma_start3A_334 : memref<1x1280xi32, #tpu.memory_space<vmem>> -> memref<1280xi32, #tpu.memory_space<vmem>>
    %dma_start3A_336 = arith.constant 0 : i32
    %dma_start3A_337 = arith.constant 0 : i32
    %dma_start3A_338 = tpu.memref_slice %arg10[%dma_start3A_336, %dma_start3A_337] : memref<10112x16xf32, #tpu.memory_space<vmem_shared>> -> memref<10112x16xf32, #tpu.memory_space<vmem_shared>>
    tpu.enqueue_indirect_dma source(%dma_start3A_332 : memref<1280x16xf32, #tpu.memory_space<vmem>>) target(%dma_start3A_338 : memref<10112x16xf32, #tpu.memory_space<vmem_shared>>) offsets(%dma_start3A_335 : memref<1280xi32, #tpu.memory_space<vmem>>) semaphore(%arg12 : memref<!tpu.dma_semaphore, #tpu.memory_space<semaphore_mem>>) {add = true}
    %dma_wait3A_339 = arith.constant 0 : i32
    %dma_wait3A_340 = arith.constant 4 : i32
    %dma_wait3A_341 = arith.constant 0 : i32
    %dma_wait3A_342 = arith.constant 0 : i32
    %dma_wait3A_343 = tpu.memref_slice %arg9[%dma_wait3A_339, %dma_wait3A_341, %dma_wait3A_342] : memref<4x1280x16xf32, #tpu.memory_space<vmem>> -> memref<1x1280x16xf32, #tpu.memory_space<vmem>>
    %dma_wait3A_344 = tpu.memref_squeeze %dma_wait3A_343 : memref<1x1280x16xf32, #tpu.memory_space<vmem>> -> memref<1280x16xf32, #tpu.memory_space<vmem>>
    %dma_wait3A_345 = arith.constant 0 : i32
    %dma_wait3A_346 = tpu.memref_slice %arg8[%dma_wait3A_340, %dma_wait3A_345] : memref<8x1280xi32, #tpu.memory_space<vmem>> -> memref<1x1280xi32, #tpu.memory_space<vmem>>
    %dma_wait3A_347 = tpu.memref_squeeze %dma_wait3A_346 : memref<1x1280xi32, #tpu.memory_space<vmem>> -> memref<1280xi32, #tpu.memory_space<vmem>>
    %dma_wait3A_348 = arith.constant 0 : i32
    %dma_wait3A_349 = arith.constant 0 : i32
    %dma_wait3A_350 = tpu.memref_slice %arg10[%dma_wait3A_348, %dma_wait3A_349] : memref<10112x16xf32, #tpu.memory_space<vmem_shared>> -> memref<10112x16xf32, #tpu.memory_space<vmem_shared>>
    tpu.wait_indirect_dma semaphore(%arg12 : memref<!tpu.dma_semaphore, #tpu.memory_space<semaphore_mem>>) src(%dma_wait3A_344 : memref<1280x16xf32, #tpu.memory_space<vmem>>) dst(%dma_wait3A_350 : memref<10112x16xf32, #tpu.memory_space<vmem_shared>>)
    %dma_wait3A_351 = arith.constant 1 : i32
    %dma_wait3A_352 = arith.constant 5 : i32
    %dma_wait3A_353 = arith.constant 0 : i32
    %dma_wait3A_354 = arith.constant 0 : i32
    %dma_wait3A_355 = tpu.memref_slice %arg9[%dma_wait3A_351, %dma_wait3A_353, %dma_wait3A_354] : memref<4x1280x16xf32, #tpu.memory_space<vmem>> -> memref<1x1280x16xf32, #tpu.memory_space<vmem>>
    %dma_wait3A_356 = tpu.memref_squeeze %dma_wait3A_355 : memref<1x1280x16xf32, #tpu.memory_space<vmem>> -> memref<1280x16xf32, #tpu.memory_space<vmem>>
    %dma_wait3A_357 = arith.constant 0 : i32
    %dma_wait3A_358 = tpu.memref_slice %arg8[%dma_wait3A_352, %dma_wait3A_357] : memref<8x1280xi32, #tpu.memory_space<vmem>> -> memref<1x1280xi32, #tpu.memory_space<vmem>>
    %dma_wait3A_359 = tpu.memref_squeeze %dma_wait3A_358 : memref<1x1280xi32, #tpu.memory_space<vmem>> -> memref<1280xi32, #tpu.memory_space<vmem>>
    %dma_wait3A_360 = arith.constant 0 : i32
    %dma_wait3A_361 = arith.constant 0 : i32
    %dma_wait3A_362 = tpu.memref_slice %arg10[%dma_wait3A_360, %dma_wait3A_361] : memref<10112x16xf32, #tpu.memory_space<vmem_shared>> -> memref<10112x16xf32, #tpu.memory_space<vmem_shared>>
    tpu.wait_indirect_dma semaphore(%arg12 : memref<!tpu.dma_semaphore, #tpu.memory_space<semaphore_mem>>) src(%dma_wait3A_356 : memref<1280x16xf32, #tpu.memory_space<vmem>>) dst(%dma_wait3A_362 : memref<10112x16xf32, #tpu.memory_space<vmem_shared>>)
    %dma_wait3A_363 = arith.constant 2 : i32
    %dma_wait3A_364 = arith.constant 6 : i32
    %dma_wait3A_365 = arith.constant 0 : i32
    %dma_wait3A_366 = arith.constant 0 : i32
    %dma_wait3A_367 = tpu.memref_slice %arg9[%dma_wait3A_363, %dma_wait3A_365, %dma_wait3A_366] : memref<4x1280x16xf32, #tpu.memory_space<vmem>> -> memref<1x1280x16xf32, #tpu.memory_space<vmem>>
    %dma_wait3A_368 = tpu.memref_squeeze %dma_wait3A_367 : memref<1x1280x16xf32, #tpu.memory_space<vmem>> -> memref<1280x16xf32, #tpu.memory_space<vmem>>
    %dma_wait3A_369 = arith.constant 0 : i32
    %dma_wait3A_370 = tpu.memref_slice %arg8[%dma_wait3A_364, %dma_wait3A_369] : memref<8x1280xi32, #tpu.memory_space<vmem>> -> memref<1x1280xi32, #tpu.memory_space<vmem>>
    %dma_wait3A_371 = tpu.memref_squeeze %dma_wait3A_370 : memref<1x1280xi32, #tpu.memory_space<vmem>> -> memref<1280xi32, #tpu.memory_space<vmem>>
    %dma_wait3A_372 = arith.constant 0 : i32
    %dma_wait3A_373 = arith.constant 0 : i32
    %dma_wait3A_374 = tpu.memref_slice %arg10[%dma_wait3A_372, %dma_wait3A_373] : memref<10112x16xf32, #tpu.memory_space<vmem_shared>> -> memref<10112x16xf32, #tpu.memory_space<vmem_shared>>
    tpu.wait_indirect_dma semaphore(%arg12 : memref<!tpu.dma_semaphore, #tpu.memory_space<semaphore_mem>>) src(%dma_wait3A_368 : memref<1280x16xf32, #tpu.memory_space<vmem>>) dst(%dma_wait3A_374 : memref<10112x16xf32, #tpu.memory_space<vmem_shared>>)
    %dma_wait3A_375 = arith.constant 3 : i32
    %dma_wait3A_376 = arith.constant 7 : i32
    %dma_wait3A_377 = arith.constant 0 : i32
    %dma_wait3A_378 = arith.constant 0 : i32
    %dma_wait3A_379 = tpu.memref_slice %arg9[%dma_wait3A_375, %dma_wait3A_377, %dma_wait3A_378] : memref<4x1280x16xf32, #tpu.memory_space<vmem>> -> memref<1x1280x16xf32, #tpu.memory_space<vmem>>
    %dma_wait3A_380 = tpu.memref_squeeze %dma_wait3A_379 : memref<1x1280x16xf32, #tpu.memory_space<vmem>> -> memref<1280x16xf32, #tpu.memory_space<vmem>>
    %dma_wait3A_381 = arith.constant 0 : i32
    %dma_wait3A_382 = tpu.memref_slice %arg8[%dma_wait3A_376, %dma_wait3A_381] : memref<8x1280xi32, #tpu.memory_space<vmem>> -> memref<1x1280xi32, #tpu.memory_space<vmem>>
    %dma_wait3A_383 = tpu.memref_squeeze %dma_wait3A_382 : memref<1x1280xi32, #tpu.memory_space<vmem>> -> memref<1280xi32, #tpu.memory_space<vmem>>
    %dma_wait3A_384 = arith.constant 0 : i32
    %dma_wait3A_385 = arith.constant 0 : i32
    %dma_wait3A_386 = tpu.memref_slice %arg10[%dma_wait3A_384, %dma_wait3A_385] : memref<10112x16xf32, #tpu.memory_space<vmem_shared>> -> memref<10112x16xf32, #tpu.memory_space<vmem_shared>>
    tpu.wait_indirect_dma semaphore(%arg12 : memref<!tpu.dma_semaphore, #tpu.memory_space<semaphore_mem>>) src(%dma_wait3A_380 : memref<1280x16xf32, #tpu.memory_space<vmem>>) dst(%dma_wait3A_386 : memref<10112x16xf32, #tpu.memory_space<vmem_shared>>)
    %barrier3A_387 = arith.constant 0 : index
    tpu.barrier barrier_id(%barrier3A_387)
    %mul3A_388 = arith.constant 632 : i32
    %mul3A_389 = arith.muli %arg1, %mul3A_388 : i32
    %mul3A_390 = arith.constant 632 : i32
    %mul3A_391 = arith.muli %arg1, %mul3A_390 : i32
    "tpu.region"() ({
      %run_scoped3A = tpu.sem_alloc : memref<!tpu.dma_semaphore, #tpu.memory_space<semaphore_mem>>
      %dma_start3A_392 = arith.constant 0 : i32
      %dma_start3A_393 = tpu.memref_slice %arg6[%arg0, %mul3A_391, %dma_start3A_392] : memref<2x10112x16xf32, #tpu.memory_space<hbm>> -> memref<1x632x16xf32, #tpu.memory_space<hbm>>
      %dma_start3A_394 = tpu.memref_squeeze %dma_start3A_393 : memref<1x632x16xf32, #tpu.memory_space<hbm>> -> memref<632x16xf32, #tpu.memory_space<hbm>>
      %dma_start3A_395 = arith.constant 0 : i32
      %dma_start3A_396 = tpu.memref_slice %arg10[%mul3A_389, %dma_start3A_395] : memref<10112x16xf32, #tpu.memory_space<vmem_shared>> -> memref<632x16xf32, #tpu.memory_space<vmem_shared>>
      tpu.enqueue_dma source(%dma_start3A_396 : memref<632x16xf32, #tpu.memory_space<vmem_shared>>) target(%dma_start3A_394 : memref<632x16xf32, #tpu.memory_space<hbm>>) target_semaphore(%run_scoped3A : memref<!tpu.dma_semaphore, #tpu.memory_space<semaphore_mem>>)
      %dma_wait3A_397 = arith.constant 0 : i32
      %dma_wait3A_398 = tpu.memref_slice %arg6[%arg0, %mul3A_391, %dma_wait3A_397] : memref<2x10112x16xf32, #tpu.memory_space<hbm>> -> memref<1x632x16xf32, #tpu.memory_space<hbm>>
      %dma_wait3A_399 = tpu.memref_squeeze %dma_wait3A_398 : memref<1x632x16xf32, #tpu.memory_space<hbm>> -> memref<632x16xf32, #tpu.memory_space<hbm>>
      %dma_wait3A_400 = arith.constant 0 : i32
      %dma_wait3A_401 = tpu.memref_slice %arg10[%mul3A_389, %dma_wait3A_400] : memref<10112x16xf32, #tpu.memory_space<vmem_shared>> -> memref<632x16xf32, #tpu.memory_space<vmem_shared>>
      tpu.wait_dma2 semaphore(%run_scoped3A : memref<!tpu.dma_semaphore, #tpu.memory_space<semaphore_mem>>) src(%dma_wait3A_401 : memref<632x16xf32, #tpu.memory_space<vmem_shared>>) dst(%dma_wait3A_399 : memref<632x16xf32, #tpu.memory_space<hbm>>)
      tpu.yield
    }) : () -> ()
    return
  }
}

#map = affine_map<(d0, d1) -> (0, 0)>
#map1 = affine_map<(d0, d1) -> (0, 0, 0)>
module attributes {stable_mosaic.version = 14 : i64} {
  func.func @_seg_sum_sc(%arg0: i32, %arg1: i32, %arg2: memref<10000x16xf32, #tpu.memory_space<hbm>>, %arg3: memref<32x8x1280xi32, #tpu.memory_space<hbm>>, %arg4: memref<32x8x1280xi32, #tpu.memory_space<hbm>>, %arg5: memref<10112x16xf32, #tpu.memory_space<hbm>>, %arg6: memref<2x10112x16xf32, #tpu.memory_space<hbm>>, %arg7: memref<8x1280xi32, #tpu.memory_space<vmem>>, %arg8: memref<8x1280xi32, #tpu.memory_space<vmem>>, %arg9: memref<4x1280x16xf32, #tpu.memory_space<vmem>>, %arg10: memref<10112x16xf32, #tpu.memory_space<vmem_shared>>, %arg11: memref<!tpu.dma_semaphore, #tpu.memory_space<semaphore_mem>>, %arg12: memref<!tpu.dma_semaphore, #tpu.memory_space<semaphore_mem>>) attributes {dimension_semantics = [#tpu.dimension_semantics<core_parallel>, #tpu.dimension_semantics<subcore_parallel>], iteration_bounds = array<i64: 2, 16>, scalar_prefetch = 0 : i64, scratch_operands = 6 : i64, tpu.core_type = #tpu.core_type<sc_vector_subcore>, window_params = [{transform_indices = #map}, {transform_indices = #map1}, {transform_indices = #map1}, {transform_indices = #map}, {transform_indices = #map1}]} {
    %mul3A = arith.constant 16 : i32
    %mul3A_0 = arith.muli %arg0, %mul3A : i32
    %add3A = arith.addi %mul3A_0, %arg1 : i32
    %mul3A_1 = arith.constant 632 : i32
    %mul3A_2 = arith.muli %arg1, %mul3A_1 : i32
    %mul3A_3 = arith.constant 632 : i32
    %mul3A_4 = arith.muli %arg1, %mul3A_3 : i32
    "tpu.region"() ({
      %run_scoped3A = tpu.sem_alloc : memref<!tpu.dma_semaphore, #tpu.memory_space<semaphore_mem>>
      %dma_start3A_392 = arith.constant 0 : i32
      %dma_start3A_393 = tpu.memref_slice %arg10[%mul3A_4, %dma_start3A_392] : memref<10112x16xf32, #tpu.memory_space<vmem_shared>> -> memref<632x16xf32, #tpu.memory_space<vmem_shared>>
      %dma_start3A_394 = arith.constant 0 : i32
      %dma_start3A_395 = tpu.memref_slice %arg5[%mul3A_2, %dma_start3A_394] : memref<10112x16xf32, #tpu.memory_space<hbm>> -> memref<632x16xf32, #tpu.memory_space<hbm>>
      tpu.enqueue_dma source(%dma_start3A_395 : memref<632x16xf32, #tpu.memory_space<hbm>>) target(%dma_start3A_393 : memref<632x16xf32, #tpu.memory_space<vmem_shared>>) target_semaphore(%run_scoped3A : memref<!tpu.dma_semaphore, #tpu.memory_space<semaphore_mem>>)
      %dma_wait3A_396 = arith.constant 0 : i32
      %dma_wait3A_397 = tpu.memref_slice %arg10[%mul3A_4, %dma_wait3A_396] : memref<10112x16xf32, #tpu.memory_space<vmem_shared>> -> memref<632x16xf32, #tpu.memory_space<vmem_shared>>
      %dma_wait3A_398 = arith.constant 0 : i32
      %dma_wait3A_399 = tpu.memref_slice %arg5[%mul3A_2, %dma_wait3A_398] : memref<10112x16xf32, #tpu.memory_space<hbm>> -> memref<632x16xf32, #tpu.memory_space<hbm>>
      tpu.wait_dma2 semaphore(%run_scoped3A : memref<!tpu.dma_semaphore, #tpu.memory_space<semaphore_mem>>) src(%dma_wait3A_399 : memref<632x16xf32, #tpu.memory_space<hbm>>) dst(%dma_wait3A_397 : memref<632x16xf32, #tpu.memory_space<vmem_shared>>)
      tpu.yield
    }) : () -> ()
    "tpu.region"() ({
      %run_scoped3A = tpu.sem_alloc : memref<!tpu.dma_semaphore, #tpu.memory_space<semaphore_mem>>
      %dma_start3A_392 = arith.constant 0 : i32
      %dma_start3A_393 = arith.constant 0 : i32
      %dma_start3A_394 = tpu.memref_slice %arg3[%add3A, %dma_start3A_392, %dma_start3A_393] : memref<32x8x1280xi32, #tpu.memory_space<hbm>> -> memref<1x8x1280xi32, #tpu.memory_space<hbm>>
      %dma_start3A_395 = tpu.memref_squeeze %dma_start3A_394 : memref<1x8x1280xi32, #tpu.memory_space<hbm>> -> memref<8x1280xi32, #tpu.memory_space<hbm>>
      %dma_start3A_396 = arith.constant 0 : i32
      %dma_start3A_397 = arith.constant 0 : i32
      %dma_start3A_398 = tpu.memref_slice %arg3[%add3A, %dma_start3A_396, %dma_start3A_397] : memref<32x8x1280xi32, #tpu.memory_space<hbm>> -> memref<1x8x1280xi32, #tpu.memory_space<hbm>>
      %dma_start3A_399 = tpu.memref_squeeze %dma_start3A_398 : memref<1x8x1280xi32, #tpu.memory_space<hbm>> -> memref<8x1280xi32, #tpu.memory_space<hbm>>
      tpu.enqueue_dma source(%dma_start3A_399 : memref<8x1280xi32, #tpu.memory_space<hbm>>) target(%arg7 : memref<8x1280xi32, #tpu.memory_space<vmem>>) target_semaphore(%run_scoped3A : memref<!tpu.dma_semaphore, #tpu.memory_space<semaphore_mem>>)
      %dma_wait3A_400 = arith.constant 0 : i32
      %dma_wait3A_401 = arith.constant 0 : i32
      %dma_wait3A_402 = tpu.memref_slice %arg3[%add3A, %dma_wait3A_400, %dma_wait3A_401] : memref<32x8x1280xi32, #tpu.memory_space<hbm>> -> memref<1x8x1280xi32, #tpu.memory_space<hbm>>
      %dma_wait3A_403 = tpu.memref_squeeze %dma_wait3A_402 : memref<1x8x1280xi32, #tpu.memory_space<hbm>> -> memref<8x1280xi32, #tpu.memory_space<hbm>>
      %dma_wait3A_404 = arith.constant 0 : i32
      %dma_wait3A_405 = arith.constant 0 : i32
      %dma_wait3A_406 = tpu.memref_slice %arg3[%add3A, %dma_wait3A_404, %dma_wait3A_405] : memref<32x8x1280xi32, #tpu.memory_space<hbm>> -> memref<1x8x1280xi32, #tpu.memory_space<hbm>>
      %dma_wait3A_407 = tpu.memref_squeeze %dma_wait3A_406 : memref<1x8x1280xi32, #tpu.memory_space<hbm>> -> memref<8x1280xi32, #tpu.memory_space<hbm>>
      tpu.wait_dma2 semaphore(%run_scoped3A : memref<!tpu.dma_semaphore, #tpu.memory_space<semaphore_mem>>) src(%dma_wait3A_407 : memref<8x1280xi32, #tpu.memory_space<hbm>>) dst(%arg7 : memref<8x1280xi32, #tpu.memory_space<vmem>>)
      tpu.yield
    }) : () -> ()
    "tpu.region"() ({
      %run_scoped3A = tpu.sem_alloc : memref<!tpu.dma_semaphore, #tpu.memory_space<semaphore_mem>>
      %dma_start3A_392 = arith.constant 0 : i32
      %dma_start3A_393 = arith.constant 0 : i32
      %dma_start3A_394 = tpu.memref_slice %arg4[%add3A, %dma_start3A_392, %dma_start3A_393] : memref<32x8x1280xi32, #tpu.memory_space<hbm>> -> memref<1x8x1280xi32, #tpu.memory_space<hbm>>
      %dma_start3A_395 = tpu.memref_squeeze %dma_start3A_394 : memref<1x8x1280xi32, #tpu.memory_space<hbm>> -> memref<8x1280xi32, #tpu.memory_space<hbm>>
      %dma_start3A_396 = arith.constant 0 : i32
      %dma_start3A_397 = arith.constant 0 : i32
      %dma_start3A_398 = tpu.memref_slice %arg4[%add3A, %dma_start3A_396, %dma_start3A_397] : memref<32x8x1280xi32, #tpu.memory_space<hbm>> -> memref<1x8x1280xi32, #tpu.memory_space<hbm>>
      %dma_start3A_399 = tpu.memref_squeeze %dma_start3A_398 : memref<1x8x1280xi32, #tpu.memory_space<hbm>> -> memref<8x1280xi32, #tpu.memory_space<hbm>>
      tpu.enqueue_dma source(%dma_start3A_399 : memref<8x1280xi32, #tpu.memory_space<hbm>>) target(%arg8 : memref<8x1280xi32, #tpu.memory_space<vmem>>) target_semaphore(%run_scoped3A : memref<!tpu.dma_semaphore, #tpu.memory_space<semaphore_mem>>)
      %dma_wait3A_400 = arith.constant 0 : i32
      %dma_wait3A_401 = arith.constant 0 : i32
      %dma_wait3A_402 = tpu.memref_slice %arg4[%add3A, %dma_wait3A_400, %dma_wait3A_401] : memref<32x8x1280xi32, #tpu.memory_space<hbm>> -> memref<1x8x1280xi32, #tpu.memory_space<hbm>>
      %dma_wait3A_403 = tpu.memref_squeeze %dma_wait3A_402 : memref<1x8x1280xi32, #tpu.memory_space<hbm>> -> memref<8x1280xi32, #tpu.memory_space<hbm>>
      %dma_wait3A_404 = arith.constant 0 : i32
      %dma_wait3A_405 = arith.constant 0 : i32
      %dma_wait3A_406 = tpu.memref_slice %arg4[%add3A, %dma_wait3A_404, %dma_wait3A_405] : memref<32x8x1280xi32, #tpu.memory_space<hbm>> -> memref<1x8x1280xi32, #tpu.memory_space<hbm>>
      %dma_wait3A_407 = tpu.memref_squeeze %dma_wait3A_406 : memref<1x8x1280xi32, #tpu.memory_space<hbm>> -> memref<8x1280xi32, #tpu.memory_space<hbm>>
      tpu.wait_dma2 semaphore(%run_scoped3A : memref<!tpu.dma_semaphore, #tpu.memory_space<semaphore_mem>>) src(%dma_wait3A_407 : memref<8x1280xi32, #tpu.memory_space<hbm>>) dst(%arg8 : memref<8x1280xi32, #tpu.memory_space<vmem>>)
      tpu.yield
    }) : () -> ()
    %barrier3A = arith.constant 0 : index
    tpu.barrier barrier_id(%barrier3A)
    %dma_start3A = arith.constant 0 : i32
    %dma_start3A_5 = arith.constant 0 : i32
    %dma_start3A_6 = arith.constant 0 : i32
    %dma_start3A_7 = arith.constant 0 : i32
    %dma_start3A_8 = tpu.memref_slice %arg9[%dma_start3A_5, %dma_start3A_6, %dma_start3A_7] : memref<4x1280x16xf32, #tpu.memory_space<vmem>> -> memref<1x1280x16xf32, #tpu.memory_space<vmem>>
    %dma_start3A_9 = tpu.memref_squeeze %dma_start3A_8 : memref<1x1280x16xf32, #tpu.memory_space<vmem>> -> memref<1280x16xf32, #tpu.memory_space<vmem>>
    %dma_start3A_10 = arith.constant 0 : i32
    %dma_start3A_11 = tpu.memref_slice %arg7[%dma_start3A, %dma_start3A_10] : memref<8x1280xi32, #tpu.memory_space<vmem>> -> memref<1x1280xi32, #tpu.memory_space<vmem>>
    %dma_start3A_12 = tpu.memref_squeeze %dma_start3A_11 : memref<1x1280xi32, #tpu.memory_space<vmem>> -> memref<1280xi32, #tpu.memory_space<vmem>>
    %dma_start3A_13 = arith.constant 0 : i32
    %dma_start3A_14 = arith.constant 0 : i32
    %dma_start3A_15 = tpu.memref_slice %arg2[%dma_start3A_13, %dma_start3A_14] : memref<10000x16xf32, #tpu.memory_space<hbm>> -> memref<10000x16xf32, #tpu.memory_space<hbm>>
    tpu.enqueue_indirect_dma source(%dma_start3A_15 : memref<10000x16xf32, #tpu.memory_space<hbm>>) target(%dma_start3A_9 : memref<1280x16xf32, #tpu.memory_space<vmem>>) offsets(%dma_start3A_12 : memref<1280xi32, #tpu.memory_space<vmem>>) semaphore(%arg11 : memref<!tpu.dma_semaphore, #tpu.memory_space<semaphore_mem>>)
    %dma_start3A_16 = arith.constant 1 : i32
    %dma_start3A_17 = arith.constant 1 : i32
    %dma_start3A_18 = arith.constant 0 : i32
    %dma_start3A_19 = arith.constant 0 : i32
    %dma_start3A_20 = tpu.memref_slice %arg9[%dma_start3A_17, %dma_start3A_18, %dma_start3A_19] : memref<4x1280x16xf32, #tpu.memory_space<vmem>> -> memref<1x1280x16xf32, #tpu.memory_space<vmem>>
    %dma_start3A_21 = tpu.memref_squeeze %dma_start3A_20 : memref<1x1280x16xf32, #tpu.memory_space<vmem>> -> memref<1280x16xf32, #tpu.memory_space<vmem>>
    %dma_start3A_22 = arith.constant 0 : i32
    %dma_start3A_23 = tpu.memref_slice %arg7[%dma_start3A_16, %dma_start3A_22] : memref<8x1280xi32, #tpu.memory_space<vmem>> -> memref<1x1280xi32, #tpu.memory_space<vmem>>
    %dma_start3A_24 = tpu.memref_squeeze %dma_start3A_23 : memref<1x1280xi32, #tpu.memory_space<vmem>> -> memref<1280xi32, #tpu.memory_space<vmem>>
    %dma_start3A_25 = arith.constant 0 : i32
    %dma_start3A_26 = arith.constant 0 : i32
    %dma_start3A_27 = tpu.memref_slice %arg2[%dma_start3A_25, %dma_start3A_26] : memref<10000x16xf32, #tpu.memory_space<hbm>> -> memref<10000x16xf32, #tpu.memory_space<hbm>>
    tpu.enqueue_indirect_dma source(%dma_start3A_27 : memref<10000x16xf32, #tpu.memory_space<hbm>>) target(%dma_start3A_21 : memref<1280x16xf32, #tpu.memory_space<vmem>>) offsets(%dma_start3A_24 : memref<1280xi32, #tpu.memory_space<vmem>>) semaphore(%arg11 : memref<!tpu.dma_semaphore, #tpu.memory_space<semaphore_mem>>)
    %dma_start3A_28 = arith.constant 2 : i32
    %dma_start3A_29 = arith.constant 2 : i32
    %dma_start3A_30 = arith.constant 0 : i32
    %dma_start3A_31 = arith.constant 0 : i32
    %dma_start3A_32 = tpu.memref_slice %arg9[%dma_start3A_29, %dma_start3A_30, %dma_start3A_31] : memref<4x1280x16xf32, #tpu.memory_space<vmem>> -> memref<1x1280x16xf32, #tpu.memory_space<vmem>>
    %dma_start3A_33 = tpu.memref_squeeze %dma_start3A_32 : memref<1x1280x16xf32, #tpu.memory_space<vmem>> -> memref<1280x16xf32, #tpu.memory_space<vmem>>
    %dma_start3A_34 = arith.constant 0 : i32
    %dma_start3A_35 = tpu.memref_slice %arg7[%dma_start3A_28, %dma_start3A_34] : memref<8x1280xi32, #tpu.memory_space<vmem>> -> memref<1x1280xi32, #tpu.memory_space<vmem>>
    %dma_start3A_36 = tpu.memref_squeeze %dma_start3A_35 : memref<1x1280xi32, #tpu.memory_space<vmem>> -> memref<1280xi32, #tpu.memory_space<vmem>>
    %dma_start3A_37 = arith.constant 0 : i32
    %dma_start3A_38 = arith.constant 0 : i32
    %dma_start3A_39 = tpu.memref_slice %arg2[%dma_start3A_37, %dma_start3A_38] : memref<10000x16xf32, #tpu.memory_space<hbm>> -> memref<10000x16xf32, #tpu.memory_space<hbm>>
    tpu.enqueue_indirect_dma source(%dma_start3A_39 : memref<10000x16xf32, #tpu.memory_space<hbm>>) target(%dma_start3A_33 : memref<1280x16xf32, #tpu.memory_space<vmem>>) offsets(%dma_start3A_36 : memref<1280xi32, #tpu.memory_space<vmem>>) semaphore(%arg11 : memref<!tpu.dma_semaphore, #tpu.memory_space<semaphore_mem>>)
    %dma_wait3A = arith.constant 0 : i32
    %dma_wait3A_40 = arith.constant 0 : i32
    %dma_wait3A_41 = arith.constant 0 : i32
    %dma_wait3A_42 = arith.constant 0 : i32
    %dma_wait3A_43 = tpu.memref_slice %arg9[%dma_wait3A_40, %dma_wait3A_41, %dma_wait3A_42] : memref<4x1280x16xf32, #tpu.memory_space<vmem>> -> memref<1x1280x16xf32, #tpu.memory_space<vmem>>
    %dma_wait3A_44 = tpu.memref_squeeze %dma_wait3A_43 : memref<1x1280x16xf32, #tpu.memory_space<vmem>> -> memref<1280x16xf32, #tpu.memory_space<vmem>>
    %dma_wait3A_45 = arith.constant 0 : i32
    %dma_wait3A_46 = tpu.memref_slice %arg7[%dma_wait3A, %dma_wait3A_45] : memref<8x1280xi32, #tpu.memory_space<vmem>> -> memref<1x1280xi32, #tpu.memory_space<vmem>>
    %dma_wait3A_47 = tpu.memref_squeeze %dma_wait3A_46 : memref<1x1280xi32, #tpu.memory_space<vmem>> -> memref<1280xi32, #tpu.memory_space<vmem>>
    %dma_wait3A_48 = arith.constant 0 : i32
    %dma_wait3A_49 = arith.constant 0 : i32
    %dma_wait3A_50 = tpu.memref_slice %arg2[%dma_wait3A_48, %dma_wait3A_49] : memref<10000x16xf32, #tpu.memory_space<hbm>> -> memref<10000x16xf32, #tpu.memory_space<hbm>>
    tpu.wait_indirect_dma semaphore(%arg11 : memref<!tpu.dma_semaphore, #tpu.memory_space<semaphore_mem>>) src(%dma_wait3A_50 : memref<10000x16xf32, #tpu.memory_space<hbm>>) dst(%dma_wait3A_44 : memref<1280x16xf32, #tpu.memory_space<vmem>>)
    %dma_start3A_51 = arith.constant 0 : i32
    %dma_start3A_52 = arith.constant 0 : i32
    %dma_start3A_53 = arith.constant 0 : i32
    %dma_start3A_54 = arith.constant 0 : i32
    %dma_start3A_55 = tpu.memref_slice %arg9[%dma_start3A_51, %dma_start3A_53, %dma_start3A_54] : memref<4x1280x16xf32, #tpu.memory_space<vmem>> -> memref<1x1280x16xf32, #tpu.memory_space<vmem>>
    %dma_start3A_56 = tpu.memref_squeeze %dma_start3A_55 : memref<1x1280x16xf32, #tpu.memory_space<vmem>> -> memref<1280x16xf32, #tpu.memory_space<vmem>>
    %dma_start3A_57 = arith.constant 0 : i32
    %dma_start3A_58 = tpu.memref_slice %arg8[%dma_start3A_52, %dma_start3A_57] : memref<8x1280xi32, #tpu.memory_space<vmem>> -> memref<1x1280xi32, #tpu.memory_space<vmem>>
    %dma_start3A_59 = tpu.memref_squeeze %dma_start3A_58 : memref<1x1280xi32, #tpu.memory_space<vmem>> -> memref<1280xi32, #tpu.memory_space<vmem>>
    %dma_start3A_60 = arith.constant 0 : i32
    %dma_start3A_61 = arith.constant 0 : i32
    %dma_start3A_62 = tpu.memref_slice %arg10[%dma_start3A_60, %dma_start3A_61] : memref<10112x16xf32, #tpu.memory_space<vmem_shared>> -> memref<10112x16xf32, #tpu.memory_space<vmem_shared>>
    tpu.enqueue_indirect_dma source(%dma_start3A_56 : memref<1280x16xf32, #tpu.memory_space<vmem>>) target(%dma_start3A_62 : memref<10112x16xf32, #tpu.memory_space<vmem_shared>>) offsets(%dma_start3A_59 : memref<1280xi32, #tpu.memory_space<vmem>>) semaphore(%arg12 : memref<!tpu.dma_semaphore, #tpu.memory_space<semaphore_mem>>) {add = true}
    %dma_start3A_63 = arith.constant 3 : i32
    %dma_start3A_64 = arith.constant 3 : i32
    %dma_start3A_65 = arith.constant 0 : i32
    %dma_start3A_66 = arith.constant 0 : i32
    %dma_start3A_67 = tpu.memref_slice %arg9[%dma_start3A_64, %dma_start3A_65, %dma_start3A_66] : memref<4x1280x16xf32, #tpu.memory_space<vmem>> -> memref<1x1280x16xf32, #tpu.memory_space<vmem>>
    %dma_start3A_68 = tpu.memref_squeeze %dma_start3A_67 : memref<1x1280x16xf32, #tpu.memory_space<vmem>> -> memref<1280x16xf32, #tpu.memory_space<vmem>>
    %dma_start3A_69 = arith.constant 0 : i32
    %dma_start3A_70 = tpu.memref_slice %arg7[%dma_start3A_63, %dma_start3A_69] : memref<8x1280xi32, #tpu.memory_space<vmem>> -> memref<1x1280xi32, #tpu.memory_space<vmem>>
    %dma_start3A_71 = tpu.memref_squeeze %dma_start3A_70 : memref<1x1280xi32, #tpu.memory_space<vmem>> -> memref<1280xi32, #tpu.memory_space<vmem>>
    %dma_start3A_72 = arith.constant 0 : i32
    %dma_start3A_73 = arith.constant 0 : i32
    %dma_start3A_74 = tpu.memref_slice %arg2[%dma_start3A_72, %dma_start3A_73] : memref<10000x16xf32, #tpu.memory_space<hbm>> -> memref<10000x16xf32, #tpu.memory_space<hbm>>
    tpu.enqueue_indirect_dma source(%dma_start3A_74 : memref<10000x16xf32, #tpu.memory_space<hbm>>) target(%dma_start3A_68 : memref<1280x16xf32, #tpu.memory_space<vmem>>) offsets(%dma_start3A_71 : memref<1280xi32, #tpu.memory_space<vmem>>) semaphore(%arg11 : memref<!tpu.dma_semaphore, #tpu.memory_space<semaphore_mem>>)
    %dma_wait3A_75 = arith.constant 1 : i32
    %dma_wait3A_76 = arith.constant 1 : i32
    %dma_wait3A_77 = arith.constant 0 : i32
    %dma_wait3A_78 = arith.constant 0 : i32
    %dma_wait3A_79 = tpu.memref_slice %arg9[%dma_wait3A_76, %dma_wait3A_77, %dma_wait3A_78] : memref<4x1280x16xf32, #tpu.memory_space<vmem>> -> memref<1x1280x16xf32, #tpu.memory_space<vmem>>
    %dma_wait3A_80 = tpu.memref_squeeze %dma_wait3A_79 : memref<1x1280x16xf32, #tpu.memory_space<vmem>> -> memref<1280x16xf32, #tpu.memory_space<vmem>>
    %dma_wait3A_81 = arith.constant 0 : i32
    %dma_wait3A_82 = tpu.memref_slice %arg7[%dma_wait3A_75, %dma_wait3A_81] : memref<8x1280xi32, #tpu.memory_space<vmem>> -> memref<1x1280xi32, #tpu.memory_space<vmem>>
    %dma_wait3A_83 = tpu.memref_squeeze %dma_wait3A_82 : memref<1x1280xi32, #tpu.memory_space<vmem>> -> memref<1280xi32, #tpu.memory_space<vmem>>
    %dma_wait3A_84 = arith.constant 0 : i32
    %dma_wait3A_85 = arith.constant 0 : i32
    %dma_wait3A_86 = tpu.memref_slice %arg2[%dma_wait3A_84, %dma_wait3A_85] : memref<10000x16xf32, #tpu.memory_space<hbm>> -> memref<10000x16xf32, #tpu.memory_space<hbm>>
    tpu.wait_indirect_dma semaphore(%arg11 : memref<!tpu.dma_semaphore, #tpu.memory_space<semaphore_mem>>) src(%dma_wait3A_86 : memref<10000x16xf32, #tpu.memory_space<hbm>>) dst(%dma_wait3A_80 : memref<1280x16xf32, #tpu.memory_space<vmem>>)
    %dma_start3A_87 = arith.constant 1 : i32
    %dma_start3A_88 = arith.constant 1 : i32
    %dma_start3A_89 = arith.constant 0 : i32
    %dma_start3A_90 = arith.constant 0 : i32
    %dma_start3A_91 = tpu.memref_slice %arg9[%dma_start3A_87, %dma_start3A_89, %dma_start3A_90] : memref<4x1280x16xf32, #tpu.memory_space<vmem>> -> memref<1x1280x16xf32, #tpu.memory_space<vmem>>
    %dma_start3A_92 = tpu.memref_squeeze %dma_start3A_91 : memref<1x1280x16xf32, #tpu.memory_space<vmem>> -> memref<1280x16xf32, #tpu.memory_space<vmem>>
    %dma_start3A_93 = arith.constant 0 : i32
    %dma_start3A_94 = tpu.memref_slice %arg8[%dma_start3A_88, %dma_start3A_93] : memref<8x1280xi32, #tpu.memory_space<vmem>> -> memref<1x1280xi32, #tpu.memory_space<vmem>>
    %dma_start3A_95 = tpu.memref_squeeze %dma_start3A_94 : memref<1x1280xi32, #tpu.memory_space<vmem>> -> memref<1280xi32, #tpu.memory_space<vmem>>
    %dma_start3A_96 = arith.constant 0 : i32
    %dma_start3A_97 = arith.constant 0 : i32
    %dma_start3A_98 = tpu.memref_slice %arg10[%dma_start3A_96, %dma_start3A_97] : memref<10112x16xf32, #tpu.memory_space<vmem_shared>> -> memref<10112x16xf32, #tpu.memory_space<vmem_shared>>
    tpu.enqueue_indirect_dma source(%dma_start3A_92 : memref<1280x16xf32, #tpu.memory_space<vmem>>) target(%dma_start3A_98 : memref<10112x16xf32, #tpu.memory_space<vmem_shared>>) offsets(%dma_start3A_95 : memref<1280xi32, #tpu.memory_space<vmem>>) semaphore(%arg12 : memref<!tpu.dma_semaphore, #tpu.memory_space<semaphore_mem>>) {add = true}
    %dma_wait3A_99 = arith.constant 0 : i32
    %dma_wait3A_100 = arith.constant 0 : i32
    %dma_wait3A_101 = arith.constant 0 : i32
    %dma_wait3A_102 = arith.constant 0 : i32
    %dma_wait3A_103 = tpu.memref_slice %arg9[%dma_wait3A_99, %dma_wait3A_101, %dma_wait3A_102] : memref<4x1280x16xf32, #tpu.memory_space<vmem>> -> memref<1x1280x16xf32, #tpu.memory_space<vmem>>
    %dma_wait3A_104 = tpu.memref_squeeze %dma_wait3A_103 : memref<1x1280x16xf32, #tpu.memory_space<vmem>> -> memref<1280x16xf32, #tpu.memory_space<vmem>>
    %dma_wait3A_105 = arith.constant 0 : i32
    %dma_wait3A_106 = tpu.memref_slice %arg8[%dma_wait3A_100, %dma_wait3A_105] : memref<8x1280xi32, #tpu.memory_space<vmem>> -> memref<1x1280xi32, #tpu.memory_space<vmem>>
    %dma_wait3A_107 = tpu.memref_squeeze %dma_wait3A_106 : memref<1x1280xi32, #tpu.memory_space<vmem>> -> memref<1280xi32, #tpu.memory_space<vmem>>
    %dma_wait3A_108 = arith.constant 0 : i32
    %dma_wait3A_109 = arith.constant 0 : i32
    %dma_wait3A_110 = tpu.memref_slice %arg10[%dma_wait3A_108, %dma_wait3A_109] : memref<10112x16xf32, #tpu.memory_space<vmem_shared>> -> memref<10112x16xf32, #tpu.memory_space<vmem_shared>>
    tpu.wait_indirect_dma semaphore(%arg12 : memref<!tpu.dma_semaphore, #tpu.memory_space<semaphore_mem>>) src(%dma_wait3A_104 : memref<1280x16xf32, #tpu.memory_space<vmem>>) dst(%dma_wait3A_110 : memref<10112x16xf32, #tpu.memory_space<vmem_shared>>)
    %dma_start3A_111 = arith.constant 4 : i32
    %dma_start3A_112 = arith.constant 0 : i32
    %dma_start3A_113 = arith.constant 0 : i32
    %dma_start3A_114 = arith.constant 0 : i32
    %dma_start3A_115 = tpu.memref_slice %arg9[%dma_start3A_112, %dma_start3A_113, %dma_start3A_114] : memref<4x1280x16xf32, #tpu.memory_space<vmem>> -> memref<1x1280x16xf32, #tpu.memory_space<vmem>>
    %dma_start3A_116 = tpu.memref_squeeze %dma_start3A_115 : memref<1x1280x16xf32, #tpu.memory_space<vmem>> -> memref<1280x16xf32, #tpu.memory_space<vmem>>
    %dma_start3A_117 = arith.constant 0 : i32
    %dma_start3A_118 = tpu.memref_slice %arg7[%dma_start3A_111, %dma_start3A_117] : memref<8x1280xi32, #tpu.memory_space<vmem>> -> memref<1x1280xi32, #tpu.memory_space<vmem>>
    %dma_start3A_119 = tpu.memref_squeeze %dma_start3A_118 : memref<1x1280xi32, #tpu.memory_space<vmem>> -> memref<1280xi32, #tpu.memory_space<vmem>>
    %dma_start3A_120 = arith.constant 0 : i32
    %dma_start3A_121 = arith.constant 0 : i32
    %dma_start3A_122 = tpu.memref_slice %arg2[%dma_start3A_120, %dma_start3A_121] : memref<10000x16xf32, #tpu.memory_space<hbm>> -> memref<10000x16xf32, #tpu.memory_space<hbm>>
    tpu.enqueue_indirect_dma source(%dma_start3A_122 : memref<10000x16xf32, #tpu.memory_space<hbm>>) target(%dma_start3A_116 : memref<1280x16xf32, #tpu.memory_space<vmem>>) offsets(%dma_start3A_119 : memref<1280xi32, #tpu.memory_space<vmem>>) semaphore(%arg11 : memref<!tpu.dma_semaphore, #tpu.memory_space<semaphore_mem>>)
    %dma_wait3A_123 = arith.constant 2 : i32
    %dma_wait3A_124 = arith.constant 2 : i32
    %dma_wait3A_125 = arith.constant 0 : i32
    %dma_wait3A_126 = arith.constant 0 : i32
    %dma_wait3A_127 = tpu.memref_slice %arg9[%dma_wait3A_124, %dma_wait3A_125, %dma_wait3A_126] : memref<4x1280x16xf32, #tpu.memory_space<vmem>> -> memref<1x1280x16xf32, #tpu.memory_space<vmem>>
    %dma_wait3A_128 = tpu.memref_squeeze %dma_wait3A_127 : memref<1x1280x16xf32, #tpu.memory_space<vmem>> -> memref<1280x16xf32, #tpu.memory_space<vmem>>
    %dma_wait3A_129 = arith.constant 0 : i32
    %dma_wait3A_130 = tpu.memref_slice %arg7[%dma_wait3A_123, %dma_wait3A_129] : memref<8x1280xi32, #tpu.memory_space<vmem>> -> memref<1x1280xi32, #tpu.memory_space<vmem>>
    %dma_wait3A_131 = tpu.memref_squeeze %dma_wait3A_130 : memref<1x1280xi32, #tpu.memory_space<vmem>> -> memref<1280xi32, #tpu.memory_space<vmem>>
    %dma_wait3A_132 = arith.constant 0 : i32
    %dma_wait3A_133 = arith.constant 0 : i32
    %dma_wait3A_134 = tpu.memref_slice %arg2[%dma_wait3A_132, %dma_wait3A_133] : memref<10000x16xf32, #tpu.memory_space<hbm>> -> memref<10000x16xf32, #tpu.memory_space<hbm>>
    tpu.wait_indirect_dma semaphore(%arg11 : memref<!tpu.dma_semaphore, #tpu.memory_space<semaphore_mem>>) src(%dma_wait3A_134 : memref<10000x16xf32, #tpu.memory_space<hbm>>) dst(%dma_wait3A_128 : memref<1280x16xf32, #tpu.memory_space<vmem>>)
    %dma_start3A_135 = arith.constant 2 : i32
    %dma_start3A_136 = arith.constant 2 : i32
    %dma_start3A_137 = arith.constant 0 : i32
    %dma_start3A_138 = arith.constant 0 : i32
    %dma_start3A_139 = tpu.memref_slice %arg9[%dma_start3A_135, %dma_start3A_137, %dma_start3A_138] : memref<4x1280x16xf32, #tpu.memory_space<vmem>> -> memref<1x1280x16xf32, #tpu.memory_space<vmem>>
    %dma_start3A_140 = tpu.memref_squeeze %dma_start3A_139 : memref<1x1280x16xf32, #tpu.memory_space<vmem>> -> memref<1280x16xf32, #tpu.memory_space<vmem>>
    %dma_start3A_141 = arith.constant 0 : i32
    %dma_start3A_142 = tpu.memref_slice %arg8[%dma_start3A_136, %dma_start3A_141] : memref<8x1280xi32, #tpu.memory_space<vmem>> -> memref<1x1280xi32, #tpu.memory_space<vmem>>
    %dma_start3A_143 = tpu.memref_squeeze %dma_start3A_142 : memref<1x1280xi32, #tpu.memory_space<vmem>> -> memref<1280xi32, #tpu.memory_space<vmem>>
    %dma_start3A_144 = arith.constant 0 : i32
    %dma_start3A_145 = arith.constant 0 : i32
    %dma_start3A_146 = tpu.memref_slice %arg10[%dma_start3A_144, %dma_start3A_145] : memref<10112x16xf32, #tpu.memory_space<vmem_shared>> -> memref<10112x16xf32, #tpu.memory_space<vmem_shared>>
    tpu.enqueue_indirect_dma source(%dma_start3A_140 : memref<1280x16xf32, #tpu.memory_space<vmem>>) target(%dma_start3A_146 : memref<10112x16xf32, #tpu.memory_space<vmem_shared>>) offsets(%dma_start3A_143 : memref<1280xi32, #tpu.memory_space<vmem>>) semaphore(%arg12 : memref<!tpu.dma_semaphore, #tpu.memory_space<semaphore_mem>>) {add = true}
    %dma_wait3A_147 = arith.constant 1 : i32
    %dma_wait3A_148 = arith.constant 1 : i32
    %dma_wait3A_149 = arith.constant 0 : i32
    %dma_wait3A_150 = arith.constant 0 : i32
    %dma_wait3A_151 = tpu.memref_slice %arg9[%dma_wait3A_147, %dma_wait3A_149, %dma_wait3A_150] : memref<4x1280x16xf32, #tpu.memory_space<vmem>> -> memref<1x1280x16xf32, #tpu.memory_space<vmem>>
    %dma_wait3A_152 = tpu.memref_squeeze %dma_wait3A_151 : memref<1x1280x16xf32, #tpu.memory_space<vmem>> -> memref<1280x16xf32, #tpu.memory_space<vmem>>
    %dma_wait3A_153 = arith.constant 0 : i32
    %dma_wait3A_154 = tpu.memref_slice %arg8[%dma_wait3A_148, %dma_wait3A_153] : memref<8x1280xi32, #tpu.memory_space<vmem>> -> memref<1x1280xi32, #tpu.memory_space<vmem>>
    %dma_wait3A_155 = tpu.memref_squeeze %dma_wait3A_154 : memref<1x1280xi32, #tpu.memory_space<vmem>> -> memref<1280xi32, #tpu.memory_space<vmem>>
    %dma_wait3A_156 = arith.constant 0 : i32
    %dma_wait3A_157 = arith.constant 0 : i32
    %dma_wait3A_158 = tpu.memref_slice %arg10[%dma_wait3A_156, %dma_wait3A_157] : memref<10112x16xf32, #tpu.memory_space<vmem_shared>> -> memref<10112x16xf32, #tpu.memory_space<vmem_shared>>
    tpu.wait_indirect_dma semaphore(%arg12 : memref<!tpu.dma_semaphore, #tpu.memory_space<semaphore_mem>>) src(%dma_wait3A_152 : memref<1280x16xf32, #tpu.memory_space<vmem>>) dst(%dma_wait3A_158 : memref<10112x16xf32, #tpu.memory_space<vmem_shared>>)
    %dma_start3A_159 = arith.constant 5 : i32
    %dma_start3A_160 = arith.constant 1 : i32
    %dma_start3A_161 = arith.constant 0 : i32
    %dma_start3A_162 = arith.constant 0 : i32
    %dma_start3A_163 = tpu.memref_slice %arg9[%dma_start3A_160, %dma_start3A_161, %dma_start3A_162] : memref<4x1280x16xf32, #tpu.memory_space<vmem>> -> memref<1x1280x16xf32, #tpu.memory_space<vmem>>
    %dma_start3A_164 = tpu.memref_squeeze %dma_start3A_163 : memref<1x1280x16xf32, #tpu.memory_space<vmem>> -> memref<1280x16xf32, #tpu.memory_space<vmem>>
    %dma_start3A_165 = arith.constant 0 : i32
    %dma_start3A_166 = tpu.memref_slice %arg7[%dma_start3A_159, %dma_start3A_165] : memref<8x1280xi32, #tpu.memory_space<vmem>> -> memref<1x1280xi32, #tpu.memory_space<vmem>>
    %dma_start3A_167 = tpu.memref_squeeze %dma_start3A_166 : memref<1x1280xi32, #tpu.memory_space<vmem>> -> memref<1280xi32, #tpu.memory_space<vmem>>
    %dma_start3A_168 = arith.constant 0 : i32
    %dma_start3A_169 = arith.constant 0 : i32
    %dma_start3A_170 = tpu.memref_slice %arg2[%dma_start3A_168, %dma_start3A_169] : memref<10000x16xf32, #tpu.memory_space<hbm>> -> memref<10000x16xf32, #tpu.memory_space<hbm>>
    tpu.enqueue_indirect_dma source(%dma_start3A_170 : memref<10000x16xf32, #tpu.memory_space<hbm>>) target(%dma_start3A_164 : memref<1280x16xf32, #tpu.memory_space<vmem>>) offsets(%dma_start3A_167 : memref<1280xi32, #tpu.memory_space<vmem>>) semaphore(%arg11 : memref<!tpu.dma_semaphore, #tpu.memory_space<semaphore_mem>>)
    %dma_wait3A_171 = arith.constant 3 : i32
    %dma_wait3A_172 = arith.constant 3 : i32
    %dma_wait3A_173 = arith.constant 0 : i32
    %dma_wait3A_174 = arith.constant 0 : i32
    %dma_wait3A_175 = tpu.memref_slice %arg9[%dma_wait3A_172, %dma_wait3A_173, %dma_wait3A_174] : memref<4x1280x16xf32, #tpu.memory_space<vmem>> -> memref<1x1280x16xf32, #tpu.memory_space<vmem>>
    %dma_wait3A_176 = tpu.memref_squeeze %dma_wait3A_175 : memref<1x1280x16xf32, #tpu.memory_space<vmem>> -> memref<1280x16xf32, #tpu.memory_space<vmem>>
    %dma_wait3A_177 = arith.constant 0 : i32
    %dma_wait3A_178 = tpu.memref_slice %arg7[%dma_wait3A_171, %dma_wait3A_177] : memref<8x1280xi32, #tpu.memory_space<vmem>> -> memref<1x1280xi32, #tpu.memory_space<vmem>>
    %dma_wait3A_179 = tpu.memref_squeeze %dma_wait3A_178 : memref<1x1280xi32, #tpu.memory_space<vmem>> -> memref<1280xi32, #tpu.memory_space<vmem>>
    %dma_wait3A_180 = arith.constant 0 : i32
    %dma_wait3A_181 = arith.constant 0 : i32
    %dma_wait3A_182 = tpu.memref_slice %arg2[%dma_wait3A_180, %dma_wait3A_181] : memref<10000x16xf32, #tpu.memory_space<hbm>> -> memref<10000x16xf32, #tpu.memory_space<hbm>>
    tpu.wait_indirect_dma semaphore(%arg11 : memref<!tpu.dma_semaphore, #tpu.memory_space<semaphore_mem>>) src(%dma_wait3A_182 : memref<10000x16xf32, #tpu.memory_space<hbm>>) dst(%dma_wait3A_176 : memref<1280x16xf32, #tpu.memory_space<vmem>>)
    %dma_start3A_183 = arith.constant 3 : i32
    %dma_start3A_184 = arith.constant 3 : i32
    %dma_start3A_185 = arith.constant 0 : i32
    %dma_start3A_186 = arith.constant 0 : i32
    %dma_start3A_187 = tpu.memref_slice %arg9[%dma_start3A_183, %dma_start3A_185, %dma_start3A_186] : memref<4x1280x16xf32, #tpu.memory_space<vmem>> -> memref<1x1280x16xf32, #tpu.memory_space<vmem>>
    %dma_start3A_188 = tpu.memref_squeeze %dma_start3A_187 : memref<1x1280x16xf32, #tpu.memory_space<vmem>> -> memref<1280x16xf32, #tpu.memory_space<vmem>>
    %dma_start3A_189 = arith.constant 0 : i32
    %dma_start3A_190 = tpu.memref_slice %arg8[%dma_start3A_184, %dma_start3A_189] : memref<8x1280xi32, #tpu.memory_space<vmem>> -> memref<1x1280xi32, #tpu.memory_space<vmem>>
    %dma_start3A_191 = tpu.memref_squeeze %dma_start3A_190 : memref<1x1280xi32, #tpu.memory_space<vmem>> -> memref<1280xi32, #tpu.memory_space<vmem>>
    %dma_start3A_192 = arith.constant 0 : i32
    %dma_start3A_193 = arith.constant 0 : i32
    %dma_start3A_194 = tpu.memref_slice %arg10[%dma_start3A_192, %dma_start3A_193] : memref<10112x16xf32, #tpu.memory_space<vmem_shared>> -> memref<10112x16xf32, #tpu.memory_space<vmem_shared>>
    tpu.enqueue_indirect_dma source(%dma_start3A_188 : memref<1280x16xf32, #tpu.memory_space<vmem>>) target(%dma_start3A_194 : memref<10112x16xf32, #tpu.memory_space<vmem_shared>>) offsets(%dma_start3A_191 : memref<1280xi32, #tpu.memory_space<vmem>>) semaphore(%arg12 : memref<!tpu.dma_semaphore, #tpu.memory_space<semaphore_mem>>) {add = true}
    %dma_wait3A_195 = arith.constant 2 : i32
    %dma_wait3A_196 = arith.constant 2 : i32
    %dma_wait3A_197 = arith.constant 0 : i32
    %dma_wait3A_198 = arith.constant 0 : i32
    %dma_wait3A_199 = tpu.memref_slice %arg9[%dma_wait3A_195, %dma_wait3A_197, %dma_wait3A_198] : memref<4x1280x16xf32, #tpu.memory_space<vmem>> -> memref<1x1280x16xf32, #tpu.memory_space<vmem>>
    %dma_wait3A_200 = tpu.memref_squeeze %dma_wait3A_199 : memref<1x1280x16xf32, #tpu.memory_space<vmem>> -> memref<1280x16xf32, #tpu.memory_space<vmem>>
    %dma_wait3A_201 = arith.constant 0 : i32
    %dma_wait3A_202 = tpu.memref_slice %arg8[%dma_wait3A_196, %dma_wait3A_201] : memref<8x1280xi32, #tpu.memory_space<vmem>> -> memref<1x1280xi32, #tpu.memory_space<vmem>>
    %dma_wait3A_203 = tpu.memref_squeeze %dma_wait3A_202 : memref<1x1280xi32, #tpu.memory_space<vmem>> -> memref<1280xi32, #tpu.memory_space<vmem>>
    %dma_wait3A_204 = arith.constant 0 : i32
    %dma_wait3A_205 = arith.constant 0 : i32
    %dma_wait3A_206 = tpu.memref_slice %arg10[%dma_wait3A_204, %dma_wait3A_205] : memref<10112x16xf32, #tpu.memory_space<vmem_shared>> -> memref<10112x16xf32, #tpu.memory_space<vmem_shared>>
    tpu.wait_indirect_dma semaphore(%arg12 : memref<!tpu.dma_semaphore, #tpu.memory_space<semaphore_mem>>) src(%dma_wait3A_200 : memref<1280x16xf32, #tpu.memory_space<vmem>>) dst(%dma_wait3A_206 : memref<10112x16xf32, #tpu.memory_space<vmem_shared>>)
    %dma_start3A_207 = arith.constant 6 : i32
    %dma_start3A_208 = arith.constant 2 : i32
    %dma_start3A_209 = arith.constant 0 : i32
    %dma_start3A_210 = arith.constant 0 : i32
    %dma_start3A_211 = tpu.memref_slice %arg9[%dma_start3A_208, %dma_start3A_209, %dma_start3A_210] : memref<4x1280x16xf32, #tpu.memory_space<vmem>> -> memref<1x1280x16xf32, #tpu.memory_space<vmem>>
    %dma_start3A_212 = tpu.memref_squeeze %dma_start3A_211 : memref<1x1280x16xf32, #tpu.memory_space<vmem>> -> memref<1280x16xf32, #tpu.memory_space<vmem>>
    %dma_start3A_213 = arith.constant 0 : i32
    %dma_start3A_214 = tpu.memref_slice %arg7[%dma_start3A_207, %dma_start3A_213] : memref<8x1280xi32, #tpu.memory_space<vmem>> -> memref<1x1280xi32, #tpu.memory_space<vmem>>
    %dma_start3A_215 = tpu.memref_squeeze %dma_start3A_214 : memref<1x1280xi32, #tpu.memory_space<vmem>> -> memref<1280xi32, #tpu.memory_space<vmem>>
    %dma_start3A_216 = arith.constant 0 : i32
    %dma_start3A_217 = arith.constant 0 : i32
    %dma_start3A_218 = tpu.memref_slice %arg2[%dma_start3A_216, %dma_start3A_217] : memref<10000x16xf32, #tpu.memory_space<hbm>> -> memref<10000x16xf32, #tpu.memory_space<hbm>>
    tpu.enqueue_indirect_dma source(%dma_start3A_218 : memref<10000x16xf32, #tpu.memory_space<hbm>>) target(%dma_start3A_212 : memref<1280x16xf32, #tpu.memory_space<vmem>>) offsets(%dma_start3A_215 : memref<1280xi32, #tpu.memory_space<vmem>>) semaphore(%arg11 : memref<!tpu.dma_semaphore, #tpu.memory_space<semaphore_mem>>)
    %dma_wait3A_219 = arith.constant 4 : i32
    %dma_wait3A_220 = arith.constant 0 : i32
    %dma_wait3A_221 = arith.constant 0 : i32
    %dma_wait3A_222 = arith.constant 0 : i32
    %dma_wait3A_223 = tpu.memref_slice %arg9[%dma_wait3A_220, %dma_wait3A_221, %dma_wait3A_222] : memref<4x1280x16xf32, #tpu.memory_space<vmem>> -> memref<1x1280x16xf32, #tpu.memory_space<vmem>>
    %dma_wait3A_224 = tpu.memref_squeeze %dma_wait3A_223 : memref<1x1280x16xf32, #tpu.memory_space<vmem>> -> memref<1280x16xf32, #tpu.memory_space<vmem>>
    %dma_wait3A_225 = arith.constant 0 : i32
    %dma_wait3A_226 = tpu.memref_slice %arg7[%dma_wait3A_219, %dma_wait3A_225] : memref<8x1280xi32, #tpu.memory_space<vmem>> -> memref<1x1280xi32, #tpu.memory_space<vmem>>
    %dma_wait3A_227 = tpu.memref_squeeze %dma_wait3A_226 : memref<1x1280xi32, #tpu.memory_space<vmem>> -> memref<1280xi32, #tpu.memory_space<vmem>>
    %dma_wait3A_228 = arith.constant 0 : i32
    %dma_wait3A_229 = arith.constant 0 : i32
    %dma_wait3A_230 = tpu.memref_slice %arg2[%dma_wait3A_228, %dma_wait3A_229] : memref<10000x16xf32, #tpu.memory_space<hbm>> -> memref<10000x16xf32, #tpu.memory_space<hbm>>
    tpu.wait_indirect_dma semaphore(%arg11 : memref<!tpu.dma_semaphore, #tpu.memory_space<semaphore_mem>>) src(%dma_wait3A_230 : memref<10000x16xf32, #tpu.memory_space<hbm>>) dst(%dma_wait3A_224 : memref<1280x16xf32, #tpu.memory_space<vmem>>)
    %dma_start3A_231 = arith.constant 0 : i32
    %dma_start3A_232 = arith.constant 4 : i32
    %dma_start3A_233 = arith.constant 0 : i32
    %dma_start3A_234 = arith.constant 0 : i32
    %dma_start3A_235 = tpu.memref_slice %arg9[%dma_start3A_231, %dma_start3A_233, %dma_start3A_234] : memref<4x1280x16xf32, #tpu.memory_space<vmem>> -> memref<1x1280x16xf32, #tpu.memory_space<vmem>>
    %dma_start3A_236 = tpu.memref_squeeze %dma_start3A_235 : memref<1x1280x16xf32, #tpu.memory_space<vmem>> -> memref<1280x16xf32, #tpu.memory_space<vmem>>
    %dma_start3A_237 = arith.constant 0 : i32
    %dma_start3A_238 = tpu.memref_slice %arg8[%dma_start3A_232, %dma_start3A_237] : memref<8x1280xi32, #tpu.memory_space<vmem>> -> memref<1x1280xi32, #tpu.memory_space<vmem>>
    %dma_start3A_239 = tpu.memref_squeeze %dma_start3A_238 : memref<1x1280xi32, #tpu.memory_space<vmem>> -> memref<1280xi32, #tpu.memory_space<vmem>>
    %dma_start3A_240 = arith.constant 0 : i32
    %dma_start3A_241 = arith.constant 0 : i32
    %dma_start3A_242 = tpu.memref_slice %arg10[%dma_start3A_240, %dma_start3A_241] : memref<10112x16xf32, #tpu.memory_space<vmem_shared>> -> memref<10112x16xf32, #tpu.memory_space<vmem_shared>>
    tpu.enqueue_indirect_dma source(%dma_start3A_236 : memref<1280x16xf32, #tpu.memory_space<vmem>>) target(%dma_start3A_242 : memref<10112x16xf32, #tpu.memory_space<vmem_shared>>) offsets(%dma_start3A_239 : memref<1280xi32, #tpu.memory_space<vmem>>) semaphore(%arg12 : memref<!tpu.dma_semaphore, #tpu.memory_space<semaphore_mem>>) {add = true}
    %dma_wait3A_243 = arith.constant 3 : i32
    %dma_wait3A_244 = arith.constant 3 : i32
    %dma_wait3A_245 = arith.constant 0 : i32
    %dma_wait3A_246 = arith.constant 0 : i32
    %dma_wait3A_247 = tpu.memref_slice %arg9[%dma_wait3A_243, %dma_wait3A_245, %dma_wait3A_246] : memref<4x1280x16xf32, #tpu.memory_space<vmem>> -> memref<1x1280x16xf32, #tpu.memory_space<vmem>>
    %dma_wait3A_248 = tpu.memref_squeeze %dma_wait3A_247 : memref<1x1280x16xf32, #tpu.memory_space<vmem>> -> memref<1280x16xf32, #tpu.memory_space<vmem>>
    %dma_wait3A_249 = arith.constant 0 : i32
    %dma_wait3A_250 = tpu.memref_slice %arg8[%dma_wait3A_244, %dma_wait3A_249] : memref<8x1280xi32, #tpu.memory_space<vmem>> -> memref<1x1280xi32, #tpu.memory_space<vmem>>
    %dma_wait3A_251 = tpu.memref_squeeze %dma_wait3A_250 : memref<1x1280xi32, #tpu.memory_space<vmem>> -> memref<1280xi32, #tpu.memory_space<vmem>>
    %dma_wait3A_252 = arith.constant 0 : i32
    %dma_wait3A_253 = arith.constant 0 : i32
    %dma_wait3A_254 = tpu.memref_slice %arg10[%dma_wait3A_252, %dma_wait3A_253] : memref<10112x16xf32, #tpu.memory_space<vmem_shared>> -> memref<10112x16xf32, #tpu.memory_space<vmem_shared>>
    tpu.wait_indirect_dma semaphore(%arg12 : memref<!tpu.dma_semaphore, #tpu.memory_space<semaphore_mem>>) src(%dma_wait3A_248 : memref<1280x16xf32, #tpu.memory_space<vmem>>) dst(%dma_wait3A_254 : memref<10112x16xf32, #tpu.memory_space<vmem_shared>>)
    %dma_start3A_255 = arith.constant 7 : i32
    %dma_start3A_256 = arith.constant 3 : i32
    %dma_start3A_257 = arith.constant 0 : i32
    %dma_start3A_258 = arith.constant 0 : i32
    %dma_start3A_259 = tpu.memref_slice %arg9[%dma_start3A_256, %dma_start3A_257, %dma_start3A_258] : memref<4x1280x16xf32, #tpu.memory_space<vmem>> -> memref<1x1280x16xf32, #tpu.memory_space<vmem>>
    %dma_start3A_260 = tpu.memref_squeeze %dma_start3A_259 : memref<1x1280x16xf32, #tpu.memory_space<vmem>> -> memref<1280x16xf32, #tpu.memory_space<vmem>>
    %dma_start3A_261 = arith.constant 0 : i32
    %dma_start3A_262 = tpu.memref_slice %arg7[%dma_start3A_255, %dma_start3A_261] : memref<8x1280xi32, #tpu.memory_space<vmem>> -> memref<1x1280xi32, #tpu.memory_space<vmem>>
    %dma_start3A_263 = tpu.memref_squeeze %dma_start3A_262 : memref<1x1280xi32, #tpu.memory_space<vmem>> -> memref<1280xi32, #tpu.memory_space<vmem>>
    %dma_start3A_264 = arith.constant 0 : i32
    %dma_start3A_265 = arith.constant 0 : i32
    %dma_start3A_266 = tpu.memref_slice %arg2[%dma_start3A_264, %dma_start3A_265] : memref<10000x16xf32, #tpu.memory_space<hbm>> -> memref<10000x16xf32, #tpu.memory_space<hbm>>
    tpu.enqueue_indirect_dma source(%dma_start3A_266 : memref<10000x16xf32, #tpu.memory_space<hbm>>) target(%dma_start3A_260 : memref<1280x16xf32, #tpu.memory_space<vmem>>) offsets(%dma_start3A_263 : memref<1280xi32, #tpu.memory_space<vmem>>) semaphore(%arg11 : memref<!tpu.dma_semaphore, #tpu.memory_space<semaphore_mem>>)
    %dma_wait3A_267 = arith.constant 5 : i32
    %dma_wait3A_268 = arith.constant 1 : i32
    %dma_wait3A_269 = arith.constant 0 : i32
    %dma_wait3A_270 = arith.constant 0 : i32
    %dma_wait3A_271 = tpu.memref_slice %arg9[%dma_wait3A_268, %dma_wait3A_269, %dma_wait3A_270] : memref<4x1280x16xf32, #tpu.memory_space<vmem>> -> memref<1x1280x16xf32, #tpu.memory_space<vmem>>
    %dma_wait3A_272 = tpu.memref_squeeze %dma_wait3A_271 : memref<1x1280x16xf32, #tpu.memory_space<vmem>> -> memref<1280x16xf32, #tpu.memory_space<vmem>>
    %dma_wait3A_273 = arith.constant 0 : i32
    %dma_wait3A_274 = tpu.memref_slice %arg7[%dma_wait3A_267, %dma_wait3A_273] : memref<8x1280xi32, #tpu.memory_space<vmem>> -> memref<1x1280xi32, #tpu.memory_space<vmem>>
    %dma_wait3A_275 = tpu.memref_squeeze %dma_wait3A_274 : memref<1x1280xi32, #tpu.memory_space<vmem>> -> memref<1280xi32, #tpu.memory_space<vmem>>
    %dma_wait3A_276 = arith.constant 0 : i32
    %dma_wait3A_277 = arith.constant 0 : i32
    %dma_wait3A_278 = tpu.memref_slice %arg2[%dma_wait3A_276, %dma_wait3A_277] : memref<10000x16xf32, #tpu.memory_space<hbm>> -> memref<10000x16xf32, #tpu.memory_space<hbm>>
    tpu.wait_indirect_dma semaphore(%arg11 : memref<!tpu.dma_semaphore, #tpu.memory_space<semaphore_mem>>) src(%dma_wait3A_278 : memref<10000x16xf32, #tpu.memory_space<hbm>>) dst(%dma_wait3A_272 : memref<1280x16xf32, #tpu.memory_space<vmem>>)
    %dma_start3A_279 = arith.constant 1 : i32
    %dma_start3A_280 = arith.constant 5 : i32
    %dma_start3A_281 = arith.constant 0 : i32
    %dma_start3A_282 = arith.constant 0 : i32
    %dma_start3A_283 = tpu.memref_slice %arg9[%dma_start3A_279, %dma_start3A_281, %dma_start3A_282] : memref<4x1280x16xf32, #tpu.memory_space<vmem>> -> memref<1x1280x16xf32, #tpu.memory_space<vmem>>
    %dma_start3A_284 = tpu.memref_squeeze %dma_start3A_283 : memref<1x1280x16xf32, #tpu.memory_space<vmem>> -> memref<1280x16xf32, #tpu.memory_space<vmem>>
    %dma_start3A_285 = arith.constant 0 : i32
    %dma_start3A_286 = tpu.memref_slice %arg8[%dma_start3A_280, %dma_start3A_285] : memref<8x1280xi32, #tpu.memory_space<vmem>> -> memref<1x1280xi32, #tpu.memory_space<vmem>>
    %dma_start3A_287 = tpu.memref_squeeze %dma_start3A_286 : memref<1x1280xi32, #tpu.memory_space<vmem>> -> memref<1280xi32, #tpu.memory_space<vmem>>
    %dma_start3A_288 = arith.constant 0 : i32
    %dma_start3A_289 = arith.constant 0 : i32
    %dma_start3A_290 = tpu.memref_slice %arg10[%dma_start3A_288, %dma_start3A_289] : memref<10112x16xf32, #tpu.memory_space<vmem_shared>> -> memref<10112x16xf32, #tpu.memory_space<vmem_shared>>
    tpu.enqueue_indirect_dma source(%dma_start3A_284 : memref<1280x16xf32, #tpu.memory_space<vmem>>) target(%dma_start3A_290 : memref<10112x16xf32, #tpu.memory_space<vmem_shared>>) offsets(%dma_start3A_287 : memref<1280xi32, #tpu.memory_space<vmem>>) semaphore(%arg12 : memref<!tpu.dma_semaphore, #tpu.memory_space<semaphore_mem>>) {add = true}
    %dma_wait3A_291 = arith.constant 6 : i32
    %dma_wait3A_292 = arith.constant 2 : i32
    %dma_wait3A_293 = arith.constant 0 : i32
    %dma_wait3A_294 = arith.constant 0 : i32
    %dma_wait3A_295 = tpu.memref_slice %arg9[%dma_wait3A_292, %dma_wait3A_293, %dma_wait3A_294] : memref<4x1280x16xf32, #tpu.memory_space<vmem>> -> memref<1x1280x16xf32, #tpu.memory_space<vmem>>
    %dma_wait3A_296 = tpu.memref_squeeze %dma_wait3A_295 : memref<1x1280x16xf32, #tpu.memory_space<vmem>> -> memref<1280x16xf32, #tpu.memory_space<vmem>>
    %dma_wait3A_297 = arith.constant 0 : i32
    %dma_wait3A_298 = tpu.memref_slice %arg7[%dma_wait3A_291, %dma_wait3A_297] : memref<8x1280xi32, #tpu.memory_space<vmem>> -> memref<1x1280xi32, #tpu.memory_space<vmem>>
    %dma_wait3A_299 = tpu.memref_squeeze %dma_wait3A_298 : memref<1x1280xi32, #tpu.memory_space<vmem>> -> memref<1280xi32, #tpu.memory_space<vmem>>
    %dma_wait3A_300 = arith.constant 0 : i32
    %dma_wait3A_301 = arith.constant 0 : i32
    %dma_wait3A_302 = tpu.memref_slice %arg2[%dma_wait3A_300, %dma_wait3A_301] : memref<10000x16xf32, #tpu.memory_space<hbm>> -> memref<10000x16xf32, #tpu.memory_space<hbm>>
    tpu.wait_indirect_dma semaphore(%arg11 : memref<!tpu.dma_semaphore, #tpu.memory_space<semaphore_mem>>) src(%dma_wait3A_302 : memref<10000x16xf32, #tpu.memory_space<hbm>>) dst(%dma_wait3A_296 : memref<1280x16xf32, #tpu.memory_space<vmem>>)
    %dma_start3A_303 = arith.constant 2 : i32
    %dma_start3A_304 = arith.constant 6 : i32
    %dma_start3A_305 = arith.constant 0 : i32
    %dma_start3A_306 = arith.constant 0 : i32
    %dma_start3A_307 = tpu.memref_slice %arg9[%dma_start3A_303, %dma_start3A_305, %dma_start3A_306] : memref<4x1280x16xf32, #tpu.memory_space<vmem>> -> memref<1x1280x16xf32, #tpu.memory_space<vmem>>
    %dma_start3A_308 = tpu.memref_squeeze %dma_start3A_307 : memref<1x1280x16xf32, #tpu.memory_space<vmem>> -> memref<1280x16xf32, #tpu.memory_space<vmem>>
    %dma_start3A_309 = arith.constant 0 : i32
    %dma_start3A_310 = tpu.memref_slice %arg8[%dma_start3A_304, %dma_start3A_309] : memref<8x1280xi32, #tpu.memory_space<vmem>> -> memref<1x1280xi32, #tpu.memory_space<vmem>>
    %dma_start3A_311 = tpu.memref_squeeze %dma_start3A_310 : memref<1x1280xi32, #tpu.memory_space<vmem>> -> memref<1280xi32, #tpu.memory_space<vmem>>
    %dma_start3A_312 = arith.constant 0 : i32
    %dma_start3A_313 = arith.constant 0 : i32
    %dma_start3A_314 = tpu.memref_slice %arg10[%dma_start3A_312, %dma_start3A_313] : memref<10112x16xf32, #tpu.memory_space<vmem_shared>> -> memref<10112x16xf32, #tpu.memory_space<vmem_shared>>
    tpu.enqueue_indirect_dma source(%dma_start3A_308 : memref<1280x16xf32, #tpu.memory_space<vmem>>) target(%dma_start3A_314 : memref<10112x16xf32, #tpu.memory_space<vmem_shared>>) offsets(%dma_start3A_311 : memref<1280xi32, #tpu.memory_space<vmem>>) semaphore(%arg12 : memref<!tpu.dma_semaphore, #tpu.memory_space<semaphore_mem>>) {add = true}
    %dma_wait3A_315 = arith.constant 7 : i32
    %dma_wait3A_316 = arith.constant 3 : i32
    %dma_wait3A_317 = arith.constant 0 : i32
    %dma_wait3A_318 = arith.constant 0 : i32
    %dma_wait3A_319 = tpu.memref_slice %arg9[%dma_wait3A_316, %dma_wait3A_317, %dma_wait3A_318] : memref<4x1280x16xf32, #tpu.memory_space<vmem>> -> memref<1x1280x16xf32, #tpu.memory_space<vmem>>
    %dma_wait3A_320 = tpu.memref_squeeze %dma_wait3A_319 : memref<1x1280x16xf32, #tpu.memory_space<vmem>> -> memref<1280x16xf32, #tpu.memory_space<vmem>>
    %dma_wait3A_321 = arith.constant 0 : i32
    %dma_wait3A_322 = tpu.memref_slice %arg7[%dma_wait3A_315, %dma_wait3A_321] : memref<8x1280xi32, #tpu.memory_space<vmem>> -> memref<1x1280xi32, #tpu.memory_space<vmem>>
    %dma_wait3A_323 = tpu.memref_squeeze %dma_wait3A_322 : memref<1x1280xi32, #tpu.memory_space<vmem>> -> memref<1280xi32, #tpu.memory_space<vmem>>
    %dma_wait3A_324 = arith.constant 0 : i32
    %dma_wait3A_325 = arith.constant 0 : i32
    %dma_wait3A_326 = tpu.memref_slice %arg2[%dma_wait3A_324, %dma_wait3A_325] : memref<10000x16xf32, #tpu.memory_space<hbm>> -> memref<10000x16xf32, #tpu.memory_space<hbm>>
    tpu.wait_indirect_dma semaphore(%arg11 : memref<!tpu.dma_semaphore, #tpu.memory_space<semaphore_mem>>) src(%dma_wait3A_326 : memref<10000x16xf32, #tpu.memory_space<hbm>>) dst(%dma_wait3A_320 : memref<1280x16xf32, #tpu.memory_space<vmem>>)
    %dma_start3A_327 = arith.constant 3 : i32
    %dma_start3A_328 = arith.constant 7 : i32
    %dma_start3A_329 = arith.constant 0 : i32
    %dma_start3A_330 = arith.constant 0 : i32
    %dma_start3A_331 = tpu.memref_slice %arg9[%dma_start3A_327, %dma_start3A_329, %dma_start3A_330] : memref<4x1280x16xf32, #tpu.memory_space<vmem>> -> memref<1x1280x16xf32, #tpu.memory_space<vmem>>
    %dma_start3A_332 = tpu.memref_squeeze %dma_start3A_331 : memref<1x1280x16xf32, #tpu.memory_space<vmem>> -> memref<1280x16xf32, #tpu.memory_space<vmem>>
    %dma_start3A_333 = arith.constant 0 : i32
    %dma_start3A_334 = tpu.memref_slice %arg8[%dma_start3A_328, %dma_start3A_333] : memref<8x1280xi32, #tpu.memory_space<vmem>> -> memref<1x1280xi32, #tpu.memory_space<vmem>>
    %dma_start3A_335 = tpu.memref_squeeze %dma_start3A_334 : memref<1x1280xi32, #tpu.memory_space<vmem>> -> memref<1280xi32, #tpu.memory_space<vmem>>
    %dma_start3A_336 = arith.constant 0 : i32
    %dma_start3A_337 = arith.constant 0 : i32
    %dma_start3A_338 = tpu.memref_slice %arg10[%dma_start3A_336, %dma_start3A_337] : memref<10112x16xf32, #tpu.memory_space<vmem_shared>> -> memref<10112x16xf32, #tpu.memory_space<vmem_shared>>
    tpu.enqueue_indirect_dma source(%dma_start3A_332 : memref<1280x16xf32, #tpu.memory_space<vmem>>) target(%dma_start3A_338 : memref<10112x16xf32, #tpu.memory_space<vmem_shared>>) offsets(%dma_start3A_335 : memref<1280xi32, #tpu.memory_space<vmem>>) semaphore(%arg12 : memref<!tpu.dma_semaphore, #tpu.memory_space<semaphore_mem>>) {add = true}
    %dma_wait3A_339 = arith.constant 0 : i32
    %dma_wait3A_340 = arith.constant 4 : i32
    %dma_wait3A_341 = arith.constant 0 : i32
    %dma_wait3A_342 = arith.constant 0 : i32
    %dma_wait3A_343 = tpu.memref_slice %arg9[%dma_wait3A_339, %dma_wait3A_341, %dma_wait3A_342] : memref<4x1280x16xf32, #tpu.memory_space<vmem>> -> memref<1x1280x16xf32, #tpu.memory_space<vmem>>
    %dma_wait3A_344 = tpu.memref_squeeze %dma_wait3A_343 : memref<1x1280x16xf32, #tpu.memory_space<vmem>> -> memref<1280x16xf32, #tpu.memory_space<vmem>>
    %dma_wait3A_345 = arith.constant 0 : i32
    %dma_wait3A_346 = tpu.memref_slice %arg8[%dma_wait3A_340, %dma_wait3A_345] : memref<8x1280xi32, #tpu.memory_space<vmem>> -> memref<1x1280xi32, #tpu.memory_space<vmem>>
    %dma_wait3A_347 = tpu.memref_squeeze %dma_wait3A_346 : memref<1x1280xi32, #tpu.memory_space<vmem>> -> memref<1280xi32, #tpu.memory_space<vmem>>
    %dma_wait3A_348 = arith.constant 0 : i32
    %dma_wait3A_349 = arith.constant 0 : i32
    %dma_wait3A_350 = tpu.memref_slice %arg10[%dma_wait3A_348, %dma_wait3A_349] : memref<10112x16xf32, #tpu.memory_space<vmem_shared>> -> memref<10112x16xf32, #tpu.memory_space<vmem_shared>>
    tpu.wait_indirect_dma semaphore(%arg12 : memref<!tpu.dma_semaphore, #tpu.memory_space<semaphore_mem>>) src(%dma_wait3A_344 : memref<1280x16xf32, #tpu.memory_space<vmem>>) dst(%dma_wait3A_350 : memref<10112x16xf32, #tpu.memory_space<vmem_shared>>)
    %dma_wait3A_351 = arith.constant 1 : i32
    %dma_wait3A_352 = arith.constant 5 : i32
    %dma_wait3A_353 = arith.constant 0 : i32
    %dma_wait3A_354 = arith.constant 0 : i32
    %dma_wait3A_355 = tpu.memref_slice %arg9[%dma_wait3A_351, %dma_wait3A_353, %dma_wait3A_354] : memref<4x1280x16xf32, #tpu.memory_space<vmem>> -> memref<1x1280x16xf32, #tpu.memory_space<vmem>>
    %dma_wait3A_356 = tpu.memref_squeeze %dma_wait3A_355 : memref<1x1280x16xf32, #tpu.memory_space<vmem>> -> memref<1280x16xf32, #tpu.memory_space<vmem>>
    %dma_wait3A_357 = arith.constant 0 : i32
    %dma_wait3A_358 = tpu.memref_slice %arg8[%dma_wait3A_352, %dma_wait3A_357] : memref<8x1280xi32, #tpu.memory_space<vmem>> -> memref<1x1280xi32, #tpu.memory_space<vmem>>
    %dma_wait3A_359 = tpu.memref_squeeze %dma_wait3A_358 : memref<1x1280xi32, #tpu.memory_space<vmem>> -> memref<1280xi32, #tpu.memory_space<vmem>>
    %dma_wait3A_360 = arith.constant 0 : i32
    %dma_wait3A_361 = arith.constant 0 : i32
    %dma_wait3A_362 = tpu.memref_slice %arg10[%dma_wait3A_360, %dma_wait3A_361] : memref<10112x16xf32, #tpu.memory_space<vmem_shared>> -> memref<10112x16xf32, #tpu.memory_space<vmem_shared>>
    tpu.wait_indirect_dma semaphore(%arg12 : memref<!tpu.dma_semaphore, #tpu.memory_space<semaphore_mem>>) src(%dma_wait3A_356 : memref<1280x16xf32, #tpu.memory_space<vmem>>) dst(%dma_wait3A_362 : memref<10112x16xf32, #tpu.memory_space<vmem_shared>>)
    %dma_wait3A_363 = arith.constant 2 : i32
    %dma_wait3A_364 = arith.constant 6 : i32
    %dma_wait3A_365 = arith.constant 0 : i32
    %dma_wait3A_366 = arith.constant 0 : i32
    %dma_wait3A_367 = tpu.memref_slice %arg9[%dma_wait3A_363, %dma_wait3A_365, %dma_wait3A_366] : memref<4x1280x16xf32, #tpu.memory_space<vmem>> -> memref<1x1280x16xf32, #tpu.memory_space<vmem>>
    %dma_wait3A_368 = tpu.memref_squeeze %dma_wait3A_367 : memref<1x1280x16xf32, #tpu.memory_space<vmem>> -> memref<1280x16xf32, #tpu.memory_space<vmem>>
    %dma_wait3A_369 = arith.constant 0 : i32
    %dma_wait3A_370 = tpu.memref_slice %arg8[%dma_wait3A_364, %dma_wait3A_369] : memref<8x1280xi32, #tpu.memory_space<vmem>> -> memref<1x1280xi32, #tpu.memory_space<vmem>>
    %dma_wait3A_371 = tpu.memref_squeeze %dma_wait3A_370 : memref<1x1280xi32, #tpu.memory_space<vmem>> -> memref<1280xi32, #tpu.memory_space<vmem>>
    %dma_wait3A_372 = arith.constant 0 : i32
    %dma_wait3A_373 = arith.constant 0 : i32
    %dma_wait3A_374 = tpu.memref_slice %arg10[%dma_wait3A_372, %dma_wait3A_373] : memref<10112x16xf32, #tpu.memory_space<vmem_shared>> -> memref<10112x16xf32, #tpu.memory_space<vmem_shared>>
    tpu.wait_indirect_dma semaphore(%arg12 : memref<!tpu.dma_semaphore, #tpu.memory_space<semaphore_mem>>) src(%dma_wait3A_368 : memref<1280x16xf32, #tpu.memory_space<vmem>>) dst(%dma_wait3A_374 : memref<10112x16xf32, #tpu.memory_space<vmem_shared>>)
    %dma_wait3A_375 = arith.constant 3 : i32
    %dma_wait3A_376 = arith.constant 7 : i32
    %dma_wait3A_377 = arith.constant 0 : i32
    %dma_wait3A_378 = arith.constant 0 : i32
    %dma_wait3A_379 = tpu.memref_slice %arg9[%dma_wait3A_375, %dma_wait3A_377, %dma_wait3A_378] : memref<4x1280x16xf32, #tpu.memory_space<vmem>> -> memref<1x1280x16xf32, #tpu.memory_space<vmem>>
    %dma_wait3A_380 = tpu.memref_squeeze %dma_wait3A_379 : memref<1x1280x16xf32, #tpu.memory_space<vmem>> -> memref<1280x16xf32, #tpu.memory_space<vmem>>
    %dma_wait3A_381 = arith.constant 0 : i32
    %dma_wait3A_382 = tpu.memref_slice %arg8[%dma_wait3A_376, %dma_wait3A_381] : memref<8x1280xi32, #tpu.memory_space<vmem>> -> memref<1x1280xi32, #tpu.memory_space<vmem>>
    %dma_wait3A_383 = tpu.memref_squeeze %dma_wait3A_382 : memref<1x1280xi32, #tpu.memory_space<vmem>> -> memref<1280xi32, #tpu.memory_space<vmem>>
    %dma_wait3A_384 = arith.constant 0 : i32
    %dma_wait3A_385 = arith.constant 0 : i32
    %dma_wait3A_386 = tpu.memref_slice %arg10[%dma_wait3A_384, %dma_wait3A_385] : memref<10112x16xf32, #tpu.memory_space<vmem_shared>> -> memref<10112x16xf32, #tpu.memory_space<vmem_shared>>
    tpu.wait_indirect_dma semaphore(%arg12 : memref<!tpu.dma_semaphore, #tpu.memory_space<semaphore_mem>>) src(%dma_wait3A_380 : memref<1280x16xf32, #tpu.memory_space<vmem>>) dst(%dma_wait3A_386 : memref<10112x16xf32, #tpu.memory_space<vmem_shared>>)
    %barrier3A_387 = arith.constant 0 : index
    tpu.barrier barrier_id(%barrier3A_387)
    %mul3A_388 = arith.constant 632 : i32
    %mul3A_389 = arith.muli %arg1, %mul3A_388 : i32
    %mul3A_390 = arith.constant 632 : i32
    %mul3A_391 = arith.muli %arg1, %mul3A_390 : i32
    "tpu.region"() ({
      %run_scoped3A = tpu.sem_alloc : memref<!tpu.dma_semaphore, #tpu.memory_space<semaphore_mem>>
      %dma_start3A_392 = arith.constant 0 : i32
      %dma_start3A_393 = tpu.memref_slice %arg6[%arg0, %mul3A_391, %dma_start3A_392] : memref<2x10112x16xf32, #tpu.memory_space<hbm>> -> memref<1x632x16xf32, #tpu.memory_space<hbm>>
      %dma_start3A_394 = tpu.memref_squeeze %dma_start3A_393 : memref<1x632x16xf32, #tpu.memory_space<hbm>> -> memref<632x16xf32, #tpu.memory_space<hbm>>
      %dma_start3A_395 = arith.constant 0 : i32
      %dma_start3A_396 = tpu.memref_slice %arg10[%mul3A_389, %dma_start3A_395] : memref<10112x16xf32, #tpu.memory_space<vmem_shared>> -> memref<632x16xf32, #tpu.memory_space<vmem_shared>>
      tpu.enqueue_dma source(%dma_start3A_396 : memref<632x16xf32, #tpu.memory_space<vmem_shared>>) target(%dma_start3A_394 : memref<632x16xf32, #tpu.memory_space<hbm>>) target_semaphore(%run_scoped3A : memref<!tpu.dma_semaphore, #tpu.memory_space<semaphore_mem>>)
      %dma_wait3A_397 = arith.constant 0 : i32
      %dma_wait3A_398 = tpu.memref_slice %arg6[%arg0, %mul3A_391, %dma_wait3A_397] : memref<2x10112x16xf32, #tpu.memory_space<hbm>> -> memref<1x632x16xf32, #tpu.memory_space<hbm>>
      %dma_wait3A_399 = tpu.memref_squeeze %dma_wait3A_398 : memref<1x632x16xf32, #tpu.memory_space<hbm>> -> memref<632x16xf32, #tpu.memory_space<hbm>>
      %dma_wait3A_400 = arith.constant 0 : i32
      %dma_wait3A_401 = tpu.memref_slice %arg10[%mul3A_389, %dma_wait3A_400] : memref<10112x16xf32, #tpu.memory_space<vmem_shared>> -> memref<632x16xf32, #tpu.memory_space<vmem_shared>>
      tpu.wait_dma2 semaphore(%run_scoped3A : memref<!tpu.dma_semaphore, #tpu.memory_space<semaphore_mem>>) src(%dma_wait3A_401 : memref<632x16xf32, #tpu.memory_space<vmem_shared>>) dst(%dma_wait3A_399 : memref<632x16xf32, #tpu.memory_space<hbm>>)
      tpu.yield
    }) : () -> ()
    return
  }
}

#map = affine_map<(d0, d1) -> (0, 0)>
#map1 = affine_map<(d0, d1) -> (0, 0, 0)>
module attributes {stable_mosaic.version = 14 : i64} {
  func.func @_seg_sum_sc(%arg0: i32, %arg1: i32, %arg2: memref<10000x16xf32, #tpu.memory_space<hbm>>, %arg3: memref<32x8x1280xi32, #tpu.memory_space<hbm>>, %arg4: memref<32x8x1280xi32, #tpu.memory_space<hbm>>, %arg5: memref<10112x16xf32, #tpu.memory_space<hbm>>, %arg6: memref<2x10112x16xf32, #tpu.memory_space<hbm>>, %arg7: memref<8x1280xi32, #tpu.memory_space<vmem>>, %arg8: memref<8x1280xi32, #tpu.memory_space<vmem>>, %arg9: memref<4x1280x16xf32, #tpu.memory_space<vmem>>, %arg10: memref<10112x16xf32, #tpu.memory_space<vmem_shared>>, %arg11: memref<!tpu.dma_semaphore, #tpu.memory_space<semaphore_mem>>, %arg12: memref<!tpu.dma_semaphore, #tpu.memory_space<semaphore_mem>>) attributes {dimension_semantics = [#tpu.dimension_semantics<core_parallel>, #tpu.dimension_semantics<subcore_parallel>], iteration_bounds = array<i64: 2, 16>, scalar_prefetch = 0 : i64, scratch_operands = 6 : i64, tpu.core_type = #tpu.core_type<sc_vector_subcore>, window_params = [{transform_indices = #map}, {transform_indices = #map1}, {transform_indices = #map1}, {transform_indices = #map}, {transform_indices = #map1}]} {
    %mul3A = arith.constant 16 : i32
    %mul3A_0 = arith.muli %arg0, %mul3A : i32
    %add3A = arith.addi %mul3A_0, %arg1 : i32
    %mul3A_1 = arith.constant 632 : i32
    %mul3A_2 = arith.muli %arg1, %mul3A_1 : i32
    %mul3A_3 = arith.constant 632 : i32
    %mul3A_4 = arith.muli %arg1, %mul3A_3 : i32
    "tpu.region"() ({
      %run_scoped3A = tpu.sem_alloc : memref<!tpu.dma_semaphore, #tpu.memory_space<semaphore_mem>>
      %dma_start3A_392 = arith.constant 0 : i32
      %dma_start3A_393 = tpu.memref_slice %arg10[%mul3A_4, %dma_start3A_392] : memref<10112x16xf32, #tpu.memory_space<vmem_shared>> -> memref<632x16xf32, #tpu.memory_space<vmem_shared>>
      %dma_start3A_394 = arith.constant 0 : i32
      %dma_start3A_395 = tpu.memref_slice %arg5[%mul3A_2, %dma_start3A_394] : memref<10112x16xf32, #tpu.memory_space<hbm>> -> memref<632x16xf32, #tpu.memory_space<hbm>>
      tpu.enqueue_dma source(%dma_start3A_395 : memref<632x16xf32, #tpu.memory_space<hbm>>) target(%dma_start3A_393 : memref<632x16xf32, #tpu.memory_space<vmem_shared>>) target_semaphore(%run_scoped3A : memref<!tpu.dma_semaphore, #tpu.memory_space<semaphore_mem>>)
      %dma_wait3A_396 = arith.constant 0 : i32
      %dma_wait3A_397 = tpu.memref_slice %arg10[%mul3A_4, %dma_wait3A_396] : memref<10112x16xf32, #tpu.memory_space<vmem_shared>> -> memref<632x16xf32, #tpu.memory_space<vmem_shared>>
      %dma_wait3A_398 = arith.constant 0 : i32
      %dma_wait3A_399 = tpu.memref_slice %arg5[%mul3A_2, %dma_wait3A_398] : memref<10112x16xf32, #tpu.memory_space<hbm>> -> memref<632x16xf32, #tpu.memory_space<hbm>>
      tpu.wait_dma2 semaphore(%run_scoped3A : memref<!tpu.dma_semaphore, #tpu.memory_space<semaphore_mem>>) src(%dma_wait3A_399 : memref<632x16xf32, #tpu.memory_space<hbm>>) dst(%dma_wait3A_397 : memref<632x16xf32, #tpu.memory_space<vmem_shared>>)
      tpu.yield
    }) : () -> ()
    "tpu.region"() ({
      %run_scoped3A = tpu.sem_alloc : memref<!tpu.dma_semaphore, #tpu.memory_space<semaphore_mem>>
      %dma_start3A_392 = arith.constant 0 : i32
      %dma_start3A_393 = arith.constant 0 : i32
      %dma_start3A_394 = tpu.memref_slice %arg3[%add3A, %dma_start3A_392, %dma_start3A_393] : memref<32x8x1280xi32, #tpu.memory_space<hbm>> -> memref<1x8x1280xi32, #tpu.memory_space<hbm>>
      %dma_start3A_395 = tpu.memref_squeeze %dma_start3A_394 : memref<1x8x1280xi32, #tpu.memory_space<hbm>> -> memref<8x1280xi32, #tpu.memory_space<hbm>>
      %dma_start3A_396 = arith.constant 0 : i32
      %dma_start3A_397 = arith.constant 0 : i32
      %dma_start3A_398 = tpu.memref_slice %arg3[%add3A, %dma_start3A_396, %dma_start3A_397] : memref<32x8x1280xi32, #tpu.memory_space<hbm>> -> memref<1x8x1280xi32, #tpu.memory_space<hbm>>
      %dma_start3A_399 = tpu.memref_squeeze %dma_start3A_398 : memref<1x8x1280xi32, #tpu.memory_space<hbm>> -> memref<8x1280xi32, #tpu.memory_space<hbm>>
      tpu.enqueue_dma source(%dma_start3A_399 : memref<8x1280xi32, #tpu.memory_space<hbm>>) target(%arg7 : memref<8x1280xi32, #tpu.memory_space<vmem>>) target_semaphore(%run_scoped3A : memref<!tpu.dma_semaphore, #tpu.memory_space<semaphore_mem>>)
      %dma_wait3A_400 = arith.constant 0 : i32
      %dma_wait3A_401 = arith.constant 0 : i32
      %dma_wait3A_402 = tpu.memref_slice %arg3[%add3A, %dma_wait3A_400, %dma_wait3A_401] : memref<32x8x1280xi32, #tpu.memory_space<hbm>> -> memref<1x8x1280xi32, #tpu.memory_space<hbm>>
      %dma_wait3A_403 = tpu.memref_squeeze %dma_wait3A_402 : memref<1x8x1280xi32, #tpu.memory_space<hbm>> -> memref<8x1280xi32, #tpu.memory_space<hbm>>
      %dma_wait3A_404 = arith.constant 0 : i32
      %dma_wait3A_405 = arith.constant 0 : i32
      %dma_wait3A_406 = tpu.memref_slice %arg3[%add3A, %dma_wait3A_404, %dma_wait3A_405] : memref<32x8x1280xi32, #tpu.memory_space<hbm>> -> memref<1x8x1280xi32, #tpu.memory_space<hbm>>
      %dma_wait3A_407 = tpu.memref_squeeze %dma_wait3A_406 : memref<1x8x1280xi32, #tpu.memory_space<hbm>> -> memref<8x1280xi32, #tpu.memory_space<hbm>>
      tpu.wait_dma2 semaphore(%run_scoped3A : memref<!tpu.dma_semaphore, #tpu.memory_space<semaphore_mem>>) src(%dma_wait3A_407 : memref<8x1280xi32, #tpu.memory_space<hbm>>) dst(%arg7 : memref<8x1280xi32, #tpu.memory_space<vmem>>)
      tpu.yield
    }) : () -> ()
    "tpu.region"() ({
      %run_scoped3A = tpu.sem_alloc : memref<!tpu.dma_semaphore, #tpu.memory_space<semaphore_mem>>
      %dma_start3A_392 = arith.constant 0 : i32
      %dma_start3A_393 = arith.constant 0 : i32
      %dma_start3A_394 = tpu.memref_slice %arg4[%add3A, %dma_start3A_392, %dma_start3A_393] : memref<32x8x1280xi32, #tpu.memory_space<hbm>> -> memref<1x8x1280xi32, #tpu.memory_space<hbm>>
      %dma_start3A_395 = tpu.memref_squeeze %dma_start3A_394 : memref<1x8x1280xi32, #tpu.memory_space<hbm>> -> memref<8x1280xi32, #tpu.memory_space<hbm>>
      %dma_start3A_396 = arith.constant 0 : i32
      %dma_start3A_397 = arith.constant 0 : i32
      %dma_start3A_398 = tpu.memref_slice %arg4[%add3A, %dma_start3A_396, %dma_start3A_397] : memref<32x8x1280xi32, #tpu.memory_space<hbm>> -> memref<1x8x1280xi32, #tpu.memory_space<hbm>>
      %dma_start3A_399 = tpu.memref_squeeze %dma_start3A_398 : memref<1x8x1280xi32, #tpu.memory_space<hbm>> -> memref<8x1280xi32, #tpu.memory_space<hbm>>
      tpu.enqueue_dma source(%dma_start3A_399 : memref<8x1280xi32, #tpu.memory_space<hbm>>) target(%arg8 : memref<8x1280xi32, #tpu.memory_space<vmem>>) target_semaphore(%run_scoped3A : memref<!tpu.dma_semaphore, #tpu.memory_space<semaphore_mem>>)
      %dma_wait3A_400 = arith.constant 0 : i32
      %dma_wait3A_401 = arith.constant 0 : i32
      %dma_wait3A_402 = tpu.memref_slice %arg4[%add3A, %dma_wait3A_400, %dma_wait3A_401] : memref<32x8x1280xi32, #tpu.memory_space<hbm>> -> memref<1x8x1280xi32, #tpu.memory_space<hbm>>
      %dma_wait3A_403 = tpu.memref_squeeze %dma_wait3A_402 : memref<1x8x1280xi32, #tpu.memory_space<hbm>> -> memref<8x1280xi32, #tpu.memory_space<hbm>>
      %dma_wait3A_404 = arith.constant 0 : i32
      %dma_wait3A_405 = arith.constant 0 : i32
      %dma_wait3A_406 = tpu.memref_slice %arg4[%add3A, %dma_wait3A_404, %dma_wait3A_405] : memref<32x8x1280xi32, #tpu.memory_space<hbm>> -> memref<1x8x1280xi32, #tpu.memory_space<hbm>>
      %dma_wait3A_407 = tpu.memref_squeeze %dma_wait3A_406 : memref<1x8x1280xi32, #tpu.memory_space<hbm>> -> memref<8x1280xi32, #tpu.memory_space<hbm>>
      tpu.wait_dma2 semaphore(%run_scoped3A : memref<!tpu.dma_semaphore, #tpu.memory_space<semaphore_mem>>) src(%dma_wait3A_407 : memref<8x1280xi32, #tpu.memory_space<hbm>>) dst(%arg8 : memref<8x1280xi32, #tpu.memory_space<vmem>>)
      tpu.yield
    }) : () -> ()
    %barrier3A = arith.constant 0 : index
    tpu.barrier barrier_id(%barrier3A)
    %dma_start3A = arith.constant 0 : i32
    %dma_start3A_5 = arith.constant 0 : i32
    %dma_start3A_6 = arith.constant 0 : i32
    %dma_start3A_7 = arith.constant 0 : i32
    %dma_start3A_8 = tpu.memref_slice %arg9[%dma_start3A_5, %dma_start3A_6, %dma_start3A_7] : memref<4x1280x16xf32, #tpu.memory_space<vmem>> -> memref<1x1280x16xf32, #tpu.memory_space<vmem>>
    %dma_start3A_9 = tpu.memref_squeeze %dma_start3A_8 : memref<1x1280x16xf32, #tpu.memory_space<vmem>> -> memref<1280x16xf32, #tpu.memory_space<vmem>>
    %dma_start3A_10 = arith.constant 0 : i32
    %dma_start3A_11 = tpu.memref_slice %arg7[%dma_start3A, %dma_start3A_10] : memref<8x1280xi32, #tpu.memory_space<vmem>> -> memref<1x1280xi32, #tpu.memory_space<vmem>>
    %dma_start3A_12 = tpu.memref_squeeze %dma_start3A_11 : memref<1x1280xi32, #tpu.memory_space<vmem>> -> memref<1280xi32, #tpu.memory_space<vmem>>
    %dma_start3A_13 = arith.constant 0 : i32
    %dma_start3A_14 = arith.constant 0 : i32
    %dma_start3A_15 = tpu.memref_slice %arg2[%dma_start3A_13, %dma_start3A_14] : memref<10000x16xf32, #tpu.memory_space<hbm>> -> memref<10000x16xf32, #tpu.memory_space<hbm>>
    tpu.enqueue_indirect_dma source(%dma_start3A_15 : memref<10000x16xf32, #tpu.memory_space<hbm>>) target(%dma_start3A_9 : memref<1280x16xf32, #tpu.memory_space<vmem>>) offsets(%dma_start3A_12 : memref<1280xi32, #tpu.memory_space<vmem>>) semaphore(%arg11 : memref<!tpu.dma_semaphore, #tpu.memory_space<semaphore_mem>>)
    %dma_start3A_16 = arith.constant 1 : i32
    %dma_start3A_17 = arith.constant 1 : i32
    %dma_start3A_18 = arith.constant 0 : i32
    %dma_start3A_19 = arith.constant 0 : i32
    %dma_start3A_20 = tpu.memref_slice %arg9[%dma_start3A_17, %dma_start3A_18, %dma_start3A_19] : memref<4x1280x16xf32, #tpu.memory_space<vmem>> -> memref<1x1280x16xf32, #tpu.memory_space<vmem>>
    %dma_start3A_21 = tpu.memref_squeeze %dma_start3A_20 : memref<1x1280x16xf32, #tpu.memory_space<vmem>> -> memref<1280x16xf32, #tpu.memory_space<vmem>>
    %dma_start3A_22 = arith.constant 0 : i32
    %dma_start3A_23 = tpu.memref_slice %arg7[%dma_start3A_16, %dma_start3A_22] : memref<8x1280xi32, #tpu.memory_space<vmem>> -> memref<1x1280xi32, #tpu.memory_space<vmem>>
    %dma_start3A_24 = tpu.memref_squeeze %dma_start3A_23 : memref<1x1280xi32, #tpu.memory_space<vmem>> -> memref<1280xi32, #tpu.memory_space<vmem>>
    %dma_start3A_25 = arith.constant 0 : i32
    %dma_start3A_26 = arith.constant 0 : i32
    %dma_start3A_27 = tpu.memref_slice %arg2[%dma_start3A_25, %dma_start3A_26] : memref<10000x16xf32, #tpu.memory_space<hbm>> -> memref<10000x16xf32, #tpu.memory_space<hbm>>
    tpu.enqueue_indirect_dma source(%dma_start3A_27 : memref<10000x16xf32, #tpu.memory_space<hbm>>) target(%dma_start3A_21 : memref<1280x16xf32, #tpu.memory_space<vmem>>) offsets(%dma_start3A_24 : memref<1280xi32, #tpu.memory_space<vmem>>) semaphore(%arg11 : memref<!tpu.dma_semaphore, #tpu.memory_space<semaphore_mem>>)
    %dma_start3A_28 = arith.constant 2 : i32
    %dma_start3A_29 = arith.constant 2 : i32
    %dma_start3A_30 = arith.constant 0 : i32
    %dma_start3A_31 = arith.constant 0 : i32
    %dma_start3A_32 = tpu.memref_slice %arg9[%dma_start3A_29, %dma_start3A_30, %dma_start3A_31] : memref<4x1280x16xf32, #tpu.memory_space<vmem>> -> memref<1x1280x16xf32, #tpu.memory_space<vmem>>
    %dma_start3A_33 = tpu.memref_squeeze %dma_start3A_32 : memref<1x1280x16xf32, #tpu.memory_space<vmem>> -> memref<1280x16xf32, #tpu.memory_space<vmem>>
    %dma_start3A_34 = arith.constant 0 : i32
    %dma_start3A_35 = tpu.memref_slice %arg7[%dma_start3A_28, %dma_start3A_34] : memref<8x1280xi32, #tpu.memory_space<vmem>> -> memref<1x1280xi32, #tpu.memory_space<vmem>>
    %dma_start3A_36 = tpu.memref_squeeze %dma_start3A_35 : memref<1x1280xi32, #tpu.memory_space<vmem>> -> memref<1280xi32, #tpu.memory_space<vmem>>
    %dma_start3A_37 = arith.constant 0 : i32
    %dma_start3A_38 = arith.constant 0 : i32
    %dma_start3A_39 = tpu.memref_slice %arg2[%dma_start3A_37, %dma_start3A_38] : memref<10000x16xf32, #tpu.memory_space<hbm>> -> memref<10000x16xf32, #tpu.memory_space<hbm>>
    tpu.enqueue_indirect_dma source(%dma_start3A_39 : memref<10000x16xf32, #tpu.memory_space<hbm>>) target(%dma_start3A_33 : memref<1280x16xf32, #tpu.memory_space<vmem>>) offsets(%dma_start3A_36 : memref<1280xi32, #tpu.memory_space<vmem>>) semaphore(%arg11 : memref<!tpu.dma_semaphore, #tpu.memory_space<semaphore_mem>>)
    %dma_wait3A = arith.constant 0 : i32
    %dma_wait3A_40 = arith.constant 0 : i32
    %dma_wait3A_41 = arith.constant 0 : i32
    %dma_wait3A_42 = arith.constant 0 : i32
    %dma_wait3A_43 = tpu.memref_slice %arg9[%dma_wait3A_40, %dma_wait3A_41, %dma_wait3A_42] : memref<4x1280x16xf32, #tpu.memory_space<vmem>> -> memref<1x1280x16xf32, #tpu.memory_space<vmem>>
    %dma_wait3A_44 = tpu.memref_squeeze %dma_wait3A_43 : memref<1x1280x16xf32, #tpu.memory_space<vmem>> -> memref<1280x16xf32, #tpu.memory_space<vmem>>
    %dma_wait3A_45 = arith.constant 0 : i32
    %dma_wait3A_46 = tpu.memref_slice %arg7[%dma_wait3A, %dma_wait3A_45] : memref<8x1280xi32, #tpu.memory_space<vmem>> -> memref<1x1280xi32, #tpu.memory_space<vmem>>
    %dma_wait3A_47 = tpu.memref_squeeze %dma_wait3A_46 : memref<1x1280xi32, #tpu.memory_space<vmem>> -> memref<1280xi32, #tpu.memory_space<vmem>>
    %dma_wait3A_48 = arith.constant 0 : i32
    %dma_wait3A_49 = arith.constant 0 : i32
    %dma_wait3A_50 = tpu.memref_slice %arg2[%dma_wait3A_48, %dma_wait3A_49] : memref<10000x16xf32, #tpu.memory_space<hbm>> -> memref<10000x16xf32, #tpu.memory_space<hbm>>
    tpu.wait_indirect_dma semaphore(%arg11 : memref<!tpu.dma_semaphore, #tpu.memory_space<semaphore_mem>>) src(%dma_wait3A_50 : memref<10000x16xf32, #tpu.memory_space<hbm>>) dst(%dma_wait3A_44 : memref<1280x16xf32, #tpu.memory_space<vmem>>)
    %dma_start3A_51 = arith.constant 0 : i32
    %dma_start3A_52 = arith.constant 0 : i32
    %dma_start3A_53 = arith.constant 0 : i32
    %dma_start3A_54 = arith.constant 0 : i32
    %dma_start3A_55 = tpu.memref_slice %arg9[%dma_start3A_51, %dma_start3A_53, %dma_start3A_54] : memref<4x1280x16xf32, #tpu.memory_space<vmem>> -> memref<1x1280x16xf32, #tpu.memory_space<vmem>>
    %dma_start3A_56 = tpu.memref_squeeze %dma_start3A_55 : memref<1x1280x16xf32, #tpu.memory_space<vmem>> -> memref<1280x16xf32, #tpu.memory_space<vmem>>
    %dma_start3A_57 = arith.constant 0 : i32
    %dma_start3A_58 = tpu.memref_slice %arg8[%dma_start3A_52, %dma_start3A_57] : memref<8x1280xi32, #tpu.memory_space<vmem>> -> memref<1x1280xi32, #tpu.memory_space<vmem>>
    %dma_start3A_59 = tpu.memref_squeeze %dma_start3A_58 : memref<1x1280xi32, #tpu.memory_space<vmem>> -> memref<1280xi32, #tpu.memory_space<vmem>>
    %dma_start3A_60 = arith.constant 0 : i32
    %dma_start3A_61 = arith.constant 0 : i32
    %dma_start3A_62 = tpu.memref_slice %arg10[%dma_start3A_60, %dma_start3A_61] : memref<10112x16xf32, #tpu.memory_space<vmem_shared>> -> memref<10112x16xf32, #tpu.memory_space<vmem_shared>>
    tpu.enqueue_indirect_dma source(%dma_start3A_56 : memref<1280x16xf32, #tpu.memory_space<vmem>>) target(%dma_start3A_62 : memref<10112x16xf32, #tpu.memory_space<vmem_shared>>) offsets(%dma_start3A_59 : memref<1280xi32, #tpu.memory_space<vmem>>) semaphore(%arg12 : memref<!tpu.dma_semaphore, #tpu.memory_space<semaphore_mem>>) {add = true}
    %dma_start3A_63 = arith.constant 3 : i32
    %dma_start3A_64 = arith.constant 3 : i32
    %dma_start3A_65 = arith.constant 0 : i32
    %dma_start3A_66 = arith.constant 0 : i32
    %dma_start3A_67 = tpu.memref_slice %arg9[%dma_start3A_64, %dma_start3A_65, %dma_start3A_66] : memref<4x1280x16xf32, #tpu.memory_space<vmem>> -> memref<1x1280x16xf32, #tpu.memory_space<vmem>>
    %dma_start3A_68 = tpu.memref_squeeze %dma_start3A_67 : memref<1x1280x16xf32, #tpu.memory_space<vmem>> -> memref<1280x16xf32, #tpu.memory_space<vmem>>
    %dma_start3A_69 = arith.constant 0 : i32
    %dma_start3A_70 = tpu.memref_slice %arg7[%dma_start3A_63, %dma_start3A_69] : memref<8x1280xi32, #tpu.memory_space<vmem>> -> memref<1x1280xi32, #tpu.memory_space<vmem>>
    %dma_start3A_71 = tpu.memref_squeeze %dma_start3A_70 : memref<1x1280xi32, #tpu.memory_space<vmem>> -> memref<1280xi32, #tpu.memory_space<vmem>>
    %dma_start3A_72 = arith.constant 0 : i32
    %dma_start3A_73 = arith.constant 0 : i32
    %dma_start3A_74 = tpu.memref_slice %arg2[%dma_start3A_72, %dma_start3A_73] : memref<10000x16xf32, #tpu.memory_space<hbm>> -> memref<10000x16xf32, #tpu.memory_space<hbm>>
    tpu.enqueue_indirect_dma source(%dma_start3A_74 : memref<10000x16xf32, #tpu.memory_space<hbm>>) target(%dma_start3A_68 : memref<1280x16xf32, #tpu.memory_space<vmem>>) offsets(%dma_start3A_71 : memref<1280xi32, #tpu.memory_space<vmem>>) semaphore(%arg11 : memref<!tpu.dma_semaphore, #tpu.memory_space<semaphore_mem>>)
    %dma_wait3A_75 = arith.constant 1 : i32
    %dma_wait3A_76 = arith.constant 1 : i32
    %dma_wait3A_77 = arith.constant 0 : i32
    %dma_wait3A_78 = arith.constant 0 : i32
    %dma_wait3A_79 = tpu.memref_slice %arg9[%dma_wait3A_76, %dma_wait3A_77, %dma_wait3A_78] : memref<4x1280x16xf32, #tpu.memory_space<vmem>> -> memref<1x1280x16xf32, #tpu.memory_space<vmem>>
    %dma_wait3A_80 = tpu.memref_squeeze %dma_wait3A_79 : memref<1x1280x16xf32, #tpu.memory_space<vmem>> -> memref<1280x16xf32, #tpu.memory_space<vmem>>
    %dma_wait3A_81 = arith.constant 0 : i32
    %dma_wait3A_82 = tpu.memref_slice %arg7[%dma_wait3A_75, %dma_wait3A_81] : memref<8x1280xi32, #tpu.memory_space<vmem>> -> memref<1x1280xi32, #tpu.memory_space<vmem>>
    %dma_wait3A_83 = tpu.memref_squeeze %dma_wait3A_82 : memref<1x1280xi32, #tpu.memory_space<vmem>> -> memref<1280xi32, #tpu.memory_space<vmem>>
    %dma_wait3A_84 = arith.constant 0 : i32
    %dma_wait3A_85 = arith.constant 0 : i32
    %dma_wait3A_86 = tpu.memref_slice %arg2[%dma_wait3A_84, %dma_wait3A_85] : memref<10000x16xf32, #tpu.memory_space<hbm>> -> memref<10000x16xf32, #tpu.memory_space<hbm>>
    tpu.wait_indirect_dma semaphore(%arg11 : memref<!tpu.dma_semaphore, #tpu.memory_space<semaphore_mem>>) src(%dma_wait3A_86 : memref<10000x16xf32, #tpu.memory_space<hbm>>) dst(%dma_wait3A_80 : memref<1280x16xf32, #tpu.memory_space<vmem>>)
    %dma_start3A_87 = arith.constant 1 : i32
    %dma_start3A_88 = arith.constant 1 : i32
    %dma_start3A_89 = arith.constant 0 : i32
    %dma_start3A_90 = arith.constant 0 : i32
    %dma_start3A_91 = tpu.memref_slice %arg9[%dma_start3A_87, %dma_start3A_89, %dma_start3A_90] : memref<4x1280x16xf32, #tpu.memory_space<vmem>> -> memref<1x1280x16xf32, #tpu.memory_space<vmem>>
    %dma_start3A_92 = tpu.memref_squeeze %dma_start3A_91 : memref<1x1280x16xf32, #tpu.memory_space<vmem>> -> memref<1280x16xf32, #tpu.memory_space<vmem>>
    %dma_start3A_93 = arith.constant 0 : i32
    %dma_start3A_94 = tpu.memref_slice %arg8[%dma_start3A_88, %dma_start3A_93] : memref<8x1280xi32, #tpu.memory_space<vmem>> -> memref<1x1280xi32, #tpu.memory_space<vmem>>
    %dma_start3A_95 = tpu.memref_squeeze %dma_start3A_94 : memref<1x1280xi32, #tpu.memory_space<vmem>> -> memref<1280xi32, #tpu.memory_space<vmem>>
    %dma_start3A_96 = arith.constant 0 : i32
    %dma_start3A_97 = arith.constant 0 : i32
    %dma_start3A_98 = tpu.memref_slice %arg10[%dma_start3A_96, %dma_start3A_97] : memref<10112x16xf32, #tpu.memory_space<vmem_shared>> -> memref<10112x16xf32, #tpu.memory_space<vmem_shared>>
    tpu.enqueue_indirect_dma source(%dma_start3A_92 : memref<1280x16xf32, #tpu.memory_space<vmem>>) target(%dma_start3A_98 : memref<10112x16xf32, #tpu.memory_space<vmem_shared>>) offsets(%dma_start3A_95 : memref<1280xi32, #tpu.memory_space<vmem>>) semaphore(%arg12 : memref<!tpu.dma_semaphore, #tpu.memory_space<semaphore_mem>>) {add = true}
    %dma_wait3A_99 = arith.constant 0 : i32
    %dma_wait3A_100 = arith.constant 0 : i32
    %dma_wait3A_101 = arith.constant 0 : i32
    %dma_wait3A_102 = arith.constant 0 : i32
    %dma_wait3A_103 = tpu.memref_slice %arg9[%dma_wait3A_99, %dma_wait3A_101, %dma_wait3A_102] : memref<4x1280x16xf32, #tpu.memory_space<vmem>> -> memref<1x1280x16xf32, #tpu.memory_space<vmem>>
    %dma_wait3A_104 = tpu.memref_squeeze %dma_wait3A_103 : memref<1x1280x16xf32, #tpu.memory_space<vmem>> -> memref<1280x16xf32, #tpu.memory_space<vmem>>
    %dma_wait3A_105 = arith.constant 0 : i32
    %dma_wait3A_106 = tpu.memref_slice %arg8[%dma_wait3A_100, %dma_wait3A_105] : memref<8x1280xi32, #tpu.memory_space<vmem>> -> memref<1x1280xi32, #tpu.memory_space<vmem>>
    %dma_wait3A_107 = tpu.memref_squeeze %dma_wait3A_106 : memref<1x1280xi32, #tpu.memory_space<vmem>> -> memref<1280xi32, #tpu.memory_space<vmem>>
    %dma_wait3A_108 = arith.constant 0 : i32
    %dma_wait3A_109 = arith.constant 0 : i32
    %dma_wait3A_110 = tpu.memref_slice %arg10[%dma_wait3A_108, %dma_wait3A_109] : memref<10112x16xf32, #tpu.memory_space<vmem_shared>> -> memref<10112x16xf32, #tpu.memory_space<vmem_shared>>
    tpu.wait_indirect_dma semaphore(%arg12 : memref<!tpu.dma_semaphore, #tpu.memory_space<semaphore_mem>>) src(%dma_wait3A_104 : memref<1280x16xf32, #tpu.memory_space<vmem>>) dst(%dma_wait3A_110 : memref<10112x16xf32, #tpu.memory_space<vmem_shared>>)
    %dma_start3A_111 = arith.constant 4 : i32
    %dma_start3A_112 = arith.constant 0 : i32
    %dma_start3A_113 = arith.constant 0 : i32
    %dma_start3A_114 = arith.constant 0 : i32
    %dma_start3A_115 = tpu.memref_slice %arg9[%dma_start3A_112, %dma_start3A_113, %dma_start3A_114] : memref<4x1280x16xf32, #tpu.memory_space<vmem>> -> memref<1x1280x16xf32, #tpu.memory_space<vmem>>
    %dma_start3A_116 = tpu.memref_squeeze %dma_start3A_115 : memref<1x1280x16xf32, #tpu.memory_space<vmem>> -> memref<1280x16xf32, #tpu.memory_space<vmem>>
    %dma_start3A_117 = arith.constant 0 : i32
    %dma_start3A_118 = tpu.memref_slice %arg7[%dma_start3A_111, %dma_start3A_117] : memref<8x1280xi32, #tpu.memory_space<vmem>> -> memref<1x1280xi32, #tpu.memory_space<vmem>>
    %dma_start3A_119 = tpu.memref_squeeze %dma_start3A_118 : memref<1x1280xi32, #tpu.memory_space<vmem>> -> memref<1280xi32, #tpu.memory_space<vmem>>
    %dma_start3A_120 = arith.constant 0 : i32
    %dma_start3A_121 = arith.constant 0 : i32
    %dma_start3A_122 = tpu.memref_slice %arg2[%dma_start3A_120, %dma_start3A_121] : memref<10000x16xf32, #tpu.memory_space<hbm>> -> memref<10000x16xf32, #tpu.memory_space<hbm>>
    tpu.enqueue_indirect_dma source(%dma_start3A_122 : memref<10000x16xf32, #tpu.memory_space<hbm>>) target(%dma_start3A_116 : memref<1280x16xf32, #tpu.memory_space<vmem>>) offsets(%dma_start3A_119 : memref<1280xi32, #tpu.memory_space<vmem>>) semaphore(%arg11 : memref<!tpu.dma_semaphore, #tpu.memory_space<semaphore_mem>>)
    %dma_wait3A_123 = arith.constant 2 : i32
    %dma_wait3A_124 = arith.constant 2 : i32
    %dma_wait3A_125 = arith.constant 0 : i32
    %dma_wait3A_126 = arith.constant 0 : i32
    %dma_wait3A_127 = tpu.memref_slice %arg9[%dma_wait3A_124, %dma_wait3A_125, %dma_wait3A_126] : memref<4x1280x16xf32, #tpu.memory_space<vmem>> -> memref<1x1280x16xf32, #tpu.memory_space<vmem>>
    %dma_wait3A_128 = tpu.memref_squeeze %dma_wait3A_127 : memref<1x1280x16xf32, #tpu.memory_space<vmem>> -> memref<1280x16xf32, #tpu.memory_space<vmem>>
    %dma_wait3A_129 = arith.constant 0 : i32
    %dma_wait3A_130 = tpu.memref_slice %arg7[%dma_wait3A_123, %dma_wait3A_129] : memref<8x1280xi32, #tpu.memory_space<vmem>> -> memref<1x1280xi32, #tpu.memory_space<vmem>>
    %dma_wait3A_131 = tpu.memref_squeeze %dma_wait3A_130 : memref<1x1280xi32, #tpu.memory_space<vmem>> -> memref<1280xi32, #tpu.memory_space<vmem>>
    %dma_wait3A_132 = arith.constant 0 : i32
    %dma_wait3A_133 = arith.constant 0 : i32
    %dma_wait3A_134 = tpu.memref_slice %arg2[%dma_wait3A_132, %dma_wait3A_133] : memref<10000x16xf32, #tpu.memory_space<hbm>> -> memref<10000x16xf32, #tpu.memory_space<hbm>>
    tpu.wait_indirect_dma semaphore(%arg11 : memref<!tpu.dma_semaphore, #tpu.memory_space<semaphore_mem>>) src(%dma_wait3A_134 : memref<10000x16xf32, #tpu.memory_space<hbm>>) dst(%dma_wait3A_128 : memref<1280x16xf32, #tpu.memory_space<vmem>>)
    %dma_start3A_135 = arith.constant 2 : i32
    %dma_start3A_136 = arith.constant 2 : i32
    %dma_start3A_137 = arith.constant 0 : i32
    %dma_start3A_138 = arith.constant 0 : i32
    %dma_start3A_139 = tpu.memref_slice %arg9[%dma_start3A_135, %dma_start3A_137, %dma_start3A_138] : memref<4x1280x16xf32, #tpu.memory_space<vmem>> -> memref<1x1280x16xf32, #tpu.memory_space<vmem>>
    %dma_start3A_140 = tpu.memref_squeeze %dma_start3A_139 : memref<1x1280x16xf32, #tpu.memory_space<vmem>> -> memref<1280x16xf32, #tpu.memory_space<vmem>>
    %dma_start3A_141 = arith.constant 0 : i32
    %dma_start3A_142 = tpu.memref_slice %arg8[%dma_start3A_136, %dma_start3A_141] : memref<8x1280xi32, #tpu.memory_space<vmem>> -> memref<1x1280xi32, #tpu.memory_space<vmem>>
    %dma_start3A_143 = tpu.memref_squeeze %dma_start3A_142 : memref<1x1280xi32, #tpu.memory_space<vmem>> -> memref<1280xi32, #tpu.memory_space<vmem>>
    %dma_start3A_144 = arith.constant 0 : i32
    %dma_start3A_145 = arith.constant 0 : i32
    %dma_start3A_146 = tpu.memref_slice %arg10[%dma_start3A_144, %dma_start3A_145] : memref<10112x16xf32, #tpu.memory_space<vmem_shared>> -> memref<10112x16xf32, #tpu.memory_space<vmem_shared>>
    tpu.enqueue_indirect_dma source(%dma_start3A_140 : memref<1280x16xf32, #tpu.memory_space<vmem>>) target(%dma_start3A_146 : memref<10112x16xf32, #tpu.memory_space<vmem_shared>>) offsets(%dma_start3A_143 : memref<1280xi32, #tpu.memory_space<vmem>>) semaphore(%arg12 : memref<!tpu.dma_semaphore, #tpu.memory_space<semaphore_mem>>) {add = true}
    %dma_wait3A_147 = arith.constant 1 : i32
    %dma_wait3A_148 = arith.constant 1 : i32
    %dma_wait3A_149 = arith.constant 0 : i32
    %dma_wait3A_150 = arith.constant 0 : i32
    %dma_wait3A_151 = tpu.memref_slice %arg9[%dma_wait3A_147, %dma_wait3A_149, %dma_wait3A_150] : memref<4x1280x16xf32, #tpu.memory_space<vmem>> -> memref<1x1280x16xf32, #tpu.memory_space<vmem>>
    %dma_wait3A_152 = tpu.memref_squeeze %dma_wait3A_151 : memref<1x1280x16xf32, #tpu.memory_space<vmem>> -> memref<1280x16xf32, #tpu.memory_space<vmem>>
    %dma_wait3A_153 = arith.constant 0 : i32
    %dma_wait3A_154 = tpu.memref_slice %arg8[%dma_wait3A_148, %dma_wait3A_153] : memref<8x1280xi32, #tpu.memory_space<vmem>> -> memref<1x1280xi32, #tpu.memory_space<vmem>>
    %dma_wait3A_155 = tpu.memref_squeeze %dma_wait3A_154 : memref<1x1280xi32, #tpu.memory_space<vmem>> -> memref<1280xi32, #tpu.memory_space<vmem>>
    %dma_wait3A_156 = arith.constant 0 : i32
    %dma_wait3A_157 = arith.constant 0 : i32
    %dma_wait3A_158 = tpu.memref_slice %arg10[%dma_wait3A_156, %dma_wait3A_157] : memref<10112x16xf32, #tpu.memory_space<vmem_shared>> -> memref<10112x16xf32, #tpu.memory_space<vmem_shared>>
    tpu.wait_indirect_dma semaphore(%arg12 : memref<!tpu.dma_semaphore, #tpu.memory_space<semaphore_mem>>) src(%dma_wait3A_152 : memref<1280x16xf32, #tpu.memory_space<vmem>>) dst(%dma_wait3A_158 : memref<10112x16xf32, #tpu.memory_space<vmem_shared>>)
    %dma_start3A_159 = arith.constant 5 : i32
    %dma_start3A_160 = arith.constant 1 : i32
    %dma_start3A_161 = arith.constant 0 : i32
    %dma_start3A_162 = arith.constant 0 : i32
    %dma_start3A_163 = tpu.memref_slice %arg9[%dma_start3A_160, %dma_start3A_161, %dma_start3A_162] : memref<4x1280x16xf32, #tpu.memory_space<vmem>> -> memref<1x1280x16xf32, #tpu.memory_space<vmem>>
    %dma_start3A_164 = tpu.memref_squeeze %dma_start3A_163 : memref<1x1280x16xf32, #tpu.memory_space<vmem>> -> memref<1280x16xf32, #tpu.memory_space<vmem>>
    %dma_start3A_165 = arith.constant 0 : i32
    %dma_start3A_166 = tpu.memref_slice %arg7[%dma_start3A_159, %dma_start3A_165] : memref<8x1280xi32, #tpu.memory_space<vmem>> -> memref<1x1280xi32, #tpu.memory_space<vmem>>
    %dma_start3A_167 = tpu.memref_squeeze %dma_start3A_166 : memref<1x1280xi32, #tpu.memory_space<vmem>> -> memref<1280xi32, #tpu.memory_space<vmem>>
    %dma_start3A_168 = arith.constant 0 : i32
    %dma_start3A_169 = arith.constant 0 : i32
    %dma_start3A_170 = tpu.memref_slice %arg2[%dma_start3A_168, %dma_start3A_169] : memref<10000x16xf32, #tpu.memory_space<hbm>> -> memref<10000x16xf32, #tpu.memory_space<hbm>>
    tpu.enqueue_indirect_dma source(%dma_start3A_170 : memref<10000x16xf32, #tpu.memory_space<hbm>>) target(%dma_start3A_164 : memref<1280x16xf32, #tpu.memory_space<vmem>>) offsets(%dma_start3A_167 : memref<1280xi32, #tpu.memory_space<vmem>>) semaphore(%arg11 : memref<!tpu.dma_semaphore, #tpu.memory_space<semaphore_mem>>)
    %dma_wait3A_171 = arith.constant 3 : i32
    %dma_wait3A_172 = arith.constant 3 : i32
    %dma_wait3A_173 = arith.constant 0 : i32
    %dma_wait3A_174 = arith.constant 0 : i32
    %dma_wait3A_175 = tpu.memref_slice %arg9[%dma_wait3A_172, %dma_wait3A_173, %dma_wait3A_174] : memref<4x1280x16xf32, #tpu.memory_space<vmem>> -> memref<1x1280x16xf32, #tpu.memory_space<vmem>>
    %dma_wait3A_176 = tpu.memref_squeeze %dma_wait3A_175 : memref<1x1280x16xf32, #tpu.memory_space<vmem>> -> memref<1280x16xf32, #tpu.memory_space<vmem>>
    %dma_wait3A_177 = arith.constant 0 : i32
    %dma_wait3A_178 = tpu.memref_slice %arg7[%dma_wait3A_171, %dma_wait3A_177] : memref<8x1280xi32, #tpu.memory_space<vmem>> -> memref<1x1280xi32, #tpu.memory_space<vmem>>
    %dma_wait3A_179 = tpu.memref_squeeze %dma_wait3A_178 : memref<1x1280xi32, #tpu.memory_space<vmem>> -> memref<1280xi32, #tpu.memory_space<vmem>>
    %dma_wait3A_180 = arith.constant 0 : i32
    %dma_wait3A_181 = arith.constant 0 : i32
    %dma_wait3A_182 = tpu.memref_slice %arg2[%dma_wait3A_180, %dma_wait3A_181] : memref<10000x16xf32, #tpu.memory_space<hbm>> -> memref<10000x16xf32, #tpu.memory_space<hbm>>
    tpu.wait_indirect_dma semaphore(%arg11 : memref<!tpu.dma_semaphore, #tpu.memory_space<semaphore_mem>>) src(%dma_wait3A_182 : memref<10000x16xf32, #tpu.memory_space<hbm>>) dst(%dma_wait3A_176 : memref<1280x16xf32, #tpu.memory_space<vmem>>)
    %dma_start3A_183 = arith.constant 3 : i32
    %dma_start3A_184 = arith.constant 3 : i32
    %dma_start3A_185 = arith.constant 0 : i32
    %dma_start3A_186 = arith.constant 0 : i32
    %dma_start3A_187 = tpu.memref_slice %arg9[%dma_start3A_183, %dma_start3A_185, %dma_start3A_186] : memref<4x1280x16xf32, #tpu.memory_space<vmem>> -> memref<1x1280x16xf32, #tpu.memory_space<vmem>>
    %dma_start3A_188 = tpu.memref_squeeze %dma_start3A_187 : memref<1x1280x16xf32, #tpu.memory_space<vmem>> -> memref<1280x16xf32, #tpu.memory_space<vmem>>
    %dma_start3A_189 = arith.constant 0 : i32
    %dma_start3A_190 = tpu.memref_slice %arg8[%dma_start3A_184, %dma_start3A_189] : memref<8x1280xi32, #tpu.memory_space<vmem>> -> memref<1x1280xi32, #tpu.memory_space<vmem>>
    %dma_start3A_191 = tpu.memref_squeeze %dma_start3A_190 : memref<1x1280xi32, #tpu.memory_space<vmem>> -> memref<1280xi32, #tpu.memory_space<vmem>>
    %dma_start3A_192 = arith.constant 0 : i32
    %dma_start3A_193 = arith.constant 0 : i32
    %dma_start3A_194 = tpu.memref_slice %arg10[%dma_start3A_192, %dma_start3A_193] : memref<10112x16xf32, #tpu.memory_space<vmem_shared>> -> memref<10112x16xf32, #tpu.memory_space<vmem_shared>>
    tpu.enqueue_indirect_dma source(%dma_start3A_188 : memref<1280x16xf32, #tpu.memory_space<vmem>>) target(%dma_start3A_194 : memref<10112x16xf32, #tpu.memory_space<vmem_shared>>) offsets(%dma_start3A_191 : memref<1280xi32, #tpu.memory_space<vmem>>) semaphore(%arg12 : memref<!tpu.dma_semaphore, #tpu.memory_space<semaphore_mem>>) {add = true}
    %dma_wait3A_195 = arith.constant 2 : i32
    %dma_wait3A_196 = arith.constant 2 : i32
    %dma_wait3A_197 = arith.constant 0 : i32
    %dma_wait3A_198 = arith.constant 0 : i32
    %dma_wait3A_199 = tpu.memref_slice %arg9[%dma_wait3A_195, %dma_wait3A_197, %dma_wait3A_198] : memref<4x1280x16xf32, #tpu.memory_space<vmem>> -> memref<1x1280x16xf32, #tpu.memory_space<vmem>>
    %dma_wait3A_200 = tpu.memref_squeeze %dma_wait3A_199 : memref<1x1280x16xf32, #tpu.memory_space<vmem>> -> memref<1280x16xf32, #tpu.memory_space<vmem>>
    %dma_wait3A_201 = arith.constant 0 : i32
    %dma_wait3A_202 = tpu.memref_slice %arg8[%dma_wait3A_196, %dma_wait3A_201] : memref<8x1280xi32, #tpu.memory_space<vmem>> -> memref<1x1280xi32, #tpu.memory_space<vmem>>
    %dma_wait3A_203 = tpu.memref_squeeze %dma_wait3A_202 : memref<1x1280xi32, #tpu.memory_space<vmem>> -> memref<1280xi32, #tpu.memory_space<vmem>>
    %dma_wait3A_204 = arith.constant 0 : i32
    %dma_wait3A_205 = arith.constant 0 : i32
    %dma_wait3A_206 = tpu.memref_slice %arg10[%dma_wait3A_204, %dma_wait3A_205] : memref<10112x16xf32, #tpu.memory_space<vmem_shared>> -> memref<10112x16xf32, #tpu.memory_space<vmem_shared>>
    tpu.wait_indirect_dma semaphore(%arg12 : memref<!tpu.dma_semaphore, #tpu.memory_space<semaphore_mem>>) src(%dma_wait3A_200 : memref<1280x16xf32, #tpu.memory_space<vmem>>) dst(%dma_wait3A_206 : memref<10112x16xf32, #tpu.memory_space<vmem_shared>>)
    %dma_start3A_207 = arith.constant 6 : i32
    %dma_start3A_208 = arith.constant 2 : i32
    %dma_start3A_209 = arith.constant 0 : i32
    %dma_start3A_210 = arith.constant 0 : i32
    %dma_start3A_211 = tpu.memref_slice %arg9[%dma_start3A_208, %dma_start3A_209, %dma_start3A_210] : memref<4x1280x16xf32, #tpu.memory_space<vmem>> -> memref<1x1280x16xf32, #tpu.memory_space<vmem>>
    %dma_start3A_212 = tpu.memref_squeeze %dma_start3A_211 : memref<1x1280x16xf32, #tpu.memory_space<vmem>> -> memref<1280x16xf32, #tpu.memory_space<vmem>>
    %dma_start3A_213 = arith.constant 0 : i32
    %dma_start3A_214 = tpu.memref_slice %arg7[%dma_start3A_207, %dma_start3A_213] : memref<8x1280xi32, #tpu.memory_space<vmem>> -> memref<1x1280xi32, #tpu.memory_space<vmem>>
    %dma_start3A_215 = tpu.memref_squeeze %dma_start3A_214 : memref<1x1280xi32, #tpu.memory_space<vmem>> -> memref<1280xi32, #tpu.memory_space<vmem>>
    %dma_start3A_216 = arith.constant 0 : i32
    %dma_start3A_217 = arith.constant 0 : i32
    %dma_start3A_218 = tpu.memref_slice %arg2[%dma_start3A_216, %dma_start3A_217] : memref<10000x16xf32, #tpu.memory_space<hbm>> -> memref<10000x16xf32, #tpu.memory_space<hbm>>
    tpu.enqueue_indirect_dma source(%dma_start3A_218 : memref<10000x16xf32, #tpu.memory_space<hbm>>) target(%dma_start3A_212 : memref<1280x16xf32, #tpu.memory_space<vmem>>) offsets(%dma_start3A_215 : memref<1280xi32, #tpu.memory_space<vmem>>) semaphore(%arg11 : memref<!tpu.dma_semaphore, #tpu.memory_space<semaphore_mem>>)
    %dma_wait3A_219 = arith.constant 4 : i32
    %dma_wait3A_220 = arith.constant 0 : i32
    %dma_wait3A_221 = arith.constant 0 : i32
    %dma_wait3A_222 = arith.constant 0 : i32
    %dma_wait3A_223 = tpu.memref_slice %arg9[%dma_wait3A_220, %dma_wait3A_221, %dma_wait3A_222] : memref<4x1280x16xf32, #tpu.memory_space<vmem>> -> memref<1x1280x16xf32, #tpu.memory_space<vmem>>
    %dma_wait3A_224 = tpu.memref_squeeze %dma_wait3A_223 : memref<1x1280x16xf32, #tpu.memory_space<vmem>> -> memref<1280x16xf32, #tpu.memory_space<vmem>>
    %dma_wait3A_225 = arith.constant 0 : i32
    %dma_wait3A_226 = tpu.memref_slice %arg7[%dma_wait3A_219, %dma_wait3A_225] : memref<8x1280xi32, #tpu.memory_space<vmem>> -> memref<1x1280xi32, #tpu.memory_space<vmem>>
    %dma_wait3A_227 = tpu.memref_squeeze %dma_wait3A_226 : memref<1x1280xi32, #tpu.memory_space<vmem>> -> memref<1280xi32, #tpu.memory_space<vmem>>
    %dma_wait3A_228 = arith.constant 0 : i32
    %dma_wait3A_229 = arith.constant 0 : i32
    %dma_wait3A_230 = tpu.memref_slice %arg2[%dma_wait3A_228, %dma_wait3A_229] : memref<10000x16xf32, #tpu.memory_space<hbm>> -> memref<10000x16xf32, #tpu.memory_space<hbm>>
    tpu.wait_indirect_dma semaphore(%arg11 : memref<!tpu.dma_semaphore, #tpu.memory_space<semaphore_mem>>) src(%dma_wait3A_230 : memref<10000x16xf32, #tpu.memory_space<hbm>>) dst(%dma_wait3A_224 : memref<1280x16xf32, #tpu.memory_space<vmem>>)
    %dma_start3A_231 = arith.constant 0 : i32
    %dma_start3A_232 = arith.constant 4 : i32
    %dma_start3A_233 = arith.constant 0 : i32
    %dma_start3A_234 = arith.constant 0 : i32
    %dma_start3A_235 = tpu.memref_slice %arg9[%dma_start3A_231, %dma_start3A_233, %dma_start3A_234] : memref<4x1280x16xf32, #tpu.memory_space<vmem>> -> memref<1x1280x16xf32, #tpu.memory_space<vmem>>
    %dma_start3A_236 = tpu.memref_squeeze %dma_start3A_235 : memref<1x1280x16xf32, #tpu.memory_space<vmem>> -> memref<1280x16xf32, #tpu.memory_space<vmem>>
    %dma_start3A_237 = arith.constant 0 : i32
    %dma_start3A_238 = tpu.memref_slice %arg8[%dma_start3A_232, %dma_start3A_237] : memref<8x1280xi32, #tpu.memory_space<vmem>> -> memref<1x1280xi32, #tpu.memory_space<vmem>>
    %dma_start3A_239 = tpu.memref_squeeze %dma_start3A_238 : memref<1x1280xi32, #tpu.memory_space<vmem>> -> memref<1280xi32, #tpu.memory_space<vmem>>
    %dma_start3A_240 = arith.constant 0 : i32
    %dma_start3A_241 = arith.constant 0 : i32
    %dma_start3A_242 = tpu.memref_slice %arg10[%dma_start3A_240, %dma_start3A_241] : memref<10112x16xf32, #tpu.memory_space<vmem_shared>> -> memref<10112x16xf32, #tpu.memory_space<vmem_shared>>
    tpu.enqueue_indirect_dma source(%dma_start3A_236 : memref<1280x16xf32, #tpu.memory_space<vmem>>) target(%dma_start3A_242 : memref<10112x16xf32, #tpu.memory_space<vmem_shared>>) offsets(%dma_start3A_239 : memref<1280xi32, #tpu.memory_space<vmem>>) semaphore(%arg12 : memref<!tpu.dma_semaphore, #tpu.memory_space<semaphore_mem>>) {add = true}
    %dma_wait3A_243 = arith.constant 3 : i32
    %dma_wait3A_244 = arith.constant 3 : i32
    %dma_wait3A_245 = arith.constant 0 : i32
    %dma_wait3A_246 = arith.constant 0 : i32
    %dma_wait3A_247 = tpu.memref_slice %arg9[%dma_wait3A_243, %dma_wait3A_245, %dma_wait3A_246] : memref<4x1280x16xf32, #tpu.memory_space<vmem>> -> memref<1x1280x16xf32, #tpu.memory_space<vmem>>
    %dma_wait3A_248 = tpu.memref_squeeze %dma_wait3A_247 : memref<1x1280x16xf32, #tpu.memory_space<vmem>> -> memref<1280x16xf32, #tpu.memory_space<vmem>>
    %dma_wait3A_249 = arith.constant 0 : i32
    %dma_wait3A_250 = tpu.memref_slice %arg8[%dma_wait3A_244, %dma_wait3A_249] : memref<8x1280xi32, #tpu.memory_space<vmem>> -> memref<1x1280xi32, #tpu.memory_space<vmem>>
    %dma_wait3A_251 = tpu.memref_squeeze %dma_wait3A_250 : memref<1x1280xi32, #tpu.memory_space<vmem>> -> memref<1280xi32, #tpu.memory_space<vmem>>
    %dma_wait3A_252 = arith.constant 0 : i32
    %dma_wait3A_253 = arith.constant 0 : i32
    %dma_wait3A_254 = tpu.memref_slice %arg10[%dma_wait3A_252, %dma_wait3A_253] : memref<10112x16xf32, #tpu.memory_space<vmem_shared>> -> memref<10112x16xf32, #tpu.memory_space<vmem_shared>>
    tpu.wait_indirect_dma semaphore(%arg12 : memref<!tpu.dma_semaphore, #tpu.memory_space<semaphore_mem>>) src(%dma_wait3A_248 : memref<1280x16xf32, #tpu.memory_space<vmem>>) dst(%dma_wait3A_254 : memref<10112x16xf32, #tpu.memory_space<vmem_shared>>)
    %dma_start3A_255 = arith.constant 7 : i32
    %dma_start3A_256 = arith.constant 3 : i32
    %dma_start3A_257 = arith.constant 0 : i32
    %dma_start3A_258 = arith.constant 0 : i32
    %dma_start3A_259 = tpu.memref_slice %arg9[%dma_start3A_256, %dma_start3A_257, %dma_start3A_258] : memref<4x1280x16xf32, #tpu.memory_space<vmem>> -> memref<1x1280x16xf32, #tpu.memory_space<vmem>>
    %dma_start3A_260 = tpu.memref_squeeze %dma_start3A_259 : memref<1x1280x16xf32, #tpu.memory_space<vmem>> -> memref<1280x16xf32, #tpu.memory_space<vmem>>
    %dma_start3A_261 = arith.constant 0 : i32
    %dma_start3A_262 = tpu.memref_slice %arg7[%dma_start3A_255, %dma_start3A_261] : memref<8x1280xi32, #tpu.memory_space<vmem>> -> memref<1x1280xi32, #tpu.memory_space<vmem>>
    %dma_start3A_263 = tpu.memref_squeeze %dma_start3A_262 : memref<1x1280xi32, #tpu.memory_space<vmem>> -> memref<1280xi32, #tpu.memory_space<vmem>>
    %dma_start3A_264 = arith.constant 0 : i32
    %dma_start3A_265 = arith.constant 0 : i32
    %dma_start3A_266 = tpu.memref_slice %arg2[%dma_start3A_264, %dma_start3A_265] : memref<10000x16xf32, #tpu.memory_space<hbm>> -> memref<10000x16xf32, #tpu.memory_space<hbm>>
    tpu.enqueue_indirect_dma source(%dma_start3A_266 : memref<10000x16xf32, #tpu.memory_space<hbm>>) target(%dma_start3A_260 : memref<1280x16xf32, #tpu.memory_space<vmem>>) offsets(%dma_start3A_263 : memref<1280xi32, #tpu.memory_space<vmem>>) semaphore(%arg11 : memref<!tpu.dma_semaphore, #tpu.memory_space<semaphore_mem>>)
    %dma_wait3A_267 = arith.constant 5 : i32
    %dma_wait3A_268 = arith.constant 1 : i32
    %dma_wait3A_269 = arith.constant 0 : i32
    %dma_wait3A_270 = arith.constant 0 : i32
    %dma_wait3A_271 = tpu.memref_slice %arg9[%dma_wait3A_268, %dma_wait3A_269, %dma_wait3A_270] : memref<4x1280x16xf32, #tpu.memory_space<vmem>> -> memref<1x1280x16xf32, #tpu.memory_space<vmem>>
    %dma_wait3A_272 = tpu.memref_squeeze %dma_wait3A_271 : memref<1x1280x16xf32, #tpu.memory_space<vmem>> -> memref<1280x16xf32, #tpu.memory_space<vmem>>
    %dma_wait3A_273 = arith.constant 0 : i32
    %dma_wait3A_274 = tpu.memref_slice %arg7[%dma_wait3A_267, %dma_wait3A_273] : memref<8x1280xi32, #tpu.memory_space<vmem>> -> memref<1x1280xi32, #tpu.memory_space<vmem>>
    %dma_wait3A_275 = tpu.memref_squeeze %dma_wait3A_274 : memref<1x1280xi32, #tpu.memory_space<vmem>> -> memref<1280xi32, #tpu.memory_space<vmem>>
    %dma_wait3A_276 = arith.constant 0 : i32
    %dma_wait3A_277 = arith.constant 0 : i32
    %dma_wait3A_278 = tpu.memref_slice %arg2[%dma_wait3A_276, %dma_wait3A_277] : memref<10000x16xf32, #tpu.memory_space<hbm>> -> memref<10000x16xf32, #tpu.memory_space<hbm>>
    tpu.wait_indirect_dma semaphore(%arg11 : memref<!tpu.dma_semaphore, #tpu.memory_space<semaphore_mem>>) src(%dma_wait3A_278 : memref<10000x16xf32, #tpu.memory_space<hbm>>) dst(%dma_wait3A_272 : memref<1280x16xf32, #tpu.memory_space<vmem>>)
    %dma_start3A_279 = arith.constant 1 : i32
    %dma_start3A_280 = arith.constant 5 : i32
    %dma_start3A_281 = arith.constant 0 : i32
    %dma_start3A_282 = arith.constant 0 : i32
    %dma_start3A_283 = tpu.memref_slice %arg9[%dma_start3A_279, %dma_start3A_281, %dma_start3A_282] : memref<4x1280x16xf32, #tpu.memory_space<vmem>> -> memref<1x1280x16xf32, #tpu.memory_space<vmem>>
    %dma_start3A_284 = tpu.memref_squeeze %dma_start3A_283 : memref<1x1280x16xf32, #tpu.memory_space<vmem>> -> memref<1280x16xf32, #tpu.memory_space<vmem>>
    %dma_start3A_285 = arith.constant 0 : i32
    %dma_start3A_286 = tpu.memref_slice %arg8[%dma_start3A_280, %dma_start3A_285] : memref<8x1280xi32, #tpu.memory_space<vmem>> -> memref<1x1280xi32, #tpu.memory_space<vmem>>
    %dma_start3A_287 = tpu.memref_squeeze %dma_start3A_286 : memref<1x1280xi32, #tpu.memory_space<vmem>> -> memref<1280xi32, #tpu.memory_space<vmem>>
    %dma_start3A_288 = arith.constant 0 : i32
    %dma_start3A_289 = arith.constant 0 : i32
    %dma_start3A_290 = tpu.memref_slice %arg10[%dma_start3A_288, %dma_start3A_289] : memref<10112x16xf32, #tpu.memory_space<vmem_shared>> -> memref<10112x16xf32, #tpu.memory_space<vmem_shared>>
    tpu.enqueue_indirect_dma source(%dma_start3A_284 : memref<1280x16xf32, #tpu.memory_space<vmem>>) target(%dma_start3A_290 : memref<10112x16xf32, #tpu.memory_space<vmem_shared>>) offsets(%dma_start3A_287 : memref<1280xi32, #tpu.memory_space<vmem>>) semaphore(%arg12 : memref<!tpu.dma_semaphore, #tpu.memory_space<semaphore_mem>>) {add = true}
    %dma_wait3A_291 = arith.constant 6 : i32
    %dma_wait3A_292 = arith.constant 2 : i32
    %dma_wait3A_293 = arith.constant 0 : i32
    %dma_wait3A_294 = arith.constant 0 : i32
    %dma_wait3A_295 = tpu.memref_slice %arg9[%dma_wait3A_292, %dma_wait3A_293, %dma_wait3A_294] : memref<4x1280x16xf32, #tpu.memory_space<vmem>> -> memref<1x1280x16xf32, #tpu.memory_space<vmem>>
    %dma_wait3A_296 = tpu.memref_squeeze %dma_wait3A_295 : memref<1x1280x16xf32, #tpu.memory_space<vmem>> -> memref<1280x16xf32, #tpu.memory_space<vmem>>
    %dma_wait3A_297 = arith.constant 0 : i32
    %dma_wait3A_298 = tpu.memref_slice %arg7[%dma_wait3A_291, %dma_wait3A_297] : memref<8x1280xi32, #tpu.memory_space<vmem>> -> memref<1x1280xi32, #tpu.memory_space<vmem>>
    %dma_wait3A_299 = tpu.memref_squeeze %dma_wait3A_298 : memref<1x1280xi32, #tpu.memory_space<vmem>> -> memref<1280xi32, #tpu.memory_space<vmem>>
    %dma_wait3A_300 = arith.constant 0 : i32
    %dma_wait3A_301 = arith.constant 0 : i32
    %dma_wait3A_302 = tpu.memref_slice %arg2[%dma_wait3A_300, %dma_wait3A_301] : memref<10000x16xf32, #tpu.memory_space<hbm>> -> memref<10000x16xf32, #tpu.memory_space<hbm>>
    tpu.wait_indirect_dma semaphore(%arg11 : memref<!tpu.dma_semaphore, #tpu.memory_space<semaphore_mem>>) src(%dma_wait3A_302 : memref<10000x16xf32, #tpu.memory_space<hbm>>) dst(%dma_wait3A_296 : memref<1280x16xf32, #tpu.memory_space<vmem>>)
    %dma_start3A_303 = arith.constant 2 : i32
    %dma_start3A_304 = arith.constant 6 : i32
    %dma_start3A_305 = arith.constant 0 : i32
    %dma_start3A_306 = arith.constant 0 : i32
    %dma_start3A_307 = tpu.memref_slice %arg9[%dma_start3A_303, %dma_start3A_305, %dma_start3A_306] : memref<4x1280x16xf32, #tpu.memory_space<vmem>> -> memref<1x1280x16xf32, #tpu.memory_space<vmem>>
    %dma_start3A_308 = tpu.memref_squeeze %dma_start3A_307 : memref<1x1280x16xf32, #tpu.memory_space<vmem>> -> memref<1280x16xf32, #tpu.memory_space<vmem>>
    %dma_start3A_309 = arith.constant 0 : i32
    %dma_start3A_310 = tpu.memref_slice %arg8[%dma_start3A_304, %dma_start3A_309] : memref<8x1280xi32, #tpu.memory_space<vmem>> -> memref<1x1280xi32, #tpu.memory_space<vmem>>
    %dma_start3A_311 = tpu.memref_squeeze %dma_start3A_310 : memref<1x1280xi32, #tpu.memory_space<vmem>> -> memref<1280xi32, #tpu.memory_space<vmem>>
    %dma_start3A_312 = arith.constant 0 : i32
    %dma_start3A_313 = arith.constant 0 : i32
    %dma_start3A_314 = tpu.memref_slice %arg10[%dma_start3A_312, %dma_start3A_313] : memref<10112x16xf32, #tpu.memory_space<vmem_shared>> -> memref<10112x16xf32, #tpu.memory_space<vmem_shared>>
    tpu.enqueue_indirect_dma source(%dma_start3A_308 : memref<1280x16xf32, #tpu.memory_space<vmem>>) target(%dma_start3A_314 : memref<10112x16xf32, #tpu.memory_space<vmem_shared>>) offsets(%dma_start3A_311 : memref<1280xi32, #tpu.memory_space<vmem>>) semaphore(%arg12 : memref<!tpu.dma_semaphore, #tpu.memory_space<semaphore_mem>>) {add = true}
    %dma_wait3A_315 = arith.constant 7 : i32
    %dma_wait3A_316 = arith.constant 3 : i32
    %dma_wait3A_317 = arith.constant 0 : i32
    %dma_wait3A_318 = arith.constant 0 : i32
    %dma_wait3A_319 = tpu.memref_slice %arg9[%dma_wait3A_316, %dma_wait3A_317, %dma_wait3A_318] : memref<4x1280x16xf32, #tpu.memory_space<vmem>> -> memref<1x1280x16xf32, #tpu.memory_space<vmem>>
    %dma_wait3A_320 = tpu.memref_squeeze %dma_wait3A_319 : memref<1x1280x16xf32, #tpu.memory_space<vmem>> -> memref<1280x16xf32, #tpu.memory_space<vmem>>
    %dma_wait3A_321 = arith.constant 0 : i32
    %dma_wait3A_322 = tpu.memref_slice %arg7[%dma_wait3A_315, %dma_wait3A_321] : memref<8x1280xi32, #tpu.memory_space<vmem>> -> memref<1x1280xi32, #tpu.memory_space<vmem>>
    %dma_wait3A_323 = tpu.memref_squeeze %dma_wait3A_322 : memref<1x1280xi32, #tpu.memory_space<vmem>> -> memref<1280xi32, #tpu.memory_space<vmem>>
    %dma_wait3A_324 = arith.constant 0 : i32
    %dma_wait3A_325 = arith.constant 0 : i32
    %dma_wait3A_326 = tpu.memref_slice %arg2[%dma_wait3A_324, %dma_wait3A_325] : memref<10000x16xf32, #tpu.memory_space<hbm>> -> memref<10000x16xf32, #tpu.memory_space<hbm>>
    tpu.wait_indirect_dma semaphore(%arg11 : memref<!tpu.dma_semaphore, #tpu.memory_space<semaphore_mem>>) src(%dma_wait3A_326 : memref<10000x16xf32, #tpu.memory_space<hbm>>) dst(%dma_wait3A_320 : memref<1280x16xf32, #tpu.memory_space<vmem>>)
    %dma_start3A_327 = arith.constant 3 : i32
    %dma_start3A_328 = arith.constant 7 : i32
    %dma_start3A_329 = arith.constant 0 : i32
    %dma_start3A_330 = arith.constant 0 : i32
    %dma_start3A_331 = tpu.memref_slice %arg9[%dma_start3A_327, %dma_start3A_329, %dma_start3A_330] : memref<4x1280x16xf32, #tpu.memory_space<vmem>> -> memref<1x1280x16xf32, #tpu.memory_space<vmem>>
    %dma_start3A_332 = tpu.memref_squeeze %dma_start3A_331 : memref<1x1280x16xf32, #tpu.memory_space<vmem>> -> memref<1280x16xf32, #tpu.memory_space<vmem>>
    %dma_start3A_333 = arith.constant 0 : i32
    %dma_start3A_334 = tpu.memref_slice %arg8[%dma_start3A_328, %dma_start3A_333] : memref<8x1280xi32, #tpu.memory_space<vmem>> -> memref<1x1280xi32, #tpu.memory_space<vmem>>
    %dma_start3A_335 = tpu.memref_squeeze %dma_start3A_334 : memref<1x1280xi32, #tpu.memory_space<vmem>> -> memref<1280xi32, #tpu.memory_space<vmem>>
    %dma_start3A_336 = arith.constant 0 : i32
    %dma_start3A_337 = arith.constant 0 : i32
    %dma_start3A_338 = tpu.memref_slice %arg10[%dma_start3A_336, %dma_start3A_337] : memref<10112x16xf32, #tpu.memory_space<vmem_shared>> -> memref<10112x16xf32, #tpu.memory_space<vmem_shared>>
    tpu.enqueue_indirect_dma source(%dma_start3A_332 : memref<1280x16xf32, #tpu.memory_space<vmem>>) target(%dma_start3A_338 : memref<10112x16xf32, #tpu.memory_space<vmem_shared>>) offsets(%dma_start3A_335 : memref<1280xi32, #tpu.memory_space<vmem>>) semaphore(%arg12 : memref<!tpu.dma_semaphore, #tpu.memory_space<semaphore_mem>>) {add = true}
    %dma_wait3A_339 = arith.constant 0 : i32
    %dma_wait3A_340 = arith.constant 4 : i32
    %dma_wait3A_341 = arith.constant 0 : i32
    %dma_wait3A_342 = arith.constant 0 : i32
    %dma_wait3A_343 = tpu.memref_slice %arg9[%dma_wait3A_339, %dma_wait3A_341, %dma_wait3A_342] : memref<4x1280x16xf32, #tpu.memory_space<vmem>> -> memref<1x1280x16xf32, #tpu.memory_space<vmem>>
    %dma_wait3A_344 = tpu.memref_squeeze %dma_wait3A_343 : memref<1x1280x16xf32, #tpu.memory_space<vmem>> -> memref<1280x16xf32, #tpu.memory_space<vmem>>
    %dma_wait3A_345 = arith.constant 0 : i32
    %dma_wait3A_346 = tpu.memref_slice %arg8[%dma_wait3A_340, %dma_wait3A_345] : memref<8x1280xi32, #tpu.memory_space<vmem>> -> memref<1x1280xi32, #tpu.memory_space<vmem>>
    %dma_wait3A_347 = tpu.memref_squeeze %dma_wait3A_346 : memref<1x1280xi32, #tpu.memory_space<vmem>> -> memref<1280xi32, #tpu.memory_space<vmem>>
    %dma_wait3A_348 = arith.constant 0 : i32
    %dma_wait3A_349 = arith.constant 0 : i32
    %dma_wait3A_350 = tpu.memref_slice %arg10[%dma_wait3A_348, %dma_wait3A_349] : memref<10112x16xf32, #tpu.memory_space<vmem_shared>> -> memref<10112x16xf32, #tpu.memory_space<vmem_shared>>
    tpu.wait_indirect_dma semaphore(%arg12 : memref<!tpu.dma_semaphore, #tpu.memory_space<semaphore_mem>>) src(%dma_wait3A_344 : memref<1280x16xf32, #tpu.memory_space<vmem>>) dst(%dma_wait3A_350 : memref<10112x16xf32, #tpu.memory_space<vmem_shared>>)
    %dma_wait3A_351 = arith.constant 1 : i32
    %dma_wait3A_352 = arith.constant 5 : i32
    %dma_wait3A_353 = arith.constant 0 : i32
    %dma_wait3A_354 = arith.constant 0 : i32
    %dma_wait3A_355 = tpu.memref_slice %arg9[%dma_wait3A_351, %dma_wait3A_353, %dma_wait3A_354] : memref<4x1280x16xf32, #tpu.memory_space<vmem>> -> memref<1x1280x16xf32, #tpu.memory_space<vmem>>
    %dma_wait3A_356 = tpu.memref_squeeze %dma_wait3A_355 : memref<1x1280x16xf32, #tpu.memory_space<vmem>> -> memref<1280x16xf32, #tpu.memory_space<vmem>>
    %dma_wait3A_357 = arith.constant 0 : i32
    %dma_wait3A_358 = tpu.memref_slice %arg8[%dma_wait3A_352, %dma_wait3A_357] : memref<8x1280xi32, #tpu.memory_space<vmem>> -> memref<1x1280xi32, #tpu.memory_space<vmem>>
    %dma_wait3A_359 = tpu.memref_squeeze %dma_wait3A_358 : memref<1x1280xi32, #tpu.memory_space<vmem>> -> memref<1280xi32, #tpu.memory_space<vmem>>
    %dma_wait3A_360 = arith.constant 0 : i32
    %dma_wait3A_361 = arith.constant 0 : i32
    %dma_wait3A_362 = tpu.memref_slice %arg10[%dma_wait3A_360, %dma_wait3A_361] : memref<10112x16xf32, #tpu.memory_space<vmem_shared>> -> memref<10112x16xf32, #tpu.memory_space<vmem_shared>>
    tpu.wait_indirect_dma semaphore(%arg12 : memref<!tpu.dma_semaphore, #tpu.memory_space<semaphore_mem>>) src(%dma_wait3A_356 : memref<1280x16xf32, #tpu.memory_space<vmem>>) dst(%dma_wait3A_362 : memref<10112x16xf32, #tpu.memory_space<vmem_shared>>)
    %dma_wait3A_363 = arith.constant 2 : i32
    %dma_wait3A_364 = arith.constant 6 : i32
    %dma_wait3A_365 = arith.constant 0 : i32
    %dma_wait3A_366 = arith.constant 0 : i32
    %dma_wait3A_367 = tpu.memref_slice %arg9[%dma_wait3A_363, %dma_wait3A_365, %dma_wait3A_366] : memref<4x1280x16xf32, #tpu.memory_space<vmem>> -> memref<1x1280x16xf32, #tpu.memory_space<vmem>>
    %dma_wait3A_368 = tpu.memref_squeeze %dma_wait3A_367 : memref<1x1280x16xf32, #tpu.memory_space<vmem>> -> memref<1280x16xf32, #tpu.memory_space<vmem>>
    %dma_wait3A_369 = arith.constant 0 : i32
    %dma_wait3A_370 = tpu.memref_slice %arg8[%dma_wait3A_364, %dma_wait3A_369] : memref<8x1280xi32, #tpu.memory_space<vmem>> -> memref<1x1280xi32, #tpu.memory_space<vmem>>
    %dma_wait3A_371 = tpu.memref_squeeze %dma_wait3A_370 : memref<1x1280xi32, #tpu.memory_space<vmem>> -> memref<1280xi32, #tpu.memory_space<vmem>>
    %dma_wait3A_372 = arith.constant 0 : i32
    %dma_wait3A_373 = arith.constant 0 : i32
    %dma_wait3A_374 = tpu.memref_slice %arg10[%dma_wait3A_372, %dma_wait3A_373] : memref<10112x16xf32, #tpu.memory_space<vmem_shared>> -> memref<10112x16xf32, #tpu.memory_space<vmem_shared>>
    tpu.wait_indirect_dma semaphore(%arg12 : memref<!tpu.dma_semaphore, #tpu.memory_space<semaphore_mem>>) src(%dma_wait3A_368 : memref<1280x16xf32, #tpu.memory_space<vmem>>) dst(%dma_wait3A_374 : memref<10112x16xf32, #tpu.memory_space<vmem_shared>>)
    %dma_wait3A_375 = arith.constant 3 : i32
    %dma_wait3A_376 = arith.constant 7 : i32
    %dma_wait3A_377 = arith.constant 0 : i32
    %dma_wait3A_378 = arith.constant 0 : i32
    %dma_wait3A_379 = tpu.memref_slice %arg9[%dma_wait3A_375, %dma_wait3A_377, %dma_wait3A_378] : memref<4x1280x16xf32, #tpu.memory_space<vmem>> -> memref<1x1280x16xf32, #tpu.memory_space<vmem>>
    %dma_wait3A_380 = tpu.memref_squeeze %dma_wait3A_379 : memref<1x1280x16xf32, #tpu.memory_space<vmem>> -> memref<1280x16xf32, #tpu.memory_space<vmem>>
    %dma_wait3A_381 = arith.constant 0 : i32
    %dma_wait3A_382 = tpu.memref_slice %arg8[%dma_wait3A_376, %dma_wait3A_381] : memref<8x1280xi32, #tpu.memory_space<vmem>> -> memref<1x1280xi32, #tpu.memory_space<vmem>>
    %dma_wait3A_383 = tpu.memref_squeeze %dma_wait3A_382 : memref<1x1280xi32, #tpu.memory_space<vmem>> -> memref<1280xi32, #tpu.memory_space<vmem>>
    %dma_wait3A_384 = arith.constant 0 : i32
    %dma_wait3A_385 = arith.constant 0 : i32
    %dma_wait3A_386 = tpu.memref_slice %arg10[%dma_wait3A_384, %dma_wait3A_385] : memref<10112x16xf32, #tpu.memory_space<vmem_shared>> -> memref<10112x16xf32, #tpu.memory_space<vmem_shared>>
    tpu.wait_indirect_dma semaphore(%arg12 : memref<!tpu.dma_semaphore, #tpu.memory_space<semaphore_mem>>) src(%dma_wait3A_380 : memref<1280x16xf32, #tpu.memory_space<vmem>>) dst(%dma_wait3A_386 : memref<10112x16xf32, #tpu.memory_space<vmem_shared>>)
    %barrier3A_387 = arith.constant 0 : index
    tpu.barrier barrier_id(%barrier3A_387)
    %mul3A_388 = arith.constant 632 : i32
    %mul3A_389 = arith.muli %arg1, %mul3A_388 : i32
    %mul3A_390 = arith.constant 632 : i32
    %mul3A_391 = arith.muli %arg1, %mul3A_390 : i32
    "tpu.region"() ({
      %run_scoped3A = tpu.sem_alloc : memref<!tpu.dma_semaphore, #tpu.memory_space<semaphore_mem>>
      %dma_start3A_392 = arith.constant 0 : i32
      %dma_start3A_393 = tpu.memref_slice %arg6[%arg0, %mul3A_391, %dma_start3A_392] : memref<2x10112x16xf32, #tpu.memory_space<hbm>> -> memref<1x632x16xf32, #tpu.memory_space<hbm>>
      %dma_start3A_394 = tpu.memref_squeeze %dma_start3A_393 : memref<1x632x16xf32, #tpu.memory_space<hbm>> -> memref<632x16xf32, #tpu.memory_space<hbm>>
      %dma_start3A_395 = arith.constant 0 : i32
      %dma_start3A_396 = tpu.memref_slice %arg10[%mul3A_389, %dma_start3A_395] : memref<10112x16xf32, #tpu.memory_space<vmem_shared>> -> memref<632x16xf32, #tpu.memory_space<vmem_shared>>
      tpu.enqueue_dma source(%dma_start3A_396 : memref<632x16xf32, #tpu.memory_space<vmem_shared>>) target(%dma_start3A_394 : memref<632x16xf32, #tpu.memory_space<hbm>>) target_semaphore(%run_scoped3A : memref<!tpu.dma_semaphore, #tpu.memory_space<semaphore_mem>>)
      %dma_wait3A_397 = arith.constant 0 : i32
      %dma_wait3A_398 = tpu.memref_slice %arg6[%arg0, %mul3A_391, %dma_wait3A_397] : memref<2x10112x16xf32, #tpu.memory_space<hbm>> -> memref<1x632x16xf32, #tpu.memory_space<hbm>>
      %dma_wait3A_399 = tpu.memref_squeeze %dma_wait3A_398 : memref<1x632x16xf32, #tpu.memory_space<hbm>> -> memref<632x16xf32, #tpu.memory_space<hbm>>
      %dma_wait3A_400 = arith.constant 0 : i32
      %dma_wait3A_401 = tpu.memref_slice %arg10[%mul3A_389, %dma_wait3A_400] : memref<10112x16xf32, #tpu.memory_space<vmem_shared>> -> memref<632x16xf32, #tpu.memory_space<vmem_shared>>
      tpu.wait_dma2 semaphore(%run_scoped3A : memref<!tpu.dma_semaphore, #tpu.memory_space<semaphore_mem>>) src(%dma_wait3A_401 : memref<632x16xf32, #tpu.memory_space<vmem_shared>>) dst(%dma_wait3A_399 : memref<632x16xf32, #tpu.memory_space<hbm>>)
      tpu.yield
    }) : () -> ()
    return
  }
}

module attributes {stable_mosaic.version = 14 : i64} {
  func.func @_mm0_body(%arg0: memref<10000x128xf32, #tpu.memory_space<vmem>>, %arg1: memref<128x16xf32, #tpu.memory_space<vmem>>, %arg2: memref<10000x16xf32, #tpu.memory_space<vmem>>) attributes {dimension_semantics = [], scalar_prefetch = 0 : i64, scratch_operands = 0 : i64, tpu.core_type = #tpu.core_type<tc>} {
    %get3A = arith.constant 0 : index
    %get3A_0 = arith.constant 0 : index
    %get3A_1 = vector.load %arg0[%get3A, %get3A_0] : memref<10000x128xf32, #tpu.memory_space<vmem>>, vector<10000x128xf32>
    %get3A_2 = arith.constant 0 : index
    %get3A_3 = arith.constant 0 : index
    %get3A_4 = vector.load %arg1[%get3A_2, %get3A_3] : memref<128x16xf32, #tpu.memory_space<vmem>>, vector<128x16xf32>
    %dot_general3A = arith.constant dense<0.000000e+00> : vector<10000x16xf32>
    %dot_general3A_5 = tpu.matmul %get3A_1, %get3A_4, %dot_general3A {dimension_numbers = #tpu.dot_dimension_numbers<[1], [0], [0], [1], [0, 0, 1, 1], [], []>, transpose_lhs_hint = false} : vector<10000x128xf32>, vector<128x16xf32>, vector<10000x16xf32> -> vector<10000x16xf32>
    %swap3A = arith.constant 0 : index
    %swap3A_6 = arith.constant 0 : index
    %swap3A_7 = vector.load %arg2[%swap3A, %swap3A_6] : memref<10000x16xf32, #tpu.memory_space<vmem>>, vector<10000x16xf32>
    tpu.vector_store %arg2[%swap3A, %swap3A_6], %dot_general3A_5 {strides = array<i32>} : memref<10000x16xf32, #tpu.memory_space<vmem>>, vector<10000x16xf32>,
    return
  }
}

module attributes {stable_mosaic.version = 14 : i64} {
  func.func @_dense_body(%arg0: memref<10000x16xf32, #tpu.memory_space<vmem>>, %arg1: memref<2x10112x16xf32, #tpu.memory_space<vmem>>, %arg2: memref<16x16xf32, #tpu.memory_space<vmem>>, %arg3: memref<1x16xf32, #tpu.memory_space<vmem>>, %arg4: memref<1x16xf32, #tpu.memory_space<vmem>>, %arg5: memref<1x16xf32, #tpu.memory_space<vmem>>, %arg6: memref<1x16xf32, #tpu.memory_space<vmem>>, %arg7: memref<16x16xf32, #tpu.memory_space<vmem>>, %arg8: memref<10000x16xf32, #tpu.memory_space<vmem>>, %arg9: memref<1x16xf32, #tpu.memory_space<vmem>>) attributes {dimension_semantics = [], scalar_prefetch = 0 : i64, scratch_operands = 0 : i64, tpu.core_type = #tpu.core_type<tc>} {
    %get3A = arith.constant 0 : index
    %get3A_0 = arith.constant 0 : index
    %get3A_1 = vector.load %arg0[%get3A, %get3A_0] : memref<10000x16xf32, #tpu.memory_space<vmem>>, vector<10000x16xf32>
    %get3A_2 = arith.constant 0 : index
    %get3A_3 = arith.constant 0 : index
    %get3A_4 = arith.constant 0 : index
    %get3A_5 = vector.load %arg1[%get3A_2, %get3A_3, %get3A_4] : memref<2x10112x16xf32, #tpu.memory_space<vmem>>, vector<1x10000x16xf32>
    %get3A_6 = vector.shape_cast %get3A_5 : vector<1x10000x16xf32> to vector<10000x16xf32>
    %add3A = arith.addf %get3A_1, %get3A_6 : vector<10000x16xf32>
    %get3A_7 = arith.constant 1 : index
    %get3A_8 = arith.constant 0 : index
    %get3A_9 = arith.constant 0 : index
    %get3A_10 = vector.load %arg1[%get3A_7, %get3A_8, %get3A_9] : memref<2x10112x16xf32, #tpu.memory_space<vmem>>, vector<1x10000x16xf32>
    %get3A_11 = vector.shape_cast %get3A_10 : vector<1x10000x16xf32> to vector<10000x16xf32>
    %add3A_12 = arith.addf %add3A, %get3A_11 : vector<10000x16xf32>
    %get3A_13 = arith.constant 0 : index
    %get3A_14 = arith.constant 0 : index
    %get3A_15 = vector.load %arg3[%get3A_13, %get3A_14] : memref<1x16xf32, #tpu.memory_space<vmem>>, vector<1x16xf32>
    %get3A_16 = arith.constant 0 : index
    %get3A_17 = arith.constant 0 : index
    %get3A_18 = vector.load %arg4[%get3A_16, %get3A_17] : memref<1x16xf32, #tpu.memory_space<vmem>>, vector<1x16xf32>
    %reduce_sum3A = arith.constant dense<0.000000e+00> : vector<16xf32>
    %reduce_sum3A_19 = vector.multi_reduction <add>, %add3A_12, %reduce_sum3A [0] : vector<10000x16xf32> to vector<16xf32>
    %broadcast_in_dim3A = vector.shape_cast %reduce_sum3A_19 : vector<16xf32> to vector<1x16xf32>
    %div3A = arith.constant 1.000000e+04 : f32
    %div3A_20 = vector.broadcast %div3A : f32 to vector<1x16xf32>
    %div3A_21 = arith.divf %broadcast_in_dim3A, %div3A_20 : vector<1x16xf32>
    %sub3A = vector.broadcast %div3A_21 : vector<1x16xf32> to vector<10000x16xf32>
    %sub3A_22 = arith.subf %add3A_12, %sub3A : vector<10000x16xf32>
    %integer_pow3A = arith.mulf %sub3A_22, %sub3A_22 : vector<10000x16xf32>
    %reduce_sum3A_23 = arith.constant dense<0.000000e+00> : vector<16xf32>
    %reduce_sum3A_24 = vector.multi_reduction <add>, %integer_pow3A, %reduce_sum3A_23 [0] : vector<10000x16xf32> to vector<16xf32>
    %broadcast_in_dim3A_25 = vector.shape_cast %reduce_sum3A_24 : vector<16xf32> to vector<1x16xf32>
    %div3A_26 = arith.constant 1.000000e+04 : f32
    %div3A_27 = vector.broadcast %div3A_26 : f32 to vector<1x16xf32>
    %div3A_28 = arith.divf %broadcast_in_dim3A_25, %div3A_27 : vector<1x16xf32>
    %sub3A_29 = vector.broadcast %div3A_21 : vector<1x16xf32> to vector<10000x16xf32>
    %sub3A_30 = arith.subf %add3A_12, %sub3A_29 : vector<10000x16xf32>
    %add3A_31 = arith.constant 9.99999974E-6 : f32
    %add3A_32 = vector.broadcast %add3A_31 : f32 to vector<1x16xf32>
    %add3A_33 = arith.addf %div3A_28, %add3A_32 : vector<1x16xf32>
    %rsqrt3A = math.rsqrt %add3A_33 : vector<1x16xf32>
    %mul3A = vector.broadcast %rsqrt3A : vector<1x16xf32> to vector<10000x16xf32>
    %mul3A_34 = arith.mulf %sub3A_30, %mul3A : vector<10000x16xf32>
    %mul3A_35 = vector.broadcast %get3A_15 : vector<1x16xf32> to vector<10000x16xf32>
    %mul3A_36 = arith.mulf %mul3A_34, %mul3A_35 : vector<10000x16xf32>
    %add3A_37 = vector.broadcast %get3A_18 : vector<1x16xf32> to vector<10000x16xf32>
    %add3A_38 = arith.addf %mul3A_36, %add3A_37 : vector<10000x16xf32>
    %max3A = arith.constant 0.000000e+00 : f32
    %max3A_39 = vector.broadcast %max3A : f32 to vector<10000x16xf32>
    %max3A_40 = arith.maximumf %add3A_38, %max3A_39 : vector<10000x16xf32>
    %get3A_41 = arith.constant 0 : index
    %get3A_42 = arith.constant 0 : index
    %get3A_43 = vector.load %arg2[%get3A_41, %get3A_42] : memref<16x16xf32, #tpu.memory_space<vmem>>, vector<16x16xf32>
    %dot_general3A = arith.constant dense<0.000000e+00> : vector<10000x16xf32>
    %dot_general3A_44 = tpu.matmul %max3A_40, %get3A_43, %dot_general3A {dimension_numbers = #tpu.dot_dimension_numbers<[1], [0], [0], [1], [0, 0, 1, 1], [], []>, transpose_lhs_hint = false} : vector<10000x16xf32>, vector<16x16xf32>, vector<10000x16xf32> -> vector<10000x16xf32>
    %get3A_45 = arith.constant 0 : index
    %get3A_46 = arith.constant 0 : index
    %get3A_47 = vector.load %arg5[%get3A_45, %get3A_46] : memref<1x16xf32, #tpu.memory_space<vmem>>, vector<1x16xf32>
    %get3A_48 = arith.constant 0 : index
    %get3A_49 = arith.constant 0 : index
    %get3A_50 = vector.load %arg6[%get3A_48, %get3A_49] : memref<1x16xf32, #tpu.memory_space<vmem>>, vector<1x16xf32>
    %reduce_sum3A_51 = arith.constant dense<0.000000e+00> : vector<16xf32>
    %reduce_sum3A_52 = vector.multi_reduction <add>, %dot_general3A_44, %reduce_sum3A_51 [0] : vector<10000x16xf32> to vector<16xf32>
    %broadcast_in_dim3A_53 = vector.shape_cast %reduce_sum3A_52 : vector<16xf32> to vector<1x16xf32>
    %div3A_54 = arith.constant 1.000000e+04 : f32
    %div3A_55 = vector.broadcast %div3A_54 : f32 to vector<1x16xf32>
    %div3A_56 = arith.divf %broadcast_in_dim3A_53, %div3A_55 : vector<1x16xf32>
    %sub3A_57 = vector.broadcast %div3A_56 : vector<1x16xf32> to vector<10000x16xf32>
    %sub3A_58 = arith.subf %dot_general3A_44, %sub3A_57 : vector<10000x16xf32>
    %integer_pow3A_59 = arith.mulf %sub3A_58, %sub3A_58 : vector<10000x16xf32>
    %reduce_sum3A_60 = arith.constant dense<0.000000e+00> : vector<16xf32>
    %reduce_sum3A_61 = vector.multi_reduction <add>, %integer_pow3A_59, %reduce_sum3A_60 [0] : vector<10000x16xf32> to vector<16xf32>
    %broadcast_in_dim3A_62 = vector.shape_cast %reduce_sum3A_61 : vector<16xf32> to vector<1x16xf32>
    %div3A_63 = arith.constant 1.000000e+04 : f32
    %div3A_64 = vector.broadcast %div3A_63 : f32 to vector<1x16xf32>
    %div3A_65 = arith.divf %broadcast_in_dim3A_62, %div3A_64 : vector<1x16xf32>
    %sub3A_66 = vector.broadcast %div3A_56 : vector<1x16xf32> to vector<10000x16xf32>
    %sub3A_67 = arith.subf %dot_general3A_44, %sub3A_66 : vector<10000x16xf32>
    %add3A_68 = arith.constant 9.99999974E-6 : f32
    %add3A_69 = vector.broadcast %add3A_68 : f32 to vector<1x16xf32>
    %add3A_70 = arith.addf %div3A_65, %add3A_69 : vector<1x16xf32>
    %rsqrt3A_71 = math.rsqrt %add3A_70 : vector<1x16xf32>
    %mul3A_72 = vector.broadcast %rsqrt3A_71 : vector<1x16xf32> to vector<10000x16xf32>
    %mul3A_73 = arith.mulf %sub3A_67, %mul3A_72 : vector<10000x16xf32>
    %mul3A_74 = vector.broadcast %get3A_47 : vector<1x16xf32> to vector<10000x16xf32>
    %mul3A_75 = arith.mulf %mul3A_73, %mul3A_74 : vector<10000x16xf32>
    %add3A_76 = vector.broadcast %get3A_50 : vector<1x16xf32> to vector<10000x16xf32>
    %add3A_77 = arith.addf %mul3A_75, %add3A_76 : vector<10000x16xf32>
    %max3A_78 = arith.constant 0.000000e+00 : f32
    %max3A_79 = vector.broadcast %max3A_78 : f32 to vector<10000x16xf32>
    %max3A_80 = arith.maximumf %add3A_77, %max3A_79 : vector<10000x16xf32>
    %get3A_81 = arith.constant 0 : index
    %get3A_82 = arith.constant 0 : index
    %get3A_83 = vector.load %arg7[%get3A_81, %get3A_82] : memref<16x16xf32, #tpu.memory_space<vmem>>, vector<16x16xf32>
    %dot_general3A_84 = arith.constant dense<0.000000e+00> : vector<10000x16xf32>
    %dot_general3A_85 = tpu.matmul %max3A_80, %get3A_83, %dot_general3A_84 {dimension_numbers = #tpu.dot_dimension_numbers<[1], [0], [0], [1], [0, 0, 1, 1], [], []>, transpose_lhs_hint = false} : vector<10000x16xf32>, vector<16x16xf32>, vector<10000x16xf32> -> vector<10000x16xf32>
    %swap3A = arith.constant 0 : index
    %swap3A_86 = arith.constant 0 : index
    %swap3A_87 = vector.load %arg8[%swap3A, %swap3A_86] : memref<10000x16xf32, #tpu.memory_space<vmem>>, vector<10000x16xf32>
    tpu.vector_store %arg8[%swap3A, %swap3A_86], %dot_general3A_85 {strides = array<i32>} : memref<10000x16xf32, #tpu.memory_space<vmem>>, vector<10000x16xf32>,
    %reduce_sum3A_88 = arith.constant dense<0.000000e+00> : vector<16xf32>
    %reduce_sum3A_89 = vector.multi_reduction <add>, %max3A_80, %reduce_sum3A_88 [0] : vector<10000x16xf32> to vector<16xf32>
    %broadcast_in_dim3A_90 = vector.shape_cast %reduce_sum3A_89 : vector<16xf32> to vector<1x16xf32>
    %swap3A_91 = arith.constant 0 : index
    %swap3A_92 = arith.constant 0 : index
    %swap3A_93 = vector.load %arg9[%swap3A_91, %swap3A_92] : memref<1x16xf32, #tpu.memory_space<vmem>>, vector<1x16xf32>
    tpu.vector_store %arg9[%swap3A_91, %swap3A_92], %broadcast_in_dim3A_90 {strides = array<i32>} : memref<1x16xf32, #tpu.memory_space<vmem>>, vector<1x16xf32>,
    return
  }
}

module attributes {stable_mosaic.version = 14 : i64} {
  func.func @_final_body(%arg0: memref<10000x16xf32, #tpu.memory_space<vmem>>, %arg1: memref<2x10112x16xf32, #tpu.memory_space<vmem>>, %arg2: memref<16x16xf32, #tpu.memory_space<vmem>>, %arg3: memref<1x16xf32, #tpu.memory_space<vmem>>, %arg4: memref<1x16xf32, #tpu.memory_space<vmem>>, %arg5: memref<1x16xf32, #tpu.memory_space<vmem>>, %arg6: memref<1x16xf32, #tpu.memory_space<vmem>>, %arg7: memref<1x16xf32, #tpu.memory_space<vmem>>, %arg8: memref<1x16xf32, #tpu.memory_space<vmem>>, %arg9: memref<1x16xf32, #tpu.memory_space<vmem>>, %arg10: memref<64x64xf32, #tpu.memory_space<vmem>>, %arg11: memref<1x64xf32, #tpu.memory_space<vmem>>, %arg12: memref<1x64xf32, #tpu.memory_space<vmem>>) attributes {dimension_semantics = [], scalar_prefetch = 0 : i64, scratch_operands = 0 : i64, tpu.core_type = #tpu.core_type<tc>} {
    %get3A = arith.constant 0 : index
    %get3A_0 = arith.constant 0 : index
    %get3A_1 = vector.load %arg0[%get3A, %get3A_0] : memref<10000x16xf32, #tpu.memory_space<vmem>>, vector<10000x16xf32>
    %get3A_2 = arith.constant 0 : index
    %get3A_3 = arith.constant 0 : index
    %get3A_4 = arith.constant 0 : index
    %get3A_5 = vector.load %arg1[%get3A_2, %get3A_3, %get3A_4] : memref<2x10112x16xf32, #tpu.memory_space<vmem>>, vector<1x10000x16xf32>
    %get3A_6 = vector.shape_cast %get3A_5 : vector<1x10000x16xf32> to vector<10000x16xf32>
    %add3A = arith.addf %get3A_1, %get3A_6 : vector<10000x16xf32>
    %get3A_7 = arith.constant 1 : index
    %get3A_8 = arith.constant 0 : index
    %get3A_9 = arith.constant 0 : index
    %get3A_10 = vector.load %arg1[%get3A_7, %get3A_8, %get3A_9] : memref<2x10112x16xf32, #tpu.memory_space<vmem>>, vector<1x10000x16xf32>
    %get3A_11 = vector.shape_cast %get3A_10 : vector<1x10000x16xf32> to vector<10000x16xf32>
    %add3A_12 = arith.addf %add3A, %get3A_11 : vector<10000x16xf32>
    %get3A_13 = arith.constant 0 : index
    %get3A_14 = arith.constant 0 : index
    %get3A_15 = vector.load %arg3[%get3A_13, %get3A_14] : memref<1x16xf32, #tpu.memory_space<vmem>>, vector<1x16xf32>
    %get3A_16 = arith.constant 0 : index
    %get3A_17 = arith.constant 0 : index
    %get3A_18 = vector.load %arg4[%get3A_16, %get3A_17] : memref<1x16xf32, #tpu.memory_space<vmem>>, vector<1x16xf32>
    %reduce_sum3A = arith.constant dense<0.000000e+00> : vector<16xf32>
    %reduce_sum3A_19 = vector.multi_reduction <add>, %add3A_12, %reduce_sum3A [0] : vector<10000x16xf32> to vector<16xf32>
    %broadcast_in_dim3A = vector.shape_cast %reduce_sum3A_19 : vector<16xf32> to vector<1x16xf32>
    %div3A = arith.constant 1.000000e+04 : f32
    %div3A_20 = vector.broadcast %div3A : f32 to vector<1x16xf32>
    %div3A_21 = arith.divf %broadcast_in_dim3A, %div3A_20 : vector<1x16xf32>
    %sub3A = vector.broadcast %div3A_21 : vector<1x16xf32> to vector<10000x16xf32>
    %sub3A_22 = arith.subf %add3A_12, %sub3A : vector<10000x16xf32>
    %integer_pow3A = arith.mulf %sub3A_22, %sub3A_22 : vector<10000x16xf32>
    %reduce_sum3A_23 = arith.constant dense<0.000000e+00> : vector<16xf32>
    %reduce_sum3A_24 = vector.multi_reduction <add>, %integer_pow3A, %reduce_sum3A_23 [0] : vector<10000x16xf32> to vector<16xf32>
    %broadcast_in_dim3A_25 = vector.shape_cast %reduce_sum3A_24 : vector<16xf32> to vector<1x16xf32>
    %div3A_26 = arith.constant 1.000000e+04 : f32
    %div3A_27 = vector.broadcast %div3A_26 : f32 to vector<1x16xf32>
    %div3A_28 = arith.divf %broadcast_in_dim3A_25, %div3A_27 : vector<1x16xf32>
    %sub3A_29 = vector.broadcast %div3A_21 : vector<1x16xf32> to vector<10000x16xf32>
    %sub3A_30 = arith.subf %add3A_12, %sub3A_29 : vector<10000x16xf32>
    %add3A_31 = arith.constant 9.99999974E-6 : f32
    %add3A_32 = vector.broadcast %add3A_31 : f32 to vector<1x16xf32>
    %add3A_33 = arith.addf %div3A_28, %add3A_32 : vector<1x16xf32>
    %rsqrt3A = math.rsqrt %add3A_33 : vector<1x16xf32>
    %mul3A = vector.broadcast %rsqrt3A : vector<1x16xf32> to vector<10000x16xf32>
    %mul3A_34 = arith.mulf %sub3A_30, %mul3A : vector<10000x16xf32>
    %mul3A_35 = vector.broadcast %get3A_15 : vector<1x16xf32> to vector<10000x16xf32>
    %mul3A_36 = arith.mulf %mul3A_34, %mul3A_35 : vector<10000x16xf32>
    %add3A_37 = vector.broadcast %get3A_18 : vector<1x16xf32> to vector<10000x16xf32>
    %add3A_38 = arith.addf %mul3A_36, %add3A_37 : vector<10000x16xf32>
    %max3A = arith.constant 0.000000e+00 : f32
    %max3A_39 = vector.broadcast %max3A : f32 to vector<10000x16xf32>
    %max3A_40 = arith.maximumf %add3A_38, %max3A_39 : vector<10000x16xf32>
    %get3A_41 = arith.constant 0 : index
    %get3A_42 = arith.constant 0 : index
    %get3A_43 = vector.load %arg2[%get3A_41, %get3A_42] : memref<16x16xf32, #tpu.memory_space<vmem>>, vector<16x16xf32>
    %dot_general3A = arith.constant dense<0.000000e+00> : vector<10000x16xf32>
    %dot_general3A_44 = tpu.matmul %max3A_40, %get3A_43, %dot_general3A {dimension_numbers = #tpu.dot_dimension_numbers<[1], [0], [0], [1], [0, 0, 1, 1], [], []>, transpose_lhs_hint = false} : vector<10000x16xf32>, vector<16x16xf32>, vector<10000x16xf32> -> vector<10000x16xf32>
    %get3A_45 = arith.constant 0 : index
    %get3A_46 = arith.constant 0 : index
    %get3A_47 = vector.load %arg5[%get3A_45, %get3A_46] : memref<1x16xf32, #tpu.memory_space<vmem>>, vector<1x16xf32>
    %get3A_48 = arith.constant 0 : index
    %get3A_49 = arith.constant 0 : index
    %get3A_50 = vector.load %arg6[%get3A_48, %get3A_49] : memref<1x16xf32, #tpu.memory_space<vmem>>, vector<1x16xf32>
    %reduce_sum3A_51 = arith.constant dense<0.000000e+00> : vector<16xf32>
    %reduce_sum3A_52 = vector.multi_reduction <add>, %dot_general3A_44, %reduce_sum3A_51 [0] : vector<10000x16xf32> to vector<16xf32>
    %broadcast_in_dim3A_53 = vector.shape_cast %reduce_sum3A_52 : vector<16xf32> to vector<1x16xf32>
    %div3A_54 = arith.constant 1.000000e+04 : f32
    %div3A_55 = vector.broadcast %div3A_54 : f32 to vector<1x16xf32>
    %div3A_56 = arith.divf %broadcast_in_dim3A_53, %div3A_55 : vector<1x16xf32>
    %sub3A_57 = vector.broadcast %div3A_56 : vector<1x16xf32> to vector<10000x16xf32>
    %sub3A_58 = arith.subf %dot_general3A_44, %sub3A_57 : vector<10000x16xf32>
    %integer_pow3A_59 = arith.mulf %sub3A_58, %sub3A_58 : vector<10000x16xf32>
    %reduce_sum3A_60 = arith.constant dense<0.000000e+00> : vector<16xf32>
    %reduce_sum3A_61 = vector.multi_reduction <add>, %integer_pow3A_59, %reduce_sum3A_60 [0] : vector<10000x16xf32> to vector<16xf32>
    %broadcast_in_dim3A_62 = vector.shape_cast %reduce_sum3A_61 : vector<16xf32> to vector<1x16xf32>
    %div3A_63 = arith.constant 1.000000e+04 : f32
    %div3A_64 = vector.broadcast %div3A_63 : f32 to vector<1x16xf32>
    %div3A_65 = arith.divf %broadcast_in_dim3A_62, %div3A_64 : vector<1x16xf32>
    %sub3A_66 = vector.broadcast %div3A_56 : vector<1x16xf32> to vector<10000x16xf32>
    %sub3A_67 = arith.subf %dot_general3A_44, %sub3A_66 : vector<10000x16xf32>
    %add3A_68 = arith.constant 9.99999974E-6 : f32
    %add3A_69 = vector.broadcast %add3A_68 : f32 to vector<1x16xf32>
    %add3A_70 = arith.addf %div3A_65, %add3A_69 : vector<1x16xf32>
    %rsqrt3A_71 = math.rsqrt %add3A_70 : vector<1x16xf32>
    %mul3A_72 = vector.broadcast %rsqrt3A_71 : vector<1x16xf32> to vector<10000x16xf32>
    %mul3A_73 = arith.mulf %sub3A_67, %mul3A_72 : vector<10000x16xf32>
    %mul3A_74 = vector.broadcast %get3A_47 : vector<1x16xf32> to vector<10000x16xf32>
    %mul3A_75 = arith.mulf %mul3A_73, %mul3A_74 : vector<10000x16xf32>
    %add3A_76 = vector.broadcast %get3A_50 : vector<1x16xf32> to vector<10000x16xf32>
    %add3A_77 = arith.addf %mul3A_75, %add3A_76 : vector<10000x16xf32>
    %max3A_78 = arith.constant 0.000000e+00 : f32
    %max3A_79 = vector.broadcast %max3A_78 : f32 to vector<10000x16xf32>
    %max3A_80 = arith.maximumf %add3A_77, %max3A_79 : vector<10000x16xf32>
    %reduce_sum3A_81 = arith.constant dense<0.000000e+00> : vector<16xf32>
    %reduce_sum3A_82 = vector.multi_reduction <add>, %max3A_80, %reduce_sum3A_81 [0] : vector<10000x16xf32> to vector<16xf32>
    %broadcast_in_dim3A_83 = vector.shape_cast %reduce_sum3A_82 : vector<16xf32> to vector<1x16xf32>
    %get3A_84 = arith.constant 0 : index
    %get3A_85 = arith.constant 0 : index
    %get3A_86 = vector.load %arg11[%get3A_84, %get3A_85] : memref<1x64xf32, #tpu.memory_space<vmem>>, vector<1x64xf32>
    %get3A_87 = arith.constant 0 : index
    %get3A_88 = arith.constant 0 : index
    %get3A_89 = vector.load %arg7[%get3A_87, %get3A_88] : memref<1x16xf32, #tpu.memory_space<vmem>>, vector<1x16xf32>
    %get3A_90 = arith.constant 0 : index
    %get3A_91 = arith.constant 0 : index
    %get3A_92 = vector.load %arg8[%get3A_90, %get3A_91] : memref<1x16xf32, #tpu.memory_space<vmem>>, vector<1x16xf32>
    %get3A_93 = arith.constant 0 : index
    %get3A_94 = arith.constant 0 : index
    %get3A_95 = vector.load %arg9[%get3A_93, %get3A_94] : memref<1x16xf32, #tpu.memory_space<vmem>>, vector<1x16xf32>
    %get3A_96 = arith.constant 0 : index
    %get3A_97 = arith.constant 0 : index
    %get3A_98 = vector.load %arg10[%get3A_96, %get3A_97] : memref<64x64xf32, #tpu.memory_space<vmem>>, vector<16x64xf32>
    %dot_general3A_99 = arith.constant dense<0.000000e+00> : vector<1x64xf32>
    %dot_general3A_100 = tpu.matmul %get3A_89, %get3A_98, %dot_general3A_99 {dimension_numbers = #tpu.dot_dimension_numbers<[1], [0], [0], [1], [0, 0, 1, 1], [], []>, transpose_lhs_hint = false} : vector<1x16xf32>, vector<16x64xf32>, vector<1x64xf32> -> vector<1x64xf32>
    %add3A_101 = arith.addf %get3A_86, %dot_general3A_100 : vector<1x64xf32>
    %get3A_102 = arith.constant 16 : index
    %get3A_103 = arith.constant 0 : index
    %get3A_104 = vector.load %arg10[%get3A_102, %get3A_103] : memref<64x64xf32, #tpu.memory_space<vmem>>, vector<16x64xf32>
    %dot_general3A_105 = arith.constant dense<0.000000e+00> : vector<1x64xf32>
    %dot_general3A_106 = tpu.matmul %get3A_92, %get3A_104, %dot_general3A_105 {dimension_numbers = #tpu.dot_dimension_numbers<[1], [0], [0], [1], [0, 0, 1, 1], [], []>, transpose_lhs_hint = false} : vector<1x16xf32>, vector<16x64xf32>, vector<1x64xf32> -> vector<1x64xf32>
    %add3A_107 = arith.addf %add3A_101, %dot_general3A_106 : vector<1x64xf32>
    %get3A_108 = arith.constant 32 : index
    %get3A_109 = arith.constant 0 : index
    %get3A_110 = vector.load %arg10[%get3A_108, %get3A_109] : memref<64x64xf32, #tpu.memory_space<vmem>>, vector<16x64xf32>
    %dot_general3A_111 = arith.constant dense<0.000000e+00> : vector<1x64xf32>
    %dot_general3A_112 = tpu.matmul %get3A_95, %get3A_110, %dot_general3A_111 {dimension_numbers = #tpu.dot_dimension_numbers<[1], [0], [0], [1], [0, 0, 1, 1], [], []>, transpose_lhs_hint = false} : vector<1x16xf32>, vector<16x64xf32>, vector<1x64xf32> -> vector<1x64xf32>
    %add3A_113 = arith.addf %add3A_107, %dot_general3A_112 : vector<1x64xf32>
    %get3A_114 = arith.constant 48 : index
    %get3A_115 = arith.constant 0 : index
    %get3A_116 = vector.load %arg10[%get3A_114, %get3A_115] : memref<64x64xf32, #tpu.memory_space<vmem>>, vector<16x64xf32>
    %dot_general3A_117 = arith.constant dense<0.000000e+00> : vector<1x64xf32>
    %dot_general3A_118 = tpu.matmul %broadcast_in_dim3A_83, %get3A_116, %dot_general3A_117 {dimension_numbers = #tpu.dot_dimension_numbers<[1], [0], [0], [1], [0, 0, 1, 1], [], []>, transpose_lhs_hint = false} : vector<1x16xf32>, vector<16x64xf32>, vector<1x64xf32> -> vector<1x64xf32>
    %add3A_119 = arith.addf %add3A_113, %dot_general3A_118 : vector<1x64xf32>
    %swap3A = arith.constant 0 : index
    %swap3A_120 = arith.constant 0 : index
    %swap3A_121 = vector.load %arg12[%swap3A, %swap3A_120] : memref<1x64xf32, #tpu.memory_space<vmem>>, vector<1x64xf32>
    tpu.vector_store %arg12[%swap3A, %swap3A_120], %add3A_119 {strides = array<i32>} : memref<1x64xf32, #tpu.memory_space<vmem>>, vector<1x64xf32>,
    return
  }
}

</mosaic_0001>

<sc_bundles>
// kernel: kernel.11.cloned.1.call-start
scs
__scs_entry_jumppad:
0x0: {  	(pc) =	sbr.rel $0x88, $3  }
0x1: {  	(tag) =	ssettag $0x0;
	lr =	simm.s32 $0x1  }
0x2: {  	[smem:$0x3F7F] =	sst lr;
	_ =	strace $0xD0000000  }
0x3: {  	_ = 	snop  }
0x4: {  	_ = 	snop  }
0x5: {  	_ = 	snop  }
0x6: {  	_ = 	snop  }
0x7: {  	_ = 	snop  }
__scs_overlays_trampoline_lowered:
0x8: {  	[smem:$0x3F8E] =	sst s0  }
0x9: {  	[smem:$0x3F8F] =	sst s1  }
0xa: {  	[smem:$0x3F90] =	sst s2  }
0xb: {  	[smem:$0x3F91] =	sst s3  }
0xc: {  	[smem:$0x3F92] =	sst s4  }
0xd: {  	[smem:$0x3F93] =	sst s5  }
0xe: {  	[smem:$0x3F94] =	sst s6  }
0xf: {  	[smem:$0x3F95] =	sst s7  }
0x10: {  	[smem:$0x3F96] =	sst s8  }
0x11: {  	[smem:$0x3F97] =	sst s9;
	s0 =	simm.s32 @!p0 $0x0  }
0x12: {  	s1 =	sld [smem:$0x3F7D];
	s0 =	simm.s32 @p0 $0x1  }
0x13: {  	[smem:$0x3F98] =	sst s0;
	s0 =	simm.s32 @!p1 $0x0  }
0x14: {  	s2 =	sld [smem:$0x3F7C];
	s0 =	simm.s32 @p1 $0x1  }
0x15: {  	[smem:$0x3F99] =	sst s0;
	s0 =	simm.s32 @!p2 $0x0  }
0x16: {  	s3 =	sld [smem:$0x3FDB];
	s0 =	simm.s32 @p2 $0x1  }
0x17: {  	s4 =	simm.s32 $0x1BF5;
	[smem:$0x3F9B] =	sst s0  }
0x18: {  	s0 =	sld [smem:$0x3F7E];
	_ =	swait.ge [sflag:s4], $0x0  }
0x19: {  	s7 =	sld [smem:$0x3F7F]  }
0x1a: {  	s8 =	sadd.s32 $0xFFFFE003, lr  }
0x1b: {  	s9 =	sadd.s32 $0xFFFFFEF7, lr;
	s5 =	simm.s32 $0xFFFFFFFF;
	p2 =	slt.u32 s8, $0xFFFFF086  }
0x1c: {  	p1 =	slt.u32 s9, $0xF7A;
	s5 =	simm.s32 @!p2 $0x0  }
0x1d: {  	s5 =	simm.s32 @p1 $0x1;
	p0 =	seq.s32 s7, s2  }
0x1e: {  	s7 =	smul.u32 @!p0 $0xF7A, s2;
	p2 =	seq.s32 @!p0 s5, $0x0  }
0x1f: {  	s9 =	smul.u32 $0xF7A, s1;
	s8 =	simm.s32 @!p0 $0x1BF5;
	p2 =	por !p2, p0  }
0x20: {  	[sflag:s8] =	ssyncset.s32 @!p0 $0xFFFFF086;
	s6 =	sadd.s32 @!p0 s3, s7;
	s7 =	simm.s32 @!p0 $0x108  }
0x21: {  	s3 =	sadd.s32 s3, s9;
	s6 =	sadd.s32 @!p0 $0x88, s6;
	s7 =	simm.s32 @p2 $0x1082  }
0x22: {  	[simem:s7], [sflag:s8] =	dma.local @!p0 [hbm:s6], $0xF7A  }
0x23: {  	s9 =	sor.u32 $0xD0000000, s2;
	s6 =	simm.s32 $0x108;
	_ =	swait.ge @!p0 [sflag:s8], $0x0  }
0x24: {  	s3 =	sadd.s32 $0x88, s3;
	s6 =	simm.s32 @!p1 $0x1082;
	[sflag:s4] =	ssyncset.s32 $0xFFFFF086  }
0x25: {  	[simem:s6], [sflag:s4] =	dma.local [hbm:s3], $0xF7A  }
0x26: {  	[smem:$0x3F7F] =	sst s1;
	(tag) =	ssettag s2;
	_ =	strace s9  }
0x27: {  	s1 =	sld [smem:$0x3F8F]  }
0x28: {  	s2 =	sld [smem:$0x3F90]  }
0x29: {  	s4 =	sld [smem:$0x3F92]  }
0x2a: {  	p0 =	seq.s32 s5, $0x0;
	s5 =	sld [smem:$0x3F93]  }
0x2b: {  	s6 =	sld [smem:$0x3F94]  }
0x2c: {  	s7 =	sld [smem:$0x3F95]  }
0x2d: {  	s3 =	simm.s32 $0x108;
	s8 =	sld [smem:$0x3F96]  }
0x2e: {  	s3 =	simm.s32 @!p0 $0x1082;
	s9 =	sld [smem:$0x3F97]  }
0x2f: {  	lr =	sadd.s32 s0, s3;
	s0 =	sld [smem:$0x3F8E]  }
0x30: {  	s3 =	sld [smem:$0x3F91]  }
0x31: {  	[smem:$0x3F9A] =	sst s10  }
0x32: {  	s10 =	sld [smem:$0x3F98];
	_ =	sdelay $0x3  }
0x33: {  	p0 =	seq.s32 s10, $0x1;
	s10 =	sld [smem:$0x3F9A];
	_ =	sdelay $0x3  }
0x34: {  	[smem:$0x3F9A] =	sst s10  }
0x35: {  	s10 =	sld [smem:$0x3F99];
	_ =	sdelay $0x3  }
0x36: {  	p1 =	seq.s32 s10, $0x1;
	s10 =	sld [smem:$0x3F9A];
	_ =	sdelay $0x3  }
0x37: {  	[smem:$0x3F9A] =	sst s10  }
0x38: {  	s10 =	sld [smem:$0x3F9B]  }
0x39: {  	_ = 	snop;
	(pc) =	sbr.ind lr, $3  }
0x3a: {  	_ = 	snop  }
0x3b: {  	_ = 	snop  }
0x3c: {  	p2 =	seq.s32 s10, $0x1;
	s10 =	sld [smem:$0x3F9A]  }
0x3d: {  	_ =	shalt  }
0x3e: {  	_ =	shalt  }
0x3f: {  	_ =	shalt  }
0x40: {  	_ =	shalt  }
0x41: {  	_ =	shalt  }
0x42: {  	_ =	shalt  }
0x43: {  	_ =	shalt  }
0x44: {  	_ =	shalt  }
0x45: {  	_ =	shalt  }
0x46: {  	_ =	shalt  }
0x47: {  	_ =	shalt  }
0x48: {  	_ =	shalt  }
0x49: {  	_ =	shalt  }
0x4a: {  	_ =	shalt  }
0x4b: {  	_ =	shalt  }
0x4c: {  	_ =	shalt  }
0x4d: {  	_ =	shalt  }
0x4e: {  	_ =	shalt  }
0x4f: {  	_ =	shalt  }
0x50: {  	_ =	shalt  }
0x51: {  	_ =	shalt  }
0x52: {  	_ =	shalt  }
0x53: {  	_ =	shalt  }
0x54: {  	_ =	shalt  }
0x55: {  	_ =	shalt  }
0x56: {  	_ =	shalt  }
0x57: {  	_ =	shalt  }
0x58: {  	_ =	shalt  }
0x59: {  	_ =	shalt  }
0x5a: {  	_ =	shalt  }
0x5b: {  	_ =	shalt  }
0x5c: {  	_ =	shalt  }
0x5d: {  	_ =	shalt  }
0x5e: {  	_ =	shalt  }
0x5f: {  	_ =	shalt  }
0x60: {  	_ =	shalt  }
0x61: {  	_ =	shalt  }
0x62: {  	_ =	shalt  }
0x63: {  	_ =	shalt  }
0x64: {  	_ =	shalt  }
0x65: {  	_ =	shalt  }
0x66: {  	_ =	shalt  }
0x67: {  	_ =	shalt  }
0x68: {  	_ =	shalt  }
0x69: {  	_ =	shalt  }
0x6a: {  	_ =	shalt  }
0x6b: {  	_ =	shalt  }
0x6c: {  	_ =	shalt  }
0x6d: {  	_ =	shalt  }
0x6e: {  	_ =	shalt  }
0x6f: {  	_ =	shalt  }
0x70: {  	_ =	shalt  }
0x71: {  	_ =	shalt  }
0x72: {  	_ =	shalt  }
0x73: {  	_ =	shalt  }
0x74: {  	_ =	shalt  }
0x75: {  	_ =	shalt  }
0x76: {  	_ =	shalt  }
0x77: {  	_ =	shalt  }
0x78: {  	_ =	shalt  }
0x79: {  	_ =	shalt  }
0x7a: {  	_ =	shalt  }
0x7b: {  	_ =	shalt  }
0x7c: {  	_ =	shalt  }
0x7d: {  	_ =	shalt  }
0x7e: {  	_ =	shalt  }
0x7f: {  	_ =	shalt  }
0x80: {  	_ =	shalt  }
0x81: {  	_ =	shalt  }
0x82: {  	_ =	shalt  }
0x83: {  	_ =	shalt  }
0x84: {  	_ =	shalt  }
0x85: {  	_ =	shalt  }
0x86: {  	_ =	shalt  }
0x87: {  	_ =	shalt  }
.Lfunc_end0:
.L_simem_size_0:
called_computation_lowered:
.L_overlay_start_0:
0x88: {  	s2 =	sld [smem:$0x3FD9]  }
0x89: {  	s3 =	sld [smem:$0x3FFE];
	_ =	sdelay $0x1  }
0x8a: {  	s1 =	srdreg.scid  }
0x8b: {  	s0 =	sand.u32 $0x1, s1  }
0x8c: {  	s16 =	sshll.u32 s0, $0xA;
	s2 =	sadd.s32 s3, s2  }
0x8d: {  	s2 =	sadd.s32 s2, s16  }
0x8e: {  	[smem:$0x3FA6] =	sst s2  }
0x8f: {  	_ = 	snop  }
0x90: {  	(tm) =	ssettm $0x1  }
0x91: {  	s17 =	sld [smem:$0x3FFB];
	_ =	sdelay $0x3  }
0x92: {  	_ =	strace s17  }
0x93: {  	s2 =	sld [smem:$0x3FFC];
	_ =	sdelay $0x3  }
0x94: {  	_ =	strace s2  }
0x95: {  	s2 =	sld [smem:$0x3FFD];
	_ =	sdelay $0x3  }
0x96: {  	_ =	strace s2  }
0x97: {  	_ =	strace $0x8FFFFFFF  }
0x98: {  	s18 =	sld [smem:$0x3FDB];
	_ =	sdelay $0x1  }
0x99: {  	s19 =	simm.s32 $_scs_section_size  }
0x9a: {  	s4 =	simm.s32 $_size__tile_overlayer_lowered;
	s5 =	simm.s32 $_tile_overlayer_lowered  }
0x9b: {  	s22 =	simm.s32 $0x1BFF;
	s21 =	sshll.u32 s5, $0x1;
	s2 =	sadd.s32 s19, s18  }
0x9c: {  	s6 =	simm.s32 $0x0;
	s20 =	sshll.u32 s4, $0x1;
	s4 =	sadd.s32 s21, s2  }
0x9d: {  	[timem:s6], [sflag:s22] =	dma.local [hbm:s4], s20  }
0x9e: {  	_ =	swait.ge [sflag:s22], s20  }
0x9f: {  	s3 =	ssub.s32 $0x0, s20;
	[sflag:s22] =	ssyncset.done $0x0  }
0xa0: {  	[sflag:s22] =	ssyncadd.s32 s3;
	_ =	sdelay $0x1  }
0xa1: {  	s23 =	simm.s32 $0x1B8B  }
0xa2: {  	_ =	swait.ge [sflag:s23], $0x1  }
0xa3: {  	[sflag:s23] =	ssyncset.done $0x0  }
0xa4: {  	s25 =	simm.s32 $0x1B8E;
	s24 =	sld [smem:$0x3FFE];
	[sflag:s23] =	ssyncadd.s32 $0xFFFFFFFF  }
0xa5: {  	s26 =	simm.s32 $execute0_lowered;
	[smem:$0x3FD2] =	sst s25  }
0xa6: {  	s4 =	sshll.u32 s26, $0x1;
	_ =	strace $0x80000046;
	[dreg:$0x1] =	wrdreg $0xFFFFFFFF  }
0xa7: {  	s28 =	simm.s32 $_size_execute0_lowered;
	s2 =	sadd.s32 s2, s4;
	[dreg:$0x0] =	wrdreg $0x0  }
0xa8: {  	s4 =	sshll.u32 s28, $0x1;
	[dreg:$0x2] =	wrdreg s2  }
0xa9: {  	[dreg:$0x3] =	wrdreg s4  }
0xaa: {  	[dreg:$0x4] =	wrdreg $0xC0  }
0xab: {  	_ =	task [dreg:s6], $0x5FFFF  }
0xac: {  	[dreg:$0x1] =	wrdreg $0xFFFFFFFF  }
0xad: {  	[dreg:$0x0] =	wrdreg $0x60  }
0xae: {  	[dreg:$0x2] =	wrdreg s24  }
0xaf: {  	[dreg:$0x3] =	wrdreg $0x190000  }
0xb0: {  	[dreg:$0x4] =	wrdreg $0x9  }
0xb1: {  	_ =	task.clear_ibuf [dreg:s6], $0x5FFFF;
	_ =	strace $0x90000046  }
0xb2: {  	s29 =	simm.s32 $0x9;
	_ =	strace $0x80000048  }
0xb3: {  	_ =	swait.ge [sflag:s29], $0x1  }
0xb4: {  	[sflag:s29] =	ssyncadd.s32 $0xFFFFFFFF  }
0xb5: {  	_ =	strace $0x90000048  }
0xb6: {  	_ =	sfence  }
0xb7: {  	s30 =	sld [smem:$0x0];
	_ =	sdelay $0x2  }
0xb8: {  	s31 =	sshll.u32 s1, $0xD;
	s1 =	sshrl.u32 s1, $0x2  }
0xb9: {  	s3 =	sand.u32 $0x4000, s31;
	s1 =	sadd.s32 s1, s30  }
0xba: {  	s0 =	sor.u32 s3, s0;
	s1 =	sshll.u32 s1, $0x11  }
0xbb: {  	s0 =	sor.u32 s1, s0  }
0xbc: {  	s0 =	sadd.s32 $0x8F2B, s0  }
0xbd: {  	[sflag:s0] =	ssyncadd.remote.s32 $0x1  }
0xbe: {  	_ =	sfence.sel $0xFFFF  }
0xbf: {  	[dreg:$0x0] =	wrdreg $0xFFFFFFFF;
	(pc) =	sbr.abs _section_cstart, $3  }
0xc0: {  	[dreg:$0x1] =	wrdreg $0xFFFFFFFF  }
0xc1: {  	_ =	task.clear_ibuf [dreg:s6], $0x2FFFF;
	_ =	strace $0x9FFFFFFF  }
0xc2: {  	(tm) =	ssettm $0x7FFFFFFF  }
0xc3: {  	_ =	shalt  }
tec
execute0_lowered:
.L_overlay_start_1:
0x0: {  	(tag) =	ssettag $0x1  }
0x1: {  	s6 =	stileid.u32;
	s0 =	srdreg.scid  }
0x2: {  	s8 =	rddreg [dreg:$0x0];
	s31 =	smul.u32 $0x2780, s6;
	s1 =	sand.u32 $0x1, s0  }
0x3: {  	s2 =	rddreg [dreg:$0x1];
	s4 =	sshll.u32 s1, $0x4  }
0x4: {  	s3 =	simm.s32 $0x0;
	s5 =	sshrl.u32 s31, $0x3;
	s4 =	sor.u32 s6, s4  }
0x5: {  	[smem:$0x7FF] =	sst s3;
	s5 =	sadd.s32 s5, s8;
	s4 =	smul.u32 $0x500, s4  }
0x6: {  	s22 =	sshll.u32 s6, $0x6;
	_ =	strace $0x80000047;
	s5 =	sadd.s32 $0x1DE00, s5  }
0x7: {  	s24 =	sadd.s32 s31, s2;
	[dreg:$0x3] =	wrdreg s5;
	s7 =	sadd.s32 s4, s8  }
0x8: {  	s6 =	sshrl.u32 s24, $0x3;
	s23 =	rddreg [dreg:$0x3];
	s25 =	sadd.s32 $0x13E00, s7  }
0x9: {  	s4 =	sor.u32 $0x1C03, s22;
	s5 =	simm.s32 $0x3;
	[dreg:$0x4] =	wrdreg s25  }
0xa: {  	[spmem:s6], [sflag:s4] =	dma.local [hbm:s23], $0x4F0  }
0xb: {  	_ =	swait.ge [sflag:s5], $0x4F0  }
0xc: {  	[sflag:s5] =	ssyncset.done $0x0  }
0xd: {  	s26 =	rddreg [dreg:$0x4];
	[sflag:s5] =	ssyncadd.s32 $0xFFFFFB10  }
0xe: {  	[tilespmem:s3], [sflag:$0x3] =	stream.linear.gather [hbm4b:s26+s3], $0x2800, $0x38;
	[tilespmem:$0x1B780] =	vst v63  }
0xf: {  	_ =	swait.ge [sflag:s5], $0x2800  }
0x10: {  	s21 =	smov.u32 s8;
	[sflag:s5] =	ssyncset.done $0x0  }
0x11: {  	s8 =	simm.s32 $0x2800;
	s7 =	sadd.s32 $0x9E00, s7;
	[sflag:s5] =	ssyncadd.s32 $0xFFFFD800  }
0x12: {  	[tilespmem:s8], [sflag:$0x3] =	stream.linear.gather [hbm4b:s7+s3], $0x2800, $0x38;
	[tilespmem:$0x1B780] =	vst v63  }
0x13: {  	_ =	swait.ge [sflag:s5], $0x2800  }
0x14: {  	[sflag:s5] =	ssyncset.done $0x0  }
0x15: {  	s10 =	simm.s32 $0x500;
	[sflag:s5] =	ssyncadd.s32 $0xFFFFD800  }
0x16: {  	s11 =	simm.s32 $0x5000;
	s9 =	sadd.s32 $0x4E00, s21;
	[bflag:$0x0] =	sbarrier.arrive $0xFFFF  }
0x17: {  	[tilespmem:s11], [sflag:$0x1] =	stream.indirect.gather [hbm4b:s9+s10], $0x10, s3, s10, $0xb8;
	[tilespmem:$0x1B780] =	vst v63  }
0x18: {  	s12 =	simm.s32 $0xA000  }
0x19: {  	[tilespmem:s12], [sflag:$0x1] =	stream.indirect.gather [hbm4b:s9+s10], $0x10, s10, s10, $0xb8;
	[tilespmem:$0x1B780] =	vst v63  }
0x1a: {  	s13 =	simm.s32 $0xA00;
	s14 =	simm.s32 $0xF000;
	s15 =	simm.s32 $0x1  }
0x1b: {  	[tilespmem:s14], [sflag:$0x1] =	stream.indirect.gather [hbm4b:s9+s10], $0x10, s13, s10, $0xb8;
	[tilespmem:$0x1B780] =	vst v63  }
0x1c: {  	_ =	swait.ge [sflag:s15], $0x5000  }
0x1d: {  	[sflag:s15] =	ssyncset.done $0x0  }
0x1e: {  	[sflag:s15] =	ssyncadd.s32 $0xFFFFB000  }
0x1f: {  	[spmem:s2] =	stream.indirect.scatter.add.f32 [tilespmem:s11], [sflag:$0x2], $0x10, s8, s10, $0xb8;
	[tilespmem:$0x1B780] =	vst v63  }
0x20: {  	s16 =	simm.s32 $0xF00;
	s17 =	simm.s32 $0x14000  }
0x21: {  	[tilespmem:s17], [sflag:$0x1] =	stream.indirect.gather [hbm4b:s9+s10], $0x10, s16, s10, $0xb8;
	[tilespmem:$0x1B780] =	vst v63  }
0x22: {  	_ =	swait.ge [sflag:s15], $0x5000  }
0x23: {  	[sflag:s15] =	ssyncset.done $0x0  }
0x24: {  	s18 =	simm.s32 $0x2D00;
	s19 =	simm.s32 $0x2;
	[sflag:s15] =	ssyncadd.s32 $0xFFFFB000  }
0x25: {  	[spmem:s2] =	stream.indirect.scatter.add.f32 [tilespmem:s12], [sflag:$0x2], $0x10, s18, s10, $0xb8;
	[tilespmem:$0x1B780] =	vst v63  }
0x26: {  	_ =	swait.ge [sflag:s19], $0x5000  }
0x27: {  	[sflag:s19] =	ssyncset.done $0x0  }
0x28: {  	s20 =	simm.s32 $0x1400;
	[sflag:s19] =	ssyncadd.s32 $0xFFFFB000  }
0x29: {  	[tilespmem:s11], [sflag:$0x1] =	stream.indirect.gather [hbm4b:s9+s10], $0x10, s20, s10, $0xb8;
	[tilespmem:$0x1B780] =	vst v63  }
0x2a: {  	_ =	swait.ge [sflag:s15], $0x5000  }
0x2b: {  	[sflag:s15] =	ssyncset.done $0x0  }
0x2c: {  	s21 =	simm.s32 $0x3200;
	[sflag:s15] =	ssyncadd.s32 $0xFFFFB000  }
0x2d: {  	[spmem:s2] =	stream.indirect.scatter.add.f32 [tilespmem:s14], [sflag:$0x2], $0x10, s21, s10, $0xb8;
	[tilespmem:$0x1B780] =	vst v63  }
0x2e: {  	_ =	swait.ge [sflag:s19], $0x5000  }
0x2f: {  	[sflag:s19] =	ssyncset.done $0x0  }
0x30: {  	s22 =	simm.s32 $0x1900;
	[sflag:s19] =	ssyncadd.s32 $0xFFFFB000  }
0x31: {  	[tilespmem:s12], [sflag:$0x1] =	stream.indirect.gather [hbm4b:s9+s10], $0x10, s22, s10, $0xb8;
	[tilespmem:$0x1B780] =	vst v63  }
0x32: {  	_ =	swait.ge [sflag:s15], $0x5000  }
0x33: {  	[sflag:s15] =	ssyncset.done $0x0  }
0x34: {  	s23 =	simm.s32 $0x3700;
	[sflag:s15] =	ssyncadd.s32 $0xFFFFB000  }
0x35: {  	[spmem:s2] =	stream.indirect.scatter.add.f32 [tilespmem:s17], [sflag:$0x2], $0x10, s23, s10, $0xb8;
	[tilespmem:$0x1B780] =	vst v63  }
0x36: {  	_ =	swait.ge [sflag:s19], $0x5000  }
0x37: {  	[sflag:s19] =	ssyncset.done $0x0  }
0x38: {  	s24 =	simm.s32 $0x1E00;
	[sflag:s19] =	ssyncadd.s32 $0xFFFFB000  }
0x39: {  	[tilespmem:s14], [sflag:$0x1] =	stream.indirect.gather [hbm4b:s9+s10], $0x10, s24, s10, $0xb8;
	[tilespmem:$0x1B780] =	vst v63  }
0x3a: {  	_ =	swait.ge [sflag:s15], $0x5000  }
0x3b: {  	[sflag:s15] =	ssyncset.done $0x0  }
0x3c: {  	s25 =	simm.s32 $0x3C00;
	[sflag:s15] =	ssyncadd.s32 $0xFFFFB000  }
0x3d: {  	[spmem:s2] =	stream.indirect.scatter.add.f32 [tilespmem:s11], [sflag:$0x2], $0x10, s25, s10, $0xb8;
	[tilespmem:$0x1B780] =	vst v63  }
0x3e: {  	_ =	swait.ge [sflag:s19], $0x5000  }
0x3f: {  	[sflag:s19] =	ssyncset.done $0x0  }
0x40: {  	s26 =	simm.s32 $0x2300;
	[sflag:s19] =	ssyncadd.s32 $0xFFFFB000  }
0x41: {  	[tilespmem:s17], [sflag:$0x1] =	stream.indirect.gather [hbm4b:s9+s10], $0x10, s26, s10, $0xb8;
	[tilespmem:$0x1B780] =	vst v63  }
0x42: {  	_ =	swait.ge [sflag:s15], $0x5000  }
0x43: {  	[sflag:s15] =	ssyncset.done $0x0  }
0x44: {  	s28 =	simm.s32 $0x4100;
	[sflag:s15] =	ssyncadd.s32 $0xFFFFB000  }
0x45: {  	[spmem:s2] =	stream.indirect.scatter.add.f32 [tilespmem:s12], [sflag:$0x2], $0x10, s28, s10, $0xb8;
	[tilespmem:$0x1B780] =	vst v63  }
0x46: {  	_ =	swait.ge [sflag:s15], $0x5000  }
0x47: {  	[sflag:s15] =	ssyncset.done $0x0  }
0x48: {  	s29 =	simm.s32 $0x4600;
	[sflag:s15] =	ssyncadd.s32 $0xFFFFB000  }
0x49: {  	[spmem:s2] =	stream.indirect.scatter.add.f32 [tilespmem:s14], [sflag:$0x2], $0x10, s29, s10, $0xb8;
	[tilespmem:$0x1B780] =	vst v63  }
0x4a: {  	_ =	swait.ge [sflag:s15], $0x5000  }
0x4b: {  	[sflag:s15] =	ssyncset.done $0x0  }
0x4c: {  	s30 =	simm.s32 $0x4B00;
	[sflag:s15] =	ssyncadd.s32 $0xFFFFB000  }
0x4d: {  	[spmem:s2] =	stream.indirect.scatter.add.f32 [tilespmem:s17], [sflag:$0x2], $0x10, s30, s10, $0xb8;
	[tilespmem:$0x1B780] =	vst v63  }
0x4e: {  	_ =	swait.ge [sflag:s19], $0x5000  }
0x4f: {  	[sflag:s19] =	ssyncset.done $0x0  }
0x50: {  	[sflag:s19] =	ssyncadd.s32 $0xFFFFB000  }
0x51: {  	_ =	swait.ge [sflag:s19], $0x5000  }
0x52: {  	[sflag:s19] =	ssyncset.done $0x0  }
0x53: {  	s0 =	smul.u32 $0x27800, s1;
	[sflag:s19] =	ssyncadd.s32 $0xFFFFB000  }
0x54: {  	_ =	swait.ge [sflag:s19], $0x5000  }
0x55: {  	s0 =	sadd.s32 s31, s0;
	[sflag:s19] =	ssyncset.done $0x0  }
0x56: {  	s1 =	ssub.s32 $0x2, s1;
	s0 =	sshrl.u32 s0, $0x3;
	[sflag:s19] =	ssyncadd.s32 $0xFFFFB000  }
0x57: {  	_ =	swait.ge [sflag:s19], $0x5000;
	[dreg:$0x5] =	wrdreg s0;
	s0 =	sshrl.u32 s1, $0x1  }
0x58: {  	[dreg:$0x6] =	wrdreg s0  }
0x59: {  	[sflag:s19] =	ssyncset.done $0x0;
	s31 =	rddreg [dreg:$0x5]  }
0x5a: {  	s0 =	rddreg [dreg:$0x0]  }
0x5b: {  	s0 =	sadd.s32 s31, s0;
	s31 =	rddreg [dreg:$0x6]  }
0x5c: {  	s1 =	ssub.s32 s1, s31  }
0x5d: {  	s1 =	smax.u32 s1, $0x1  }
0x5e: {  	p0 =	sne.s32 s1, $0x1  }
.Ltmp0:
0x5f: {  	_ = 	snop;
	(pc) =	sbr.rel @!p0 .LBB2_2-.Ltmp0, $4  }
0x60: {  	[sflag:s19] =	ssyncadd.s32 $0xFFFFB000  }
0x61: {  	[bflag:$0x0] =	sbarrier.arrive $0xFFFF;
	s31 =	sadd.s32 $0x22E00, s0  }
0x62: {  	[hbm:s31], [sflag:s4] =	dma.local [spmem:s6], $0x4F0  }
0x63: {  	s1 =	sadd.s32 $0xFFFFFFFF, s1;
	_ =	swait.ge [sflag:s5], $0x4F0  }
.LBB2_1:
0x64: {  	[sflag:s5] =	ssyncset.done $0x0  }
0x65: {  	s0 =	rddreg [dreg:$0x3];
	[sflag:s5] =	ssyncadd.s32 $0xFFFFFB10  }
0x66: {  	[spmem:s6], [sflag:s4] =	dma.local [hbm:s0], $0x4F0  }
0x67: {  	_ =	swait.ge [sflag:s5], $0x4F0  }
0x68: {  	[sflag:s5] =	ssyncset.done $0x0  }
0x69: {  	s0 =	rddreg [dreg:$0x4];
	[sflag:s5] =	ssyncadd.s32 $0xFFFFFB10  }
0x6a: {  	[tilespmem:s3], [sflag:$0x3] =	stream.linear.gather [hbm4b:s0+s3], $0x2800, $0x38;
	[tilespmem:$0x1B780] =	vst v63  }
0x6b: {  	_ =	swait.ge [sflag:s5], $0x2800  }
0x6c: {  	[sflag:s5] =	ssyncset.done $0x0  }
0x6d: {  	[sflag:s5] =	ssyncadd.s32 $0xFFFFD800  }
0x6e: {  	[tilespmem:s8], [sflag:$0x3] =	stream.linear.gather [hbm4b:s7+s3], $0x2800, $0x38;
	[tilespmem:$0x1B780] =	vst v63  }
0x6f: {  	_ =	swait.ge [sflag:s5], $0x2800  }
0x70: {  	[sflag:s5] =	ssyncset.done $0x0  }
0x71: {  	[sflag:s5] =	ssyncadd.s32 $0xFFFFD800  }
0x72: {  	[bflag:$0x0] =	sbarrier.arrive $0xFFFF  }
0x73: {  	[tilespmem:s11], [sflag:$0x1] =	stream.indirect.gather [hbm4b:s9+s10], $0x10, s3, s10, $0xb8;
	[tilespmem:$0x1B780] =	vst v63  }
0x74: {  	_ = 	snop  }
0x75: {  	[tilespmem:s12], [sflag:$0x1] =	stream.indirect.gather [hbm4b:s9+s10], $0x10, s10, s10, $0xb8;
	[tilespmem:$0x1B780] =	vst v63  }
0x76: {  	_ = 	snop  }
0x77: {  	[tilespmem:s14], [sflag:$0x1] =	stream.indirect.gather [hbm4b:s9+s10], $0x10, s13, s10, $0xb8;
	[tilespmem:$0x1B780] =	vst v63  }
0x78: {  	_ =	swait.ge [sflag:s15], $0x5000  }
0x79: {  	[sflag:s15] =	ssyncset.done $0x0  }
0x7a: {  	[sflag:s15] =	ssyncadd.s32 $0xFFFFB000  }
0x7b: {  	[spmem:s2] =	stream.indirect.scatter.add.f32 [tilespmem:s11], [sflag:$0x2], $0x10, s8, s10, $0xb8;
	[tilespmem:$0x1B780] =	vst v63  }
0x7c: {  	_ = 	snop  }
0x7d: {  	[tilespmem:s17], [sflag:$0x1] =	stream.indirect.gather [hbm4b:s9+s10], $0x10, s16, s10, $0xb8;
	[tilespmem:$0x1B780] =	vst v63  }
0x7e: {  	_ =	swait.ge [sflag:s15], $0x5000  }
0x7f: {  	[sflag:s15] =	ssyncset.done $0x0  }
0x80: {  	[sflag:s15] =	ssyncadd.s32 $0xFFFFB000  }
0x81: {  	[spmem:s2] =	stream.indirect.scatter.add.f32 [tilespmem:s12], [sflag:$0x2], $0x10, s18, s10, $0xb8;
	[tilespmem:$0x1B780] =	vst v63  }
0x82: {  	_ =	swait.ge [sflag:s19], $0x5000  }
0x83: {  	[sflag:s19] =	ssyncset.done $0x0  }
0x84: {  	[sflag:s19] =	ssyncadd.s32 $0xFFFFB000  }
0x85: {  	[tilespmem:s11], [sflag:$0x1] =	stream.indirect.gather [hbm4b:s9+s10], $0x10, s20, s10, $0xb8;
	[tilespmem:$0x1B780] =	vst v63  }
0x86: {  	_ =	swait.ge [sflag:s15], $0x5000  }
0x87: {  	[sflag:s15] =	ssyncset.done $0x0  }
0x88: {  	[sflag:s15] =	ssyncadd.s32 $0xFFFFB000  }
0x89: {  	[spmem:s2] =	stream.indirect.scatter.add.f32 [tilespmem:s14], [sflag:$0x2], $0x10, s21, s10, $0xb8;
	[tilespmem:$0x1B780] =	vst v63  }
0x8a: {  	_ =	swait.ge [sflag:s19], $0x5000  }
0x8b: {  	[sflag:s19] =	ssyncset.done $0x0  }
0x8c: {  	[sflag:s19] =	ssyncadd.s32 $0xFFFFB000  }
0x8d: {  	[tilespmem:s12], [sflag:$0x1] =	stream.indirect.gather [hbm4b:s9+s10], $0x10, s22, s10, $0xb8;
	[tilespmem:$0x1B780] =	vst v63  }
0x8e: {  	_ =	swait.ge [sflag:s15], $0x5000  }
0x8f: {  	[sflag:s15] =	ssyncset.done $0x0  }
0x90: {  	[sflag:s15] =	ssyncadd.s32 $0xFFFFB000  }
0x91: {  	[spmem:s2] =	stream.indirect.scatter.add.f32 [tilespmem:s17], [sflag:$0x2], $0x10, s23, s10, $0xb8;
	[tilespmem:$0x1B780] =	vst v63  }
0x92: {  	_ =	swait.ge [sflag:s19], $0x5000  }
0x93: {  	[sflag:s19] =	ssyncset.done $0x0  }
0x94: {  	[sflag:s19] =	ssyncadd.s32 $0xFFFFB000  }
0x95: {  	[tilespmem:s14], [sflag:$0x1] =	stream.indirect.gather [hbm4b:s9+s10], $0x10, s24, s10, $0xb8;
	[tilespmem:$0x1B780] =	vst v63  }
0x96: {  	_ =	swait.ge [sflag:s15], $0x5000  }
0x97: {  	[sflag:s15] =	ssyncset.done $0x0  }
0x98: {  	[sflag:s15] =	ssyncadd.s32 $0xFFFFB000  }
0x99: {  	[spmem:s2] =	stream.indirect.scatter.add.f32 [tilespmem:s11], [sflag:$0x2], $0x10, s25, s10, $0xb8;
	[tilespmem:$0x1B780] =	vst v63  }
0x9a: {  	_ =	swait.ge [sflag:s19], $0x5000  }
0x9b: {  	[sflag:s19] =	ssyncset.done $0x0  }
0x9c: {  	[sflag:s19] =	ssyncadd.s32 $0xFFFFB000  }
0x9d: {  	[tilespmem:s17], [sflag:$0x1] =	stream.indirect.gather [hbm4b:s9+s10], $0x10, s26, s10, $0xb8;
	[tilespmem:$0x1B780] =	vst v63  }
0x9e: {  	_ =	swait.ge [sflag:s15], $0x5000  }
0x9f: {  	[sflag:s15] =	ssyncset.done $0x0  }
0xa0: {  	[sflag:s15] =	ssyncadd.s32 $0xFFFFB000  }
0xa1: {  	[spmem:s2] =	stream.indirect.scatter.add.f32 [tilespmem:s12], [sflag:$0x2], $0x10, s28, s10, $0xb8;
	[tilespmem:$0x1B780] =	vst v63  }
0xa2: {  	_ =	swait.ge [sflag:s15], $0x5000  }
0xa3: {  	[sflag:s15] =	ssyncset.done $0x0  }
0xa4: {  	[sflag:s15] =	ssyncadd.s32 $0xFFFFB000  }
0xa5: {  	[spmem:s2] =	stream.indirect.scatter.add.f32 [tilespmem:s14], [sflag:$0x2], $0x10, s29, s10, $0xb8;
	[tilespmem:$0x1B780] =	vst v63  }
0xa6: {  	_ =	swait.ge [sflag:s15], $0x5000  }
0xa7: {  	[sflag:s15] =	ssyncset.done $0x0  }
0xa8: {  	[sflag:s15] =	ssyncadd.s32 $0xFFFFB000  }
0xa9: {  	[spmem:s2] =	stream.indirect.scatter.add.f32 [tilespmem:s17], [sflag:$0x2], $0x10, s30, s10, $0xb8;
	[tilespmem:$0x1B780] =	vst v63  }
0xaa: {  	_ =	swait.ge [sflag:s19], $0x5000  }
0xab: {  	[sflag:s19] =	ssyncset.done $0x0  }
0xac: {  	[sflag:s19] =	ssyncadd.s32 $0xFFFFB000  }
0xad: {  	_ =	swait.ge [sflag:s19], $0x5000  }
0xae: {  	[sflag:s19] =	ssyncset.done $0x0  }
0xaf: {  	[sflag:s19] =	ssyncadd.s32 $0xFFFFB000  }
0xb0: {  	_ =	swait.ge [sflag:s19], $0x5000  }
0xb1: {  	[sflag:s19] =	ssyncset.done $0x0  }
0xb2: {  	[sflag:s19] =	ssyncadd.s32 $0xFFFFB000  }
0xb3: {  	p0 =	sne.s32 s1, $0x1;
	_ =	swait.ge [sflag:s19], $0x5000  }
.Ltmp1:
0xb4: {  	[sflag:s19] =	ssyncset.done $0x0;
	(pc) =	sbr.rel @p0 .LBB2_1-.Ltmp1, $4  }
0xb5: {  	[sflag:s19] =	ssyncadd.s32 $0xFFFFB000  }
0xb6: {  	[bflag:$0x0] =	sbarrier.arrive $0xFFFF  }
0xb7: {  	[hbm:s31], [sflag:s4] =	dma.local [spmem:s6], $0x4F0  }
0xb8: {  	s1 =	sadd.s32 $0xFFFFFFFF, s1;
	_ =	swait.ge [sflag:s5], $0x4F0  }
.LBB2_2:
0xb9: {  	[sflag:s5] =	ssyncset.done $0x0  }
0xba: {  	[sflag:s5] =	ssyncadd.s32 $0xFFFFFB10  }
0xbb: {  	_ =	sfence.sel $0x180000  }
0xbc: {  	[bflag:$0x0] =	sbarrier.arrive $0xFFFF  }
0xbd: {  	_ =	strace $0x90000047  }
0xbe: {  	s0 =	stileid.u32;
	[bflag:$0x2] =	sbarrier.arrive $0xFFFF  }
0xbf: {  	p0 =	sne.s32 s0, $0x0;
	s0 =	rddreg [dreg:$0x2]  }
0xc0: {  	s0 =	sadd.s32 @!p0 $0x100000, s0  }
0xc1: {  	[sflag:s0] =	ssyncadd.tile.s32 @!p0 $0x1;
	_ =	shalt  }
.Lfunc_end2:
_tile_overlayer_lowered:
.L_overlay_start_2:
0xc2: {  	(tag) =	ssettag $0x2  }
0xc3: {  	s0 =	rddreg [dreg:$0x0];
	s2 =	stileid.u32  }
0xc4: {  	s1 =	rddreg [dreg:$0x1];
	p0 =	sne.s32 s2, $0x0  }
0xc5: {  	s3 =	rddreg [dreg:$0x2];
	[bflag:$0x3] =	sbarrier.arrive $0xFFFF;
	s2 =	simm.s32 @!p0 $0x1C03  }
0xc6: {  	[timem:s3], [sflag:s2] =	dma.local @!p0 [hbm:s0], s1  }
0xc7: {  	s0 =	simm.s32 @!p0 $0x3  }
0xc8: {  	_ =	swait.ge @!p0 [sflag:s0], s1  }
0xc9: {  	s1 =	ssub.s32 @!p0 $0x0, s1;
	[sflag:s0] =	ssyncset.done @!p0 $0x0  }
0xca: {  	[sflag:s0] =	ssyncadd.s32 @!p0 s1  }
0xcb: {  	[bflag:$0x3] =	sbarrier.arrive $0xFFFF  }
0xcc: {  	_ =	shalt  }

// kernel: kernel.14.cloned.1.call-start
scs
__scs_entry_jumppad:
0x0: {  	(pc) =	sbr.rel $0x88, $3  }
0x1: {  	(tag) =	ssettag $0x0;
	lr =	simm.s32 $0x1  }
0x2: {  	[smem:$0x3F7F] =	sst lr;
	_ =	strace $0xD0000000  }
0x3: {  	_ = 	snop  }
0x4: {  	_ = 	snop  }
0x5: {  	_ = 	snop  }
0x6: {  	_ = 	snop  }
0x7: {  	_ = 	snop  }
__scs_overlays_trampoline_lowered:
0x8: {  	[smem:$0x3F8E] =	sst s0  }
0x9: {  	[smem:$0x3F8F] =	sst s1  }
0xa: {  	[smem:$0x3F90] =	sst s2  }
0xb: {  	[smem:$0x3F91] =	sst s3  }
0xc: {  	[smem:$0x3F92] =	sst s4  }
0xd: {  	[smem:$0x3F93] =	sst s5  }
0xe: {  	[smem:$0x3F94] =	sst s6  }
0xf: {  	[smem:$0x3F95] =	sst s7  }
0x10: {  	[smem:$0x3F96] =	sst s8  }
0x11: {  	[smem:$0x3F97] =	sst s9;
	s0 =	simm.s32 @!p0 $0x0  }
0x12: {  	s1 =	sld [smem:$0x3F7D];
	s0 =	simm.s32 @p0 $0x1  }
0x13: {  	[smem:$0x3F98] =	sst s0;
	s0 =	simm.s32 @!p1 $0x0  }
0x14: {  	s2 =	sld [smem:$0x3F7C];
	s0 =	simm.s32 @p1 $0x1  }
0x15: {  	[smem:$0x3F99] =	sst s0;
	s0 =	simm.s32 @!p2 $0x0  }
0x16: {  	s3 =	sld [smem:$0x3FDB];
	s0 =	simm.s32 @p2 $0x1  }
0x17: {  	s4 =	simm.s32 $0x1BF5;
	[smem:$0x3F9B] =	sst s0  }
0x18: {  	s0 =	sld [smem:$0x3F7E];
	_ =	swait.ge [sflag:s4], $0x0  }
0x19: {  	s7 =	sld [smem:$0x3F7F]  }
0x1a: {  	s8 =	sadd.s32 $0xFFFFE003, lr  }
0x1b: {  	s9 =	sadd.s32 $0xFFFFFEF7, lr;
	s5 =	simm.s32 $0xFFFFFFFF;
	p2 =	slt.u32 s8, $0xFFFFF086  }
0x1c: {  	p1 =	slt.u32 s9, $0xF7A;
	s5 =	simm.s32 @!p2 $0x0  }
0x1d: {  	s5 =	simm.s32 @p1 $0x1;
	p0 =	seq.s32 s7, s2  }
0x1e: {  	s7 =	smul.u32 @!p0 $0xF7A, s2;
	p2 =	seq.s32 @!p0 s5, $0x0  }
0x1f: {  	s9 =	smul.u32 $0xF7A, s1;
	s8 =	simm.s32 @!p0 $0x1BF5;
	p2 =	por !p2, p0  }
0x20: {  	[sflag:s8] =	ssyncset.s32 @!p0 $0xFFFFF086;
	s6 =	sadd.s32 @!p0 s3, s7;
	s7 =	simm.s32 @!p0 $0x108  }
0x21: {  	s3 =	sadd.s32 s3, s9;
	s6 =	sadd.s32 @!p0 $0x88, s6;
	s7 =	simm.s32 @p2 $0x1082  }
0x22: {  	[simem:s7], [sflag:s8] =	dma.local @!p0 [hbm:s6], $0xF7A  }
0x23: {  	s9 =	sor.u32 $0xD0000000, s2;
	s6 =	simm.s32 $0x108;
	_ =	swait.ge @!p0 [sflag:s8], $0x0  }
0x24: {  	s3 =	sadd.s32 $0x88, s3;
	s6 =	simm.s32 @!p1 $0x1082;
	[sflag:s4] =	ssyncset.s32 $0xFFFFF086  }
0x25: {  	[simem:s6], [sflag:s4] =	dma.local [hbm:s3], $0xF7A  }
0x26: {  	[smem:$0x3F7F] =	sst s1;
	(tag) =	ssettag s2;
	_ =	strace s9  }
0x27: {  	s1 =	sld [smem:$0x3F8F]  }
0x28: {  	s2 =	sld [smem:$0x3F90]  }
0x29: {  	s4 =	sld [smem:$0x3F92]  }
0x2a: {  	p0 =	seq.s32 s5, $0x0;
	s5 =	sld [smem:$0x3F93]  }
0x2b: {  	s6 =	sld [smem:$0x3F94]  }
0x2c: {  	s7 =	sld [smem:$0x3F95]  }
0x2d: {  	s3 =	simm.s32 $0x108;
	s8 =	sld [smem:$0x3F96]  }
0x2e: {  	s3 =	simm.s32 @!p0 $0x1082;
	s9 =	sld [smem:$0x3F97]  }
0x2f: {  	lr =	sadd.s32 s0, s3;
	s0 =	sld [smem:$0x3F8E]  }
0x30: {  	s3 =	sld [smem:$0x3F91]  }
0x31: {  	[smem:$0x3F9A] =	sst s10  }
0x32: {  	s10 =	sld [smem:$0x3F98];
	_ =	sdelay $0x3  }
0x33: {  	p0 =	seq.s32 s10, $0x1;
	s10 =	sld [smem:$0x3F9A];
	_ =	sdelay $0x3  }
0x34: {  	[smem:$0x3F9A] =	sst s10  }
0x35: {  	s10 =	sld [smem:$0x3F99];
	_ =	sdelay $0x3  }
0x36: {  	p1 =	seq.s32 s10, $0x1;
	s10 =	sld [smem:$0x3F9A];
	_ =	sdelay $0x3  }
0x37: {  	[smem:$0x3F9A] =	sst s10  }
0x38: {  	s10 =	sld [smem:$0x3F9B]  }
0x39: {  	_ = 	snop;
	(pc) =	sbr.ind lr, $3  }
0x3a: {  	_ = 	snop  }
0x3b: {  	_ = 	snop  }
0x3c: {  	p2 =	seq.s32 s10, $0x1;
	s10 =	sld [smem:$0x3F9A]  }
0x3d: {  	_ =	shalt  }
0x3e: {  	_ =	shalt  }
0x3f: {  	_ =	shalt  }
0x40: {  	_ =	shalt  }
0x41: {  	_ =	shalt  }
0x42: {  	_ =	shalt  }
0x43: {  	_ =	shalt  }
0x44: {  	_ =	shalt  }
0x45: {  	_ =	shalt  }
0x46: {  	_ =	shalt  }
0x47: {  	_ =	shalt  }
0x48: {  	_ =	shalt  }
0x49: {  	_ =	shalt  }
0x4a: {  	_ =	shalt  }
0x4b: {  	_ =	shalt  }
0x4c: {  	_ =	shalt  }
0x4d: {  	_ =	shalt  }
0x4e: {  	_ =	shalt  }
0x4f: {  	_ =	shalt  }
0x50: {  	_ =	shalt  }
0x51: {  	_ =	shalt  }
0x52: {  	_ =	shalt  }
0x53: {  	_ =	shalt  }
0x54: {  	_ =	shalt  }
0x55: {  	_ =	shalt  }
0x56: {  	_ =	shalt  }
0x57: {  	_ =	shalt  }
0x58: {  	_ =	shalt  }
0x59: {  	_ =	shalt  }
0x5a: {  	_ =	shalt  }
0x5b: {  	_ =	shalt  }
0x5c: {  	_ =	shalt  }
0x5d: {  	_ =	shalt  }
0x5e: {  	_ =	shalt  }
0x5f: {  	_ =	shalt  }
0x60: {  	_ =	shalt  }
0x61: {  	_ =	shalt  }
0x62: {  	_ =	shalt  }
0x63: {  	_ =	shalt  }
0x64: {  	_ =	shalt  }
0x65: {  	_ =	shalt  }
0x66: {  	_ =	shalt  }
0x67: {  	_ =	shalt  }
0x68: {  	_ =	shalt  }
0x69: {  	_ =	shalt  }
0x6a: {  	_ =	shalt  }
0x6b: {  	_ =	shalt  }
0x6c: {  	_ =	shalt  }
0x6d: {  	_ =	shalt  }
0x6e: {  	_ =	shalt  }
0x6f: {  	_ =	shalt  }
0x70: {  	_ =	shalt  }
0x71: {  	_ =	shalt  }
0x72: {  	_ =	shalt  }
0x73: {  	_ =	shalt  }
0x74: {  	_ =	shalt  }
0x75: {  	_ =	shalt  }
0x76: {  	_ =	shalt  }
0x77: {  	_ =	shalt  }
0x78: {  	_ =	shalt  }
0x79: {  	_ =	shalt  }
0x7a: {  	_ =	shalt  }
0x7b: {  	_ =	shalt  }
0x7c: {  	_ =	shalt  }
0x7d: {  	_ =	shalt  }
0x7e: {  	_ =	shalt  }
0x7f: {  	_ =	shalt  }
0x80: {  	_ =	shalt  }
0x81: {  	_ =	shalt  }
0x82: {  	_ =	shalt  }
0x83: {  	_ =	shalt  }
0x84: {  	_ =	shalt  }
0x85: {  	_ =	shalt  }
0x86: {  	_ =	shalt  }
0x87: {  	_ =	shalt  }
.Lfunc_end0:
.L_simem_size_0:
called_computation.1_lowered:
.L_overlay_start_0:
0x88: {  	s2 =	sld [smem:$0x3FD9]  }
0x89: {  	s3 =	sld [smem:$0x3FFE];
	_ =	sdelay $0x1  }
0x8a: {  	s1 =	srdreg.scid  }
0x8b: {  	s0 =	sand.u32 $0x1, s1  }
0x8c: {  	s16 =	sshll.u32 s0, $0xA;
	s2 =	sadd.s32 s3, s2  }
0x8d: {  	s2 =	sadd.s32 s2, s16  }
0x8e: {  	[smem:$0x3FA6] =	sst s2  }
0x8f: {  	_ = 	snop  }
0x90: {  	(tm) =	ssettm $0x1  }
0x91: {  	s17 =	sld [smem:$0x3FFB];
	_ =	sdelay $0x3  }
0x92: {  	_ =	strace s17  }
0x93: {  	s2 =	sld [smem:$0x3FFC];
	_ =	sdelay $0x3  }
0x94: {  	_ =	strace s2  }
0x95: {  	s2 =	sld [smem:$0x3FFD];
	_ =	sdelay $0x3  }
0x96: {  	_ =	strace s2  }
0x97: {  	_ =	strace $0x8FFFFFFF  }
0x98: {  	s18 =	sld [smem:$0x3FDB];
	_ =	sdelay $0x1  }
0x99: {  	s19 =	simm.s32 $_scs_section_size  }
0x9a: {  	s4 =	simm.s32 $_size__tile_overlayer_lowered;
	s5 =	simm.s32 $_tile_overlayer_lowered  }
0x9b: {  	s22 =	simm.s32 $0x1BFF;
	s21 =	sshll.u32 s5, $0x1;
	s2 =	sadd.s32 s19, s18  }
0x9c: {  	s6 =	simm.s32 $0x0;
	s20 =	sshll.u32 s4, $0x1;
	s4 =	sadd.s32 s21, s2  }
0x9d: {  	[timem:s6], [sflag:s22] =	dma.local [hbm:s4], s20  }
0x9e: {  	_ =	swait.ge [sflag:s22], s20  }
0x9f: {  	s3 =	ssub.s32 $0x0, s20;
	[sflag:s22] =	ssyncset.done $0x0  }
0xa0: {  	[sflag:s22] =	ssyncadd.s32 s3;
	_ =	sdelay $0x1  }
0xa1: {  	s23 =	simm.s32 $0x1B8B  }
0xa2: {  	_ =	swait.ge [sflag:s23], $0x1  }
0xa3: {  	[sflag:s23] =	ssyncset.done $0x0  }
0xa4: {  	s25 =	simm.s32 $0x1B8E;
	s24 =	sld [smem:$0x3FFE];
	[sflag:s23] =	ssyncadd.s32 $0xFFFFFFFF  }
0xa5: {  	s26 =	simm.s32 $execute0_lowered;
	[smem:$0x3FD2] =	sst s25  }
0xa6: {  	s4 =	sshll.u32 s26, $0x1;
	_ =	strace $0x80000049;
	[dreg:$0x1] =	wrdreg $0xFFFFFFFF  }
0xa7: {  	s28 =	simm.s32 $_size_execute0_lowered;
	s2 =	sadd.s32 s2, s4;
	[dreg:$0x0] =	wrdreg $0x0  }
0xa8: {  	s4 =	sshll.u32 s28, $0x1;
	[dreg:$0x2] =	wrdreg s2  }
0xa9: {  	[dreg:$0x3] =	wrdreg s4  }
0xaa: {  	[dreg:$0x4] =	wrdreg $0xC0  }
0xab: {  	_ =	task [dreg:s6], $0x5FFFF  }
0xac: {  	[dreg:$0x1] =	wrdreg $0xFFFFFFFF  }
0xad: {  	[dreg:$0x0] =	wrdreg $0x60  }
0xae: {  	[dreg:$0x2] =	wrdreg s24  }
0xaf: {  	[dreg:$0x3] =	wrdreg $0x190000  }
0xb0: {  	[dreg:$0x4] =	wrdreg $0x9  }
0xb1: {  	_ =	task.clear_ibuf [dreg:s6], $0x5FFFF;
	_ =	strace $0x90000049  }
0xb2: {  	s29 =	simm.s32 $0x9;
	_ =	strace $0x8000004B  }
0xb3: {  	_ =	swait.ge [sflag:s29], $0x1  }
0xb4: {  	[sflag:s29] =	ssyncadd.s32 $0xFFFFFFFF  }
0xb5: {  	_ =	strace $0x9000004B  }
0xb6: {  	_ =	sfence  }
0xb7: {  	s30 =	sld [smem:$0x0];
	_ =	sdelay $0x2  }
0xb8: {  	s31 =	sshll.u32 s1, $0xD;
	s1 =	sshrl.u32 s1, $0x2  }
0xb9: {  	s3 =	sand.u32 $0x4000, s31;
	s1 =	sadd.s32 s1, s30  }
0xba: {  	s0 =	sor.u32 s3, s0;
	s1 =	sshll.u32 s1, $0x11  }
0xbb: {  	s0 =	sor.u32 s1, s0  }
0xbc: {  	s0 =	sadd.s32 $0x8F2B, s0  }
0xbd: {  	[sflag:s0] =	ssyncadd.remote.s32 $0x1  }
0xbe: {  	_ =	sfence.sel $0xFFFF  }
0xbf: {  	[dreg:$0x0] =	wrdreg $0xFFFFFFFF;
	(pc) =	sbr.abs _section_cstart, $3  }
0xc0: {  	[dreg:$0x1] =	wrdreg $0xFFFFFFFF  }
0xc1: {  	_ =	task.clear_ibuf [dreg:s6], $0x2FFFF;
	_ =	strace $0x9FFFFFFF  }
0xc2: {  	(tm) =	ssettm $0x7FFFFFFF  }
0xc3: {  	_ =	shalt  }
tec
execute0_lowered:
.L_overlay_start_1:
0x0: {  	(tag) =	ssettag $0x1  }
0x1: {  	s6 =	stileid.u32;
	s0 =	srdreg.scid  }
0x2: {  	s8 =	rddreg [dreg:$0x0];
	s31 =	smul.u32 $0x2780, s6;
	s1 =	sand.u32 $0x1, s0  }
0x3: {  	s2 =	rddreg [dreg:$0x1];
	s4 =	sshll.u32 s1, $0x4  }
0x4: {  	s3 =	simm.s32 $0x0;
	s5 =	sshrl.u32 s31, $0x3;
	s4 =	sor.u32 s6, s4  }
0x5: {  	[smem:$0x7FF] =	sst s3;
	s5 =	sadd.s32 s5, s8;
	s4 =	smul.u32 $0x500, s4  }
0x6: {  	s22 =	sshll.u32 s6, $0x6;
	_ =	strace $0x8000004A;
	s5 =	sadd.s32 $0x1DE00, s5  }
0x7: {  	s24 =	sadd.s32 s31, s2;
	[dreg:$0x3] =	wrdreg s5;
	s7 =	sadd.s32 s4, s8  }
0x8: {  	s6 =	sshrl.u32 s24, $0x3;
	s23 =	rddreg [dreg:$0x3];
	s25 =	sadd.s32 $0x13E00, s7  }
0x9: {  	s4 =	sor.u32 $0x1C03, s22;
	s5 =	simm.s32 $0x3;
	[dreg:$0x4] =	wrdreg s25  }
0xa: {  	[spmem:s6], [sflag:s4] =	dma.local [hbm:s23], $0x4F0  }
0xb: {  	_ =	swait.ge [sflag:s5], $0x4F0  }
0xc: {  	[sflag:s5] =	ssyncset.done $0x0  }
0xd: {  	s26 =	rddreg [dreg:$0x4];
	[sflag:s5] =	ssyncadd.s32 $0xFFFFFB10  }
0xe: {  	[tilespmem:s3], [sflag:$0x3] =	stream.linear.gather [hbm4b:s26+s3], $0x2800, $0x38;
	[tilespmem:$0x1B780] =	vst v63  }
0xf: {  	_ =	swait.ge [sflag:s5], $0x2800  }
0x10: {  	s21 =	smov.u32 s8;
	[sflag:s5] =	ssyncset.done $0x0  }
0x11: {  	s8 =	simm.s32 $0x2800;
	s7 =	sadd.s32 $0x9E00, s7;
	[sflag:s5] =	ssyncadd.s32 $0xFFFFD800  }
0x12: {  	[tilespmem:s8], [sflag:$0x3] =	stream.linear.gather [hbm4b:s7+s3], $0x2800, $0x38;
	[tilespmem:$0x1B780] =	vst v63  }
0x13: {  	_ =	swait.ge [sflag:s5], $0x2800  }
0x14: {  	[sflag:s5] =	ssyncset.done $0x0  }
0x15: {  	s10 =	simm.s32 $0x500;
	[sflag:s5] =	ssyncadd.s32 $0xFFFFD800  }
0x16: {  	s11 =	simm.s32 $0x5000;
	s9 =	sadd.s32 $0x4E00, s21;
	[bflag:$0x0] =	sbarrier.arrive $0xFFFF  }
0x17: {  	[tilespmem:s11], [sflag:$0x1] =	stream.indirect.gather [hbm4b:s9+s10], $0x10, s3, s10, $0xb8;
	[tilespmem:$0x1B780] =	vst v63  }
0x18: {  	s12 =	simm.s32 $0xA000  }
0x19: {  	[tilespmem:s12], [sflag:$0x1] =	stream.indirect.gather [hbm4b:s9+s10], $0x10, s10, s10, $0xb8;
	[tilespmem:$0x1B780] =	vst v63  }
0x1a: {  	s13 =	simm.s32 $0xA00;
	s14 =	simm.s32 $0xF000;
	s15 =	simm.s32 $0x1  }
0x1b: {  	[tilespmem:s14], [sflag:$0x1] =	stream.indirect.gather [hbm4b:s9+s10], $0x10, s13, s10, $0xb8;
	[tilespmem:$0x1B780] =	vst v63  }
0x1c: {  	_ =	swait.ge [sflag:s15], $0x5000  }
0x1d: {  	[sflag:s15] =	ssyncset.done $0x0  }
0x1e: {  	[sflag:s15] =	ssyncadd.s32 $0xFFFFB000  }
0x1f: {  	[spmem:s2] =	stream.indirect.scatter.add.f32 [tilespmem:s11], [sflag:$0x2], $0x10, s8, s10, $0xb8;
	[tilespmem:$0x1B780] =	vst v63  }
0x20: {  	s16 =	simm.s32 $0xF00;
	s17 =	simm.s32 $0x14000  }
0x21: {  	[tilespmem:s17], [sflag:$0x1] =	stream.indirect.gather [hbm4b:s9+s10], $0x10, s16, s10, $0xb8;
	[tilespmem:$0x1B780] =	vst v63  }
0x22: {  	_ =	swait.ge [sflag:s15], $0x5000  }
0x23: {  	[sflag:s15] =	ssyncset.done $0x0  }
0x24: {  	s18 =	simm.s32 $0x2D00;
	s19 =	simm.s32 $0x2;
	[sflag:s15] =	ssyncadd.s32 $0xFFFFB000  }
0x25: {  	[spmem:s2] =	stream.indirect.scatter.add.f32 [tilespmem:s12], [sflag:$0x2], $0x10, s18, s10, $0xb8;
	[tilespmem:$0x1B780] =	vst v63  }
0x26: {  	_ =	swait.ge [sflag:s19], $0x5000  }
0x27: {  	[sflag:s19] =	ssyncset.done $0x0  }
0x28: {  	s20 =	simm.s32 $0x1400;
	[sflag:s19] =	ssyncadd.s32 $0xFFFFB000  }
0x29: {  	[tilespmem:s11], [sflag:$0x1] =	stream.indirect.gather [hbm4b:s9+s10], $0x10, s20, s10, $0xb8;
	[tilespmem:$0x1B780] =	vst v63  }
0x2a: {  	_ =	swait.ge [sflag:s15], $0x5000  }
0x2b: {  	[sflag:s15] =	ssyncset.done $0x0  }
0x2c: {  	s21 =	simm.s32 $0x3200;
	[sflag:s15] =	ssyncadd.s32 $0xFFFFB000  }
0x2d: {  	[spmem:s2] =	stream.indirect.scatter.add.f32 [tilespmem:s14], [sflag:$0x2], $0x10, s21, s10, $0xb8;
	[tilespmem:$0x1B780] =	vst v63  }
0x2e: {  	_ =	swait.ge [sflag:s19], $0x5000  }
0x2f: {  	[sflag:s19] =	ssyncset.done $0x0  }
0x30: {  	s22 =	simm.s32 $0x1900;
	[sflag:s19] =	ssyncadd.s32 $0xFFFFB000  }
0x31: {  	[tilespmem:s12], [sflag:$0x1] =	stream.indirect.gather [hbm4b:s9+s10], $0x10, s22, s10, $0xb8;
	[tilespmem:$0x1B780] =	vst v63  }
0x32: {  	_ =	swait.ge [sflag:s15], $0x5000  }
0x33: {  	[sflag:s15] =	ssyncset.done $0x0  }
0x34: {  	s23 =	simm.s32 $0x3700;
	[sflag:s15] =	ssyncadd.s32 $0xFFFFB000  }
0x35: {  	[spmem:s2] =	stream.indirect.scatter.add.f32 [tilespmem:s17], [sflag:$0x2], $0x10, s23, s10, $0xb8;
	[tilespmem:$0x1B780] =	vst v63  }
0x36: {  	_ =	swait.ge [sflag:s19], $0x5000  }
0x37: {  	[sflag:s19] =	ssyncset.done $0x0  }
0x38: {  	s24 =	simm.s32 $0x1E00;
	[sflag:s19] =	ssyncadd.s32 $0xFFFFB000  }
0x39: {  	[tilespmem:s14], [sflag:$0x1] =	stream.indirect.gather [hbm4b:s9+s10], $0x10, s24, s10, $0xb8;
	[tilespmem:$0x1B780] =	vst v63  }
0x3a: {  	_ =	swait.ge [sflag:s15], $0x5000  }
0x3b: {  	[sflag:s15] =	ssyncset.done $0x0  }
0x3c: {  	s25 =	simm.s32 $0x3C00;
	[sflag:s15] =	ssyncadd.s32 $0xFFFFB000  }
0x3d: {  	[spmem:s2] =	stream.indirect.scatter.add.f32 [tilespmem:s11], [sflag:$0x2], $0x10, s25, s10, $0xb8;
	[tilespmem:$0x1B780] =	vst v63  }
0x3e: {  	_ =	swait.ge [sflag:s19], $0x5000  }
0x3f: {  	[sflag:s19] =	ssyncset.done $0x0  }
0x40: {  	s26 =	simm.s32 $0x2300;
	[sflag:s19] =	ssyncadd.s32 $0xFFFFB000  }
0x41: {  	[tilespmem:s17], [sflag:$0x1] =	stream.indirect.gather [hbm4b:s9+s10], $0x10, s26, s10, $0xb8;
	[tilespmem:$0x1B780] =	vst v63  }
0x42: {  	_ =	swait.ge [sflag:s15], $0x5000  }
0x43: {  	[sflag:s15] =	ssyncset.done $0x0  }
0x44: {  	s28 =	simm.s32 $0x4100;
	[sflag:s15] =	ssyncadd.s32 $0xFFFFB000  }
0x45: {  	[spmem:s2] =	stream.indirect.scatter.add.f32 [tilespmem:s12], [sflag:$0x2], $0x10, s28, s10, $0xb8;
	[tilespmem:$0x1B780] =	vst v63  }
0x46: {  	_ =	swait.ge [sflag:s15], $0x5000  }
0x47: {  	[sflag:s15] =	ssyncset.done $0x0  }
0x48: {  	s29 =	simm.s32 $0x4600;
	[sflag:s15] =	ssyncadd.s32 $0xFFFFB000  }
0x49: {  	[spmem:s2] =	stream.indirect.scatter.add.f32 [tilespmem:s14], [sflag:$0x2], $0x10, s29, s10, $0xb8;
	[tilespmem:$0x1B780] =	vst v63  }
0x4a: {  	_ =	swait.ge [sflag:s15], $0x5000  }
0x4b: {  	[sflag:s15] =	ssyncset.done $0x0  }
0x4c: {  	s30 =	simm.s32 $0x4B00;
	[sflag:s15] =	ssyncadd.s32 $0xFFFFB000  }
0x4d: {  	[spmem:s2] =	stream.indirect.scatter.add.f32 [tilespmem:s17], [sflag:$0x2], $0x10, s30, s10, $0xb8;
	[tilespmem:$0x1B780] =	vst v63  }
0x4e: {  	_ =	swait.ge [sflag:s19], $0x5000  }
0x4f: {  	[sflag:s19] =	ssyncset.done $0x0  }
0x50: {  	[sflag:s19] =	ssyncadd.s32 $0xFFFFB000  }
0x51: {  	_ =	swait.ge [sflag:s19], $0x5000  }
0x52: {  	[sflag:s19] =	ssyncset.done $0x0  }
0x53: {  	s0 =	smul.u32 $0x27800, s1;
	[sflag:s19] =	ssyncadd.s32 $0xFFFFB000  }
0x54: {  	_ =	swait.ge [sflag:s19], $0x5000  }
0x55: {  	s0 =	sadd.s32 s31, s0;
	[sflag:s19] =	ssyncset.done $0x0  }
0x56: {  	s1 =	ssub.s32 $0x2, s1;
	s0 =	sshrl.u32 s0, $0x3;
	[sflag:s19] =	ssyncadd.s32 $0xFFFFB000  }
0x57: {  	_ =	swait.ge [sflag:s19], $0x5000;
	[dreg:$0x5] =	wrdreg s0;
	s0 =	sshrl.u32 s1, $0x1  }
0x58: {  	[dreg:$0x6] =	wrdreg s0  }
0x59: {  	[sflag:s19] =	ssyncset.done $0x0;
	s31 =	rddreg [dreg:$0x5]  }
0x5a: {  	s0 =	rddreg [dreg:$0x0]  }
0x5b: {  	s0 =	sadd.s32 s31, s0;
	s31 =	rddreg [dreg:$0x6]  }
0x5c: {  	s1 =	ssub.s32 s1, s31  }
0x5d: {  	s1 =	smax.u32 s1, $0x1  }
0x5e: {  	p0 =	sne.s32 s1, $0x1  }
.Ltmp0:
0x5f: {  	_ = 	snop;
	(pc) =	sbr.rel @!p0 .LBB2_2-.Ltmp0, $4  }
0x60: {  	[sflag:s19] =	ssyncadd.s32 $0xFFFFB000  }
0x61: {  	[bflag:$0x0] =	sbarrier.arrive $0xFFFF;
	s31 =	sadd.s32 $0x22E00, s0  }
0x62: {  	[hbm:s31], [sflag:s4] =	dma.local [spmem:s6], $0x4F0  }
0x63: {  	s1 =	sadd.s32 $0xFFFFFFFF, s1;
	_ =	swait.ge [sflag:s5], $0x4F0  }
.LBB2_1:
0x64: {  	[sflag:s5] =	ssyncset.done $0x0  }
0x65: {  	s0 =	rddreg [dreg:$0x3];
	[sflag:s5] =	ssyncadd.s32 $0xFFFFFB10  }
0x66: {  	[spmem:s6], [sflag:s4] =	dma.local [hbm:s0], $0x4F0  }
0x67: {  	_ =	swait.ge [sflag:s5], $0x4F0  }
0x68: {  	[sflag:s5] =	ssyncset.done $0x0  }
0x69: {  	s0 =	rddreg [dreg:$0x4];
	[sflag:s5] =	ssyncadd.s32 $0xFFFFFB10  }
0x6a: {  	[tilespmem:s3], [sflag:$0x3] =	stream.linear.gather [hbm4b:s0+s3], $0x2800, $0x38;
	[tilespmem:$0x1B780] =	vst v63  }
0x6b: {  	_ =	swait.ge [sflag:s5], $0x2800  }
0x6c: {  	[sflag:s5] =	ssyncset.done $0x0  }
0x6d: {  	[sflag:s5] =	ssyncadd.s32 $0xFFFFD800  }
0x6e: {  	[tilespmem:s8], [sflag:$0x3] =	stream.linear.gather [hbm4b:s7+s3], $0x2800, $0x38;
	[tilespmem:$0x1B780] =	vst v63  }
0x6f: {  	_ =	swait.ge [sflag:s5], $0x2800  }
0x70: {  	[sflag:s5] =	ssyncset.done $0x0  }
0x71: {  	[sflag:s5] =	ssyncadd.s32 $0xFFFFD800  }
0x72: {  	[bflag:$0x0] =	sbarrier.arrive $0xFFFF  }
0x73: {  	[tilespmem:s11], [sflag:$0x1] =	stream.indirect.gather [hbm4b:s9+s10], $0x10, s3, s10, $0xb8;
	[tilespmem:$0x1B780] =	vst v63  }
0x74: {  	_ = 	snop  }
0x75: {  	[tilespmem:s12], [sflag:$0x1] =	stream.indirect.gather [hbm4b:s9+s10], $0x10, s10, s10, $0xb8;
	[tilespmem:$0x1B780] =	vst v63  }
0x76: {  	_ = 	snop  }
0x77: {  	[tilespmem:s14], [sflag:$0x1] =	stream.indirect.gather [hbm4b:s9+s10], $0x10, s13, s10, $0xb8;
	[tilespmem:$0x1B780] =	vst v63  }
0x78: {  	_ =	swait.ge [sflag:s15], $0x5000  }
0x79: {  	[sflag:s15] =	ssyncset.done $0x0  }
0x7a: {  	[sflag:s15] =	ssyncadd.s32 $0xFFFFB000  }
0x7b: {  	[spmem:s2] =	stream.indirect.scatter.add.f32 [tilespmem:s11], [sflag:$0x2], $0x10, s8, s10, $0xb8;
	[tilespmem:$0x1B780] =	vst v63  }
0x7c: {  	_ = 	snop  }
0x7d: {  	[tilespmem:s17], [sflag:$0x1] =	stream.indirect.gather [hbm4b:s9+s10], $0x10, s16, s10, $0xb8;
	[tilespmem:$0x1B780] =	vst v63  }
0x7e: {  	_ =	swait.ge [sflag:s15], $0x5000  }
0x7f: {  	[sflag:s15] =	ssyncset.done $0x0  }
0x80: {  	[sflag:s15] =	ssyncadd.s32 $0xFFFFB000  }
0x81: {  	[spmem:s2] =	stream.indirect.scatter.add.f32 [tilespmem:s12], [sflag:$0x2], $0x10, s18, s10, $0xb8;
	[tilespmem:$0x1B780] =	vst v63  }
0x82: {  	_ =	swait.ge [sflag:s19], $0x5000  }
0x83: {  	[sflag:s19] =	ssyncset.done $0x0  }
0x84: {  	[sflag:s19] =	ssyncadd.s32 $0xFFFFB000  }
0x85: {  	[tilespmem:s11], [sflag:$0x1] =	stream.indirect.gather [hbm4b:s9+s10], $0x10, s20, s10, $0xb8;
	[tilespmem:$0x1B780] =	vst v63  }
0x86: {  	_ =	swait.ge [sflag:s15], $0x5000  }
0x87: {  	[sflag:s15] =	ssyncset.done $0x0  }
0x88: {  	[sflag:s15] =	ssyncadd.s32 $0xFFFFB000  }
0x89: {  	[spmem:s2] =	stream.indirect.scatter.add.f32 [tilespmem:s14], [sflag:$0x2], $0x10, s21, s10, $0xb8;
	[tilespmem:$0x1B780] =	vst v63  }
0x8a: {  	_ =	swait.ge [sflag:s19], $0x5000  }
0x8b: {  	[sflag:s19] =	ssyncset.done $0x0  }
0x8c: {  	[sflag:s19] =	ssyncadd.s32 $0xFFFFB000  }
0x8d: {  	[tilespmem:s12], [sflag:$0x1] =	stream.indirect.gather [hbm4b:s9+s10], $0x10, s22, s10, $0xb8;
	[tilespmem:$0x1B780] =	vst v63  }
0x8e: {  	_ =	swait.ge [sflag:s15], $0x5000  }
0x8f: {  	[sflag:s15] =	ssyncset.done $0x0  }
0x90: {  	[sflag:s15] =	ssyncadd.s32 $0xFFFFB000  }
0x91: {  	[spmem:s2] =	stream.indirect.scatter.add.f32 [tilespmem:s17], [sflag:$0x2], $0x10, s23, s10, $0xb8;
	[tilespmem:$0x1B780] =	vst v63  }
0x92: {  	_ =	swait.ge [sflag:s19], $0x5000  }
0x93: {  	[sflag:s19] =	ssyncset.done $0x0  }
0x94: {  	[sflag:s19] =	ssyncadd.s32 $0xFFFFB000  }
0x95: {  	[tilespmem:s14], [sflag:$0x1] =	stream.indirect.gather [hbm4b:s9+s10], $0x10, s24, s10, $0xb8;
	[tilespmem:$0x1B780] =	vst v63  }
0x96: {  	_ =	swait.ge [sflag:s15], $0x5000  }
0x97: {  	[sflag:s15] =	ssyncset.done $0x0  }
0x98: {  	[sflag:s15] =	ssyncadd.s32 $0xFFFFB000  }
0x99: {  	[spmem:s2] =	stream.indirect.scatter.add.f32 [tilespmem:s11], [sflag:$0x2], $0x10, s25, s10, $0xb8;
	[tilespmem:$0x1B780] =	vst v63  }
0x9a: {  	_ =	swait.ge [sflag:s19], $0x5000  }
0x9b: {  	[sflag:s19] =	ssyncset.done $0x0  }
0x9c: {  	[sflag:s19] =	ssyncadd.s32 $0xFFFFB000  }
0x9d: {  	[tilespmem:s17], [sflag:$0x1] =	stream.indirect.gather [hbm4b:s9+s10], $0x10, s26, s10, $0xb8;
	[tilespmem:$0x1B780] =	vst v63  }
0x9e: {  	_ =	swait.ge [sflag:s15], $0x5000  }
0x9f: {  	[sflag:s15] =	ssyncset.done $0x0  }
0xa0: {  	[sflag:s15] =	ssyncadd.s32 $0xFFFFB000  }
0xa1: {  	[spmem:s2] =	stream.indirect.scatter.add.f32 [tilespmem:s12], [sflag:$0x2], $0x10, s28, s10, $0xb8;
	[tilespmem:$0x1B780] =	vst v63  }
0xa2: {  	_ =	swait.ge [sflag:s15], $0x5000  }
0xa3: {  	[sflag:s15] =	ssyncset.done $0x0  }
0xa4: {  	[sflag:s15] =	ssyncadd.s32 $0xFFFFB000  }
0xa5: {  	[spmem:s2] =	stream.indirect.scatter.add.f32 [tilespmem:s14], [sflag:$0x2], $0x10, s29, s10, $0xb8;
	[tilespmem:$0x1B780] =	vst v63  }
0xa6: {  	_ =	swait.ge [sflag:s15], $0x5000  }
0xa7: {  	[sflag:s15] =	ssyncset.done $0x0  }
0xa8: {  	[sflag:s15] =	ssyncadd.s32 $0xFFFFB000  }
0xa9: {  	[spmem:s2] =	stream.indirect.scatter.add.f32 [tilespmem:s17], [sflag:$0x2], $0x10, s30, s10, $0xb8;
	[tilespmem:$0x1B780] =	vst v63  }
0xaa: {  	_ =	swait.ge [sflag:s19], $0x5000  }
0xab: {  	[sflag:s19] =	ssyncset.done $0x0  }
0xac: {  	[sflag:s19] =	ssyncadd.s32 $0xFFFFB000  }
0xad: {  	_ =	swait.ge [sflag:s19], $0x5000  }
0xae: {  	[sflag:s19] =	ssyncset.done $0x0  }
0xaf: {  	[sflag:s19] =	ssyncadd.s32 $0xFFFFB000  }
0xb0: {  	_ =	swait.ge [sflag:s19], $0x5000  }
0xb1: {  	[sflag:s19] =	ssyncset.done $0x0  }
0xb2: {  	[sflag:s19] =	ssyncadd.s32 $0xFFFFB000  }
0xb3: {  	p0 =	sne.s32 s1, $0x1;
	_ =	swait.ge [sflag:s19], $0x5000  }
.Ltmp1:
0xb4: {  	[sflag:s19] =	ssyncset.done $0x0;
	(pc) =	sbr.rel @p0 .LBB2_1-.Ltmp1, $4  }
0xb5: {  	[sflag:s19] =	ssyncadd.s32 $0xFFFFB000  }
0xb6: {  	[bflag:$0x0] =	sbarrier.arrive $0xFFFF  }
0xb7: {  	[hbm:s31], [sflag:s4] =	dma.local [spmem:s6], $0x4F0  }
0xb8: {  	s1 =	sadd.s32 $0xFFFFFFFF, s1;
	_ =	swait.ge [sflag:s5], $0x4F0  }
.LBB2_2:
0xb9: {  	[sflag:s5] =	ssyncset.done $0x0  }
0xba: {  	[sflag:s5] =	ssyncadd.s32 $0xFFFFFB10  }
0xbb: {  	_ =	sfence.sel $0x180000  }
0xbc: {  	[bflag:$0x0] =	sbarrier.arrive $0xFFFF  }
0xbd: {  	_ =	strace $0x9000004A  }
0xbe: {  	s0 =	stileid.u32;
	[bflag:$0x2] =	sbarrier.arrive $0xFFFF  }
0xbf: {  	p0 =	sne.s32 s0, $0x0;
	s0 =	rddreg [dreg:$0x2]  }
0xc0: {  	s0 =	sadd.s32 @!p0 $0x100000, s0  }
0xc1: {  	[sflag:s0] =	ssyncadd.tile.s32 @!p0 $0x1;
	_ =	shalt  }
.Lfunc_end2:
_tile_overlayer_lowered:
.L_overlay_start_2:
0xc2: {  	(tag) =	ssettag $0x2  }
0xc3: {  	s0 =	rddreg [dreg:$0x0];
	s2 =	stileid.u32  }
0xc4: {  	s1 =	rddreg [dreg:$0x1];
	p0 =	sne.s32 s2, $0x0  }
0xc5: {  	s3 =	rddreg [dreg:$0x2];
	[bflag:$0x3] =	sbarrier.arrive $0xFFFF;
	s2 =	simm.s32 @!p0 $0x1C03  }
0xc6: {  	[timem:s3], [sflag:s2] =	dma.local @!p0 [hbm:s0], s1  }
0xc7: {  	s0 =	simm.s32 @!p0 $0x3  }
0xc8: {  	_ =	swait.ge @!p0 [sflag:s0], s1  }
0xc9: {  	s1 =	ssub.s32 @!p0 $0x0, s1;
	[sflag:s0] =	ssyncset.done @!p0 $0x0  }
0xca: {  	[sflag:s0] =	ssyncadd.s32 @!p0 s1  }
0xcb: {  	[bflag:$0x3] =	sbarrier.arrive $0xFFFF  }
0xcc: {  	_ =	shalt  }

// kernel: kernel.17.cloned.1.call-start
scs
__scs_entry_jumppad:
0x0: {  	(pc) =	sbr.rel $0x88, $3  }
0x1: {  	(tag) =	ssettag $0x0;
	lr =	simm.s32 $0x1  }
0x2: {  	[smem:$0x3F7F] =	sst lr;
	_ =	strace $0xD0000000  }
0x3: {  	_ = 	snop  }
0x4: {  	_ = 	snop  }
0x5: {  	_ = 	snop  }
0x6: {  	_ = 	snop  }
0x7: {  	_ = 	snop  }
__scs_overlays_trampoline_lowered:
0x8: {  	[smem:$0x3F8E] =	sst s0  }
0x9: {  	[smem:$0x3F8F] =	sst s1  }
0xa: {  	[smem:$0x3F90] =	sst s2  }
0xb: {  	[smem:$0x3F91] =	sst s3  }
0xc: {  	[smem:$0x3F92] =	sst s4  }
0xd: {  	[smem:$0x3F93] =	sst s5  }
0xe: {  	[smem:$0x3F94] =	sst s6  }
0xf: {  	[smem:$0x3F95] =	sst s7  }
0x10: {  	[smem:$0x3F96] =	sst s8  }
0x11: {  	[smem:$0x3F97] =	sst s9;
	s0 =	simm.s32 @!p0 $0x0  }
0x12: {  	s1 =	sld [smem:$0x3F7D];
	s0 =	simm.s32 @p0 $0x1  }
0x13: {  	[smem:$0x3F98] =	sst s0;
	s0 =	simm.s32 @!p1 $0x0  }
0x14: {  	s2 =	sld [smem:$0x3F7C];
	s0 =	simm.s32 @p1 $0x1  }
0x15: {  	[smem:$0x3F99] =	sst s0;
	s0 =	simm.s32 @!p2 $0x0  }
0x16: {  	s3 =	sld [smem:$0x3FDB];
	s0 =	simm.s32 @p2 $0x1  }
0x17: {  	s4 =	simm.s32 $0x1BF5;
	[smem:$0x3F9B] =	sst s0  }
0x18: {  	s0 =	sld [smem:$0x3F7E];
	_ =	swait.ge [sflag:s4], $0x0  }
0x19: {  	s7 =	sld [smem:$0x3F7F]  }
0x1a: {  	s8 =	sadd.s32 $0xFFFFE003, lr  }
0x1b: {  	s9 =	sadd.s32 $0xFFFFFEF7, lr;
	s5 =	simm.s32 $0xFFFFFFFF;
	p2 =	slt.u32 s8, $0xFFFFF086  }
0x1c: {  	p1 =	slt.u32 s9, $0xF7A;
	s5 =	simm.s32 @!p2 $0x0  }
0x1d: {  	s5 =	simm.s32 @p1 $0x1;
	p0 =	seq.s32 s7, s2  }
0x1e: {  	s7 =	smul.u32 @!p0 $0xF7A, s2;
	p2 =	seq.s32 @!p0 s5, $0x0  }
0x1f: {  	s9 =	smul.u32 $0xF7A, s1;
	s8 =	simm.s32 @!p0 $0x1BF5;
	p2 =	por !p2, p0  }
0x20: {  	[sflag:s8] =	ssyncset.s32 @!p0 $0xFFFFF086;
	s6 =	sadd.s32 @!p0 s3, s7;
	s7 =	simm.s32 @!p0 $0x108  }
0x21: {  	s3 =	sadd.s32 s3, s9;
	s6 =	sadd.s32 @!p0 $0x88, s6;
	s7 =	simm.s32 @p2 $0x1082  }
0x22: {  	[simem:s7], [sflag:s8] =	dma.local @!p0 [hbm:s6], $0xF7A  }
0x23: {  	s9 =	sor.u32 $0xD0000000, s2;
	s6 =	simm.s32 $0x108;
	_ =	swait.ge @!p0 [sflag:s8], $0x0  }
0x24: {  	s3 =	sadd.s32 $0x88, s3;
	s6 =	simm.s32 @!p1 $0x1082;
	[sflag:s4] =	ssyncset.s32 $0xFFFFF086  }
0x25: {  	[simem:s6], [sflag:s4] =	dma.local [hbm:s3], $0xF7A  }
0x26: {  	[smem:$0x3F7F] =	sst s1;
	(tag) =	ssettag s2;
	_ =	strace s9  }
0x27: {  	s1 =	sld [smem:$0x3F8F]  }
0x28: {  	s2 =	sld [smem:$0x3F90]  }
0x29: {  	s4 =	sld [smem:$0x3F92]  }
0x2a: {  	p0 =	seq.s32 s5, $0x0;
	s5 =	sld [smem:$0x3F93]  }
0x2b: {  	s6 =	sld [smem:$0x3F94]  }
0x2c: {  	s7 =	sld [smem:$0x3F95]  }
0x2d: {  	s3 =	simm.s32 $0x108;
	s8 =	sld [smem:$0x3F96]  }
0x2e: {  	s3 =	simm.s32 @!p0 $0x1082;
	s9 =	sld [smem:$0x3F97]  }
0x2f: {  	lr =	sadd.s32 s0, s3;
	s0 =	sld [smem:$0x3F8E]  }
0x30: {  	s3 =	sld [smem:$0x3F91]  }
0x31: {  	[smem:$0x3F9A] =	sst s10  }
0x32: {  	s10 =	sld [smem:$0x3F98];
	_ =	sdelay $0x3  }
0x33: {  	p0 =	seq.s32 s10, $0x1;
	s10 =	sld [smem:$0x3F9A];
	_ =	sdelay $0x3  }
0x34: {  	[smem:$0x3F9A] =	sst s10  }
0x35: {  	s10 =	sld [smem:$0x3F99];
	_ =	sdelay $0x3  }
0x36: {  	p1 =	seq.s32 s10, $0x1;
	s10 =	sld [smem:$0x3F9A];
	_ =	sdelay $0x3  }
0x37: {  	[smem:$0x3F9A] =	sst s10  }
0x38: {  	s10 =	sld [smem:$0x3F9B]  }
0x39: {  	_ = 	snop;
	(pc) =	sbr.ind lr, $3  }
0x3a: {  	_ = 	snop  }
0x3b: {  	_ = 	snop  }
0x3c: {  	p2 =	seq.s32 s10, $0x1;
	s10 =	sld [smem:$0x3F9A]  }
0x3d: {  	_ =	shalt  }
0x3e: {  	_ =	shalt  }
0x3f: {  	_ =	shalt  }
0x40: {  	_ =	shalt  }
0x41: {  	_ =	shalt  }
0x42: {  	_ =	shalt  }
0x43: {  	_ =	shalt  }
0x44: {  	_ =	shalt  }
0x45: {  	_ =	shalt  }
0x46: {  	_ =	shalt  }
0x47: {  	_ =	shalt  }
0x48: {  	_ =	shalt  }
0x49: {  	_ =	shalt  }
0x4a: {  	_ =	shalt  }
0x4b: {  	_ =	shalt  }
0x4c: {  	_ =	shalt  }
0x4d: {  	_ =	shalt  }
0x4e: {  	_ =	shalt  }
0x4f: {  	_ =	shalt  }
0x50: {  	_ =	shalt  }
0x51: {  	_ =	shalt  }
0x52: {  	_ =	shalt  }
0x53: {  	_ =	shalt  }
0x54: {  	_ =	shalt  }
0x55: {  	_ =	shalt  }
0x56: {  	_ =	shalt  }
0x57: {  	_ =	shalt  }
0x58: {  	_ =	shalt  }
0x59: {  	_ =	shalt  }
0x5a: {  	_ =	shalt  }
0x5b: {  	_ =	shalt  }
0x5c: {  	_ =	shalt  }
0x5d: {  	_ =	shalt  }
0x5e: {  	_ =	shalt  }
0x5f: {  	_ =	shalt  }
0x60: {  	_ =	shalt  }
0x61: {  	_ =	shalt  }
0x62: {  	_ =	shalt  }
0x63: {  	_ =	shalt  }
0x64: {  	_ =	shalt  }
0x65: {  	_ =	shalt  }
0x66: {  	_ =	shalt  }
0x67: {  	_ =	shalt  }
0x68: {  	_ =	shalt  }
0x69: {  	_ =	shalt  }
0x6a: {  	_ =	shalt  }
0x6b: {  	_ =	shalt  }
0x6c: {  	_ =	shalt  }
0x6d: {  	_ =	shalt  }
0x6e: {  	_ =	shalt  }
0x6f: {  	_ =	shalt  }
0x70: {  	_ =	shalt  }
0x71: {  	_ =	shalt  }
0x72: {  	_ =	shalt  }
0x73: {  	_ =	shalt  }
0x74: {  	_ =	shalt  }
0x75: {  	_ =	shalt  }
0x76: {  	_ =	shalt  }
0x77: {  	_ =	shalt  }
0x78: {  	_ =	shalt  }
0x79: {  	_ =	shalt  }
0x7a: {  	_ =	shalt  }
0x7b: {  	_ =	shalt  }
0x7c: {  	_ =	shalt  }
0x7d: {  	_ =	shalt  }
0x7e: {  	_ =	shalt  }
0x7f: {  	_ =	shalt  }
0x80: {  	_ =	shalt  }
0x81: {  	_ =	shalt  }
0x82: {  	_ =	shalt  }
0x83: {  	_ =	shalt  }
0x84: {  	_ =	shalt  }
0x85: {  	_ =	shalt  }
0x86: {  	_ =	shalt  }
0x87: {  	_ =	shalt  }
.Lfunc_end0:
.L_simem_size_0:
called_computation.2_lowered:
.L_overlay_start_0:
0x88: {  	s2 =	sld [smem:$0x3FD9]  }
0x89: {  	s3 =	sld [smem:$0x3FFE];
	_ =	sdelay $0x1  }
0x8a: {  	s1 =	srdreg.scid  }
0x8b: {  	s0 =	sand.u32 $0x1, s1  }
0x8c: {  	s16 =	sshll.u32 s0, $0xA;
	s2 =	sadd.s32 s3, s2  }
0x8d: {  	s2 =	sadd.s32 s2, s16  }
0x8e: {  	[smem:$0x3FA6] =	sst s2  }
0x8f: {  	_ = 	snop  }
0x90: {  	(tm) =	ssettm $0x1  }
0x91: {  	s17 =	sld [smem:$0x3FFB];
	_ =	sdelay $0x3  }
0x92: {  	_ =	strace s17  }
0x93: {  	s2 =	sld [smem:$0x3FFC];
	_ =	sdelay $0x3  }
0x94: {  	_ =	strace s2  }
0x95: {  	s2 =	sld [smem:$0x3FFD];
	_ =	sdelay $0x3  }
0x96: {  	_ =	strace s2  }
0x97: {  	_ =	strace $0x8FFFFFFF  }
0x98: {  	s18 =	sld [smem:$0x3FDB];
	_ =	sdelay $0x1  }
0x99: {  	s19 =	simm.s32 $_scs_section_size  }
0x9a: {  	s4 =	simm.s32 $_size__tile_overlayer_lowered;
	s5 =	simm.s32 $_tile_overlayer_lowered  }
0x9b: {  	s22 =	simm.s32 $0x1BFF;
	s21 =	sshll.u32 s5, $0x1;
	s2 =	sadd.s32 s19, s18  }
0x9c: {  	s6 =	simm.s32 $0x0;
	s20 =	sshll.u32 s4, $0x1;
	s4 =	sadd.s32 s21, s2  }
0x9d: {  	[timem:s6], [sflag:s22] =	dma.local [hbm:s4], s20  }
0x9e: {  	_ =	swait.ge [sflag:s22], s20  }
0x9f: {  	s3 =	ssub.s32 $0x0, s20;
	[sflag:s22] =	ssyncset.done $0x0  }
0xa0: {  	[sflag:s22] =	ssyncadd.s32 s3;
	_ =	sdelay $0x1  }
0xa1: {  	s23 =	simm.s32 $0x1B8B  }
0xa2: {  	_ =	swait.ge [sflag:s23], $0x1  }
0xa3: {  	[sflag:s23] =	ssyncset.done $0x0  }
0xa4: {  	s25 =	simm.s32 $0x1B8E;
	s24 =	sld [smem:$0x3FFE];
	[sflag:s23] =	ssyncadd.s32 $0xFFFFFFFF  }
0xa5: {  	s26 =	simm.s32 $execute0_lowered;
	[smem:$0x3FD2] =	sst s25  }
0xa6: {  	s4 =	sshll.u32 s26, $0x1;
	_ =	strace $0x8000004C;
	[dreg:$0x1] =	wrdreg $0xFFFFFFFF  }
0xa7: {  	s28 =	simm.s32 $_size_execute0_lowered;
	s2 =	sadd.s32 s2, s4;
	[dreg:$0x0] =	wrdreg $0x0  }
0xa8: {  	s4 =	sshll.u32 s28, $0x1;
	[dreg:$0x2] =	wrdreg s2  }
0xa9: {  	[dreg:$0x3] =	wrdreg s4  }
0xaa: {  	[dreg:$0x4] =	wrdreg $0xC0  }
0xab: {  	_ =	task [dreg:s6], $0x5FFFF  }
0xac: {  	[dreg:$0x1] =	wrdreg $0xFFFFFFFF  }
0xad: {  	[dreg:$0x0] =	wrdreg $0x60  }
0xae: {  	[dreg:$0x2] =	wrdreg s24  }
0xaf: {  	[dreg:$0x3] =	wrdreg $0x190000  }
0xb0: {  	[dreg:$0x4] =	wrdreg $0x9  }
0xb1: {  	_ =	task.clear_ibuf [dreg:s6], $0x5FFFF;
	_ =	strace $0x9000004C  }
0xb2: {  	s29 =	simm.s32 $0x9;
	_ =	strace $0x8000004E  }
0xb3: {  	_ =	swait.ge [sflag:s29], $0x1  }
0xb4: {  	[sflag:s29] =	ssyncadd.s32 $0xFFFFFFFF  }
0xb5: {  	_ =	strace $0x9000004E  }
0xb6: {  	_ =	sfence  }
0xb7: {  	s30 =	sld [smem:$0x0];
	_ =	sdelay $0x2  }
0xb8: {  	s31 =	sshll.u32 s1, $0xD;
	s1 =	sshrl.u32 s1, $0x2  }
0xb9: {  	s3 =	sand.u32 $0x4000, s31;
	s1 =	sadd.s32 s1, s30  }
0xba: {  	s0 =	sor.u32 s3, s0;
	s1 =	sshll.u32 s1, $0x11  }
0xbb: {  	s0 =	sor.u32 s1, s0  }
0xbc: {  	s0 =	sadd.s32 $0x8F2B, s0  }
0xbd: {  	[sflag:s0] =	ssyncadd.remote.s32 $0x1  }
0xbe: {  	_ =	sfence.sel $0xFFFF  }
0xbf: {  	[dreg:$0x0] =	wrdreg $0xFFFFFFFF;
	(pc) =	sbr.abs _section_cstart, $3  }
0xc0: {  	[dreg:$0x1] =	wrdreg $0xFFFFFFFF  }
0xc1: {  	_ =	task.clear_ibuf [dreg:s6], $0x2FFFF;
	_ =	strace $0x9FFFFFFF  }
0xc2: {  	(tm) =	ssettm $0x7FFFFFFF  }
0xc3: {  	_ =	shalt  }
tec
execute0_lowered:
.L_overlay_start_1:
0x0: {  	(tag) =	ssettag $0x1  }
0x1: {  	s6 =	stileid.u32;
	s0 =	srdreg.scid  }
0x2: {  	s8 =	rddreg [dreg:$0x0];
	s31 =	smul.u32 $0x2780, s6;
	s1 =	sand.u32 $0x1, s0  }
0x3: {  	s2 =	rddreg [dreg:$0x1];
	s4 =	sshll.u32 s1, $0x4  }
0x4: {  	s3 =	simm.s32 $0x0;
	s5 =	sshrl.u32 s31, $0x3;
	s4 =	sor.u32 s6, s4  }
0x5: {  	[smem:$0x7FF] =	sst s3;
	s5 =	sadd.s32 s5, s8;
	s4 =	smul.u32 $0x500, s4  }
0x6: {  	s22 =	sshll.u32 s6, $0x6;
	_ =	strace $0x8000004D;
	s5 =	sadd.s32 $0x1DE00, s5  }
0x7: {  	s24 =	sadd.s32 s31, s2;
	[dreg:$0x3] =	wrdreg s5;
	s7 =	sadd.s32 s4, s8  }
0x8: {  	s6 =	sshrl.u32 s24, $0x3;
	s23 =	rddreg [dreg:$0x3];
	s25 =	sadd.s32 $0x13E00, s7  }
0x9: {  	s4 =	sor.u32 $0x1C03, s22;
	s5 =	simm.s32 $0x3;
	[dreg:$0x4] =	wrdreg s25  }
0xa: {  	[spmem:s6], [sflag:s4] =	dma.local [hbm:s23], $0x4F0  }
0xb: {  	_ =	swait.ge [sflag:s5], $0x4F0  }
0xc: {  	[sflag:s5] =	ssyncset.done $0x0  }
0xd: {  	s26 =	rddreg [dreg:$0x4];
	[sflag:s5] =	ssyncadd.s32 $0xFFFFFB10  }
0xe: {  	[tilespmem:s3], [sflag:$0x3] =	stream.linear.gather [hbm4b:s26+s3], $0x2800, $0x38;
	[tilespmem:$0x1B780] =	vst v63  }
0xf: {  	_ =	swait.ge [sflag:s5], $0x2800  }
0x10: {  	s21 =	smov.u32 s8;
	[sflag:s5] =	ssyncset.done $0x0  }
0x11: {  	s8 =	simm.s32 $0x2800;
	s7 =	sadd.s32 $0x9E00, s7;
	[sflag:s5] =	ssyncadd.s32 $0xFFFFD800  }
0x12: {  	[tilespmem:s8], [sflag:$0x3] =	stream.linear.gather [hbm4b:s7+s3], $0x2800, $0x38;
	[tilespmem:$0x1B780] =	vst v63  }
0x13: {  	_ =	swait.ge [sflag:s5], $0x2800  }
0x14: {  	[sflag:s5] =	ssyncset.done $0x0  }
0x15: {  	s10 =	simm.s32 $0x500;
	[sflag:s5] =	ssyncadd.s32 $0xFFFFD800  }
0x16: {  	s11 =	simm.s32 $0x5000;
	s9 =	sadd.s32 $0x4E00, s21;
	[bflag:$0x0] =	sbarrier.arrive $0xFFFF  }
0x17: {  	[tilespmem:s11], [sflag:$0x1] =	stream.indirect.gather [hbm4b:s9+s10], $0x10, s3, s10, $0xb8;
	[tilespmem:$0x1B780] =	vst v63  }
0x18: {  	s12 =	simm.s32 $0xA000  }
0x19: {  	[tilespmem:s12], [sflag:$0x1] =	stream.indirect.gather [hbm4b:s9+s10], $0x10, s10, s10, $0xb8;
	[tilespmem:$0x1B780] =	vst v63  }
0x1a: {  	s13 =	simm.s32 $0xA00;
	s14 =	simm.s32 $0xF000;
	s15 =	simm.s32 $0x1  }
0x1b: {  	[tilespmem:s14], [sflag:$0x1] =	stream.indirect.gather [hbm4b:s9+s10], $0x10, s13, s10, $0xb8;
	[tilespmem:$0x1B780] =	vst v63  }
0x1c: {  	_ =	swait.ge [sflag:s15], $0x5000  }
0x1d: {  	[sflag:s15] =	ssyncset.done $0x0  }
0x1e: {  	[sflag:s15] =	ssyncadd.s32 $0xFFFFB000  }
0x1f: {  	[spmem:s2] =	stream.indirect.scatter.add.f32 [tilespmem:s11], [sflag:$0x2], $0x10, s8, s10, $0xb8;
	[tilespmem:$0x1B780] =	vst v63  }
0x20: {  	s16 =	simm.s32 $0xF00;
	s17 =	simm.s32 $0x14000  }
0x21: {  	[tilespmem:s17], [sflag:$0x1] =	stream.indirect.gather [hbm4b:s9+s10], $0x10, s16, s10, $0xb8;
	[tilespmem:$0x1B780] =	vst v63  }
0x22: {  	_ =	swait.ge [sflag:s15], $0x5000  }
0x23: {  	[sflag:s15] =	ssyncset.done $0x0  }
0x24: {  	s18 =	simm.s32 $0x2D00;
	s19 =	simm.s32 $0x2;
	[sflag:s15] =	ssyncadd.s32 $0xFFFFB000  }
0x25: {  	[spmem:s2] =	stream.indirect.scatter.add.f32 [tilespmem:s12], [sflag:$0x2], $0x10, s18, s10, $0xb8;
	[tilespmem:$0x1B780] =	vst v63  }
0x26: {  	_ =	swait.ge [sflag:s19], $0x5000  }
0x27: {  	[sflag:s19] =	ssyncset.done $0x0  }
0x28: {  	s20 =	simm.s32 $0x1400;
	[sflag:s19] =	ssyncadd.s32 $0xFFFFB000  }
0x29: {  	[tilespmem:s11], [sflag:$0x1] =	stream.indirect.gather [hbm4b:s9+s10], $0x10, s20, s10, $0xb8;
	[tilespmem:$0x1B780] =	vst v63  }
0x2a: {  	_ =	swait.ge [sflag:s15], $0x5000  }
0x2b: {  	[sflag:s15] =	ssyncset.done $0x0  }
0x2c: {  	s21 =	simm.s32 $0x3200;
	[sflag:s15] =	ssyncadd.s32 $0xFFFFB000  }
0x2d: {  	[spmem:s2] =	stream.indirect.scatter.add.f32 [tilespmem:s14], [sflag:$0x2], $0x10, s21, s10, $0xb8;
	[tilespmem:$0x1B780] =	vst v63  }
0x2e: {  	_ =	swait.ge [sflag:s19], $0x5000  }
0x2f: {  	[sflag:s19] =	ssyncset.done $0x0  }
0x30: {  	s22 =	simm.s32 $0x1900;
	[sflag:s19] =	ssyncadd.s32 $0xFFFFB000  }
0x31: {  	[tilespmem:s12], [sflag:$0x1] =	stream.indirect.gather [hbm4b:s9+s10], $0x10, s22, s10, $0xb8;
	[tilespmem:$0x1B780] =	vst v63  }
0x32: {  	_ =	swait.ge [sflag:s15], $0x5000  }
0x33: {  	[sflag:s15] =	ssyncset.done $0x0  }
0x34: {  	s23 =	simm.s32 $0x3700;
	[sflag:s15] =	ssyncadd.s32 $0xFFFFB000  }
0x35: {  	[spmem:s2] =	stream.indirect.scatter.add.f32 [tilespmem:s17], [sflag:$0x2], $0x10, s23, s10, $0xb8;
	[tilespmem:$0x1B780] =	vst v63  }
0x36: {  	_ =	swait.ge [sflag:s19], $0x5000  }
0x37: {  	[sflag:s19] =	ssyncset.done $0x0  }
0x38: {  	s24 =	simm.s32 $0x1E00;
	[sflag:s19] =	ssyncadd.s32 $0xFFFFB000  }
0x39: {  	[tilespmem:s14], [sflag:$0x1] =	stream.indirect.gather [hbm4b:s9+s10], $0x10, s24, s10, $0xb8;
	[tilespmem:$0x1B780] =	vst v63  }
0x3a: {  	_ =	swait.ge [sflag:s15], $0x5000  }
0x3b: {  	[sflag:s15] =	ssyncset.done $0x0  }
0x3c: {  	s25 =	simm.s32 $0x3C00;
	[sflag:s15] =	ssyncadd.s32 $0xFFFFB000  }
0x3d: {  	[spmem:s2] =	stream.indirect.scatter.add.f32 [tilespmem:s11], [sflag:$0x2], $0x10, s25, s10, $0xb8;
	[tilespmem:$0x1B780] =	vst v63  }
0x3e: {  	_ =	swait.ge [sflag:s19], $0x5000  }
0x3f: {  	[sflag:s19] =	ssyncset.done $0x0  }
0x40: {  	s26 =	simm.s32 $0x2300;
	[sflag:s19] =	ssyncadd.s32 $0xFFFFB000  }
0x41: {  	[tilespmem:s17], [sflag:$0x1] =	stream.indirect.gather [hbm4b:s9+s10], $0x10, s26, s10, $0xb8;
	[tilespmem:$0x1B780] =	vst v63  }
0x42: {  	_ =	swait.ge [sflag:s15], $0x5000  }
0x43: {  	[sflag:s15] =	ssyncset.done $0x0  }
0x44: {  	s28 =	simm.s32 $0x4100;
	[sflag:s15] =	ssyncadd.s32 $0xFFFFB000  }
0x45: {  	[spmem:s2] =	stream.indirect.scatter.add.f32 [tilespmem:s12], [sflag:$0x2], $0x10, s28, s10, $0xb8;
	[tilespmem:$0x1B780] =	vst v63  }
0x46: {  	_ =	swait.ge [sflag:s15], $0x5000  }
0x47: {  	[sflag:s15] =	ssyncset.done $0x0  }
0x48: {  	s29 =	simm.s32 $0x4600;
	[sflag:s15] =	ssyncadd.s32 $0xFFFFB000  }
0x49: {  	[spmem:s2] =	stream.indirect.scatter.add.f32 [tilespmem:s14], [sflag:$0x2], $0x10, s29, s10, $0xb8;
	[tilespmem:$0x1B780] =	vst v63  }
0x4a: {  	_ =	swait.ge [sflag:s15], $0x5000  }
0x4b: {  	[sflag:s15] =	ssyncset.done $0x0  }
0x4c: {  	s30 =	simm.s32 $0x4B00;
	[sflag:s15] =	ssyncadd.s32 $0xFFFFB000  }
0x4d: {  	[spmem:s2] =	stream.indirect.scatter.add.f32 [tilespmem:s17], [sflag:$0x2], $0x10, s30, s10, $0xb8;
	[tilespmem:$0x1B780] =	vst v63  }
0x4e: {  	_ =	swait.ge [sflag:s19], $0x5000  }
0x4f: {  	[sflag:s19] =	ssyncset.done $0x0  }
0x50: {  	[sflag:s19] =	ssyncadd.s32 $0xFFFFB000  }
0x51: {  	_ =	swait.ge [sflag:s19], $0x5000  }
0x52: {  	[sflag:s19] =	ssyncset.done $0x0  }
0x53: {  	s0 =	smul.u32 $0x27800, s1;
	[sflag:s19] =	ssyncadd.s32 $0xFFFFB000  }
0x54: {  	_ =	swait.ge [sflag:s19], $0x5000  }
0x55: {  	s0 =	sadd.s32 s31, s0;
	[sflag:s19] =	ssyncset.done $0x0  }
0x56: {  	s1 =	ssub.s32 $0x2, s1;
	s0 =	sshrl.u32 s0, $0x3;
	[sflag:s19] =	ssyncadd.s32 $0xFFFFB000  }
0x57: {  	_ =	swait.ge [sflag:s19], $0x5000;
	[dreg:$0x5] =	wrdreg s0;
	s0 =	sshrl.u32 s1, $0x1  }
0x58: {  	[dreg:$0x6] =	wrdreg s0  }
0x59: {  	[sflag:s19] =	ssyncset.done $0x0;
	s31 =	rddreg [dreg:$0x5]  }
0x5a: {  	s0 =	rddreg [dreg:$0x0]  }
0x5b: {  	s0 =	sadd.s32 s31, s0;
	s31 =	rddreg [dreg:$0x6]  }
0x5c: {  	s1 =	ssub.s32 s1, s31  }
0x5d: {  	s1 =	smax.u32 s1, $0x1  }
0x5e: {  	p0 =	sne.s32 s1, $0x1  }
.Ltmp0:
0x5f: {  	_ = 	snop;
	(pc) =	sbr.rel @!p0 .LBB2_2-.Ltmp0, $4  }
0x60: {  	[sflag:s19] =	ssyncadd.s32 $0xFFFFB000  }
0x61: {  	[bflag:$0x0] =	sbarrier.arrive $0xFFFF;
	s31 =	sadd.s32 $0x22E00, s0  }
0x62: {  	[hbm:s31], [sflag:s4] =	dma.local [spmem:s6], $0x4F0  }
0x63: {  	s1 =	sadd.s32 $0xFFFFFFFF, s1;
	_ =	swait.ge [sflag:s5], $0x4F0  }
.LBB2_1:
0x64: {  	[sflag:s5] =	ssyncset.done $0x0  }
0x65: {  	s0 =	rddreg [dreg:$0x3];
	[sflag:s5] =	ssyncadd.s32 $0xFFFFFB10  }
0x66: {  	[spmem:s6], [sflag:s4] =	dma.local [hbm:s0], $0x4F0  }
0x67: {  	_ =	swait.ge [sflag:s5], $0x4F0  }
0x68: {  	[sflag:s5] =	ssyncset.done $0x0  }
0x69: {  	s0 =	rddreg [dreg:$0x4];
	[sflag:s5] =	ssyncadd.s32 $0xFFFFFB10  }
0x6a: {  	[tilespmem:s3], [sflag:$0x3] =	stream.linear.gather [hbm4b:s0+s3], $0x2800, $0x38;
	[tilespmem:$0x1B780] =	vst v63  }
0x6b: {  	_ =	swait.ge [sflag:s5], $0x2800  }
0x6c: {  	[sflag:s5] =	ssyncset.done $0x0  }
0x6d: {  	[sflag:s5] =	ssyncadd.s32 $0xFFFFD800  }
0x6e: {  	[tilespmem:s8], [sflag:$0x3] =	stream.linear.gather [hbm4b:s7+s3], $0x2800, $0x38;
	[tilespmem:$0x1B780] =	vst v63  }
0x6f: {  	_ =	swait.ge [sflag:s5], $0x2800  }
0x70: {  	[sflag:s5] =	ssyncset.done $0x0  }
0x71: {  	[sflag:s5] =	ssyncadd.s32 $0xFFFFD800  }
0x72: {  	[bflag:$0x0] =	sbarrier.arrive $0xFFFF  }
0x73: {  	[tilespmem:s11], [sflag:$0x1] =	stream.indirect.gather [hbm4b:s9+s10], $0x10, s3, s10, $0xb8;
	[tilespmem:$0x1B780] =	vst v63  }
0x74: {  	_ = 	snop  }
0x75: {  	[tilespmem:s12], [sflag:$0x1] =	stream.indirect.gather [hbm4b:s9+s10], $0x10, s10, s10, $0xb8;
	[tilespmem:$0x1B780] =	vst v63  }
0x76: {  	_ = 	snop  }
0x77: {  	[tilespmem:s14], [sflag:$0x1] =	stream.indirect.gather [hbm4b:s9+s10], $0x10, s13, s10, $0xb8;
	[tilespmem:$0x1B780] =	vst v63  }
0x78: {  	_ =	swait.ge [sflag:s15], $0x5000  }
0x79: {  	[sflag:s15] =	ssyncset.done $0x0  }
0x7a: {  	[sflag:s15] =	ssyncadd.s32 $0xFFFFB000  }
0x7b: {  	[spmem:s2] =	stream.indirect.scatter.add.f32 [tilespmem:s11], [sflag:$0x2], $0x10, s8, s10, $0xb8;
	[tilespmem:$0x1B780] =	vst v63  }
0x7c: {  	_ = 	snop  }
0x7d: {  	[tilespmem:s17], [sflag:$0x1] =	stream.indirect.gather [hbm4b:s9+s10], $0x10, s16, s10, $0xb8;
	[tilespmem:$0x1B780] =	vst v63  }
0x7e: {  	_ =	swait.ge [sflag:s15], $0x5000  }
0x7f: {  	[sflag:s15] =	ssyncset.done $0x0  }
0x80: {  	[sflag:s15] =	ssyncadd.s32 $0xFFFFB000  }
0x81: {  	[spmem:s2] =	stream.indirect.scatter.add.f32 [tilespmem:s12], [sflag:$0x2], $0x10, s18, s10, $0xb8;
	[tilespmem:$0x1B780] =	vst v63  }
0x82: {  	_ =	swait.ge [sflag:s19], $0x5000  }
0x83: {  	[sflag:s19] =	ssyncset.done $0x0  }
0x84: {  	[sflag:s19] =	ssyncadd.s32 $0xFFFFB000  }
0x85: {  	[tilespmem:s11], [sflag:$0x1] =	stream.indirect.gather [hbm4b:s9+s10], $0x10, s20, s10, $0xb8;
	[tilespmem:$0x1B780] =	vst v63  }
0x86: {  	_ =	swait.ge [sflag:s15], $0x5000  }
0x87: {  	[sflag:s15] =	ssyncset.done $0x0  }
0x88: {  	[sflag:s15] =	ssyncadd.s32 $0xFFFFB000  }
0x89: {  	[spmem:s2] =	stream.indirect.scatter.add.f32 [tilespmem:s14], [sflag:$0x2], $0x10, s21, s10, $0xb8;
	[tilespmem:$0x1B780] =	vst v63  }
0x8a: {  	_ =	swait.ge [sflag:s19], $0x5000  }
0x8b: {  	[sflag:s19] =	ssyncset.done $0x0  }
0x8c: {  	[sflag:s19] =	ssyncadd.s32 $0xFFFFB000  }
0x8d: {  	[tilespmem:s12], [sflag:$0x1] =	stream.indirect.gather [hbm4b:s9+s10], $0x10, s22, s10, $0xb8;
	[tilespmem:$0x1B780] =	vst v63  }
0x8e: {  	_ =	swait.ge [sflag:s15], $0x5000  }
0x8f: {  	[sflag:s15] =	ssyncset.done $0x0  }
0x90: {  	[sflag:s15] =	ssyncadd.s32 $0xFFFFB000  }
0x91: {  	[spmem:s2] =	stream.indirect.scatter.add.f32 [tilespmem:s17], [sflag:$0x2], $0x10, s23, s10, $0xb8;
	[tilespmem:$0x1B780] =	vst v63  }
0x92: {  	_ =	swait.ge [sflag:s19], $0x5000  }
0x93: {  	[sflag:s19] =	ssyncset.done $0x0  }
0x94: {  	[sflag:s19] =	ssyncadd.s32 $0xFFFFB000  }
0x95: {  	[tilespmem:s14], [sflag:$0x1] =	stream.indirect.gather [hbm4b:s9+s10], $0x10, s24, s10, $0xb8;
	[tilespmem:$0x1B780] =	vst v63  }
0x96: {  	_ =	swait.ge [sflag:s15], $0x5000  }
0x97: {  	[sflag:s15] =	ssyncset.done $0x0  }
0x98: {  	[sflag:s15] =	ssyncadd.s32 $0xFFFFB000  }
0x99: {  	[spmem:s2] =	stream.indirect.scatter.add.f32 [tilespmem:s11], [sflag:$0x2], $0x10, s25, s10, $0xb8;
	[tilespmem:$0x1B780] =	vst v63  }
0x9a: {  	_ =	swait.ge [sflag:s19], $0x5000  }
0x9b: {  	[sflag:s19] =	ssyncset.done $0x0  }
0x9c: {  	[sflag:s19] =	ssyncadd.s32 $0xFFFFB000  }
0x9d: {  	[tilespmem:s17], [sflag:$0x1] =	stream.indirect.gather [hbm4b:s9+s10], $0x10, s26, s10, $0xb8;
	[tilespmem:$0x1B780] =	vst v63  }
0x9e: {  	_ =	swait.ge [sflag:s15], $0x5000  }
0x9f: {  	[sflag:s15] =	ssyncset.done $0x0  }
0xa0: {  	[sflag:s15] =	ssyncadd.s32 $0xFFFFB000  }
0xa1: {  	[spmem:s2] =	stream.indirect.scatter.add.f32 [tilespmem:s12], [sflag:$0x2], $0x10, s28, s10, $0xb8;
	[tilespmem:$0x1B780] =	vst v63  }
0xa2: {  	_ =	swait.ge [sflag:s15], $0x5000  }
0xa3: {  	[sflag:s15] =	ssyncset.done $0x0  }
0xa4: {  	[sflag:s15] =	ssyncadd.s32 $0xFFFFB000  }
0xa5: {  	[spmem:s2] =	stream.indirect.scatter.add.f32 [tilespmem:s14], [sflag:$0x2], $0x10, s29, s10, $0xb8;
	[tilespmem:$0x1B780] =	vst v63  }
0xa6: {  	_ =	swait.ge [sflag:s15], $0x5000  }
0xa7: {  	[sflag:s15] =	ssyncset.done $0x0  }
0xa8: {  	[sflag:s15] =	ssyncadd.s32 $0xFFFFB000  }
0xa9: {  	[spmem:s2] =	stream.indirect.scatter.add.f32 [tilespmem:s17], [sflag:$0x2], $0x10, s30, s10, $0xb8;
	[tilespmem:$0x1B780] =	vst v63  }
0xaa: {  	_ =	swait.ge [sflag:s19], $0x5000  }
0xab: {  	[sflag:s19] =	ssyncset.done $0x0  }
0xac: {  	[sflag:s19] =	ssyncadd.s32 $0xFFFFB000  }
0xad: {  	_ =	swait.ge [sflag:s19], $0x5000  }
0xae: {  	[sflag:s19] =	ssyncset.done $0x0  }
0xaf: {  	[sflag:s19] =	ssyncadd.s32 $0xFFFFB000  }
0xb0: {  	_ =	swait.ge [sflag:s19], $0x5000  }
0xb1: {  	[sflag:s19] =	ssyncset.done $0x0  }
0xb2: {  	[sflag:s19] =	ssyncadd.s32 $0xFFFFB000  }
0xb3: {  	p0 =	sne.s32 s1, $0x1;
	_ =	swait.ge [sflag:s19], $0x5000  }
.Ltmp1:
0xb4: {  	[sflag:s19] =	ssyncset.done $0x0;
	(pc) =	sbr.rel @p0 .LBB2_1-.Ltmp1, $4  }
0xb5: {  	[sflag:s19] =	ssyncadd.s32 $0xFFFFB000  }
0xb6: {  	[bflag:$0x0] =	sbarrier.arrive $0xFFFF  }
0xb7: {  	[hbm:s31], [sflag:s4] =	dma.local [spmem:s6], $0x4F0  }
0xb8: {  	s1 =	sadd.s32 $0xFFFFFFFF, s1;
	_ =	swait.ge [sflag:s5], $0x4F0  }
.LBB2_2:
0xb9: {  	[sflag:s5] =	ssyncset.done $0x0  }
0xba: {  	[sflag:s5] =	ssyncadd.s32 $0xFFFFFB10  }
0xbb: {  	_ =	sfence.sel $0x180000  }
0xbc: {  	[bflag:$0x0] =	sbarrier.arrive $0xFFFF  }
0xbd: {  	_ =	strace $0x9000004D  }
0xbe: {  	s0 =	stileid.u32;
	[bflag:$0x2] =	sbarrier.arrive $0xFFFF  }
0xbf: {  	p0 =	sne.s32 s0, $0x0;
	s0 =	rddreg [dreg:$0x2]  }
0xc0: {  	s0 =	sadd.s32 @!p0 $0x100000, s0  }
0xc1: {  	[sflag:s0] =	ssyncadd.tile.s32 @!p0 $0x1;
	_ =	shalt  }
.Lfunc_end2:
_tile_overlayer_lowered:
.L_overlay_start_2:
0xc2: {  	(tag) =	ssettag $0x2  }
0xc3: {  	s0 =	rddreg [dreg:$0x0];
	s2 =	stileid.u32  }
0xc4: {  	s1 =	rddreg [dreg:$0x1];
	p0 =	sne.s32 s2, $0x0  }
0xc5: {  	s3 =	rddreg [dreg:$0x2];
	[bflag:$0x3] =	sbarrier.arrive $0xFFFF;
	s2 =	simm.s32 @!p0 $0x1C03  }
0xc6: {  	[timem:s3], [sflag:s2] =	dma.local @!p0 [hbm:s0], s1  }
0xc7: {  	s0 =	simm.s32 @!p0 $0x3  }
0xc8: {  	_ =	swait.ge @!p0 [sflag:s0], s1  }
0xc9: {  	s1 =	ssub.s32 @!p0 $0x0, s1;
	[sflag:s0] =	ssyncset.done @!p0 $0x0  }
0xca: {  	[sflag:s0] =	ssyncadd.s32 @!p0 s1  }
0xcb: {  	[bflag:$0x3] =	sbarrier.arrive $0xFFFF  }
0xcc: {  	_ =	shalt  }

// kernel: kernel.20.cloned.1.call-start
scs
__scs_entry_jumppad:
0x0: {  	(pc) =	sbr.rel $0x88, $3  }
0x1: {  	(tag) =	ssettag $0x0;
	lr =	simm.s32 $0x1  }
0x2: {  	[smem:$0x3F7F] =	sst lr;
	_ =	strace $0xD0000000  }
0x3: {  	_ = 	snop  }
0x4: {  	_ = 	snop  }
0x5: {  	_ = 	snop  }
0x6: {  	_ = 	snop  }
0x7: {  	_ = 	snop  }
__scs_overlays_trampoline_lowered:
0x8: {  	[smem:$0x3F8E] =	sst s0  }
0x9: {  	[smem:$0x3F8F] =	sst s1  }
0xa: {  	[smem:$0x3F90] =	sst s2  }
0xb: {  	[smem:$0x3F91] =	sst s3  }
0xc: {  	[smem:$0x3F92] =	sst s4  }
0xd: {  	[smem:$0x3F93] =	sst s5  }
0xe: {  	[smem:$0x3F94] =	sst s6  }
0xf: {  	[smem:$0x3F95] =	sst s7  }
0x10: {  	[smem:$0x3F96] =	sst s8  }
0x11: {  	[smem:$0x3F97] =	sst s9;
	s0 =	simm.s32 @!p0 $0x0  }
0x12: {  	s1 =	sld [smem:$0x3F7D];
	s0 =	simm.s32 @p0 $0x1  }
0x13: {  	[smem:$0x3F98] =	sst s0;
	s0 =	simm.s32 @!p1 $0x0  }
0x14: {  	s2 =	sld [smem:$0x3F7C];
	s0 =	simm.s32 @p1 $0x1  }
0x15: {  	[smem:$0x3F99] =	sst s0;
	s0 =	simm.s32 @!p2 $0x0  }
0x16: {  	s3 =	sld [smem:$0x3FDB];
	s0 =	simm.s32 @p2 $0x1  }
0x17: {  	s4 =	simm.s32 $0x1BF5;
	[smem:$0x3F9B] =	sst s0  }
0x18: {  	s0 =	sld [smem:$0x3F7E];
	_ =	swait.ge [sflag:s4], $0x0  }
0x19: {  	s7 =	sld [smem:$0x3F7F]  }
0x1a: {  	s8 =	sadd.s32 $0xFFFFE003, lr  }
0x1b: {  	s9 =	sadd.s32 $0xFFFFFEF7, lr;
	s5 =	simm.s32 $0xFFFFFFFF;
	p2 =	slt.u32 s8, $0xFFFFF086  }
0x1c: {  	p1 =	slt.u32 s9, $0xF7A;
	s5 =	simm.s32 @!p2 $0x0  }
0x1d: {  	s5 =	simm.s32 @p1 $0x1;
	p0 =	seq.s32 s7, s2  }
0x1e: {  	s7 =	smul.u32 @!p0 $0xF7A, s2;
	p2 =	seq.s32 @!p0 s5, $0x0  }
0x1f: {  	s9 =	smul.u32 $0xF7A, s1;
	s8 =	simm.s32 @!p0 $0x1BF5;
	p2 =	por !p2, p0  }
0x20: {  	[sflag:s8] =	ssyncset.s32 @!p0 $0xFFFFF086;
	s6 =	sadd.s32 @!p0 s3, s7;
	s7 =	simm.s32 @!p0 $0x108  }
0x21: {  	s3 =	sadd.s32 s3, s9;
	s6 =	sadd.s32 @!p0 $0x88, s6;
	s7 =	simm.s32 @p2 $0x1082  }
0x22: {  	[simem:s7], [sflag:s8] =	dma.local @!p0 [hbm:s6], $0xF7A  }
0x23: {  	s9 =	sor.u32 $0xD0000000, s2;
	s6 =	simm.s32 $0x108;
	_ =	swait.ge @!p0 [sflag:s8], $0x0  }
0x24: {  	s3 =	sadd.s32 $0x88, s3;
	s6 =	simm.s32 @!p1 $0x1082;
	[sflag:s4] =	ssyncset.s32 $0xFFFFF086  }
0x25: {  	[simem:s6], [sflag:s4] =	dma.local [hbm:s3], $0xF7A  }
0x26: {  	[smem:$0x3F7F] =	sst s1;
	(tag) =	ssettag s2;
	_ =	strace s9  }
0x27: {  	s1 =	sld [smem:$0x3F8F]  }
0x28: {  	s2 =	sld [smem:$0x3F90]  }
0x29: {  	s4 =	sld [smem:$0x3F92]  }
0x2a: {  	p0 =	seq.s32 s5, $0x0;
	s5 =	sld [smem:$0x3F93]  }
0x2b: {  	s6 =	sld [smem:$0x3F94]  }
0x2c: {  	s7 =	sld [smem:$0x3F95]  }
0x2d: {  	s3 =	simm.s32 $0x108;
	s8 =	sld [smem:$0x3F96]  }
0x2e: {  	s3 =	simm.s32 @!p0 $0x1082;
	s9 =	sld [smem:$0x3F97]  }
0x2f: {  	lr =	sadd.s32 s0, s3;
	s0 =	sld [smem:$0x3F8E]  }
0x30: {  	s3 =	sld [smem:$0x3F91]  }
0x31: {  	[smem:$0x3F9A] =	sst s10  }
0x32: {  	s10 =	sld [smem:$0x3F98];
	_ =	sdelay $0x3  }
0x33: {  	p0 =	seq.s32 s10, $0x1;
	s10 =	sld [smem:$0x3F9A];
	_ =	sdelay $0x3  }
0x34: {  	[smem:$0x3F9A] =	sst s10  }
0x35: {  	s10 =	sld [smem:$0x3F99];
	_ =	sdelay $0x3  }
0x36: {  	p1 =	seq.s32 s10, $0x1;
	s10 =	sld [smem:$0x3F9A];
	_ =	sdelay $0x3  }
0x37: {  	[smem:$0x3F9A] =	sst s10  }
0x38: {  	s10 =	sld [smem:$0x3F9B]  }
0x39: {  	_ = 	snop;
	(pc) =	sbr.ind lr, $3  }
0x3a: {  	_ = 	snop  }
0x3b: {  	_ = 	snop  }
0x3c: {  	p2 =	seq.s32 s10, $0x1;
	s10 =	sld [smem:$0x3F9A]  }
0x3d: {  	_ =	shalt  }
0x3e: {  	_ =	shalt  }
0x3f: {  	_ =	shalt  }
0x40: {  	_ =	shalt  }
0x41: {  	_ =	shalt  }
0x42: {  	_ =	shalt  }
0x43: {  	_ =	shalt  }
0x44: {  	_ =	shalt  }
0x45: {  	_ =	shalt  }
0x46: {  	_ =	shalt  }
0x47: {  	_ =	shalt  }
0x48: {  	_ =	shalt  }
0x49: {  	_ =	shalt  }
0x4a: {  	_ =	shalt  }
0x4b: {  	_ =	shalt  }
0x4c: {  	_ =	shalt  }
0x4d: {  	_ =	shalt  }
0x4e: {  	_ =	shalt  }
0x4f: {  	_ =	shalt  }
0x50: {  	_ =	shalt  }
0x51: {  	_ =	shalt  }
0x52: {  	_ =	shalt  }
0x53: {  	_ =	shalt  }
0x54: {  	_ =	shalt  }
0x55: {  	_ =	shalt  }
0x56: {  	_ =	shalt  }
0x57: {  	_ =	shalt  }
0x58: {  	_ =	shalt  }
0x59: {  	_ =	shalt  }
0x5a: {  	_ =	shalt  }
0x5b: {  	_ =	shalt  }
0x5c: {  	_ =	shalt  }
0x5d: {  	_ =	shalt  }
0x5e: {  	_ =	shalt  }
0x5f: {  	_ =	shalt  }
0x60: {  	_ =	shalt  }
0x61: {  	_ =	shalt  }
0x62: {  	_ =	shalt  }
0x63: {  	_ =	shalt  }
0x64: {  	_ =	shalt  }
0x65: {  	_ =	shalt  }
0x66: {  	_ =	shalt  }
0x67: {  	_ =	shalt  }
0x68: {  	_ =	shalt  }
0x69: {  	_ =	shalt  }
0x6a: {  	_ =	shalt  }
0x6b: {  	_ =	shalt  }
0x6c: {  	_ =	shalt  }
0x6d: {  	_ =	shalt  }
0x6e: {  	_ =	shalt  }
0x6f: {  	_ =	shalt  }
0x70: {  	_ =	shalt  }
0x71: {  	_ =	shalt  }
0x72: {  	_ =	shalt  }
0x73: {  	_ =	shalt  }
0x74: {  	_ =	shalt  }
0x75: {  	_ =	shalt  }
0x76: {  	_ =	shalt  }
0x77: {  	_ =	shalt  }
0x78: {  	_ =	shalt  }
0x79: {  	_ =	shalt  }
0x7a: {  	_ =	shalt  }
0x7b: {  	_ =	shalt  }
0x7c: {  	_ =	shalt  }
0x7d: {  	_ =	shalt  }
0x7e: {  	_ =	shalt  }
0x7f: {  	_ =	shalt  }
0x80: {  	_ =	shalt  }
0x81: {  	_ =	shalt  }
0x82: {  	_ =	shalt  }
0x83: {  	_ =	shalt  }
0x84: {  	_ =	shalt  }
0x85: {  	_ =	shalt  }
0x86: {  	_ =	shalt  }
0x87: {  	_ =	shalt  }
.Lfunc_end0:
.L_simem_size_0:
called_computation.3_lowered:
.L_overlay_start_0:
0x88: {  	s2 =	sld [smem:$0x3FD9]  }
0x89: {  	s3 =	sld [smem:$0x3FFE];
	_ =	sdelay $0x1  }
0x8a: {  	s1 =	srdreg.scid  }
0x8b: {  	s0 =	sand.u32 $0x1, s1  }
0x8c: {  	s16 =	sshll.u32 s0, $0xA;
	s2 =	sadd.s32 s3, s2  }
0x8d: {  	s2 =	sadd.s32 s2, s16  }
0x8e: {  	[smem:$0x3FA6] =	sst s2  }
0x8f: {  	_ = 	snop  }
0x90: {  	(tm) =	ssettm $0x1  }
0x91: {  	s17 =	sld [smem:$0x3FFB];
	_ =	sdelay $0x3  }
0x92: {  	_ =	strace s17  }
0x93: {  	s2 =	sld [smem:$0x3FFC];
	_ =	sdelay $0x3  }
0x94: {  	_ =	strace s2  }
0x95: {  	s2 =	sld [smem:$0x3FFD];
	_ =	sdelay $0x3  }
0x96: {  	_ =	strace s2  }
0x97: {  	_ =	strace $0x8FFFFFFF  }
0x98: {  	s18 =	sld [smem:$0x3FDB];
	_ =	sdelay $0x1  }
0x99: {  	s19 =	simm.s32 $_scs_section_size  }
0x9a: {  	s4 =	simm.s32 $_size__tile_overlayer_lowered;
	s5 =	simm.s32 $_tile_overlayer_lowered  }
0x9b: {  	s22 =	simm.s32 $0x1BFF;
	s21 =	sshll.u32 s5, $0x1;
	s2 =	sadd.s32 s19, s18  }
0x9c: {  	s6 =	simm.s32 $0x0;
	s20 =	sshll.u32 s4, $0x1;
	s4 =	sadd.s32 s21, s2  }
0x9d: {  	[timem:s6], [sflag:s22] =	dma.local [hbm:s4], s20  }
0x9e: {  	_ =	swait.ge [sflag:s22], s20  }
0x9f: {  	s3 =	ssub.s32 $0x0, s20;
	[sflag:s22] =	ssyncset.done $0x0  }
0xa0: {  	[sflag:s22] =	ssyncadd.s32 s3;
	_ =	sdelay $0x1  }
0xa1: {  	s23 =	simm.s32 $0x1B8B  }
0xa2: {  	_ =	swait.ge [sflag:s23], $0x1  }
0xa3: {  	[sflag:s23] =	ssyncset.done $0x0  }
0xa4: {  	s25 =	simm.s32 $0x1B8E;
	s24 =	sld [smem:$0x3FFE];
	[sflag:s23] =	ssyncadd.s32 $0xFFFFFFFF  }
0xa5: {  	s26 =	simm.s32 $execute0_lowered;
	[smem:$0x3FD2] =	sst s25  }
0xa6: {  	s4 =	sshll.u32 s26, $0x1;
	_ =	strace $0x8000004F;
	[dreg:$0x1] =	wrdreg $0xFFFFFFFF  }
0xa7: {  	s28 =	simm.s32 $_size_execute0_lowered;
	s2 =	sadd.s32 s2, s4;
	[dreg:$0x0] =	wrdreg $0x0  }
0xa8: {  	s4 =	sshll.u32 s28, $0x1;
	[dreg:$0x2] =	wrdreg s2  }
0xa9: {  	[dreg:$0x3] =	wrdreg s4  }
0xaa: {  	[dreg:$0x4] =	wrdreg $0xC0  }
0xab: {  	_ =	task [dreg:s6], $0x5FFFF  }
0xac: {  	[dreg:$0x1] =	wrdreg $0xFFFFFFFF  }
0xad: {  	[dreg:$0x0] =	wrdreg $0x60  }
0xae: {  	[dreg:$0x2] =	wrdreg s24  }
0xaf: {  	[dreg:$0x3] =	wrdreg $0x190000  }
0xb0: {  	[dreg:$0x4] =	wrdreg $0x9  }
0xb1: {  	_ =	task.clear_ibuf [dreg:s6], $0x5FFFF;
	_ =	strace $0x9000004F  }
0xb2: {  	s29 =	simm.s32 $0x9;
	_ =	strace $0x80000051  }
0xb3: {  	_ =	swait.ge [sflag:s29], $0x1  }
0xb4: {  	[sflag:s29] =	ssyncadd.s32 $0xFFFFFFFF  }
0xb5: {  	_ =	strace $0x90000051  }
0xb6: {  	_ =	sfence  }
0xb7: {  	s30 =	sld [smem:$0x0];
	_ =	sdelay $0x2  }
0xb8: {  	s31 =	sshll.u32 s1, $0xD;
	s1 =	sshrl.u32 s1, $0x2  }
0xb9: {  	s3 =	sand.u32 $0x4000, s31;
	s1 =	sadd.s32 s1, s30  }
0xba: {  	s0 =	sor.u32 s3, s0;
	s1 =	sshll.u32 s1, $0x11  }
0xbb: {  	s0 =	sor.u32 s1, s0  }
0xbc: {  	s0 =	sadd.s32 $0x8F2B, s0  }
0xbd: {  	[sflag:s0] =	ssyncadd.remote.s32 $0x1  }
0xbe: {  	_ =	sfence.sel $0xFFFF  }
0xbf: {  	[dreg:$0x0] =	wrdreg $0xFFFFFFFF;
	(pc) =	sbr.abs _section_cstart, $3  }
0xc0: {  	[dreg:$0x1] =	wrdreg $0xFFFFFFFF  }
0xc1: {  	_ =	task.clear_ibuf [dreg:s6], $0x2FFFF;
	_ =	strace $0x9FFFFFFF  }
0xc2: {  	(tm) =	ssettm $0x7FFFFFFF  }
0xc3: {  	_ =	shalt  }
tec
execute0_lowered:
.L_overlay_start_1:
0x0: {  	(tag) =	ssettag $0x1  }
0x1: {  	s6 =	stileid.u32;
	s0 =	srdreg.scid  }
0x2: {  	s8 =	rddreg [dreg:$0x0];
	s31 =	smul.u32 $0x2780, s6;
	s1 =	sand.u32 $0x1, s0  }
0x3: {  	s2 =	rddreg [dreg:$0x1];
	s4 =	sshll.u32 s1, $0x4  }
0x4: {  	s3 =	simm.s32 $0x0;
	s5 =	sshrl.u32 s31, $0x3;
	s4 =	sor.u32 s6, s4  }
0x5: {  	[smem:$0x7FF] =	sst s3;
	s5 =	sadd.s32 s5, s8;
	s4 =	smul.u32 $0x500, s4  }
0x6: {  	s22 =	sshll.u32 s6, $0x6;
	_ =	strace $0x80000050;
	s5 =	sadd.s32 $0x1DE00, s5  }
0x7: {  	s24 =	sadd.s32 s31, s2;
	[dreg:$0x3] =	wrdreg s5;
	s7 =	sadd.s32 s4, s8  }
0x8: {  	s6 =	sshrl.u32 s24, $0x3;
	s23 =	rddreg [dreg:$0x3];
	s25 =	sadd.s32 $0x13E00, s7  }
0x9: {  	s4 =	sor.u32 $0x1C03, s22;
	s5 =	simm.s32 $0x3;
	[dreg:$0x4] =	wrdreg s25  }
0xa: {  	[spmem:s6], [sflag:s4] =	dma.local [hbm:s23], $0x4F0  }
0xb: {  	_ =	swait.ge [sflag:s5], $0x4F0  }
0xc: {  	[sflag:s5] =	ssyncset.done $0x0  }
0xd: {  	s26 =	rddreg [dreg:$0x4];
	[sflag:s5] =	ssyncadd.s32 $0xFFFFFB10  }
0xe: {  	[tilespmem:s3], [sflag:$0x3] =	stream.linear.gather [hbm4b:s26+s3], $0x2800, $0x38;
	[tilespmem:$0x1B780] =	vst v63  }
0xf: {  	_ =	swait.ge [sflag:s5], $0x2800  }
0x10: {  	s21 =	smov.u32 s8;
	[sflag:s5] =	ssyncset.done $0x0  }
0x11: {  	s8 =	simm.s32 $0x2800;
	s7 =	sadd.s32 $0x9E00, s7;
	[sflag:s5] =	ssyncadd.s32 $0xFFFFD800  }
0x12: {  	[tilespmem:s8], [sflag:$0x3] =	stream.linear.gather [hbm4b:s7+s3], $0x2800, $0x38;
	[tilespmem:$0x1B780] =	vst v63  }
0x13: {  	_ =	swait.ge [sflag:s5], $0x2800  }
0x14: {  	[sflag:s5] =	ssyncset.done $0x0  }
0x15: {  	s10 =	simm.s32 $0x500;
	[sflag:s5] =	ssyncadd.s32 $0xFFFFD800  }
0x16: {  	s11 =	simm.s32 $0x5000;
	s9 =	sadd.s32 $0x4E00, s21;
	[bflag:$0x0] =	sbarrier.arrive $0xFFFF  }
0x17: {  	[tilespmem:s11], [sflag:$0x1] =	stream.indirect.gather [hbm4b:s9+s10], $0x10, s3, s10, $0xb8;
	[tilespmem:$0x1B780] =	vst v63  }
0x18: {  	s12 =	simm.s32 $0xA000  }
0x19: {  	[tilespmem:s12], [sflag:$0x1] =	stream.indirect.gather [hbm4b:s9+s10], $0x10, s10, s10, $0xb8;
	[tilespmem:$0x1B780] =	vst v63  }
0x1a: {  	s13 =	simm.s32 $0xA00;
	s14 =	simm.s32 $0xF000;
	s15 =	simm.s32 $0x1  }
0x1b: {  	[tilespmem:s14], [sflag:$0x1] =	stream.indirect.gather [hbm4b:s9+s10], $0x10, s13, s10, $0xb8;
	[tilespmem:$0x1B780] =	vst v63  }
0x1c: {  	_ =	swait.ge [sflag:s15], $0x5000  }
0x1d: {  	[sflag:s15] =	ssyncset.done $0x0  }
0x1e: {  	[sflag:s15] =	ssyncadd.s32 $0xFFFFB000  }
0x1f: {  	[spmem:s2] =	stream.indirect.scatter.add.f32 [tilespmem:s11], [sflag:$0x2], $0x10, s8, s10, $0xb8;
	[tilespmem:$0x1B780] =	vst v63  }
0x20: {  	s16 =	simm.s32 $0xF00;
	s17 =	simm.s32 $0x14000  }
0x21: {  	[tilespmem:s17], [sflag:$0x1] =	stream.indirect.gather [hbm4b:s9+s10], $0x10, s16, s10, $0xb8;
	[tilespmem:$0x1B780] =	vst v63  }
0x22: {  	_ =	swait.ge [sflag:s15], $0x5000  }
0x23: {  	[sflag:s15] =	ssyncset.done $0x0  }
0x24: {  	s18 =	simm.s32 $0x2D00;
	s19 =	simm.s32 $0x2;
	[sflag:s15] =	ssyncadd.s32 $0xFFFFB000  }
0x25: {  	[spmem:s2] =	stream.indirect.scatter.add.f32 [tilespmem:s12], [sflag:$0x2], $0x10, s18, s10, $0xb8;
	[tilespmem:$0x1B780] =	vst v63  }
0x26: {  	_ =	swait.ge [sflag:s19], $0x5000  }
0x27: {  	[sflag:s19] =	ssyncset.done $0x0  }
0x28: {  	s20 =	simm.s32 $0x1400;
	[sflag:s19] =	ssyncadd.s32 $0xFFFFB000  }
0x29: {  	[tilespmem:s11], [sflag:$0x1] =	stream.indirect.gather [hbm4b:s9+s10], $0x10, s20, s10, $0xb8;
	[tilespmem:$0x1B780] =	vst v63  }
0x2a: {  	_ =	swait.ge [sflag:s15], $0x5000  }
0x2b: {  	[sflag:s15] =	ssyncset.done $0x0  }
0x2c: {  	s21 =	simm.s32 $0x3200;
	[sflag:s15] =	ssyncadd.s32 $0xFFFFB000  }
0x2d: {  	[spmem:s2] =	stream.indirect.scatter.add.f32 [tilespmem:s14], [sflag:$0x2], $0x10, s21, s10, $0xb8;
	[tilespmem:$0x1B780] =	vst v63  }
0x2e: {  	_ =	swait.ge [sflag:s19], $0x5000  }
0x2f: {  	[sflag:s19] =	ssyncset.done $0x0  }
0x30: {  	s22 =	simm.s32 $0x1900;
	[sflag:s19] =	ssyncadd.s32 $0xFFFFB000  }
0x31: {  	[tilespmem:s12], [sflag:$0x1] =	stream.indirect.gather [hbm4b:s9+s10], $0x10, s22, s10, $0xb8;
	[tilespmem:$0x1B780] =	vst v63  }
0x32: {  	_ =	swait.ge [sflag:s15], $0x5000  }
0x33: {  	[sflag:s15] =	ssyncset.done $0x0  }
0x34: {  	s23 =	simm.s32 $0x3700;
	[sflag:s15] =	ssyncadd.s32 $0xFFFFB000  }
0x35: {  	[spmem:s2] =	stream.indirect.scatter.add.f32 [tilespmem:s17], [sflag:$0x2], $0x10, s23, s10, $0xb8;
	[tilespmem:$0x1B780] =	vst v63  }
0x36: {  	_ =	swait.ge [sflag:s19], $0x5000  }
0x37: {  	[sflag:s19] =	ssyncset.done $0x0  }
0x38: {  	s24 =	simm.s32 $0x1E00;
	[sflag:s19] =	ssyncadd.s32 $0xFFFFB000  }
0x39: {  	[tilespmem:s14], [sflag:$0x1] =	stream.indirect.gather [hbm4b:s9+s10], $0x10, s24, s10, $0xb8;
	[tilespmem:$0x1B780] =	vst v63  }
0x3a: {  	_ =	swait.ge [sflag:s15], $0x5000  }
0x3b: {  	[sflag:s15] =	ssyncset.done $0x0  }
0x3c: {  	s25 =	simm.s32 $0x3C00;
	[sflag:s15] =	ssyncadd.s32 $0xFFFFB000  }
0x3d: {  	[spmem:s2] =	stream.indirect.scatter.add.f32 [tilespmem:s11], [sflag:$0x2], $0x10, s25, s10, $0xb8;
	[tilespmem:$0x1B780] =	vst v63  }
0x3e: {  	_ =	swait.ge [sflag:s19], $0x5000  }
0x3f: {  	[sflag:s19] =	ssyncset.done $0x0  }
0x40: {  	s26 =	simm.s32 $0x2300;
	[sflag:s19] =	ssyncadd.s32 $0xFFFFB000  }
0x41: {  	[tilespmem:s17], [sflag:$0x1] =	stream.indirect.gather [hbm4b:s9+s10], $0x10, s26, s10, $0xb8;
	[tilespmem:$0x1B780] =	vst v63  }
0x42: {  	_ =	swait.ge [sflag:s15], $0x5000  }
0x43: {  	[sflag:s15] =	ssyncset.done $0x0  }
0x44: {  	s28 =	simm.s32 $0x4100;
	[sflag:s15] =	ssyncadd.s32 $0xFFFFB000  }
0x45: {  	[spmem:s2] =	stream.indirect.scatter.add.f32 [tilespmem:s12], [sflag:$0x2], $0x10, s28, s10, $0xb8;
	[tilespmem:$0x1B780] =	vst v63  }
0x46: {  	_ =	swait.ge [sflag:s15], $0x5000  }
0x47: {  	[sflag:s15] =	ssyncset.done $0x0  }
0x48: {  	s29 =	simm.s32 $0x4600;
	[sflag:s15] =	ssyncadd.s32 $0xFFFFB000  }
0x49: {  	[spmem:s2] =	stream.indirect.scatter.add.f32 [tilespmem:s14], [sflag:$0x2], $0x10, s29, s10, $0xb8;
	[tilespmem:$0x1B780] =	vst v63  }
0x4a: {  	_ =	swait.ge [sflag:s15], $0x5000  }
0x4b: {  	[sflag:s15] =	ssyncset.done $0x0  }
0x4c: {  	s30 =	simm.s32 $0x4B00;
	[sflag:s15] =	ssyncadd.s32 $0xFFFFB000  }
0x4d: {  	[spmem:s2] =	stream.indirect.scatter.add.f32 [tilespmem:s17], [sflag:$0x2], $0x10, s30, s10, $0xb8;
	[tilespmem:$0x1B780] =	vst v63  }
0x4e: {  	_ =	swait.ge [sflag:s19], $0x5000  }
0x4f: {  	[sflag:s19] =	ssyncset.done $0x0  }
0x50: {  	[sflag:s19] =	ssyncadd.s32 $0xFFFFB000  }
0x51: {  	_ =	swait.ge [sflag:s19], $0x5000  }
0x52: {  	[sflag:s19] =	ssyncset.done $0x0  }
0x53: {  	s0 =	smul.u32 $0x27800, s1;
	[sflag:s19] =	ssyncadd.s32 $0xFFFFB000  }
0x54: {  	_ =	swait.ge [sflag:s19], $0x5000  }
0x55: {  	s0 =	sadd.s32 s31, s0;
	[sflag:s19] =	ssyncset.done $0x0  }
0x56: {  	s1 =	ssub.s32 $0x2, s1;
	s0 =	sshrl.u32 s0, $0x3;
	[sflag:s19] =	ssyncadd.s32 $0xFFFFB000  }
0x57: {  	_ =	swait.ge [sflag:s19], $0x5000;
	[dreg:$0x5] =	wrdreg s0;
	s0 =	sshrl.u32 s1, $0x1  }
0x58: {  	[dreg:$0x6] =	wrdreg s0  }
0x59: {  	[sflag:s19] =	ssyncset.done $0x0;
	s31 =	rddreg [dreg:$0x5]  }
0x5a: {  	s0 =	rddreg [dreg:$0x0]  }
0x5b: {  	s0 =	sadd.s32 s31, s0;
	s31 =	rddreg [dreg:$0x6]  }
0x5c: {  	s1 =	ssub.s32 s1, s31  }
0x5d: {  	s1 =	smax.u32 s1, $0x1  }
0x5e: {  	p0 =	sne.s32 s1, $0x1  }
.Ltmp0:
0x5f: {  	_ = 	snop;
	(pc) =	sbr.rel @!p0 .LBB2_2-.Ltmp0, $4  }
0x60: {  	[sflag:s19] =	ssyncadd.s32 $0xFFFFB000  }
0x61: {  	[bflag:$0x0] =	sbarrier.arrive $0xFFFF;
	s31 =	sadd.s32 $0x22E00, s0  }
0x62: {  	[hbm:s31], [sflag:s4] =	dma.local [spmem:s6], $0x4F0  }
0x63: {  	s1 =	sadd.s32 $0xFFFFFFFF, s1;
	_ =	swait.ge [sflag:s5], $0x4F0  }
.LBB2_1:
0x64: {  	[sflag:s5] =	ssyncset.done $0x0  }
0x65: {  	s0 =	rddreg [dreg:$0x3];
	[sflag:s5] =	ssyncadd.s32 $0xFFFFFB10  }
0x66: {  	[spmem:s6], [sflag:s4] =	dma.local [hbm:s0], $0x4F0  }
0x67: {  	_ =	swait.ge [sflag:s5], $0x4F0  }
0x68: {  	[sflag:s5] =	ssyncset.done $0x0  }
0x69: {  	s0 =	rddreg [dreg:$0x4];
	[sflag:s5] =	ssyncadd.s32 $0xFFFFFB10  }
0x6a: {  	[tilespmem:s3], [sflag:$0x3] =	stream.linear.gather [hbm4b:s0+s3], $0x2800, $0x38;
	[tilespmem:$0x1B780] =	vst v63  }
0x6b: {  	_ =	swait.ge [sflag:s5], $0x2800  }
0x6c: {  	[sflag:s5] =	ssyncset.done $0x0  }
0x6d: {  	[sflag:s5] =	ssyncadd.s32 $0xFFFFD800  }
0x6e: {  	[tilespmem:s8], [sflag:$0x3] =	stream.linear.gather [hbm4b:s7+s3], $0x2800, $0x38;
	[tilespmem:$0x1B780] =	vst v63  }
0x6f: {  	_ =	swait.ge [sflag:s5], $0x2800  }
0x70: {  	[sflag:s5] =	ssyncset.done $0x0  }
0x71: {  	[sflag:s5] =	ssyncadd.s32 $0xFFFFD800  }
0x72: {  	[bflag:$0x0] =	sbarrier.arrive $0xFFFF  }
0x73: {  	[tilespmem:s11], [sflag:$0x1] =	stream.indirect.gather [hbm4b:s9+s10], $0x10, s3, s10, $0xb8;
	[tilespmem:$0x1B780] =	vst v63  }
0x74: {  	_ = 	snop  }
0x75: {  	[tilespmem:s12], [sflag:$0x1] =	stream.indirect.gather [hbm4b:s9+s10], $0x10, s10, s10, $0xb8;
	[tilespmem:$0x1B780] =	vst v63  }
0x76: {  	_ = 	snop  }
0x77: {  	[tilespmem:s14], [sflag:$0x1] =	stream.indirect.gather [hbm4b:s9+s10], $0x10, s13, s10, $0xb8;
	[tilespmem:$0x1B780] =	vst v63  }
0x78: {  	_ =	swait.ge [sflag:s15], $0x5000  }
0x79: {  	[sflag:s15] =	ssyncset.done $0x0  }
0x7a: {  	[sflag:s15] =	ssyncadd.s32 $0xFFFFB000  }
0x7b: {  	[spmem:s2] =	stream.indirect.scatter.add.f32 [tilespmem:s11], [sflag:$0x2], $0x10, s8, s10, $0xb8;
	[tilespmem:$0x1B780] =	vst v63  }
0x7c: {  	_ = 	snop  }
0x7d: {  	[tilespmem:s17], [sflag:$0x1] =	stream.indirect.gather [hbm4b:s9+s10], $0x10, s16, s10, $0xb8;
	[tilespmem:$0x1B780] =	vst v63  }
0x7e: {  	_ =	swait.ge [sflag:s15], $0x5000  }
0x7f: {  	[sflag:s15] =	ssyncset.done $0x0  }
0x80: {  	[sflag:s15] =	ssyncadd.s32 $0xFFFFB000  }
0x81: {  	[spmem:s2] =	stream.indirect.scatter.add.f32 [tilespmem:s12], [sflag:$0x2], $0x10, s18, s10, $0xb8;
	[tilespmem:$0x1B780] =	vst v63  }
0x82: {  	_ =	swait.ge [sflag:s19], $0x5000  }
0x83: {  	[sflag:s19] =	ssyncset.done $0x0  }
0x84: {  	[sflag:s19] =	ssyncadd.s32 $0xFFFFB000  }
0x85: {  	[tilespmem:s11], [sflag:$0x1] =	stream.indirect.gather [hbm4b:s9+s10], $0x10, s20, s10, $0xb8;
	[tilespmem:$0x1B780] =	vst v63  }
0x86: {  	_ =	swait.ge [sflag:s15], $0x5000  }
0x87: {  	[sflag:s15] =	ssyncset.done $0x0  }
0x88: {  	[sflag:s15] =	ssyncadd.s32 $0xFFFFB000  }
0x89: {  	[spmem:s2] =	stream.indirect.scatter.add.f32 [tilespmem:s14], [sflag:$0x2], $0x10, s21, s10, $0xb8;
	[tilespmem:$0x1B780] =	vst v63  }
0x8a: {  	_ =	swait.ge [sflag:s19], $0x5000  }
0x8b: {  	[sflag:s19] =	ssyncset.done $0x0  }
0x8c: {  	[sflag:s19] =	ssyncadd.s32 $0xFFFFB000  }
0x8d: {  	[tilespmem:s12], [sflag:$0x1] =	stream.indirect.gather [hbm4b:s9+s10], $0x10, s22, s10, $0xb8;
	[tilespmem:$0x1B780] =	vst v63  }
0x8e: {  	_ =	swait.ge [sflag:s15], $0x5000  }
0x8f: {  	[sflag:s15] =	ssyncset.done $0x0  }
0x90: {  	[sflag:s15] =	ssyncadd.s32 $0xFFFFB000  }
0x91: {  	[spmem:s2] =	stream.indirect.scatter.add.f32 [tilespmem:s17], [sflag:$0x2], $0x10, s23, s10, $0xb8;
	[tilespmem:$0x1B780] =	vst v63  }
0x92: {  	_ =	swait.ge [sflag:s19], $0x5000  }
0x93: {  	[sflag:s19] =	ssyncset.done $0x0  }
0x94: {  	[sflag:s19] =	ssyncadd.s32 $0xFFFFB000  }
0x95: {  	[tilespmem:s14], [sflag:$0x1] =	stream.indirect.gather [hbm4b:s9+s10], $0x10, s24, s10, $0xb8;
	[tilespmem:$0x1B780] =	vst v63  }
0x96: {  	_ =	swait.ge [sflag:s15], $0x5000  }
0x97: {  	[sflag:s15] =	ssyncset.done $0x0  }
0x98: {  	[sflag:s15] =	ssyncadd.s32 $0xFFFFB000  }
0x99: {  	[spmem:s2] =	stream.indirect.scatter.add.f32 [tilespmem:s11], [sflag:$0x2], $0x10, s25, s10, $0xb8;
	[tilespmem:$0x1B780] =	vst v63  }
0x9a: {  	_ =	swait.ge [sflag:s19], $0x5000  }
0x9b: {  	[sflag:s19] =	ssyncset.done $0x0  }
0x9c: {  	[sflag:s19] =	ssyncadd.s32 $0xFFFFB000  }
0x9d: {  	[tilespmem:s17], [sflag:$0x1] =	stream.indirect.gather [hbm4b:s9+s10], $0x10, s26, s10, $0xb8;
	[tilespmem:$0x1B780] =	vst v63  }
0x9e: {  	_ =	swait.ge [sflag:s15], $0x5000  }
0x9f: {  	[sflag:s15] =	ssyncset.done $0x0  }
0xa0: {  	[sflag:s15] =	ssyncadd.s32 $0xFFFFB000  }
0xa1: {  	[spmem:s2] =	stream.indirect.scatter.add.f32 [tilespmem:s12], [sflag:$0x2], $0x10, s28, s10, $0xb8;
	[tilespmem:$0x1B780] =	vst v63  }
0xa2: {  	_ =	swait.ge [sflag:s15], $0x5000  }
0xa3: {  	[sflag:s15] =	ssyncset.done $0x0  }
0xa4: {  	[sflag:s15] =	ssyncadd.s32 $0xFFFFB000  }
0xa5: {  	[spmem:s2] =	stream.indirect.scatter.add.f32 [tilespmem:s14], [sflag:$0x2], $0x10, s29, s10, $0xb8;
	[tilespmem:$0x1B780] =	vst v63  }
0xa6: {  	_ =	swait.ge [sflag:s15], $0x5000  }
0xa7: {  	[sflag:s15] =	ssyncset.done $0x0  }
0xa8: {  	[sflag:s15] =	ssyncadd.s32 $0xFFFFB000  }
0xa9: {  	[spmem:s2] =	stream.indirect.scatter.add.f32 [tilespmem:s17], [sflag:$0x2], $0x10, s30, s10, $0xb8;
	[tilespmem:$0x1B780] =	vst v63  }
0xaa: {  	_ =	swait.ge [sflag:s19], $0x5000  }
0xab: {  	[sflag:s19] =	ssyncset.done $0x0  }
0xac: {  	[sflag:s19] =	ssyncadd.s32 $0xFFFFB000  }
0xad: {  	_ =	swait.ge [sflag:s19], $0x5000  }
0xae: {  	[sflag:s19] =	ssyncset.done $0x0  }
0xaf: {  	[sflag:s19] =	ssyncadd.s32 $0xFFFFB000  }
0xb0: {  	_ =	swait.ge [sflag:s19], $0x5000  }
0xb1: {  	[sflag:s19] =	ssyncset.done $0x0  }
0xb2: {  	[sflag:s19] =	ssyncadd.s32 $0xFFFFB000  }
0xb3: {  	p0 =	sne.s32 s1, $0x1;
	_ =	swait.ge [sflag:s19], $0x5000  }
.Ltmp1:
0xb4: {  	[sflag:s19] =	ssyncset.done $0x0;
	(pc) =	sbr.rel @p0 .LBB2_1-.Ltmp1, $4  }
0xb5: {  	[sflag:s19] =	ssyncadd.s32 $0xFFFFB000  }
0xb6: {  	[bflag:$0x0] =	sbarrier.arrive $0xFFFF  }
0xb7: {  	[hbm:s31], [sflag:s4] =	dma.local [spmem:s6], $0x4F0  }
0xb8: {  	s1 =	sadd.s32 $0xFFFFFFFF, s1;
	_ =	swait.ge [sflag:s5], $0x4F0  }
.LBB2_2:
0xb9: {  	[sflag:s5] =	ssyncset.done $0x0  }
0xba: {  	[sflag:s5] =	ssyncadd.s32 $0xFFFFFB10  }
0xbb: {  	_ =	sfence.sel $0x180000  }
0xbc: {  	[bflag:$0x0] =	sbarrier.arrive $0xFFFF  }
0xbd: {  	_ =	strace $0x90000050  }
0xbe: {  	s0 =	stileid.u32;
	[bflag:$0x2] =	sbarrier.arrive $0xFFFF  }
0xbf: {  	p0 =	sne.s32 s0, $0x0;
	s0 =	rddreg [dreg:$0x2]  }
0xc0: {  	s0 =	sadd.s32 @!p0 $0x100000, s0  }
0xc1: {  	[sflag:s0] =	ssyncadd.tile.s32 @!p0 $0x1;
	_ =	shalt  }
.Lfunc_end2:
_tile_overlayer_lowered:
.L_overlay_start_2:
0xc2: {  	(tag) =	ssettag $0x2  }
0xc3: {  	s0 =	rddreg [dreg:$0x0];
	s2 =	stileid.u32  }
0xc4: {  	s1 =	rddreg [dreg:$0x1];
	p0 =	sne.s32 s2, $0x0  }
0xc5: {  	s3 =	rddreg [dreg:$0x2];
	[bflag:$0x3] =	sbarrier.arrive $0xFFFF;
	s2 =	simm.s32 @!p0 $0x1C03  }
0xc6: {  	[timem:s3], [sflag:s2] =	dma.local @!p0 [hbm:s0], s1  }
0xc7: {  	s0 =	simm.s32 @!p0 $0x3  }
0xc8: {  	_ =	swait.ge @!p0 [sflag:s0], s1  }
0xc9: {  	s1 =	ssub.s32 @!p0 $0x0, s1;
	[sflag:s0] =	ssyncset.done @!p0 $0x0  }
0xca: {  	[sflag:s0] =	ssyncadd.s32 @!p0 s1  }
0xcb: {  	[bflag:$0x3] =	sbarrier.arrive $0xFFFF  }
0xcc: {  	_ =	shalt  }

</sc_bundles>
